<compile_context>
chip_gen: v7x
topology: tpu7x:2x2x1
jax: 0.10.2.dev20260603
libtpu: 0.0.44.dev20260713+nightly
codegen_flags: <defaults>
</compile_context>

<pallas_src>
import jax
import jax.numpy as jnp
from jax import lax
from jax.experimental import pallas as pl
from jax.experimental.pallas import tpu as pltpu
from jax.experimental.pallas import tpu_sc as plsc

_NC = 2
_NS = 16
_L = 16
_NW16 = 16
_BRBLK = 200


def _tc_a_kern(pb_ref, gbT_ref, tp_ref, tab_ref, mbf_ref, qbf_ref):
    f32 = jnp.float32
    i32 = jnp.int32
    pb = pb_ref[:]
    gbT = gbT_ref[:]
    N = pb.shape[0]
    G = gbT.shape[1]
    R = tp_ref.shape[0]

    px1, py1, px2, py2 = pb[:, 0:1], pb[:, 1:2], pb[:, 2:3], pb[:, 3:4]
    gx1, gy1, gx2, gy2 = gbT[0:1, :], gbT[1:2, :], gbT[2:3, :], gbT[3:4, :]
    a1 = (gx2 - gx1) * (gy2 - gy1)
    a2 = (px2 - px1) * (py2 - py1)
    w = jnp.clip(jnp.minimum(gx2, px2) - jnp.maximum(gx1, px1), 0.0)
    h = jnp.clip(jnp.minimum(gy2, py2) - jnp.maximum(gy1, py1), 0.0)
    inter = w * h
    union = a1 + a2 - inter
    iousT = jnp.where(union > 0, inter / jnp.maximum(union, 1e-9), 0.0)

    matchT = (iousT > 0.5).astype(f32)
    pgi = jnp.max(iousT, axis=1, keepdims=True)

    head = tp_ref[:, 0:1]
    tail = tp_ref[:, 1:2]
    iota_g = lax.broadcasted_iota(i32, (R, G), 1)
    oh_head = (head == iota_g).astype(f32)
    oh_tail = (tail == iota_g).astype(f32)

    dn0 = (((0,), (0,)), ((), ()))
    P1 = lax.dot_general(oh_head, oh_tail, dn0, preferred_element_type=f32)
    P2 = lax.dot_general(oh_tail, oh_head, dn0, preferred_element_type=f32)
    Q = P1 + P2
    QmT = jnp.dot(matchT, Q, preferred_element_type=f32)
    mbf_ref[:] = matchT.astype(jnp.bfloat16)
    qbf_ref[:] = QmT.astype(jnp.bfloat16)

    ci = lax.broadcasted_iota(i32, (_NW16, R), 0)
    ri = lax.broadcasted_iota(i32, (_NW16, R), 1)
    wpack = jnp.where(ri // 16 == ci, (1 << (ri % 16)), 0).astype(f32)
    whT = lax.dot_general(oh_head, wpack, (((0,), (1,)), ((), ())),
                          preferred_element_type=f32)
    wtT = lax.dot_general(oh_tail, wpack, (((0,), (1,)), ((), ())),
                          preferred_element_type=f32)
    pw16h = jnp.dot(matchT, whT, preferred_element_type=f32)
    pw16t = jnp.dot(matchT, wtT, preferred_element_type=f32)
    ce = lax.broadcasted_iota(i32, (_NW16, _NW16 // 2), 0)
    je = lax.broadcasted_iota(i32, (_NW16, _NW16 // 2), 1)
    E = (ce == 2 * je).astype(f32)
    O = (ce == 2 * je + 1).astype(f32)
    w32h = (jnp.dot(pw16h, E, preferred_element_type=f32).astype(i32)
            | (jnp.dot(pw16h, O, preferred_element_type=f32).astype(i32) << 16))
    w32t = (jnp.dot(pw16t, E, preferred_element_type=f32).astype(i32)
            | (jnp.dot(pw16t, O, preferred_element_type=f32).astype(i32) << 16))
    pgibits = lax.bitcast_convert_type(pgi, i32)
    zcol = jnp.zeros((N, 1), i32)
    tab_ref[:] = jnp.concatenate(
        [w32h[:, 0:7], pgibits, w32t[:, 0:7], zcol], axis=1)


def _tc_b_kern(mbf_ref, qbf_ref, br_ref):
    B = lax.dot_general(mbf_ref[:], qbf_ref[:], (((1,), (1,)), ((), ())),
                        preferred_element_type=jnp.float32)
    br_ref[:] = (B > 0.0).astype(jnp.int32)


def _sc_body(tab_hbm, rpT_hbm, corr_hbm, mq_hbm,
             h_v, t_v, tab_v, tab_sh, corr_v, mq_v, sem):
    f32 = jnp.float32
    i32 = jnp.int32
    ppw = h_v.shape[0]
    N16 = tab_v.shape[0]
    sid = lax.axis_index("s")
    wid = sid * _NC + lax.axis_index("c")
    base = wid * ppw
    slc = N16 // _NS
    cp = pltpu.async_copy(tab_hbm.at[pl.ds(sid * slc, slc)],
                          tab_v.at[pl.ds(0, slc)], sem)
    pltpu.sync_copy(rpT_hbm.at[0, pl.ds(base, ppw)], h_v)
    pltpu.sync_copy(rpT_hbm.at[1, pl.ds(base, ppw)], t_v)
    cp.wait()
    pltpu.sync_copy(tab_v.at[pl.ds(0, slc)], tab_sh.at[pl.ds(sid * slc, slc)])
    plsc.subcore_barrier()
    pltpu.sync_copy(tab_sh, tab_v)

    for c in range(ppw // _L):
        hi = h_v[pl.ds(c * _L, _L)] * 16
        ti = t_v[pl.ds(c * _L, _L)] * 16
        ph = lax.bitcast_convert_type(plsc.load_gather(tab_v, [hi + 7]), f32)
        pt = lax.bitcast_convert_type(plsc.load_gather(tab_v, [ti + 7]), f32)
        mq_v[pl.ds(c * _L, _L)] = ph * pt
        best = jnp.full((_L,), -1, i32)
        for j in range(7):
            wh = plsc.load_gather(tab_v, [hi + j])
            wt = plsc.load_gather(tab_v, [ti + (8 + j)])
            wrd = wh & wt
            hi16 = lax.shift_right_logical(wrd, 16)
            lo16 = wrd & 0xFFFF
            e_hi = (lax.shift_right_logical(
                lax.bitcast_convert_type(hi16.astype(f32), i32), 23) - 127 + 16)
            e_lo = (lax.shift_right_logical(
                lax.bitcast_convert_type(lo16.astype(f32), i32), 23) - 127)
            e = jnp.where(hi16 > 0, e_hi, e_lo)
            best = jnp.maximum(best, jnp.where(wrd != 0, e + 32 * j, -1))
        best = jnp.where(hi == ti, -1, best)
        corr_v[pl.ds(c * _L, _L)] = best

    pltpu.sync_copy(corr_v, corr_hbm.at[pl.ds(base, ppw)])
    pltpu.sync_copy(mq_v, mq_hbm.at[pl.ds(base, ppw)])


def kernel(pred_boxes, pred_classes, gt_boxes, gt_classes, tgt_pair_idxs,
           tgt_rel_labs, rel_prop_pair_idx):
    N = pred_boxes.shape[0]
    G = gt_boxes.shape[0]
    M = rel_prop_pair_idx.shape[0]
    gbT = gt_boxes.T
    rpT = rel_prop_pair_idx.T.astype(jnp.int32)

    tab, mbf, qbf = pl.pallas_call(
        _tc_a_kern,
        out_shape=(
            jax.ShapeDtypeStruct((N, 16), jnp.int32),
            jax.ShapeDtypeStruct((N, G), jnp.bfloat16),
            jax.ShapeDtypeStruct((N, G), jnp.bfloat16),
        ),
    )(pred_boxes, gbT, tgt_pair_idxs.astype(jnp.int32))

    ppw = M // (_NC * _NS)
    sc_fn = pl.kernel(
        _sc_body,
        out_type=(
            jax.ShapeDtypeStruct((M,), jnp.int32),
            jax.ShapeDtypeStruct((M,), jnp.float32),
        ),
        mesh=plsc.VectorSubcoreMesh(core_axis_name="c", subcore_axis_name="s",
                                    num_cores=_NC, num_subcores=_NS),
        compiler_params=pltpu.CompilerParams(needs_layout_passes=False),
        scratch_types=[
            pltpu.VMEM((ppw,), jnp.int32),
            pltpu.VMEM((ppw,), jnp.int32),
            pltpu.VMEM((N * 16,), jnp.int32),
            pltpu.VMEM_SHARED((N * 16,), jnp.int32),
            pltpu.VMEM((ppw,), jnp.int32),
            pltpu.VMEM((ppw,), jnp.float32),
            pltpu.SemaphoreType.DMA,
        ],
    )
    corr, mq = sc_fn(tab.reshape(N * 16), rpT)

    nblk = N // _BRBLK
    br = pl.pallas_call(
        _tc_b_kern,
        grid=(nblk,),
        in_specs=[
            pl.BlockSpec((_BRBLK, G), lambda i: (i, 0)),
            pl.BlockSpec((N, G), lambda i: (0, 0)),
        ],
        out_specs=pl.BlockSpec((_BRBLK, N), lambda i: (i, 0)),
        out_shape=jax.ShapeDtypeStruct((N, N), jnp.int32),
    )(mbf, qbf)

    return corr, mq, br

# --- scband reference (transcript-rebuilt; emitter-appended) ---
"""Pipeline reference for scband-relationship-proposal-generator-31181462569564 (READ-ONLY COPY).

The authoritative reference and input builder live on the scoring server;
editing this copy changes nothing except your own understanding.
"""

import jax, jax.numpy as jnp
import numpy as np

FG_THRES = 0.5

def _make_boxes(key, n, img=1024.0):
    k1, k2 = jax.random.split(key)
    xy = jax.random.uniform(k1, (n, 2)) * (img - 160.0)
    wh = jax.random.uniform(k2, (n, 2)) * 120.0 + 16.0
    return jnp.concatenate([xy, xy + wh], axis=1)

def pairwise_iou(b1, b2):
    a1 = (b1[:, 2] - b1[:, 0]) * (b1[:, 3] - b1[:, 1])
    a2 = (b2[:, 2] - b2[:, 0]) * (b2[:, 3] - b2[:, 1])
    lt = jnp.maximum(b1[:, None, :2], b2[None, :, :2])
    rb = jnp.minimum(b1[:, None, 2:], b2[None, :, 2:])
    wh = jnp.clip(rb - lt, 0.0)
    inter = wh[..., 0] * wh[..., 1]
    union = a1[:, None] + a2[None, :] - inter
    return jnp.where(union > 0, inter / jnp.maximum(union, 1e-9), 0.0)

def setup_inputs(seed: int = 0):
    key = jax.random.key(seed)
    ks = jax.random.split(key, 8)
    N, G, R, M = 1000, 50, 200, 4096
    pred_boxes = _make_boxes(ks[0], N)
    pred_classes = jax.random.randint(ks[1], (N,), 0, 80)
    # GT boxes are jittered copies of the first G proposals so IoU > 0.5 matches exist
    gt_boxes = pred_boxes[:G] + jax.random.normal(ks[2], (G, 4)) * 4.0
    gt_classes = jax.random.randint(ks[3], (G,), 0, 80)
    tgt_pair_idxs = jax.random.randint(ks[4], (R, 2), 0, G)
    tgt_rel_labs = jax.random.randint(ks[5], (R,), 1, 51)
    rel_prop_pair_idx = jax.random.randint(ks[6], (M, 2), 0, N)
    return {"pred_boxes": pred_boxes, "pred_classes": pred_classes,
            "gt_boxes": gt_boxes, "gt_classes": gt_classes,
            "tgt_pair_idxs": tgt_pair_idxs, "tgt_rel_labs": tgt_rel_labs,
            "rel_prop_pair_idx": rel_prop_pair_idx}

def reference(pred_boxes, pred_classes, gt_boxes, gt_classes, tgt_pair_idxs, tgt_rel_labs, rel_prop_pair_idx):
    N = pred_boxes.shape[0]
    ious = pairwise_iou(gt_boxes, pred_boxes)            # [G, N], pairwise_iou(tgt.gt_boxes, pred_boxes)
    det_match = (gt_classes[:, None] == pred_classes[None]) & (ious > FG_THRES)
    locating_match = ious > FG_THRES
    # PAIR_MATCH_CONDITION == 'loc'
    is_match = locating_match
    tgt_head = tgt_pair_idxs[:, 0]
    tgt_tail = tgt_pair_idxs[:, 1]
    binary_prp_head = is_match[tgt_head]                 # [R, N]
    binary_prp_tail = is_match[tgt_tail]                 # [R, N]
    pred_gt_iou = jnp.max(ious, axis=0)                  # transpose(ious).max(dim=1)
    h = rel_prop_pair_idx[:, 0]
    t = rel_prop_pair_idx[:, 1]
    ious_score = jax.lax.stop_gradient(pred_gt_iou[h] * pred_gt_iou[t])  # .detach() in torch
    rel_matching_scores = jnp.zeros((N, N), dtype=jnp.float32).at[h, t].set(ious_score)
    eye = jnp.eye(N, dtype=bool)
    binary_rel = jnp.zeros((N, N), dtype=jnp.int32)
    fg_rel_matrixs = -jnp.ones((N, N), dtype=jnp.int32)
    R = tgt_head.shape[0]
    for i in range(R):
        hm = binary_prp_head[i]
        tm = binary_prp_tail[i]
        pair_mask = hm[:, None] & tm[None, :]            # head x tail cross product
        binary_rel = jnp.where(pair_mask | pair_mask.T, jnp.int32(1), binary_rel)
        fg_mask = pair_mask & (~eye)                     # valid_pair: head != tail
        # later GT relation index overwrites earlier, matching torch scatter order
        fg_rel_matrixs = jnp.where(fg_mask, jnp.int32(i), fg_rel_matrixs)
    corrsp_gt_rel_idx = fg_rel_matrixs[h, t]
    matching_qualities = rel_matching_scores[h, t]
    return corrsp_gt_rel_idx, matching_qualities, binary_rel

if __name__ == "__main__":
    import jax
    _d = setup_inputs()
    print(jax.jit(kernel)(*tuple(_d.values())))

</pallas_src>

<mosaic_0001>
#map = affine_map<(d0, d1) -> (0)>
#map1 = affine_map<(d0, d1) -> (0, 0)>
module attributes {stable_mosaic.version = 14 : i64} {
  func.func @_sc_body(%arg0: i32, %arg1: i32, %arg2: memref<16000xi32, #tpu.memory_space<hbm>>, %arg3: memref<2x4096xi32, #tpu.memory_space<hbm>>, %arg4: memref<4096xi32, #tpu.memory_space<hbm>>, %arg5: memref<4096xf32, #tpu.memory_space<hbm>>, %arg6: memref<128xi32, #tpu.memory_space<vmem>>, %arg7: memref<128xi32, #tpu.memory_space<vmem>>, %arg8: memref<16000xi32, #tpu.memory_space<vmem>>, %arg9: memref<16000xi32, #tpu.memory_space<vmem_shared>>, %arg10: memref<128xi32, #tpu.memory_space<vmem>>, %arg11: memref<128xf32, #tpu.memory_space<vmem>>, %arg12: memref<!tpu.dma_semaphore, #tpu.memory_space<semaphore_mem>>) attributes {dimension_semantics = [#tpu.dimension_semantics<core_parallel>, #tpu.dimension_semantics<subcore_parallel>], iteration_bounds = array<i64: 2, 16>, scalar_prefetch = 0 : i64, scratch_operands = 7 : i64, tpu.core_type = #tpu.core_type<sc_vector_subcore>, window_params = [{transform_indices = #map}, {transform_indices = #map1}, {transform_indices = #map}, {transform_indices = #map}]} {
    %mul3A = arith.constant 2 : i32
    %mul3A_0 = arith.muli %arg1, %mul3A : i32
    %add3A = arith.addi %mul3A_0, %arg0 : i32
    %mul3A_1 = arith.constant 128 : i32
    %mul3A_2 = arith.muli %add3A, %mul3A_1 : i32
    %mul3A_3 = arith.constant 1000 : i32
    %mul3A_4 = arith.muli %arg1, %mul3A_3 : i32
    %dma_start3A = arith.constant 0 : i32
    %dma_start3A_5 = tpu.memref_slice %arg8[%dma_start3A] : memref<16000xi32, #tpu.memory_space<vmem>> -> memref<1000xi32, #tpu.memory_space<vmem>>
    %dma_start3A_6 = tpu.memref_slice %arg2[%mul3A_4] : memref<16000xi32, #tpu.memory_space<hbm>> -> memref<1000xi32, #tpu.memory_space<hbm>>
    %dma_start3A_7 = arith.constant 0 : i32
    %dma_start3A_8 = tpu.memref_slice %arg8[%dma_start3A_7] : memref<16000xi32, #tpu.memory_space<vmem>> -> memref<1000xi32, #tpu.memory_space<vmem>>
    %dma_start3A_9 = tpu.memref_slice %arg2[%mul3A_4] : memref<16000xi32, #tpu.memory_space<hbm>> -> memref<1000xi32, #tpu.memory_space<hbm>>
    tpu.enqueue_dma source(%dma_start3A_9 : memref<1000xi32, #tpu.memory_space<hbm>>) target(%dma_start3A_8 : memref<1000xi32, #tpu.memory_space<vmem>>) target_semaphore(%arg12 : memref<!tpu.dma_semaphore, #tpu.memory_space<semaphore_mem>>)
    %run_scoped3A = arith.constant 0 : i32
    "tpu.region"() ({
      %run_scoped3A_2939 = tpu.sem_alloc : memref<!tpu.dma_semaphore, #tpu.memory_space<semaphore_mem>>
      %dma_start3A_2940 = tpu.memref_slice %arg3[%run_scoped3A, %mul3A_2] : memref<2x4096xi32, #tpu.memory_space<hbm>> -> memref<1x128xi32, #tpu.memory_space<hbm>>
      %dma_start3A_2941 = tpu.memref_squeeze %dma_start3A_2940 : memref<1x128xi32, #tpu.memory_space<hbm>> -> memref<128xi32, #tpu.memory_space<hbm>>
      %dma_start3A_2942 = tpu.memref_slice %arg3[%run_scoped3A, %mul3A_2] : memref<2x4096xi32, #tpu.memory_space<hbm>> -> memref<1x128xi32, #tpu.memory_space<hbm>>
      %dma_start3A_2943 = tpu.memref_squeeze %dma_start3A_2942 : memref<1x128xi32, #tpu.memory_space<hbm>> -> memref<128xi32, #tpu.memory_space<hbm>>
      tpu.enqueue_dma source(%dma_start3A_2943 : memref<128xi32, #tpu.memory_space<hbm>>) target(%arg6 : memref<128xi32, #tpu.memory_space<vmem>>) target_semaphore(%run_scoped3A_2939 : memref<!tpu.dma_semaphore, #tpu.memory_space<semaphore_mem>>)
      %dma_wait3A_2944 = tpu.memref_slice %arg3[%run_scoped3A, %mul3A_2] : memref<2x4096xi32, #tpu.memory_space<hbm>> -> memref<1x128xi32, #tpu.memory_space<hbm>>
      %dma_wait3A_2945 = tpu.memref_squeeze %dma_wait3A_2944 : memref<1x128xi32, #tpu.memory_space<hbm>> -> memref<128xi32, #tpu.memory_space<hbm>>
      %dma_wait3A_2946 = tpu.memref_slice %arg3[%run_scoped3A, %mul3A_2] : memref<2x4096xi32, #tpu.memory_space<hbm>> -> memref<1x128xi32, #tpu.memory_space<hbm>>
      %dma_wait3A_2947 = tpu.memref_squeeze %dma_wait3A_2946 : memref<1x128xi32, #tpu.memory_space<hbm>> -> memref<128xi32, #tpu.memory_space<hbm>>
      tpu.wait_dma2 semaphore(%run_scoped3A_2939 : memref<!tpu.dma_semaphore, #tpu.memory_space<semaphore_mem>>) src(%dma_wait3A_2947 : memref<128xi32, #tpu.memory_space<hbm>>) dst(%arg6 : memref<128xi32, #tpu.memory_space<vmem>>)
      tpu.yield
    }) : () -> ()
    %run_scoped3A_10 = arith.constant 1 : i32
    "tpu.region"() ({
      %run_scoped3A_2939 = tpu.sem_alloc : memref<!tpu.dma_semaphore, #tpu.memory_space<semaphore_mem>>
      %dma_start3A_2940 = tpu.memref_slice %arg3[%run_scoped3A_10, %mul3A_2] : memref<2x4096xi32, #tpu.memory_space<hbm>> -> memref<1x128xi32, #tpu.memory_space<hbm>>
      %dma_start3A_2941 = tpu.memref_squeeze %dma_start3A_2940 : memref<1x128xi32, #tpu.memory_space<hbm>> -> memref<128xi32, #tpu.memory_space<hbm>>
      %dma_start3A_2942 = tpu.memref_slice %arg3[%run_scoped3A_10, %mul3A_2] : memref<2x4096xi32, #tpu.memory_space<hbm>> -> memref<1x128xi32, #tpu.memory_space<hbm>>
      %dma_start3A_2943 = tpu.memref_squeeze %dma_start3A_2942 : memref<1x128xi32, #tpu.memory_space<hbm>> -> memref<128xi32, #tpu.memory_space<hbm>>
      tpu.enqueue_dma source(%dma_start3A_2943 : memref<128xi32, #tpu.memory_space<hbm>>) target(%arg7 : memref<128xi32, #tpu.memory_space<vmem>>) target_semaphore(%run_scoped3A_2939 : memref<!tpu.dma_semaphore, #tpu.memory_space<semaphore_mem>>)
      %dma_wait3A_2944 = tpu.memref_slice %arg3[%run_scoped3A_10, %mul3A_2] : memref<2x4096xi32, #tpu.memory_space<hbm>> -> memref<1x128xi32, #tpu.memory_space<hbm>>
      %dma_wait3A_2945 = tpu.memref_squeeze %dma_wait3A_2944 : memref<1x128xi32, #tpu.memory_space<hbm>> -> memref<128xi32, #tpu.memory_space<hbm>>
      %dma_wait3A_2946 = tpu.memref_slice %arg3[%run_scoped3A_10, %mul3A_2] : memref<2x4096xi32, #tpu.memory_space<hbm>> -> memref<1x128xi32, #tpu.memory_space<hbm>>
      %dma_wait3A_2947 = tpu.memref_squeeze %dma_wait3A_2946 : memref<1x128xi32, #tpu.memory_space<hbm>> -> memref<128xi32, #tpu.memory_space<hbm>>
      tpu.wait_dma2 semaphore(%run_scoped3A_2939 : memref<!tpu.dma_semaphore, #tpu.memory_space<semaphore_mem>>) src(%dma_wait3A_2947 : memref<128xi32, #tpu.memory_space<hbm>>) dst(%arg7 : memref<128xi32, #tpu.memory_space<vmem>>)
      tpu.yield
    }) : () -> ()
    %dma_wait3A = arith.constant 0 : i32
    %dma_wait3A_11 = tpu.memref_slice %arg8[%dma_wait3A] : memref<16000xi32, #tpu.memory_space<vmem>> -> memref<1000xi32, #tpu.memory_space<vmem>>
    %dma_wait3A_12 = tpu.memref_slice %arg2[%mul3A_4] : memref<16000xi32, #tpu.memory_space<hbm>> -> memref<1000xi32, #tpu.memory_space<hbm>>
    %dma_wait3A_13 = arith.constant 0 : i32
    %dma_wait3A_14 = tpu.memref_slice %arg8[%dma_wait3A_13] : memref<16000xi32, #tpu.memory_space<vmem>> -> memref<1000xi32, #tpu.memory_space<vmem>>
    %dma_wait3A_15 = tpu.memref_slice %arg2[%mul3A_4] : memref<16000xi32, #tpu.memory_space<hbm>> -> memref<1000xi32, #tpu.memory_space<hbm>>
    tpu.wait_dma2 semaphore(%arg12 : memref<!tpu.dma_semaphore, #tpu.memory_space<semaphore_mem>>) src(%dma_wait3A_15 : memref<1000xi32, #tpu.memory_space<hbm>>) dst(%dma_wait3A_14 : memref<1000xi32, #tpu.memory_space<vmem>>)
    %mul3A_16 = arith.constant 1000 : i32
    %mul3A_17 = arith.muli %arg1, %mul3A_16 : i32
    "tpu.region"() ({
      %run_scoped3A_2939 = tpu.sem_alloc : memref<!tpu.dma_semaphore, #tpu.memory_space<semaphore_mem>>
      %dma_start3A_2940 = arith.constant 0 : i32
      %dma_start3A_2941 = tpu.memref_slice %arg8[%dma_start3A_2940] : memref<16000xi32, #tpu.memory_space<vmem>> -> memref<1000xi32, #tpu.memory_space<vmem>>
      %dma_start3A_2942 = tpu.memref_slice %arg9[%mul3A_17] : memref<16000xi32, #tpu.memory_space<vmem_shared>> -> memref<1000xi32, #tpu.memory_space<vmem_shared>>
      %dma_start3A_2943 = tpu.memref_slice %arg9[%mul3A_17] : memref<16000xi32, #tpu.memory_space<vmem_shared>> -> memref<1000xi32, #tpu.memory_space<vmem_shared>>
      %dma_start3A_2944 = arith.constant 0 : i32
      %dma_start3A_2945 = tpu.memref_slice %arg8[%dma_start3A_2944] : memref<16000xi32, #tpu.memory_space<vmem>> -> memref<1000xi32, #tpu.memory_space<vmem>>
      tpu.enqueue_dma source(%dma_start3A_2945 : memref<1000xi32, #tpu.memory_space<vmem>>) target(%dma_start3A_2943 : memref<1000xi32, #tpu.memory_space<vmem_shared>>) target_semaphore(%run_scoped3A_2939 : memref<!tpu.dma_semaphore, #tpu.memory_space<semaphore_mem>>)
      %dma_wait3A_2946 = arith.constant 0 : i32
      %dma_wait3A_2947 = tpu.memref_slice %arg8[%dma_wait3A_2946] : memref<16000xi32, #tpu.memory_space<vmem>> -> memref<1000xi32, #tpu.memory_space<vmem>>
      %dma_wait3A_2948 = tpu.memref_slice %arg9[%mul3A_17] : memref<16000xi32, #tpu.memory_space<vmem_shared>> -> memref<1000xi32, #tpu.memory_space<vmem_shared>>
      %dma_wait3A_2949 = tpu.memref_slice %arg9[%mul3A_17] : memref<16000xi32, #tpu.memory_space<vmem_shared>> -> memref<1000xi32, #tpu.memory_space<vmem_shared>>
      %dma_wait3A_2950 = arith.constant 0 : i32
      %dma_wait3A_2951 = tpu.memref_slice %arg8[%dma_wait3A_2950] : memref<16000xi32, #tpu.memory_space<vmem>> -> memref<1000xi32, #tpu.memory_space<vmem>>
      tpu.wait_dma2 semaphore(%run_scoped3A_2939 : memref<!tpu.dma_semaphore, #tpu.memory_space<semaphore_mem>>) src(%dma_wait3A_2951 : memref<1000xi32, #tpu.memory_space<vmem>>) dst(%dma_wait3A_2949 : memref<1000xi32, #tpu.memory_space<vmem_shared>>)
      tpu.yield
    }) : () -> ()
    %barrier3A = arith.constant 0 : index
    tpu.barrier barrier_id(%barrier3A)
    "tpu.region"() ({
      %run_scoped3A_2939 = tpu.sem_alloc : memref<!tpu.dma_semaphore, #tpu.memory_space<semaphore_mem>>
      tpu.enqueue_dma source(%arg9 : memref<16000xi32, #tpu.memory_space<vmem_shared>>) target(%arg8 : memref<16000xi32, #tpu.memory_space<vmem>>) target_semaphore(%run_scoped3A_2939 : memref<!tpu.dma_semaphore, #tpu.memory_space<semaphore_mem>>)
      tpu.wait_dma2 semaphore(%run_scoped3A_2939 : memref<!tpu.dma_semaphore, #tpu.memory_space<semaphore_mem>>) src(%arg9 : memref<16000xi32, #tpu.memory_space<vmem_shared>>) dst(%arg8 : memref<16000xi32, #tpu.memory_space<vmem>>)
      tpu.yield
    }) : () -> ()
    %get3A = arith.constant 0 : index
    %get3A_18 = tpu.vector_load %arg6[%get3A] {strides = array<i32>} : memref<128xi32, #tpu.memory_space<vmem>>, vector<16xi32>,
    %mul3A_19 = arith.constant 16 : i32
    %mul3A_20 = vector.broadcast %mul3A_19 : i32 to vector<16xi32>
    %mul3A_21 = arith.muli %get3A_18, %mul3A_20 : vector<16xi32>
    %get3A_22 = arith.constant 0 : index
    %get3A_23 = tpu.vector_load %arg7[%get3A_22] {strides = array<i32>} : memref<128xi32, #tpu.memory_space<vmem>>, vector<16xi32>,
    %mul3A_24 = arith.constant 16 : i32
    %mul3A_25 = vector.broadcast %mul3A_24 : i32 to vector<16xi32>
    %mul3A_26 = arith.muli %get3A_23, %mul3A_25 : vector<16xi32>
    %add3A_27 = arith.constant 7 : i32
    %add3A_28 = vector.broadcast %add3A_27 : i32 to vector<16xi32>
    %add3A_29 = arith.addi %mul3A_21, %add3A_28 : vector<16xi32>
    %gather3A = tpu.vector_load_idx %arg8[%add3A_29] : memref<16000xi32, #tpu.memory_space<vmem>>[vector<16xi32>], vector<16xi32>,
    %bitcast_convert_type3A = tpu.bitcast %gather3A : vector<16xi32> -> vector<16xf32>
    %add3A_30 = arith.constant 7 : i32
    %add3A_31 = vector.broadcast %add3A_30 : i32 to vector<16xi32>
    %add3A_32 = arith.addi %mul3A_26, %add3A_31 : vector<16xi32>
    %gather3A_33 = tpu.vector_load_idx %arg8[%add3A_32] : memref<16000xi32, #tpu.memory_space<vmem>>[vector<16xi32>], vector<16xi32>,
    %bitcast_convert_type3A_34 = tpu.bitcast %gather3A_33 : vector<16xi32> -> vector<16xf32>
    %mul3A_35 = arith.mulf %bitcast_convert_type3A, %bitcast_convert_type3A_34 : vector<16xf32>
    %swap3A = arith.constant 0 : index
    %swap3A_36 = tpu.vector_load %arg11[%swap3A] {strides = array<i32>} : memref<128xf32, #tpu.memory_space<vmem>>, vector<16xf32>,
    tpu.vector_store %arg11[%swap3A], %mul3A_35 {strides = array<i32>} : memref<128xf32, #tpu.memory_space<vmem>>, vector<16xf32>,
    %broadcast_in_dim3A = arith.constant -1 : i32
    %broadcast_in_dim3A_37 = vector.broadcast %broadcast_in_dim3A : i32 to vector<16xi32>
    %add3A_38 = arith.constant 0 : i32
    %add3A_39 = vector.broadcast %add3A_38 : i32 to vector<16xi32>
    %add3A_40 = arith.addi %mul3A_21, %add3A_39 : vector<16xi32>
    %gather3A_41 = tpu.vector_load_idx %arg8[%add3A_40] : memref<16000xi32, #tpu.memory_space<vmem>>[vector<16xi32>], vector<16xi32>,
    %add3A_42 = arith.constant 8 : i32
    %add3A_43 = vector.broadcast %add3A_42 : i32 to vector<16xi32>
    %add3A_44 = arith.addi %mul3A_26, %add3A_43 : vector<16xi32>
    %gather3A_45 = tpu.vector_load_idx %arg8[%add3A_44] : memref<16000xi32, #tpu.memory_space<vmem>>[vector<16xi32>], vector<16xi32>,
    %and3A = arith.andi %gather3A_41, %gather3A_45 : vector<16xi32>
    %shift_right_logical3A = arith.constant 16 : i32
    %shift_right_logical3A_46 = vector.broadcast %shift_right_logical3A : i32 to vector<16xi32>
    %shift_right_logical3A_47 = arith.shrui %and3A, %shift_right_logical3A_46 : vector<16xi32>
    %and3A_48 = arith.constant 65535 : i32
    %and3A_49 = vector.broadcast %and3A_48 : i32 to vector<16xi32>
    %and3A_50 = arith.andi %and3A, %and3A_49 : vector<16xi32>
    %convert_element_type3A = arith.sitofp %shift_right_logical3A_47 : vector<16xi32> to vector<16xf32>
    %bitcast_convert_type3A_51 = tpu.bitcast %convert_element_type3A : vector<16xf32> -> vector<16xi32>
    %shift_right_logical3A_52 = arith.constant 23 : i32
    %shift_right_logical3A_53 = vector.broadcast %shift_right_logical3A_52 : i32 to vector<16xi32>
    %shift_right_logical3A_54 = arith.shrui %bitcast_convert_type3A_51, %shift_right_logical3A_53 : vector<16xi32>
    %sub3A = arith.constant 127 : i32
    %sub3A_55 = vector.broadcast %sub3A : i32 to vector<16xi32>
    %sub3A_56 = arith.subi %shift_right_logical3A_54, %sub3A_55 : vector<16xi32>
    %add3A_57 = arith.constant 16 : i32
    %add3A_58 = vector.broadcast %add3A_57 : i32 to vector<16xi32>
    %add3A_59 = arith.addi %sub3A_56, %add3A_58 : vector<16xi32>
    %convert_element_type3A_60 = arith.sitofp %and3A_50 : vector<16xi32> to vector<16xf32>
    %bitcast_convert_type3A_61 = tpu.bitcast %convert_element_type3A_60 : vector<16xf32> -> vector<16xi32>
    %shift_right_logical3A_62 = arith.constant 23 : i32
    %shift_right_logical3A_63 = vector.broadcast %shift_right_logical3A_62 : i32 to vector<16xi32>
    %shift_right_logical3A_64 = arith.shrui %bitcast_convert_type3A_61, %shift_right_logical3A_63 : vector<16xi32>
    %sub3A_65 = arith.constant 127 : i32
    %sub3A_66 = vector.broadcast %sub3A_65 : i32 to vector<16xi32>
    %sub3A_67 = arith.subi %shift_right_logical3A_64, %sub3A_66 : vector<16xi32>
    %gt3A = arith.constant 0 : i32
    %gt3A_68 = vector.broadcast %gt3A : i32 to vector<16xi32>
    %gt3A_69 = arith.cmpi sgt, %shift_right_logical3A_47, %gt3A_68 : vector<16xi32>
    %select_n3A = arith.select %gt3A_69, %add3A_59, %sub3A_67 : vector<16xi1>, vector<16xi32>
    %ne3A = arith.constant 0 : i32
    %ne3A_70 = vector.broadcast %ne3A : i32 to vector<16xi32>
    %ne3A_71 = arith.cmpi ne, %and3A, %ne3A_70 : vector<16xi32>
    %add3A_72 = arith.constant 0 : i32
    %add3A_73 = vector.broadcast %add3A_72 : i32 to vector<16xi32>
    %add3A_74 = arith.addi %select_n3A, %add3A_73 : vector<16xi32>
    %jit3A = arith.constant -1 : i32
    %broadcast_in_dim3A_75 = vector.broadcast %jit3A : i32 to vector<16xi32>
    %select_n3A_76 = arith.select %ne3A_71, %add3A_74, %broadcast_in_dim3A_75 : vector<16xi1>, vector<16xi32>
    %max3A = arith.maxsi %broadcast_in_dim3A_37, %select_n3A_76 : vector<16xi32>
    %add3A_77 = arith.constant 1 : i32
    %add3A_78 = vector.broadcast %add3A_77 : i32 to vector<16xi32>
    %add3A_79 = arith.addi %mul3A_21, %add3A_78 : vector<16xi32>
    %gather3A_80 = tpu.vector_load_idx %arg8[%add3A_79] : memref<16000xi32, #tpu.memory_space<vmem>>[vector<16xi32>], vector<16xi32>,
    %add3A_81 = arith.constant 9 : i32
    %add3A_82 = vector.broadcast %add3A_81 : i32 to vector<16xi32>
    %add3A_83 = arith.addi %mul3A_26, %add3A_82 : vector<16xi32>
    %gather3A_84 = tpu.vector_load_idx %arg8[%add3A_83] : memref<16000xi32, #tpu.memory_space<vmem>>[vector<16xi32>], vector<16xi32>,
    %and3A_85 = arith.andi %gather3A_80, %gather3A_84 : vector<16xi32>
    %shift_right_logical3A_86 = arith.constant 16 : i32
    %shift_right_logical3A_87 = vector.broadcast %shift_right_logical3A_86 : i32 to vector<16xi32>
    %shift_right_logical3A_88 = arith.shrui %and3A_85, %shift_right_logical3A_87 : vector<16xi32>
    %and3A_89 = arith.constant 65535 : i32
    %and3A_90 = vector.broadcast %and3A_89 : i32 to vector<16xi32>
    %and3A_91 = arith.andi %and3A_85, %and3A_90 : vector<16xi32>
    %convert_element_type3A_92 = arith.sitofp %shift_right_logical3A_88 : vector<16xi32> to vector<16xf32>
    %bitcast_convert_type3A_93 = tpu.bitcast %convert_element_type3A_92 : vector<16xf32> -> vector<16xi32>
    %shift_right_logical3A_94 = arith.constant 23 : i32
    %shift_right_logical3A_95 = vector.broadcast %shift_right_logical3A_94 : i32 to vector<16xi32>
    %shift_right_logical3A_96 = arith.shrui %bitcast_convert_type3A_93, %shift_right_logical3A_95 : vector<16xi32>
    %sub3A_97 = arith.constant 127 : i32
    %sub3A_98 = vector.broadcast %sub3A_97 : i32 to vector<16xi32>
    %sub3A_99 = arith.subi %shift_right_logical3A_96, %sub3A_98 : vector<16xi32>
    %add3A_100 = arith.constant 16 : i32
    %add3A_101 = vector.broadcast %add3A_100 : i32 to vector<16xi32>
    %add3A_102 = arith.addi %sub3A_99, %add3A_101 : vector<16xi32>
    %convert_element_type3A_103 = arith.sitofp %and3A_91 : vector<16xi32> to vector<16xf32>
    %bitcast_convert_type3A_104 = tpu.bitcast %convert_element_type3A_103 : vector<16xf32> -> vector<16xi32>
    %shift_right_logical3A_105 = arith.constant 23 : i32
    %shift_right_logical3A_106 = vector.broadcast %shift_right_logical3A_105 : i32 to vector<16xi32>
    %shift_right_logical3A_107 = arith.shrui %bitcast_convert_type3A_104, %shift_right_logical3A_106 : vector<16xi32>
    %sub3A_108 = arith.constant 127 : i32
    %sub3A_109 = vector.broadcast %sub3A_108 : i32 to vector<16xi32>
    %sub3A_110 = arith.subi %shift_right_logical3A_107, %sub3A_109 : vector<16xi32>
    %gt3A_111 = arith.constant 0 : i32
    %gt3A_112 = vector.broadcast %gt3A_111 : i32 to vector<16xi32>
    %gt3A_113 = arith.cmpi sgt, %shift_right_logical3A_88, %gt3A_112 : vector<16xi32>
    %select_n3A_114 = arith.select %gt3A_113, %add3A_102, %sub3A_110 : vector<16xi1>, vector<16xi32>
    %ne3A_115 = arith.constant 0 : i32
    %ne3A_116 = vector.broadcast %ne3A_115 : i32 to vector<16xi32>
    %ne3A_117 = arith.cmpi ne, %and3A_85, %ne3A_116 : vector<16xi32>
    %add3A_118 = arith.constant 32 : i32
    %add3A_119 = vector.broadcast %add3A_118 : i32 to vector<16xi32>
    %add3A_120 = arith.addi %select_n3A_114, %add3A_119 : vector<16xi32>
    %jit3A_121 = arith.constant -1 : i32
    %broadcast_in_dim3A_122 = vector.broadcast %jit3A_121 : i32 to vector<16xi32>
    %select_n3A_123 = arith.select %ne3A_117, %add3A_120, %broadcast_in_dim3A_122 : vector<16xi1>, vector<16xi32>
    %max3A_124 = arith.maxsi %max3A, %select_n3A_123 : vector<16xi32>
    %add3A_125 = arith.constant 2 : i32
    %add3A_126 = vector.broadcast %add3A_125 : i32 to vector<16xi32>
    %add3A_127 = arith.addi %mul3A_21, %add3A_126 : vector<16xi32>
    %gather3A_128 = tpu.vector_load_idx %arg8[%add3A_127] : memref<16000xi32, #tpu.memory_space<vmem>>[vector<16xi32>], vector<16xi32>,
    %add3A_129 = arith.constant 10 : i32
    %add3A_130 = vector.broadcast %add3A_129 : i32 to vector<16xi32>
    %add3A_131 = arith.addi %mul3A_26, %add3A_130 : vector<16xi32>
    %gather3A_132 = tpu.vector_load_idx %arg8[%add3A_131] : memref<16000xi32, #tpu.memory_space<vmem>>[vector<16xi32>], vector<16xi32>,
    %and3A_133 = arith.andi %gather3A_128, %gather3A_132 : vector<16xi32>
    %shift_right_logical3A_134 = arith.constant 16 : i32
    %shift_right_logical3A_135 = vector.broadcast %shift_right_logical3A_134 : i32 to vector<16xi32>
    %shift_right_logical3A_136 = arith.shrui %and3A_133, %shift_right_logical3A_135 : vector<16xi32>
    %and3A_137 = arith.constant 65535 : i32
    %and3A_138 = vector.broadcast %and3A_137 : i32 to vector<16xi32>
    %and3A_139 = arith.andi %and3A_133, %and3A_138 : vector<16xi32>
    %convert_element_type3A_140 = arith.sitofp %shift_right_logical3A_136 : vector<16xi32> to vector<16xf32>
    %bitcast_convert_type3A_141 = tpu.bitcast %convert_element_type3A_140 : vector<16xf32> -> vector<16xi32>
    %shift_right_logical3A_142 = arith.constant 23 : i32
    %shift_right_logical3A_143 = vector.broadcast %shift_right_logical3A_142 : i32 to vector<16xi32>
    %shift_right_logical3A_144 = arith.shrui %bitcast_convert_type3A_141, %shift_right_logical3A_143 : vector<16xi32>
    %sub3A_145 = arith.constant 127 : i32
    %sub3A_146 = vector.broadcast %sub3A_145 : i32 to vector<16xi32>
    %sub3A_147 = arith.subi %shift_right_logical3A_144, %sub3A_146 : vector<16xi32>
    %add3A_148 = arith.constant 16 : i32
    %add3A_149 = vector.broadcast %add3A_148 : i32 to vector<16xi32>
    %add3A_150 = arith.addi %sub3A_147, %add3A_149 : vector<16xi32>
    %convert_element_type3A_151 = arith.sitofp %and3A_139 : vector<16xi32> to vector<16xf32>
    %bitcast_convert_type3A_152 = tpu.bitcast %convert_element_type3A_151 : vector<16xf32> -> vector<16xi32>
    %shift_right_logical3A_153 = arith.constant 23 : i32
    %shift_right_logical3A_154 = vector.broadcast %shift_right_logical3A_153 : i32 to vector<16xi32>
    %shift_right_logical3A_155 = arith.shrui %bitcast_convert_type3A_152, %shift_right_logical3A_154 : vector<16xi32>
    %sub3A_156 = arith.constant 127 : i32
    %sub3A_157 = vector.broadcast %sub3A_156 : i32 to vector<16xi32>
    %sub3A_158 = arith.subi %shift_right_logical3A_155, %sub3A_157 : vector<16xi32>
    %gt3A_159 = arith.constant 0 : i32
    %gt3A_160 = vector.broadcast %gt3A_159 : i32 to vector<16xi32>
    %gt3A_161 = arith.cmpi sgt, %shift_right_logical3A_136, %gt3A_160 : vector<16xi32>
    %select_n3A_162 = arith.select %gt3A_161, %add3A_150, %sub3A_158 : vector<16xi1>, vector<16xi32>
    %ne3A_163 = arith.constant 0 : i32
    %ne3A_164 = vector.broadcast %ne3A_163 : i32 to vector<16xi32>
    %ne3A_165 = arith.cmpi ne, %and3A_133, %ne3A_164 : vector<16xi32>
    %add3A_166 = arith.constant 64 : i32
    %add3A_167 = vector.broadcast %add3A_166 : i32 to vector<16xi32>
    %add3A_168 = arith.addi %select_n3A_162, %add3A_167 : vector<16xi32>
    %jit3A_169 = arith.constant -1 : i32
    %broadcast_in_dim3A_170 = vector.broadcast %jit3A_169 : i32 to vector<16xi32>
    %select_n3A_171 = arith.select %ne3A_165, %add3A_168, %broadcast_in_dim3A_170 : vector<16xi1>, vector<16xi32>
    %max3A_172 = arith.maxsi %max3A_124, %select_n3A_171 : vector<16xi32>
    %add3A_173 = arith.constant 3 : i32
    %add3A_174 = vector.broadcast %add3A_173 : i32 to vector<16xi32>
    %add3A_175 = arith.addi %mul3A_21, %add3A_174 : vector<16xi32>
    %gather3A_176 = tpu.vector_load_idx %arg8[%add3A_175] : memref<16000xi32, #tpu.memory_space<vmem>>[vector<16xi32>], vector<16xi32>,
    %add3A_177 = arith.constant 11 : i32
    %add3A_178 = vector.broadcast %add3A_177 : i32 to vector<16xi32>
    %add3A_179 = arith.addi %mul3A_26, %add3A_178 : vector<16xi32>
    %gather3A_180 = tpu.vector_load_idx %arg8[%add3A_179] : memref<16000xi32, #tpu.memory_space<vmem>>[vector<16xi32>], vector<16xi32>,
    %and3A_181 = arith.andi %gather3A_176, %gather3A_180 : vector<16xi32>
    %shift_right_logical3A_182 = arith.constant 16 : i32
    %shift_right_logical3A_183 = vector.broadcast %shift_right_logical3A_182 : i32 to vector<16xi32>
    %shift_right_logical3A_184 = arith.shrui %and3A_181, %shift_right_logical3A_183 : vector<16xi32>
    %and3A_185 = arith.constant 65535 : i32
    %and3A_186 = vector.broadcast %and3A_185 : i32 to vector<16xi32>
    %and3A_187 = arith.andi %and3A_181, %and3A_186 : vector<16xi32>
    %convert_element_type3A_188 = arith.sitofp %shift_right_logical3A_184 : vector<16xi32> to vector<16xf32>
    %bitcast_convert_type3A_189 = tpu.bitcast %convert_element_type3A_188 : vector<16xf32> -> vector<16xi32>
    %shift_right_logical3A_190 = arith.constant 23 : i32
    %shift_right_logical3A_191 = vector.broadcast %shift_right_logical3A_190 : i32 to vector<16xi32>
    %shift_right_logical3A_192 = arith.shrui %bitcast_convert_type3A_189, %shift_right_logical3A_191 : vector<16xi32>
    %sub3A_193 = arith.constant 127 : i32
    %sub3A_194 = vector.broadcast %sub3A_193 : i32 to vector<16xi32>
    %sub3A_195 = arith.subi %shift_right_logical3A_192, %sub3A_194 : vector<16xi32>
    %add3A_196 = arith.constant 16 : i32
    %add3A_197 = vector.broadcast %add3A_196 : i32 to vector<16xi32>
    %add3A_198 = arith.addi %sub3A_195, %add3A_197 : vector<16xi32>
    %convert_element_type3A_199 = arith.sitofp %and3A_187 : vector<16xi32> to vector<16xf32>
    %bitcast_convert_type3A_200 = tpu.bitcast %convert_element_type3A_199 : vector<16xf32> -> vector<16xi32>
    %shift_right_logical3A_201 = arith.constant 23 : i32
    %shift_right_logical3A_202 = vector.broadcast %shift_right_logical3A_201 : i32 to vector<16xi32>
    %shift_right_logical3A_203 = arith.shrui %bitcast_convert_type3A_200, %shift_right_logical3A_202 : vector<16xi32>
    %sub3A_204 = arith.constant 127 : i32
    %sub3A_205 = vector.broadcast %sub3A_204 : i32 to vector<16xi32>
    %sub3A_206 = arith.subi %shift_right_logical3A_203, %sub3A_205 : vector<16xi32>
    %gt3A_207 = arith.constant 0 : i32
    %gt3A_208 = vector.broadcast %gt3A_207 : i32 to vector<16xi32>
    %gt3A_209 = arith.cmpi sgt, %shift_right_logical3A_184, %gt3A_208 : vector<16xi32>
    %select_n3A_210 = arith.select %gt3A_209, %add3A_198, %sub3A_206 : vector<16xi1>, vector<16xi32>
    %ne3A_211 = arith.constant 0 : i32
    %ne3A_212 = vector.broadcast %ne3A_211 : i32 to vector<16xi32>
    %ne3A_213 = arith.cmpi ne, %and3A_181, %ne3A_212 : vector<16xi32>
    %add3A_214 = arith.constant 96 : i32
    %add3A_215 = vector.broadcast %add3A_214 : i32 to vector<16xi32>
    %add3A_216 = arith.addi %select_n3A_210, %add3A_215 : vector<16xi32>
    %jit3A_217 = arith.constant -1 : i32
    %broadcast_in_dim3A_218 = vector.broadcast %jit3A_217 : i32 to vector<16xi32>
    %select_n3A_219 = arith.select %ne3A_213, %add3A_216, %broadcast_in_dim3A_218 : vector<16xi1>, vector<16xi32>
    %max3A_220 = arith.maxsi %max3A_172, %select_n3A_219 : vector<16xi32>
    %add3A_221 = arith.constant 4 : i32
    %add3A_222 = vector.broadcast %add3A_221 : i32 to vector<16xi32>
    %add3A_223 = arith.addi %mul3A_21, %add3A_222 : vector<16xi32>
    %gather3A_224 = tpu.vector_load_idx %arg8[%add3A_223] : memref<16000xi32, #tpu.memory_space<vmem>>[vector<16xi32>], vector<16xi32>,
    %add3A_225 = arith.constant 12 : i32
    %add3A_226 = vector.broadcast %add3A_225 : i32 to vector<16xi32>
    %add3A_227 = arith.addi %mul3A_26, %add3A_226 : vector<16xi32>
    %gather3A_228 = tpu.vector_load_idx %arg8[%add3A_227] : memref<16000xi32, #tpu.memory_space<vmem>>[vector<16xi32>], vector<16xi32>,
    %and3A_229 = arith.andi %gather3A_224, %gather3A_228 : vector<16xi32>
    %shift_right_logical3A_230 = arith.constant 16 : i32
    %shift_right_logical3A_231 = vector.broadcast %shift_right_logical3A_230 : i32 to vector<16xi32>
    %shift_right_logical3A_232 = arith.shrui %and3A_229, %shift_right_logical3A_231 : vector<16xi32>
    %and3A_233 = arith.constant 65535 : i32
    %and3A_234 = vector.broadcast %and3A_233 : i32 to vector<16xi32>
    %and3A_235 = arith.andi %and3A_229, %and3A_234 : vector<16xi32>
    %convert_element_type3A_236 = arith.sitofp %shift_right_logical3A_232 : vector<16xi32> to vector<16xf32>
    %bitcast_convert_type3A_237 = tpu.bitcast %convert_element_type3A_236 : vector<16xf32> -> vector<16xi32>
    %shift_right_logical3A_238 = arith.constant 23 : i32
    %shift_right_logical3A_239 = vector.broadcast %shift_right_logical3A_238 : i32 to vector<16xi32>
    %shift_right_logical3A_240 = arith.shrui %bitcast_convert_type3A_237, %shift_right_logical3A_239 : vector<16xi32>
    %sub3A_241 = arith.constant 127 : i32
    %sub3A_242 = vector.broadcast %sub3A_241 : i32 to vector<16xi32>
    %sub3A_243 = arith.subi %shift_right_logical3A_240, %sub3A_242 : vector<16xi32>
    %add3A_244 = arith.constant 16 : i32
    %add3A_245 = vector.broadcast %add3A_244 : i32 to vector<16xi32>
    %add3A_246 = arith.addi %sub3A_243, %add3A_245 : vector<16xi32>
    %convert_element_type3A_247 = arith.sitofp %and3A_235 : vector<16xi32> to vector<16xf32>
    %bitcast_convert_type3A_248 = tpu.bitcast %convert_element_type3A_247 : vector<16xf32> -> vector<16xi32>
    %shift_right_logical3A_249 = arith.constant 23 : i32
    %shift_right_logical3A_250 = vector.broadcast %shift_right_logical3A_249 : i32 to vector<16xi32>
    %shift_right_logical3A_251 = arith.shrui %bitcast_convert_type3A_248, %shift_right_logical3A_250 : vector<16xi32>
    %sub3A_252 = arith.constant 127 : i32
    %sub3A_253 = vector.broadcast %sub3A_252 : i32 to vector<16xi32>
    %sub3A_254 = arith.subi %shift_right_logical3A_251, %sub3A_253 : vector<16xi32>
    %gt3A_255 = arith.constant 0 : i32
    %gt3A_256 = vector.broadcast %gt3A_255 : i32 to vector<16xi32>
    %gt3A_257 = arith.cmpi sgt, %shift_right_logical3A_232, %gt3A_256 : vector<16xi32>
    %select_n3A_258 = arith.select %gt3A_257, %add3A_246, %sub3A_254 : vector<16xi1>, vector<16xi32>
    %ne3A_259 = arith.constant 0 : i32
    %ne3A_260 = vector.broadcast %ne3A_259 : i32 to vector<16xi32>
    %ne3A_261 = arith.cmpi ne, %and3A_229, %ne3A_260 : vector<16xi32>
    %add3A_262 = arith.constant 128 : i32
    %add3A_263 = vector.broadcast %add3A_262 : i32 to vector<16xi32>
    %add3A_264 = arith.addi %select_n3A_258, %add3A_263 : vector<16xi32>
    %jit3A_265 = arith.constant -1 : i32
    %broadcast_in_dim3A_266 = vector.broadcast %jit3A_265 : i32 to vector<16xi32>
    %select_n3A_267 = arith.select %ne3A_261, %add3A_264, %broadcast_in_dim3A_266 : vector<16xi1>, vector<16xi32>
    %max3A_268 = arith.maxsi %max3A_220, %select_n3A_267 : vector<16xi32>
    %add3A_269 = arith.constant 5 : i32
    %add3A_270 = vector.broadcast %add3A_269 : i32 to vector<16xi32>
    %add3A_271 = arith.addi %mul3A_21, %add3A_270 : vector<16xi32>
    %gather3A_272 = tpu.vector_load_idx %arg8[%add3A_271] : memref<16000xi32, #tpu.memory_space<vmem>>[vector<16xi32>], vector<16xi32>,
    %add3A_273 = arith.constant 13 : i32
    %add3A_274 = vector.broadcast %add3A_273 : i32 to vector<16xi32>
    %add3A_275 = arith.addi %mul3A_26, %add3A_274 : vector<16xi32>
    %gather3A_276 = tpu.vector_load_idx %arg8[%add3A_275] : memref<16000xi32, #tpu.memory_space<vmem>>[vector<16xi32>], vector<16xi32>,
    %and3A_277 = arith.andi %gather3A_272, %gather3A_276 : vector<16xi32>
    %shift_right_logical3A_278 = arith.constant 16 : i32
    %shift_right_logical3A_279 = vector.broadcast %shift_right_logical3A_278 : i32 to vector<16xi32>
    %shift_right_logical3A_280 = arith.shrui %and3A_277, %shift_right_logical3A_279 : vector<16xi32>
    %and3A_281 = arith.constant 65535 : i32
    %and3A_282 = vector.broadcast %and3A_281 : i32 to vector<16xi32>
    %and3A_283 = arith.andi %and3A_277, %and3A_282 : vector<16xi32>
    %convert_element_type3A_284 = arith.sitofp %shift_right_logical3A_280 : vector<16xi32> to vector<16xf32>
    %bitcast_convert_type3A_285 = tpu.bitcast %convert_element_type3A_284 : vector<16xf32> -> vector<16xi32>
    %shift_right_logical3A_286 = arith.constant 23 : i32
    %shift_right_logical3A_287 = vector.broadcast %shift_right_logical3A_286 : i32 to vector<16xi32>
    %shift_right_logical3A_288 = arith.shrui %bitcast_convert_type3A_285, %shift_right_logical3A_287 : vector<16xi32>
    %sub3A_289 = arith.constant 127 : i32
    %sub3A_290 = vector.broadcast %sub3A_289 : i32 to vector<16xi32>
    %sub3A_291 = arith.subi %shift_right_logical3A_288, %sub3A_290 : vector<16xi32>
    %add3A_292 = arith.constant 16 : i32
    %add3A_293 = vector.broadcast %add3A_292 : i32 to vector<16xi32>
    %add3A_294 = arith.addi %sub3A_291, %add3A_293 : vector<16xi32>
    %convert_element_type3A_295 = arith.sitofp %and3A_283 : vector<16xi32> to vector<16xf32>
    %bitcast_convert_type3A_296 = tpu.bitcast %convert_element_type3A_295 : vector<16xf32> -> vector<16xi32>
    %shift_right_logical3A_297 = arith.constant 23 : i32
    %shift_right_logical3A_298 = vector.broadcast %shift_right_logical3A_297 : i32 to vector<16xi32>
    %shift_right_logical3A_299 = arith.shrui %bitcast_convert_type3A_296, %shift_right_logical3A_298 : vector<16xi32>
    %sub3A_300 = arith.constant 127 : i32
    %sub3A_301 = vector.broadcast %sub3A_300 : i32 to vector<16xi32>
    %sub3A_302 = arith.subi %shift_right_logical3A_299, %sub3A_301 : vector<16xi32>
    %gt3A_303 = arith.constant 0 : i32
    %gt3A_304 = vector.broadcast %gt3A_303 : i32 to vector<16xi32>
    %gt3A_305 = arith.cmpi sgt, %shift_right_logical3A_280, %gt3A_304 : vector<16xi32>
    %select_n3A_306 = arith.select %gt3A_305, %add3A_294, %sub3A_302 : vector<16xi1>, vector<16xi32>
    %ne3A_307 = arith.constant 0 : i32
    %ne3A_308 = vector.broadcast %ne3A_307 : i32 to vector<16xi32>
    %ne3A_309 = arith.cmpi ne, %and3A_277, %ne3A_308 : vector<16xi32>
    %add3A_310 = arith.constant 160 : i32
    %add3A_311 = vector.broadcast %add3A_310 : i32 to vector<16xi32>
    %add3A_312 = arith.addi %select_n3A_306, %add3A_311 : vector<16xi32>
    %jit3A_313 = arith.constant -1 : i32
    %broadcast_in_dim3A_314 = vector.broadcast %jit3A_313 : i32 to vector<16xi32>
    %select_n3A_315 = arith.select %ne3A_309, %add3A_312, %broadcast_in_dim3A_314 : vector<16xi1>, vector<16xi32>
    %max3A_316 = arith.maxsi %max3A_268, %select_n3A_315 : vector<16xi32>
    %add3A_317 = arith.constant 6 : i32
    %add3A_318 = vector.broadcast %add3A_317 : i32 to vector<16xi32>
    %add3A_319 = arith.addi %mul3A_21, %add3A_318 : vector<16xi32>
    %gather3A_320 = tpu.vector_load_idx %arg8[%add3A_319] : memref<16000xi32, #tpu.memory_space<vmem>>[vector<16xi32>], vector<16xi32>,
    %add3A_321 = arith.constant 14 : i32
    %add3A_322 = vector.broadcast %add3A_321 : i32 to vector<16xi32>
    %add3A_323 = arith.addi %mul3A_26, %add3A_322 : vector<16xi32>
    %gather3A_324 = tpu.vector_load_idx %arg8[%add3A_323] : memref<16000xi32, #tpu.memory_space<vmem>>[vector<16xi32>], vector<16xi32>,
    %and3A_325 = arith.andi %gather3A_320, %gather3A_324 : vector<16xi32>
    %shift_right_logical3A_326 = arith.constant 16 : i32
    %shift_right_logical3A_327 = vector.broadcast %shift_right_logical3A_326 : i32 to vector<16xi32>
    %shift_right_logical3A_328 = arith.shrui %and3A_325, %shift_right_logical3A_327 : vector<16xi32>
    %and3A_329 = arith.constant 65535 : i32
    %and3A_330 = vector.broadcast %and3A_329 : i32 to vector<16xi32>
    %and3A_331 = arith.andi %and3A_325, %and3A_330 : vector<16xi32>
    %convert_element_type3A_332 = arith.sitofp %shift_right_logical3A_328 : vector<16xi32> to vector<16xf32>
    %bitcast_convert_type3A_333 = tpu.bitcast %convert_element_type3A_332 : vector<16xf32> -> vector<16xi32>
    %shift_right_logical3A_334 = arith.constant 23 : i32
    %shift_right_logical3A_335 = vector.broadcast %shift_right_logical3A_334 : i32 to vector<16xi32>
    %shift_right_logical3A_336 = arith.shrui %bitcast_convert_type3A_333, %shift_right_logical3A_335 : vector<16xi32>
    %sub3A_337 = arith.constant 127 : i32
    %sub3A_338 = vector.broadcast %sub3A_337 : i32 to vector<16xi32>
    %sub3A_339 = arith.subi %shift_right_logical3A_336, %sub3A_338 : vector<16xi32>
    %add3A_340 = arith.constant 16 : i32
    %add3A_341 = vector.broadcast %add3A_340 : i32 to vector<16xi32>
    %add3A_342 = arith.addi %sub3A_339, %add3A_341 : vector<16xi32>
    %convert_element_type3A_343 = arith.sitofp %and3A_331 : vector<16xi32> to vector<16xf32>
    %bitcast_convert_type3A_344 = tpu.bitcast %convert_element_type3A_343 : vector<16xf32> -> vector<16xi32>
    %shift_right_logical3A_345 = arith.constant 23 : i32
    %shift_right_logical3A_346 = vector.broadcast %shift_right_logical3A_345 : i32 to vector<16xi32>
    %shift_right_logical3A_347 = arith.shrui %bitcast_convert_type3A_344, %shift_right_logical3A_346 : vector<16xi32>
    %sub3A_348 = arith.constant 127 : i32
    %sub3A_349 = vector.broadcast %sub3A_348 : i32 to vector<16xi32>
    %sub3A_350 = arith.subi %shift_right_logical3A_347, %sub3A_349 : vector<16xi32>
    %gt3A_351 = arith.constant 0 : i32
    %gt3A_352 = vector.broadcast %gt3A_351 : i32 to vector<16xi32>
    %gt3A_353 = arith.cmpi sgt, %shift_right_logical3A_328, %gt3A_352 : vector<16xi32>
    %select_n3A_354 = arith.select %gt3A_353, %add3A_342, %sub3A_350 : vector<16xi1>, vector<16xi32>
    %ne3A_355 = arith.constant 0 : i32
    %ne3A_356 = vector.broadcast %ne3A_355 : i32 to vector<16xi32>
    %ne3A_357 = arith.cmpi ne, %and3A_325, %ne3A_356 : vector<16xi32>
    %add3A_358 = arith.constant 192 : i32
    %add3A_359 = vector.broadcast %add3A_358 : i32 to vector<16xi32>
    %add3A_360 = arith.addi %select_n3A_354, %add3A_359 : vector<16xi32>
    %jit3A_361 = arith.constant -1 : i32
    %broadcast_in_dim3A_362 = vector.broadcast %jit3A_361 : i32 to vector<16xi32>
    %select_n3A_363 = arith.select %ne3A_357, %add3A_360, %broadcast_in_dim3A_362 : vector<16xi1>, vector<16xi32>
    %max3A_364 = arith.maxsi %max3A_316, %select_n3A_363 : vector<16xi32>
    %eq3A = arith.cmpi eq, %mul3A_21, %mul3A_26 : vector<16xi32>
    %jit3A_365 = arith.constant -1 : i32
    %broadcast_in_dim3A_366 = vector.broadcast %jit3A_365 : i32 to vector<16xi32>
    %select_n3A_367 = arith.select %eq3A, %broadcast_in_dim3A_366, %max3A_364 : vector<16xi1>, vector<16xi32>
    %swap3A_368 = arith.constant 0 : index
    %swap3A_369 = tpu.vector_load %arg10[%swap3A_368] {strides = array<i32>} : memref<128xi32, #tpu.memory_space<vmem>>, vector<16xi32>,
    tpu.vector_store %arg10[%swap3A_368], %select_n3A_367 {strides = array<i32>} : memref<128xi32, #tpu.memory_space<vmem>>, vector<16xi32>,
    %get3A_370 = arith.constant 16 : index
    %get3A_371 = tpu.vector_load %arg6[%get3A_370] {strides = array<i32>} : memref<128xi32, #tpu.memory_space<vmem>>, vector<16xi32>,
    %mul3A_372 = arith.constant 16 : i32
    %mul3A_373 = vector.broadcast %mul3A_372 : i32 to vector<16xi32>
    %mul3A_374 = arith.muli %get3A_371, %mul3A_373 : vector<16xi32>
    %get3A_375 = arith.constant 16 : index
    %get3A_376 = tpu.vector_load %arg7[%get3A_375] {strides = array<i32>} : memref<128xi32, #tpu.memory_space<vmem>>, vector<16xi32>,
    %mul3A_377 = arith.constant 16 : i32
    %mul3A_378 = vector.broadcast %mul3A_377 : i32 to vector<16xi32>
    %mul3A_379 = arith.muli %get3A_376, %mul3A_378 : vector<16xi32>
    %add3A_380 = arith.constant 7 : i32
    %add3A_381 = vector.broadcast %add3A_380 : i32 to vector<16xi32>
    %add3A_382 = arith.addi %mul3A_374, %add3A_381 : vector<16xi32>
    %gather3A_383 = tpu.vector_load_idx %arg8[%add3A_382] : memref<16000xi32, #tpu.memory_space<vmem>>[vector<16xi32>], vector<16xi32>,
    %bitcast_convert_type3A_384 = tpu.bitcast %gather3A_383 : vector<16xi32> -> vector<16xf32>
    %add3A_385 = arith.constant 7 : i32
    %add3A_386 = vector.broadcast %add3A_385 : i32 to vector<16xi32>
    %add3A_387 = arith.addi %mul3A_379, %add3A_386 : vector<16xi32>
    %gather3A_388 = tpu.vector_load_idx %arg8[%add3A_387] : memref<16000xi32, #tpu.memory_space<vmem>>[vector<16xi32>], vector<16xi32>,
    %bitcast_convert_type3A_389 = tpu.bitcast %gather3A_388 : vector<16xi32> -> vector<16xf32>
    %mul3A_390 = arith.mulf %bitcast_convert_type3A_384, %bitcast_convert_type3A_389 : vector<16xf32>
    %swap3A_391 = arith.constant 16 : index
    %swap3A_392 = tpu.vector_load %arg11[%swap3A_391] {strides = array<i32>} : memref<128xf32, #tpu.memory_space<vmem>>, vector<16xf32>,
    tpu.vector_store %arg11[%swap3A_391], %mul3A_390 {strides = array<i32>} : memref<128xf32, #tpu.memory_space<vmem>>, vector<16xf32>,
    %broadcast_in_dim3A_393 = arith.constant -1 : i32
    %broadcast_in_dim3A_394 = vector.broadcast %broadcast_in_dim3A_393 : i32 to vector<16xi32>
    %add3A_395 = arith.constant 0 : i32
    %add3A_396 = vector.broadcast %add3A_395 : i32 to vector<16xi32>
    %add3A_397 = arith.addi %mul3A_374, %add3A_396 : vector<16xi32>
    %gather3A_398 = tpu.vector_load_idx %arg8[%add3A_397] : memref<16000xi32, #tpu.memory_space<vmem>>[vector<16xi32>], vector<16xi32>,
    %add3A_399 = arith.constant 8 : i32
    %add3A_400 = vector.broadcast %add3A_399 : i32 to vector<16xi32>
    %add3A_401 = arith.addi %mul3A_379, %add3A_400 : vector<16xi32>
    %gather3A_402 = tpu.vector_load_idx %arg8[%add3A_401] : memref<16000xi32, #tpu.memory_space<vmem>>[vector<16xi32>], vector<16xi32>,
    %and3A_403 = arith.andi %gather3A_398, %gather3A_402 : vector<16xi32>
    %shift_right_logical3A_404 = arith.constant 16 : i32
    %shift_right_logical3A_405 = vector.broadcast %shift_right_logical3A_404 : i32 to vector<16xi32>
    %shift_right_logical3A_406 = arith.shrui %and3A_403, %shift_right_logical3A_405 : vector<16xi32>
    %and3A_407 = arith.constant 65535 : i32
    %and3A_408 = vector.broadcast %and3A_407 : i32 to vector<16xi32>
    %and3A_409 = arith.andi %and3A_403, %and3A_408 : vector<16xi32>
    %convert_element_type3A_410 = arith.sitofp %shift_right_logical3A_406 : vector<16xi32> to vector<16xf32>
    %bitcast_convert_type3A_411 = tpu.bitcast %convert_element_type3A_410 : vector<16xf32> -> vector<16xi32>
    %shift_right_logical3A_412 = arith.constant 23 : i32
    %shift_right_logical3A_413 = vector.broadcast %shift_right_logical3A_412 : i32 to vector<16xi32>
    %shift_right_logical3A_414 = arith.shrui %bitcast_convert_type3A_411, %shift_right_logical3A_413 : vector<16xi32>
    %sub3A_415 = arith.constant 127 : i32
    %sub3A_416 = vector.broadcast %sub3A_415 : i32 to vector<16xi32>
    %sub3A_417 = arith.subi %shift_right_logical3A_414, %sub3A_416 : vector<16xi32>
    %add3A_418 = arith.constant 16 : i32
    %add3A_419 = vector.broadcast %add3A_418 : i32 to vector<16xi32>
    %add3A_420 = arith.addi %sub3A_417, %add3A_419 : vector<16xi32>
    %convert_element_type3A_421 = arith.sitofp %and3A_409 : vector<16xi32> to vector<16xf32>
    %bitcast_convert_type3A_422 = tpu.bitcast %convert_element_type3A_421 : vector<16xf32> -> vector<16xi32>
    %shift_right_logical3A_423 = arith.constant 23 : i32
    %shift_right_logical3A_424 = vector.broadcast %shift_right_logical3A_423 : i32 to vector<16xi32>
    %shift_right_logical3A_425 = arith.shrui %bitcast_convert_type3A_422, %shift_right_logical3A_424 : vector<16xi32>
    %sub3A_426 = arith.constant 127 : i32
    %sub3A_427 = vector.broadcast %sub3A_426 : i32 to vector<16xi32>
    %sub3A_428 = arith.subi %shift_right_logical3A_425, %sub3A_427 : vector<16xi32>
    %gt3A_429 = arith.constant 0 : i32
    %gt3A_430 = vector.broadcast %gt3A_429 : i32 to vector<16xi32>
    %gt3A_431 = arith.cmpi sgt, %shift_right_logical3A_406, %gt3A_430 : vector<16xi32>
    %select_n3A_432 = arith.select %gt3A_431, %add3A_420, %sub3A_428 : vector<16xi1>, vector<16xi32>
    %ne3A_433 = arith.constant 0 : i32
    %ne3A_434 = vector.broadcast %ne3A_433 : i32 to vector<16xi32>
    %ne3A_435 = arith.cmpi ne, %and3A_403, %ne3A_434 : vector<16xi32>
    %add3A_436 = arith.constant 0 : i32
    %add3A_437 = vector.broadcast %add3A_436 : i32 to vector<16xi32>
    %add3A_438 = arith.addi %select_n3A_432, %add3A_437 : vector<16xi32>
    %jit3A_439 = arith.constant -1 : i32
    %broadcast_in_dim3A_440 = vector.broadcast %jit3A_439 : i32 to vector<16xi32>
    %select_n3A_441 = arith.select %ne3A_435, %add3A_438, %broadcast_in_dim3A_440 : vector<16xi1>, vector<16xi32>
    %max3A_442 = arith.maxsi %broadcast_in_dim3A_394, %select_n3A_441 : vector<16xi32>
    %add3A_443 = arith.constant 1 : i32
    %add3A_444 = vector.broadcast %add3A_443 : i32 to vector<16xi32>
    %add3A_445 = arith.addi %mul3A_374, %add3A_444 : vector<16xi32>
    %gather3A_446 = tpu.vector_load_idx %arg8[%add3A_445] : memref<16000xi32, #tpu.memory_space<vmem>>[vector<16xi32>], vector<16xi32>,
    %add3A_447 = arith.constant 9 : i32
    %add3A_448 = vector.broadcast %add3A_447 : i32 to vector<16xi32>
    %add3A_449 = arith.addi %mul3A_379, %add3A_448 : vector<16xi32>
    %gather3A_450 = tpu.vector_load_idx %arg8[%add3A_449] : memref<16000xi32, #tpu.memory_space<vmem>>[vector<16xi32>], vector<16xi32>,
    %and3A_451 = arith.andi %gather3A_446, %gather3A_450 : vector<16xi32>
    %shift_right_logical3A_452 = arith.constant 16 : i32
    %shift_right_logical3A_453 = vector.broadcast %shift_right_logical3A_452 : i32 to vector<16xi32>
    %shift_right_logical3A_454 = arith.shrui %and3A_451, %shift_right_logical3A_453 : vector<16xi32>
    %and3A_455 = arith.constant 65535 : i32
    %and3A_456 = vector.broadcast %and3A_455 : i32 to vector<16xi32>
    %and3A_457 = arith.andi %and3A_451, %and3A_456 : vector<16xi32>
    %convert_element_type3A_458 = arith.sitofp %shift_right_logical3A_454 : vector<16xi32> to vector<16xf32>
    %bitcast_convert_type3A_459 = tpu.bitcast %convert_element_type3A_458 : vector<16xf32> -> vector<16xi32>
    %shift_right_logical3A_460 = arith.constant 23 : i32
    %shift_right_logical3A_461 = vector.broadcast %shift_right_logical3A_460 : i32 to vector<16xi32>
    %shift_right_logical3A_462 = arith.shrui %bitcast_convert_type3A_459, %shift_right_logical3A_461 : vector<16xi32>
    %sub3A_463 = arith.constant 127 : i32
    %sub3A_464 = vector.broadcast %sub3A_463 : i32 to vector<16xi32>
    %sub3A_465 = arith.subi %shift_right_logical3A_462, %sub3A_464 : vector<16xi32>
    %add3A_466 = arith.constant 16 : i32
    %add3A_467 = vector.broadcast %add3A_466 : i32 to vector<16xi32>
    %add3A_468 = arith.addi %sub3A_465, %add3A_467 : vector<16xi32>
    %convert_element_type3A_469 = arith.sitofp %and3A_457 : vector<16xi32> to vector<16xf32>
    %bitcast_convert_type3A_470 = tpu.bitcast %convert_element_type3A_469 : vector<16xf32> -> vector<16xi32>
    %shift_right_logical3A_471 = arith.constant 23 : i32
    %shift_right_logical3A_472 = vector.broadcast %shift_right_logical3A_471 : i32 to vector<16xi32>
    %shift_right_logical3A_473 = arith.shrui %bitcast_convert_type3A_470, %shift_right_logical3A_472 : vector<16xi32>
    %sub3A_474 = arith.constant 127 : i32
    %sub3A_475 = vector.broadcast %sub3A_474 : i32 to vector<16xi32>
    %sub3A_476 = arith.subi %shift_right_logical3A_473, %sub3A_475 : vector<16xi32>
    %gt3A_477 = arith.constant 0 : i32
    %gt3A_478 = vector.broadcast %gt3A_477 : i32 to vector<16xi32>
    %gt3A_479 = arith.cmpi sgt, %shift_right_logical3A_454, %gt3A_478 : vector<16xi32>
    %select_n3A_480 = arith.select %gt3A_479, %add3A_468, %sub3A_476 : vector<16xi1>, vector<16xi32>
    %ne3A_481 = arith.constant 0 : i32
    %ne3A_482 = vector.broadcast %ne3A_481 : i32 to vector<16xi32>
    %ne3A_483 = arith.cmpi ne, %and3A_451, %ne3A_482 : vector<16xi32>
    %add3A_484 = arith.constant 32 : i32
    %add3A_485 = vector.broadcast %add3A_484 : i32 to vector<16xi32>
    %add3A_486 = arith.addi %select_n3A_480, %add3A_485 : vector<16xi32>
    %jit3A_487 = arith.constant -1 : i32
    %broadcast_in_dim3A_488 = vector.broadcast %jit3A_487 : i32 to vector<16xi32>
    %select_n3A_489 = arith.select %ne3A_483, %add3A_486, %broadcast_in_dim3A_488 : vector<16xi1>, vector<16xi32>
    %max3A_490 = arith.maxsi %max3A_442, %select_n3A_489 : vector<16xi32>
    %add3A_491 = arith.constant 2 : i32
    %add3A_492 = vector.broadcast %add3A_491 : i32 to vector<16xi32>
    %add3A_493 = arith.addi %mul3A_374, %add3A_492 : vector<16xi32>
    %gather3A_494 = tpu.vector_load_idx %arg8[%add3A_493] : memref<16000xi32, #tpu.memory_space<vmem>>[vector<16xi32>], vector<16xi32>,
    %add3A_495 = arith.constant 10 : i32
    %add3A_496 = vector.broadcast %add3A_495 : i32 to vector<16xi32>
    %add3A_497 = arith.addi %mul3A_379, %add3A_496 : vector<16xi32>
    %gather3A_498 = tpu.vector_load_idx %arg8[%add3A_497] : memref<16000xi32, #tpu.memory_space<vmem>>[vector<16xi32>], vector<16xi32>,
    %and3A_499 = arith.andi %gather3A_494, %gather3A_498 : vector<16xi32>
    %shift_right_logical3A_500 = arith.constant 16 : i32
    %shift_right_logical3A_501 = vector.broadcast %shift_right_logical3A_500 : i32 to vector<16xi32>
    %shift_right_logical3A_502 = arith.shrui %and3A_499, %shift_right_logical3A_501 : vector<16xi32>
    %and3A_503 = arith.constant 65535 : i32
    %and3A_504 = vector.broadcast %and3A_503 : i32 to vector<16xi32>
    %and3A_505 = arith.andi %and3A_499, %and3A_504 : vector<16xi32>
    %convert_element_type3A_506 = arith.sitofp %shift_right_logical3A_502 : vector<16xi32> to vector<16xf32>
    %bitcast_convert_type3A_507 = tpu.bitcast %convert_element_type3A_506 : vector<16xf32> -> vector<16xi32>
    %shift_right_logical3A_508 = arith.constant 23 : i32
    %shift_right_logical3A_509 = vector.broadcast %shift_right_logical3A_508 : i32 to vector<16xi32>
    %shift_right_logical3A_510 = arith.shrui %bitcast_convert_type3A_507, %shift_right_logical3A_509 : vector<16xi32>
    %sub3A_511 = arith.constant 127 : i32
    %sub3A_512 = vector.broadcast %sub3A_511 : i32 to vector<16xi32>
    %sub3A_513 = arith.subi %shift_right_logical3A_510, %sub3A_512 : vector<16xi32>
    %add3A_514 = arith.constant 16 : i32
    %add3A_515 = vector.broadcast %add3A_514 : i32 to vector<16xi32>
    %add3A_516 = arith.addi %sub3A_513, %add3A_515 : vector<16xi32>
    %convert_element_type3A_517 = arith.sitofp %and3A_505 : vector<16xi32> to vector<16xf32>
    %bitcast_convert_type3A_518 = tpu.bitcast %convert_element_type3A_517 : vector<16xf32> -> vector<16xi32>
    %shift_right_logical3A_519 = arith.constant 23 : i32
    %shift_right_logical3A_520 = vector.broadcast %shift_right_logical3A_519 : i32 to vector<16xi32>
    %shift_right_logical3A_521 = arith.shrui %bitcast_convert_type3A_518, %shift_right_logical3A_520 : vector<16xi32>
    %sub3A_522 = arith.constant 127 : i32
    %sub3A_523 = vector.broadcast %sub3A_522 : i32 to vector<16xi32>
    %sub3A_524 = arith.subi %shift_right_logical3A_521, %sub3A_523 : vector<16xi32>
    %gt3A_525 = arith.constant 0 : i32
    %gt3A_526 = vector.broadcast %gt3A_525 : i32 to vector<16xi32>
    %gt3A_527 = arith.cmpi sgt, %shift_right_logical3A_502, %gt3A_526 : vector<16xi32>
    %select_n3A_528 = arith.select %gt3A_527, %add3A_516, %sub3A_524 : vector<16xi1>, vector<16xi32>
    %ne3A_529 = arith.constant 0 : i32
    %ne3A_530 = vector.broadcast %ne3A_529 : i32 to vector<16xi32>
    %ne3A_531 = arith.cmpi ne, %and3A_499, %ne3A_530 : vector<16xi32>
    %add3A_532 = arith.constant 64 : i32
    %add3A_533 = vector.broadcast %add3A_532 : i32 to vector<16xi32>
    %add3A_534 = arith.addi %select_n3A_528, %add3A_533 : vector<16xi32>
    %jit3A_535 = arith.constant -1 : i32
    %broadcast_in_dim3A_536 = vector.broadcast %jit3A_535 : i32 to vector<16xi32>
    %select_n3A_537 = arith.select %ne3A_531, %add3A_534, %broadcast_in_dim3A_536 : vector<16xi1>, vector<16xi32>
    %max3A_538 = arith.maxsi %max3A_490, %select_n3A_537 : vector<16xi32>
    %add3A_539 = arith.constant 3 : i32
    %add3A_540 = vector.broadcast %add3A_539 : i32 to vector<16xi32>
    %add3A_541 = arith.addi %mul3A_374, %add3A_540 : vector<16xi32>
    %gather3A_542 = tpu.vector_load_idx %arg8[%add3A_541] : memref<16000xi32, #tpu.memory_space<vmem>>[vector<16xi32>], vector<16xi32>,
    %add3A_543 = arith.constant 11 : i32
    %add3A_544 = vector.broadcast %add3A_543 : i32 to vector<16xi32>
    %add3A_545 = arith.addi %mul3A_379, %add3A_544 : vector<16xi32>
    %gather3A_546 = tpu.vector_load_idx %arg8[%add3A_545] : memref<16000xi32, #tpu.memory_space<vmem>>[vector<16xi32>], vector<16xi32>,
    %and3A_547 = arith.andi %gather3A_542, %gather3A_546 : vector<16xi32>
    %shift_right_logical3A_548 = arith.constant 16 : i32
    %shift_right_logical3A_549 = vector.broadcast %shift_right_logical3A_548 : i32 to vector<16xi32>
    %shift_right_logical3A_550 = arith.shrui %and3A_547, %shift_right_logical3A_549 : vector<16xi32>
    %and3A_551 = arith.constant 65535 : i32
    %and3A_552 = vector.broadcast %and3A_551 : i32 to vector<16xi32>
    %and3A_553 = arith.andi %and3A_547, %and3A_552 : vector<16xi32>
    %convert_element_type3A_554 = arith.sitofp %shift_right_logical3A_550 : vector<16xi32> to vector<16xf32>
    %bitcast_convert_type3A_555 = tpu.bitcast %convert_element_type3A_554 : vector<16xf32> -> vector<16xi32>
    %shift_right_logical3A_556 = arith.constant 23 : i32
    %shift_right_logical3A_557 = vector.broadcast %shift_right_logical3A_556 : i32 to vector<16xi32>
    %shift_right_logical3A_558 = arith.shrui %bitcast_convert_type3A_555, %shift_right_logical3A_557 : vector<16xi32>
    %sub3A_559 = arith.constant 127 : i32
    %sub3A_560 = vector.broadcast %sub3A_559 : i32 to vector<16xi32>
    %sub3A_561 = arith.subi %shift_right_logical3A_558, %sub3A_560 : vector<16xi32>
    %add3A_562 = arith.constant 16 : i32
    %add3A_563 = vector.broadcast %add3A_562 : i32 to vector<16xi32>
    %add3A_564 = arith.addi %sub3A_561, %add3A_563 : vector<16xi32>
    %convert_element_type3A_565 = arith.sitofp %and3A_553 : vector<16xi32> to vector<16xf32>
    %bitcast_convert_type3A_566 = tpu.bitcast %convert_element_type3A_565 : vector<16xf32> -> vector<16xi32>
    %shift_right_logical3A_567 = arith.constant 23 : i32
    %shift_right_logical3A_568 = vector.broadcast %shift_right_logical3A_567 : i32 to vector<16xi32>
    %shift_right_logical3A_569 = arith.shrui %bitcast_convert_type3A_566, %shift_right_logical3A_568 : vector<16xi32>
    %sub3A_570 = arith.constant 127 : i32
    %sub3A_571 = vector.broadcast %sub3A_570 : i32 to vector<16xi32>
    %sub3A_572 = arith.subi %shift_right_logical3A_569, %sub3A_571 : vector<16xi32>
    %gt3A_573 = arith.constant 0 : i32
    %gt3A_574 = vector.broadcast %gt3A_573 : i32 to vector<16xi32>
    %gt3A_575 = arith.cmpi sgt, %shift_right_logical3A_550, %gt3A_574 : vector<16xi32>
    %select_n3A_576 = arith.select %gt3A_575, %add3A_564, %sub3A_572 : vector<16xi1>, vector<16xi32>
    %ne3A_577 = arith.constant 0 : i32
    %ne3A_578 = vector.broadcast %ne3A_577 : i32 to vector<16xi32>
    %ne3A_579 = arith.cmpi ne, %and3A_547, %ne3A_578 : vector<16xi32>
    %add3A_580 = arith.constant 96 : i32
    %add3A_581 = vector.broadcast %add3A_580 : i32 to vector<16xi32>
    %add3A_582 = arith.addi %select_n3A_576, %add3A_581 : vector<16xi32>
    %jit3A_583 = arith.constant -1 : i32
    %broadcast_in_dim3A_584 = vector.broadcast %jit3A_583 : i32 to vector<16xi32>
    %select_n3A_585 = arith.select %ne3A_579, %add3A_582, %broadcast_in_dim3A_584 : vector<16xi1>, vector<16xi32>
    %max3A_586 = arith.maxsi %max3A_538, %select_n3A_585 : vector<16xi32>
    %add3A_587 = arith.constant 4 : i32
    %add3A_588 = vector.broadcast %add3A_587 : i32 to vector<16xi32>
    %add3A_589 = arith.addi %mul3A_374, %add3A_588 : vector<16xi32>
    %gather3A_590 = tpu.vector_load_idx %arg8[%add3A_589] : memref<16000xi32, #tpu.memory_space<vmem>>[vector<16xi32>], vector<16xi32>,
    %add3A_591 = arith.constant 12 : i32
    %add3A_592 = vector.broadcast %add3A_591 : i32 to vector<16xi32>
    %add3A_593 = arith.addi %mul3A_379, %add3A_592 : vector<16xi32>
    %gather3A_594 = tpu.vector_load_idx %arg8[%add3A_593] : memref<16000xi32, #tpu.memory_space<vmem>>[vector<16xi32>], vector<16xi32>,
    %and3A_595 = arith.andi %gather3A_590, %gather3A_594 : vector<16xi32>
    %shift_right_logical3A_596 = arith.constant 16 : i32
    %shift_right_logical3A_597 = vector.broadcast %shift_right_logical3A_596 : i32 to vector<16xi32>
    %shift_right_logical3A_598 = arith.shrui %and3A_595, %shift_right_logical3A_597 : vector<16xi32>
    %and3A_599 = arith.constant 65535 : i32
    %and3A_600 = vector.broadcast %and3A_599 : i32 to vector<16xi32>
    %and3A_601 = arith.andi %and3A_595, %and3A_600 : vector<16xi32>
    %convert_element_type3A_602 = arith.sitofp %shift_right_logical3A_598 : vector<16xi32> to vector<16xf32>
    %bitcast_convert_type3A_603 = tpu.bitcast %convert_element_type3A_602 : vector<16xf32> -> vector<16xi32>
    %shift_right_logical3A_604 = arith.constant 23 : i32
    %shift_right_logical3A_605 = vector.broadcast %shift_right_logical3A_604 : i32 to vector<16xi32>
    %shift_right_logical3A_606 = arith.shrui %bitcast_convert_type3A_603, %shift_right_logical3A_605 : vector<16xi32>
    %sub3A_607 = arith.constant 127 : i32
    %sub3A_608 = vector.broadcast %sub3A_607 : i32 to vector<16xi32>
    %sub3A_609 = arith.subi %shift_right_logical3A_606, %sub3A_608 : vector<16xi32>
    %add3A_610 = arith.constant 16 : i32
    %add3A_611 = vector.broadcast %add3A_610 : i32 to vector<16xi32>
    %add3A_612 = arith.addi %sub3A_609, %add3A_611 : vector<16xi32>
    %convert_element_type3A_613 = arith.sitofp %and3A_601 : vector<16xi32> to vector<16xf32>
    %bitcast_convert_type3A_614 = tpu.bitcast %convert_element_type3A_613 : vector<16xf32> -> vector<16xi32>
    %shift_right_logical3A_615 = arith.constant 23 : i32
    %shift_right_logical3A_616 = vector.broadcast %shift_right_logical3A_615 : i32 to vector<16xi32>
    %shift_right_logical3A_617 = arith.shrui %bitcast_convert_type3A_614, %shift_right_logical3A_616 : vector<16xi32>
    %sub3A_618 = arith.constant 127 : i32
    %sub3A_619 = vector.broadcast %sub3A_618 : i32 to vector<16xi32>
    %sub3A_620 = arith.subi %shift_right_logical3A_617, %sub3A_619 : vector<16xi32>
    %gt3A_621 = arith.constant 0 : i32
    %gt3A_622 = vector.broadcast %gt3A_621 : i32 to vector<16xi32>
    %gt3A_623 = arith.cmpi sgt, %shift_right_logical3A_598, %gt3A_622 : vector<16xi32>
    %select_n3A_624 = arith.select %gt3A_623, %add3A_612, %sub3A_620 : vector<16xi1>, vector<16xi32>
    %ne3A_625 = arith.constant 0 : i32
    %ne3A_626 = vector.broadcast %ne3A_625 : i32 to vector<16xi32>
    %ne3A_627 = arith.cmpi ne, %and3A_595, %ne3A_626 : vector<16xi32>
    %add3A_628 = arith.constant 128 : i32
    %add3A_629 = vector.broadcast %add3A_628 : i32 to vector<16xi32>
    %add3A_630 = arith.addi %select_n3A_624, %add3A_629 : vector<16xi32>
    %jit3A_631 = arith.constant -1 : i32
    %broadcast_in_dim3A_632 = vector.broadcast %jit3A_631 : i32 to vector<16xi32>
    %select_n3A_633 = arith.select %ne3A_627, %add3A_630, %broadcast_in_dim3A_632 : vector<16xi1>, vector<16xi32>
    %max3A_634 = arith.maxsi %max3A_586, %select_n3A_633 : vector<16xi32>
    %add3A_635 = arith.constant 5 : i32
    %add3A_636 = vector.broadcast %add3A_635 : i32 to vector<16xi32>
    %add3A_637 = arith.addi %mul3A_374, %add3A_636 : vector<16xi32>
    %gather3A_638 = tpu.vector_load_idx %arg8[%add3A_637] : memref<16000xi32, #tpu.memory_space<vmem>>[vector<16xi32>], vector<16xi32>,
    %add3A_639 = arith.constant 13 : i32
    %add3A_640 = vector.broadcast %add3A_639 : i32 to vector<16xi32>
    %add3A_641 = arith.addi %mul3A_379, %add3A_640 : vector<16xi32>
    %gather3A_642 = tpu.vector_load_idx %arg8[%add3A_641] : memref<16000xi32, #tpu.memory_space<vmem>>[vector<16xi32>], vector<16xi32>,
    %and3A_643 = arith.andi %gather3A_638, %gather3A_642 : vector<16xi32>
    %shift_right_logical3A_644 = arith.constant 16 : i32
    %shift_right_logical3A_645 = vector.broadcast %shift_right_logical3A_644 : i32 to vector<16xi32>
    %shift_right_logical3A_646 = arith.shrui %and3A_643, %shift_right_logical3A_645 : vector<16xi32>
    %and3A_647 = arith.constant 65535 : i32
    %and3A_648 = vector.broadcast %and3A_647 : i32 to vector<16xi32>
    %and3A_649 = arith.andi %and3A_643, %and3A_648 : vector<16xi32>
    %convert_element_type3A_650 = arith.sitofp %shift_right_logical3A_646 : vector<16xi32> to vector<16xf32>
    %bitcast_convert_type3A_651 = tpu.bitcast %convert_element_type3A_650 : vector<16xf32> -> vector<16xi32>
    %shift_right_logical3A_652 = arith.constant 23 : i32
    %shift_right_logical3A_653 = vector.broadcast %shift_right_logical3A_652 : i32 to vector<16xi32>
    %shift_right_logical3A_654 = arith.shrui %bitcast_convert_type3A_651, %shift_right_logical3A_653 : vector<16xi32>
    %sub3A_655 = arith.constant 127 : i32
    %sub3A_656 = vector.broadcast %sub3A_655 : i32 to vector<16xi32>
    %sub3A_657 = arith.subi %shift_right_logical3A_654, %sub3A_656 : vector<16xi32>
    %add3A_658 = arith.constant 16 : i32
    %add3A_659 = vector.broadcast %add3A_658 : i32 to vector<16xi32>
    %add3A_660 = arith.addi %sub3A_657, %add3A_659 : vector<16xi32>
    %convert_element_type3A_661 = arith.sitofp %and3A_649 : vector<16xi32> to vector<16xf32>
    %bitcast_convert_type3A_662 = tpu.bitcast %convert_element_type3A_661 : vector<16xf32> -> vector<16xi32>
    %shift_right_logical3A_663 = arith.constant 23 : i32
    %shift_right_logical3A_664 = vector.broadcast %shift_right_logical3A_663 : i32 to vector<16xi32>
    %shift_right_logical3A_665 = arith.shrui %bitcast_convert_type3A_662, %shift_right_logical3A_664 : vector<16xi32>
    %sub3A_666 = arith.constant 127 : i32
    %sub3A_667 = vector.broadcast %sub3A_666 : i32 to vector<16xi32>
    %sub3A_668 = arith.subi %shift_right_logical3A_665, %sub3A_667 : vector<16xi32>
    %gt3A_669 = arith.constant 0 : i32
    %gt3A_670 = vector.broadcast %gt3A_669 : i32 to vector<16xi32>
    %gt3A_671 = arith.cmpi sgt, %shift_right_logical3A_646, %gt3A_670 : vector<16xi32>
    %select_n3A_672 = arith.select %gt3A_671, %add3A_660, %sub3A_668 : vector<16xi1>, vector<16xi32>
    %ne3A_673 = arith.constant 0 : i32
    %ne3A_674 = vector.broadcast %ne3A_673 : i32 to vector<16xi32>
    %ne3A_675 = arith.cmpi ne, %and3A_643, %ne3A_674 : vector<16xi32>
    %add3A_676 = arith.constant 160 : i32
    %add3A_677 = vector.broadcast %add3A_676 : i32 to vector<16xi32>
    %add3A_678 = arith.addi %select_n3A_672, %add3A_677 : vector<16xi32>
    %jit3A_679 = arith.constant -1 : i32
    %broadcast_in_dim3A_680 = vector.broadcast %jit3A_679 : i32 to vector<16xi32>
    %select_n3A_681 = arith.select %ne3A_675, %add3A_678, %broadcast_in_dim3A_680 : vector<16xi1>, vector<16xi32>
    %max3A_682 = arith.maxsi %max3A_634, %select_n3A_681 : vector<16xi32>
    %add3A_683 = arith.constant 6 : i32
    %add3A_684 = vector.broadcast %add3A_683 : i32 to vector<16xi32>
    %add3A_685 = arith.addi %mul3A_374, %add3A_684 : vector<16xi32>
    %gather3A_686 = tpu.vector_load_idx %arg8[%add3A_685] : memref<16000xi32, #tpu.memory_space<vmem>>[vector<16xi32>], vector<16xi32>,
    %add3A_687 = arith.constant 14 : i32
    %add3A_688 = vector.broadcast %add3A_687 : i32 to vector<16xi32>
    %add3A_689 = arith.addi %mul3A_379, %add3A_688 : vector<16xi32>
    %gather3A_690 = tpu.vector_load_idx %arg8[%add3A_689] : memref<16000xi32, #tpu.memory_space<vmem>>[vector<16xi32>], vector<16xi32>,
    %and3A_691 = arith.andi %gather3A_686, %gather3A_690 : vector<16xi32>
    %shift_right_logical3A_692 = arith.constant 16 : i32
    %shift_right_logical3A_693 = vector.broadcast %shift_right_logical3A_692 : i32 to vector<16xi32>
    %shift_right_logical3A_694 = arith.shrui %and3A_691, %shift_right_logical3A_693 : vector<16xi32>
    %and3A_695 = arith.constant 65535 : i32
    %and3A_696 = vector.broadcast %and3A_695 : i32 to vector<16xi32>
    %and3A_697 = arith.andi %and3A_691, %and3A_696 : vector<16xi32>
    %convert_element_type3A_698 = arith.sitofp %shift_right_logical3A_694 : vector<16xi32> to vector<16xf32>
    %bitcast_convert_type3A_699 = tpu.bitcast %convert_element_type3A_698 : vector<16xf32> -> vector<16xi32>
    %shift_right_logical3A_700 = arith.constant 23 : i32
    %shift_right_logical3A_701 = vector.broadcast %shift_right_logical3A_700 : i32 to vector<16xi32>
    %shift_right_logical3A_702 = arith.shrui %bitcast_convert_type3A_699, %shift_right_logical3A_701 : vector<16xi32>
    %sub3A_703 = arith.constant 127 : i32
    %sub3A_704 = vector.broadcast %sub3A_703 : i32 to vector<16xi32>
    %sub3A_705 = arith.subi %shift_right_logical3A_702, %sub3A_704 : vector<16xi32>
    %add3A_706 = arith.constant 16 : i32
    %add3A_707 = vector.broadcast %add3A_706 : i32 to vector<16xi32>
    %add3A_708 = arith.addi %sub3A_705, %add3A_707 : vector<16xi32>
    %convert_element_type3A_709 = arith.sitofp %and3A_697 : vector<16xi32> to vector<16xf32>
    %bitcast_convert_type3A_710 = tpu.bitcast %convert_element_type3A_709 : vector<16xf32> -> vector<16xi32>
    %shift_right_logical3A_711 = arith.constant 23 : i32
    %shift_right_logical3A_712 = vector.broadcast %shift_right_logical3A_711 : i32 to vector<16xi32>
    %shift_right_logical3A_713 = arith.shrui %bitcast_convert_type3A_710, %shift_right_logical3A_712 : vector<16xi32>
    %sub3A_714 = arith.constant 127 : i32
    %sub3A_715 = vector.broadcast %sub3A_714 : i32 to vector<16xi32>
    %sub3A_716 = arith.subi %shift_right_logical3A_713, %sub3A_715 : vector<16xi32>
    %gt3A_717 = arith.constant 0 : i32
    %gt3A_718 = vector.broadcast %gt3A_717 : i32 to vector<16xi32>
    %gt3A_719 = arith.cmpi sgt, %shift_right_logical3A_694, %gt3A_718 : vector<16xi32>
    %select_n3A_720 = arith.select %gt3A_719, %add3A_708, %sub3A_716 : vector<16xi1>, vector<16xi32>
    %ne3A_721 = arith.constant 0 : i32
    %ne3A_722 = vector.broadcast %ne3A_721 : i32 to vector<16xi32>
    %ne3A_723 = arith.cmpi ne, %and3A_691, %ne3A_722 : vector<16xi32>
    %add3A_724 = arith.constant 192 : i32
    %add3A_725 = vector.broadcast %add3A_724 : i32 to vector<16xi32>
    %add3A_726 = arith.addi %select_n3A_720, %add3A_725 : vector<16xi32>
    %jit3A_727 = arith.constant -1 : i32
    %broadcast_in_dim3A_728 = vector.broadcast %jit3A_727 : i32 to vector<16xi32>
    %select_n3A_729 = arith.select %ne3A_723, %add3A_726, %broadcast_in_dim3A_728 : vector<16xi1>, vector<16xi32>
    %max3A_730 = arith.maxsi %max3A_682, %select_n3A_729 : vector<16xi32>
    %eq3A_731 = arith.cmpi eq, %mul3A_374, %mul3A_379 : vector<16xi32>
    %jit3A_732 = arith.constant -1 : i32
    %broadcast_in_dim3A_733 = vector.broadcast %jit3A_732 : i32 to vector<16xi32>
    %select_n3A_734 = arith.select %eq3A_731, %broadcast_in_dim3A_733, %max3A_730 : vector<16xi1>, vector<16xi32>
    %swap3A_735 = arith.constant 16 : index
    %swap3A_736 = tpu.vector_load %arg10[%swap3A_735] {strides = array<i32>} : memref<128xi32, #tpu.memory_space<vmem>>, vector<16xi32>,
    tpu.vector_store %arg10[%swap3A_735], %select_n3A_734 {strides = array<i32>} : memref<128xi32, #tpu.memory_space<vmem>>, vector<16xi32>,
    %get3A_737 = arith.constant 32 : index
    %get3A_738 = tpu.vector_load %arg6[%get3A_737] {strides = array<i32>} : memref<128xi32, #tpu.memory_space<vmem>>, vector<16xi32>,
    %mul3A_739 = arith.constant 16 : i32
    %mul3A_740 = vector.broadcast %mul3A_739 : i32 to vector<16xi32>
    %mul3A_741 = arith.muli %get3A_738, %mul3A_740 : vector<16xi32>
    %get3A_742 = arith.constant 32 : index
    %get3A_743 = tpu.vector_load %arg7[%get3A_742] {strides = array<i32>} : memref<128xi32, #tpu.memory_space<vmem>>, vector<16xi32>,
    %mul3A_744 = arith.constant 16 : i32
    %mul3A_745 = vector.broadcast %mul3A_744 : i32 to vector<16xi32>
    %mul3A_746 = arith.muli %get3A_743, %mul3A_745 : vector<16xi32>
    %add3A_747 = arith.constant 7 : i32
    %add3A_748 = vector.broadcast %add3A_747 : i32 to vector<16xi32>
    %add3A_749 = arith.addi %mul3A_741, %add3A_748 : vector<16xi32>
    %gather3A_750 = tpu.vector_load_idx %arg8[%add3A_749] : memref<16000xi32, #tpu.memory_space<vmem>>[vector<16xi32>], vector<16xi32>,
    %bitcast_convert_type3A_751 = tpu.bitcast %gather3A_750 : vector<16xi32> -> vector<16xf32>
    %add3A_752 = arith.constant 7 : i32
    %add3A_753 = vector.broadcast %add3A_752 : i32 to vector<16xi32>
    %add3A_754 = arith.addi %mul3A_746, %add3A_753 : vector<16xi32>
    %gather3A_755 = tpu.vector_load_idx %arg8[%add3A_754] : memref<16000xi32, #tpu.memory_space<vmem>>[vector<16xi32>], vector<16xi32>,
    %bitcast_convert_type3A_756 = tpu.bitcast %gather3A_755 : vector<16xi32> -> vector<16xf32>
    %mul3A_757 = arith.mulf %bitcast_convert_type3A_751, %bitcast_convert_type3A_756 : vector<16xf32>
    %swap3A_758 = arith.constant 32 : index
    %swap3A_759 = tpu.vector_load %arg11[%swap3A_758] {strides = array<i32>} : memref<128xf32, #tpu.memory_space<vmem>>, vector<16xf32>,
    tpu.vector_store %arg11[%swap3A_758], %mul3A_757 {strides = array<i32>} : memref<128xf32, #tpu.memory_space<vmem>>, vector<16xf32>,
    %broadcast_in_dim3A_760 = arith.constant -1 : i32
    %broadcast_in_dim3A_761 = vector.broadcast %broadcast_in_dim3A_760 : i32 to vector<16xi32>
    %add3A_762 = arith.constant 0 : i32
    %add3A_763 = vector.broadcast %add3A_762 : i32 to vector<16xi32>
    %add3A_764 = arith.addi %mul3A_741, %add3A_763 : vector<16xi32>
    %gather3A_765 = tpu.vector_load_idx %arg8[%add3A_764] : memref<16000xi32, #tpu.memory_space<vmem>>[vector<16xi32>], vector<16xi32>,
    %add3A_766 = arith.constant 8 : i32
    %add3A_767 = vector.broadcast %add3A_766 : i32 to vector<16xi32>
    %add3A_768 = arith.addi %mul3A_746, %add3A_767 : vector<16xi32>
    %gather3A_769 = tpu.vector_load_idx %arg8[%add3A_768] : memref<16000xi32, #tpu.memory_space<vmem>>[vector<16xi32>], vector<16xi32>,
    %and3A_770 = arith.andi %gather3A_765, %gather3A_769 : vector<16xi32>
    %shift_right_logical3A_771 = arith.constant 16 : i32
    %shift_right_logical3A_772 = vector.broadcast %shift_right_logical3A_771 : i32 to vector<16xi32>
    %shift_right_logical3A_773 = arith.shrui %and3A_770, %shift_right_logical3A_772 : vector<16xi32>
    %and3A_774 = arith.constant 65535 : i32
    %and3A_775 = vector.broadcast %and3A_774 : i32 to vector<16xi32>
    %and3A_776 = arith.andi %and3A_770, %and3A_775 : vector<16xi32>
    %convert_element_type3A_777 = arith.sitofp %shift_right_logical3A_773 : vector<16xi32> to vector<16xf32>
    %bitcast_convert_type3A_778 = tpu.bitcast %convert_element_type3A_777 : vector<16xf32> -> vector<16xi32>
    %shift_right_logical3A_779 = arith.constant 23 : i32
    %shift_right_logical3A_780 = vector.broadcast %shift_right_logical3A_779 : i32 to vector<16xi32>
    %shift_right_logical3A_781 = arith.shrui %bitcast_convert_type3A_778, %shift_right_logical3A_780 : vector<16xi32>
    %sub3A_782 = arith.constant 127 : i32
    %sub3A_783 = vector.broadcast %sub3A_782 : i32 to vector<16xi32>
    %sub3A_784 = arith.subi %shift_right_logical3A_781, %sub3A_783 : vector<16xi32>
    %add3A_785 = arith.constant 16 : i32
    %add3A_786 = vector.broadcast %add3A_785 : i32 to vector<16xi32>
    %add3A_787 = arith.addi %sub3A_784, %add3A_786 : vector<16xi32>
    %convert_element_type3A_788 = arith.sitofp %and3A_776 : vector<16xi32> to vector<16xf32>
    %bitcast_convert_type3A_789 = tpu.bitcast %convert_element_type3A_788 : vector<16xf32> -> vector<16xi32>
    %shift_right_logical3A_790 = arith.constant 23 : i32
    %shift_right_logical3A_791 = vector.broadcast %shift_right_logical3A_790 : i32 to vector<16xi32>
    %shift_right_logical3A_792 = arith.shrui %bitcast_convert_type3A_789, %shift_right_logical3A_791 : vector<16xi32>
    %sub3A_793 = arith.constant 127 : i32
    %sub3A_794 = vector.broadcast %sub3A_793 : i32 to vector<16xi32>
    %sub3A_795 = arith.subi %shift_right_logical3A_792, %sub3A_794 : vector<16xi32>
    %gt3A_796 = arith.constant 0 : i32
    %gt3A_797 = vector.broadcast %gt3A_796 : i32 to vector<16xi32>
    %gt3A_798 = arith.cmpi sgt, %shift_right_logical3A_773, %gt3A_797 : vector<16xi32>
    %select_n3A_799 = arith.select %gt3A_798, %add3A_787, %sub3A_795 : vector<16xi1>, vector<16xi32>
    %ne3A_800 = arith.constant 0 : i32
    %ne3A_801 = vector.broadcast %ne3A_800 : i32 to vector<16xi32>
    %ne3A_802 = arith.cmpi ne, %and3A_770, %ne3A_801 : vector<16xi32>
    %add3A_803 = arith.constant 0 : i32
    %add3A_804 = vector.broadcast %add3A_803 : i32 to vector<16xi32>
    %add3A_805 = arith.addi %select_n3A_799, %add3A_804 : vector<16xi32>
    %jit3A_806 = arith.constant -1 : i32
    %broadcast_in_dim3A_807 = vector.broadcast %jit3A_806 : i32 to vector<16xi32>
    %select_n3A_808 = arith.select %ne3A_802, %add3A_805, %broadcast_in_dim3A_807 : vector<16xi1>, vector<16xi32>
    %max3A_809 = arith.maxsi %broadcast_in_dim3A_761, %select_n3A_808 : vector<16xi32>
    %add3A_810 = arith.constant 1 : i32
    %add3A_811 = vector.broadcast %add3A_810 : i32 to vector<16xi32>
    %add3A_812 = arith.addi %mul3A_741, %add3A_811 : vector<16xi32>
    %gather3A_813 = tpu.vector_load_idx %arg8[%add3A_812] : memref<16000xi32, #tpu.memory_space<vmem>>[vector<16xi32>], vector<16xi32>,
    %add3A_814 = arith.constant 9 : i32
    %add3A_815 = vector.broadcast %add3A_814 : i32 to vector<16xi32>
    %add3A_816 = arith.addi %mul3A_746, %add3A_815 : vector<16xi32>
    %gather3A_817 = tpu.vector_load_idx %arg8[%add3A_816] : memref<16000xi32, #tpu.memory_space<vmem>>[vector<16xi32>], vector<16xi32>,
    %and3A_818 = arith.andi %gather3A_813, %gather3A_817 : vector<16xi32>
    %shift_right_logical3A_819 = arith.constant 16 : i32
    %shift_right_logical3A_820 = vector.broadcast %shift_right_logical3A_819 : i32 to vector<16xi32>
    %shift_right_logical3A_821 = arith.shrui %and3A_818, %shift_right_logical3A_820 : vector<16xi32>
    %and3A_822 = arith.constant 65535 : i32
    %and3A_823 = vector.broadcast %and3A_822 : i32 to vector<16xi32>
    %and3A_824 = arith.andi %and3A_818, %and3A_823 : vector<16xi32>
    %convert_element_type3A_825 = arith.sitofp %shift_right_logical3A_821 : vector<16xi32> to vector<16xf32>
    %bitcast_convert_type3A_826 = tpu.bitcast %convert_element_type3A_825 : vector<16xf32> -> vector<16xi32>
    %shift_right_logical3A_827 = arith.constant 23 : i32
    %shift_right_logical3A_828 = vector.broadcast %shift_right_logical3A_827 : i32 to vector<16xi32>
    %shift_right_logical3A_829 = arith.shrui %bitcast_convert_type3A_826, %shift_right_logical3A_828 : vector<16xi32>
    %sub3A_830 = arith.constant 127 : i32
    %sub3A_831 = vector.broadcast %sub3A_830 : i32 to vector<16xi32>
    %sub3A_832 = arith.subi %shift_right_logical3A_829, %sub3A_831 : vector<16xi32>
    %add3A_833 = arith.constant 16 : i32
    %add3A_834 = vector.broadcast %add3A_833 : i32 to vector<16xi32>
    %add3A_835 = arith.addi %sub3A_832, %add3A_834 : vector<16xi32>
    %convert_element_type3A_836 = arith.sitofp %and3A_824 : vector<16xi32> to vector<16xf32>
    %bitcast_convert_type3A_837 = tpu.bitcast %convert_element_type3A_836 : vector<16xf32> -> vector<16xi32>
    %shift_right_logical3A_838 = arith.constant 23 : i32
    %shift_right_logical3A_839 = vector.broadcast %shift_right_logical3A_838 : i32 to vector<16xi32>
    %shift_right_logical3A_840 = arith.shrui %bitcast_convert_type3A_837, %shift_right_logical3A_839 : vector<16xi32>
    %sub3A_841 = arith.constant 127 : i32
    %sub3A_842 = vector.broadcast %sub3A_841 : i32 to vector<16xi32>
    %sub3A_843 = arith.subi %shift_right_logical3A_840, %sub3A_842 : vector<16xi32>
    %gt3A_844 = arith.constant 0 : i32
    %gt3A_845 = vector.broadcast %gt3A_844 : i32 to vector<16xi32>
    %gt3A_846 = arith.cmpi sgt, %shift_right_logical3A_821, %gt3A_845 : vector<16xi32>
    %select_n3A_847 = arith.select %gt3A_846, %add3A_835, %sub3A_843 : vector<16xi1>, vector<16xi32>
    %ne3A_848 = arith.constant 0 : i32
    %ne3A_849 = vector.broadcast %ne3A_848 : i32 to vector<16xi32>
    %ne3A_850 = arith.cmpi ne, %and3A_818, %ne3A_849 : vector<16xi32>
    %add3A_851 = arith.constant 32 : i32
    %add3A_852 = vector.broadcast %add3A_851 : i32 to vector<16xi32>
    %add3A_853 = arith.addi %select_n3A_847, %add3A_852 : vector<16xi32>
    %jit3A_854 = arith.constant -1 : i32
    %broadcast_in_dim3A_855 = vector.broadcast %jit3A_854 : i32 to vector<16xi32>
    %select_n3A_856 = arith.select %ne3A_850, %add3A_853, %broadcast_in_dim3A_855 : vector<16xi1>, vector<16xi32>
    %max3A_857 = arith.maxsi %max3A_809, %select_n3A_856 : vector<16xi32>
    %add3A_858 = arith.constant 2 : i32
    %add3A_859 = vector.broadcast %add3A_858 : i32 to vector<16xi32>
    %add3A_860 = arith.addi %mul3A_741, %add3A_859 : vector<16xi32>
    %gather3A_861 = tpu.vector_load_idx %arg8[%add3A_860] : memref<16000xi32, #tpu.memory_space<vmem>>[vector<16xi32>], vector<16xi32>,
    %add3A_862 = arith.constant 10 : i32
    %add3A_863 = vector.broadcast %add3A_862 : i32 to vector<16xi32>
    %add3A_864 = arith.addi %mul3A_746, %add3A_863 : vector<16xi32>
    %gather3A_865 = tpu.vector_load_idx %arg8[%add3A_864] : memref<16000xi32, #tpu.memory_space<vmem>>[vector<16xi32>], vector<16xi32>,
    %and3A_866 = arith.andi %gather3A_861, %gather3A_865 : vector<16xi32>
    %shift_right_logical3A_867 = arith.constant 16 : i32
    %shift_right_logical3A_868 = vector.broadcast %shift_right_logical3A_867 : i32 to vector<16xi32>
    %shift_right_logical3A_869 = arith.shrui %and3A_866, %shift_right_logical3A_868 : vector<16xi32>
    %and3A_870 = arith.constant 65535 : i32
    %and3A_871 = vector.broadcast %and3A_870 : i32 to vector<16xi32>
    %and3A_872 = arith.andi %and3A_866, %and3A_871 : vector<16xi32>
    %convert_element_type3A_873 = arith.sitofp %shift_right_logical3A_869 : vector<16xi32> to vector<16xf32>
    %bitcast_convert_type3A_874 = tpu.bitcast %convert_element_type3A_873 : vector<16xf32> -> vector<16xi32>
    %shift_right_logical3A_875 = arith.constant 23 : i32
    %shift_right_logical3A_876 = vector.broadcast %shift_right_logical3A_875 : i32 to vector<16xi32>
    %shift_right_logical3A_877 = arith.shrui %bitcast_convert_type3A_874, %shift_right_logical3A_876 : vector<16xi32>
    %sub3A_878 = arith.constant 127 : i32
    %sub3A_879 = vector.broadcast %sub3A_878 : i32 to vector<16xi32>
    %sub3A_880 = arith.subi %shift_right_logical3A_877, %sub3A_879 : vector<16xi32>
    %add3A_881 = arith.constant 16 : i32
    %add3A_882 = vector.broadcast %add3A_881 : i32 to vector<16xi32>
    %add3A_883 = arith.addi %sub3A_880, %add3A_882 : vector<16xi32>
    %convert_element_type3A_884 = arith.sitofp %and3A_872 : vector<16xi32> to vector<16xf32>
    %bitcast_convert_type3A_885 = tpu.bitcast %convert_element_type3A_884 : vector<16xf32> -> vector<16xi32>
    %shift_right_logical3A_886 = arith.constant 23 : i32
    %shift_right_logical3A_887 = vector.broadcast %shift_right_logical3A_886 : i32 to vector<16xi32>
    %shift_right_logical3A_888 = arith.shrui %bitcast_convert_type3A_885, %shift_right_logical3A_887 : vector<16xi32>
    %sub3A_889 = arith.constant 127 : i32
    %sub3A_890 = vector.broadcast %sub3A_889 : i32 to vector<16xi32>
    %sub3A_891 = arith.subi %shift_right_logical3A_888, %sub3A_890 : vector<16xi32>
    %gt3A_892 = arith.constant 0 : i32
    %gt3A_893 = vector.broadcast %gt3A_892 : i32 to vector<16xi32>
    %gt3A_894 = arith.cmpi sgt, %shift_right_logical3A_869, %gt3A_893 : vector<16xi32>
    %select_n3A_895 = arith.select %gt3A_894, %add3A_883, %sub3A_891 : vector<16xi1>, vector<16xi32>
    %ne3A_896 = arith.constant 0 : i32
    %ne3A_897 = vector.broadcast %ne3A_896 : i32 to vector<16xi32>
    %ne3A_898 = arith.cmpi ne, %and3A_866, %ne3A_897 : vector<16xi32>
    %add3A_899 = arith.constant 64 : i32
    %add3A_900 = vector.broadcast %add3A_899 : i32 to vector<16xi32>
    %add3A_901 = arith.addi %select_n3A_895, %add3A_900 : vector<16xi32>
    %jit3A_902 = arith.constant -1 : i32
    %broadcast_in_dim3A_903 = vector.broadcast %jit3A_902 : i32 to vector<16xi32>
    %select_n3A_904 = arith.select %ne3A_898, %add3A_901, %broadcast_in_dim3A_903 : vector<16xi1>, vector<16xi32>
    %max3A_905 = arith.maxsi %max3A_857, %select_n3A_904 : vector<16xi32>
    %add3A_906 = arith.constant 3 : i32
    %add3A_907 = vector.broadcast %add3A_906 : i32 to vector<16xi32>
    %add3A_908 = arith.addi %mul3A_741, %add3A_907 : vector<16xi32>
    %gather3A_909 = tpu.vector_load_idx %arg8[%add3A_908] : memref<16000xi32, #tpu.memory_space<vmem>>[vector<16xi32>], vector<16xi32>,
    %add3A_910 = arith.constant 11 : i32
    %add3A_911 = vector.broadcast %add3A_910 : i32 to vector<16xi32>
    %add3A_912 = arith.addi %mul3A_746, %add3A_911 : vector<16xi32>
    %gather3A_913 = tpu.vector_load_idx %arg8[%add3A_912] : memref<16000xi32, #tpu.memory_space<vmem>>[vector<16xi32>], vector<16xi32>,
    %and3A_914 = arith.andi %gather3A_909, %gather3A_913 : vector<16xi32>
    %shift_right_logical3A_915 = arith.constant 16 : i32
    %shift_right_logical3A_916 = vector.broadcast %shift_right_logical3A_915 : i32 to vector<16xi32>
    %shift_right_logical3A_917 = arith.shrui %and3A_914, %shift_right_logical3A_916 : vector<16xi32>
    %and3A_918 = arith.constant 65535 : i32
    %and3A_919 = vector.broadcast %and3A_918 : i32 to vector<16xi32>
    %and3A_920 = arith.andi %and3A_914, %and3A_919 : vector<16xi32>
    %convert_element_type3A_921 = arith.sitofp %shift_right_logical3A_917 : vector<16xi32> to vector<16xf32>
    %bitcast_convert_type3A_922 = tpu.bitcast %convert_element_type3A_921 : vector<16xf32> -> vector<16xi32>
    %shift_right_logical3A_923 = arith.constant 23 : i32
    %shift_right_logical3A_924 = vector.broadcast %shift_right_logical3A_923 : i32 to vector<16xi32>
    %shift_right_logical3A_925 = arith.shrui %bitcast_convert_type3A_922, %shift_right_logical3A_924 : vector<16xi32>
    %sub3A_926 = arith.constant 127 : i32
    %sub3A_927 = vector.broadcast %sub3A_926 : i32 to vector<16xi32>
    %sub3A_928 = arith.subi %shift_right_logical3A_925, %sub3A_927 : vector<16xi32>
    %add3A_929 = arith.constant 16 : i32
    %add3A_930 = vector.broadcast %add3A_929 : i32 to vector<16xi32>
    %add3A_931 = arith.addi %sub3A_928, %add3A_930 : vector<16xi32>
    %convert_element_type3A_932 = arith.sitofp %and3A_920 : vector<16xi32> to vector<16xf32>
    %bitcast_convert_type3A_933 = tpu.bitcast %convert_element_type3A_932 : vector<16xf32> -> vector<16xi32>
    %shift_right_logical3A_934 = arith.constant 23 : i32
    %shift_right_logical3A_935 = vector.broadcast %shift_right_logical3A_934 : i32 to vector<16xi32>
    %shift_right_logical3A_936 = arith.shrui %bitcast_convert_type3A_933, %shift_right_logical3A_935 : vector<16xi32>
    %sub3A_937 = arith.constant 127 : i32
    %sub3A_938 = vector.broadcast %sub3A_937 : i32 to vector<16xi32>
    %sub3A_939 = arith.subi %shift_right_logical3A_936, %sub3A_938 : vector<16xi32>
    %gt3A_940 = arith.constant 0 : i32
    %gt3A_941 = vector.broadcast %gt3A_940 : i32 to vector<16xi32>
    %gt3A_942 = arith.cmpi sgt, %shift_right_logical3A_917, %gt3A_941 : vector<16xi32>
    %select_n3A_943 = arith.select %gt3A_942, %add3A_931, %sub3A_939 : vector<16xi1>, vector<16xi32>
    %ne3A_944 = arith.constant 0 : i32
    %ne3A_945 = vector.broadcast %ne3A_944 : i32 to vector<16xi32>
    %ne3A_946 = arith.cmpi ne, %and3A_914, %ne3A_945 : vector<16xi32>
    %add3A_947 = arith.constant 96 : i32
    %add3A_948 = vector.broadcast %add3A_947 : i32 to vector<16xi32>
    %add3A_949 = arith.addi %select_n3A_943, %add3A_948 : vector<16xi32>
    %jit3A_950 = arith.constant -1 : i32
    %broadcast_in_dim3A_951 = vector.broadcast %jit3A_950 : i32 to vector<16xi32>
    %select_n3A_952 = arith.select %ne3A_946, %add3A_949, %broadcast_in_dim3A_951 : vector<16xi1>, vector<16xi32>
    %max3A_953 = arith.maxsi %max3A_905, %select_n3A_952 : vector<16xi32>
    %add3A_954 = arith.constant 4 : i32
    %add3A_955 = vector.broadcast %add3A_954 : i32 to vector<16xi32>
    %add3A_956 = arith.addi %mul3A_741, %add3A_955 : vector<16xi32>
    %gather3A_957 = tpu.vector_load_idx %arg8[%add3A_956] : memref<16000xi32, #tpu.memory_space<vmem>>[vector<16xi32>], vector<16xi32>,
    %add3A_958 = arith.constant 12 : i32
    %add3A_959 = vector.broadcast %add3A_958 : i32 to vector<16xi32>
    %add3A_960 = arith.addi %mul3A_746, %add3A_959 : vector<16xi32>
    %gather3A_961 = tpu.vector_load_idx %arg8[%add3A_960] : memref<16000xi32, #tpu.memory_space<vmem>>[vector<16xi32>], vector<16xi32>,
    %and3A_962 = arith.andi %gather3A_957, %gather3A_961 : vector<16xi32>
    %shift_right_logical3A_963 = arith.constant 16 : i32
    %shift_right_logical3A_964 = vector.broadcast %shift_right_logical3A_963 : i32 to vector<16xi32>
    %shift_right_logical3A_965 = arith.shrui %and3A_962, %shift_right_logical3A_964 : vector<16xi32>
    %and3A_966 = arith.constant 65535 : i32
    %and3A_967 = vector.broadcast %and3A_966 : i32 to vector<16xi32>
    %and3A_968 = arith.andi %and3A_962, %and3A_967 : vector<16xi32>
    %convert_element_type3A_969 = arith.sitofp %shift_right_logical3A_965 : vector<16xi32> to vector<16xf32>
    %bitcast_convert_type3A_970 = tpu.bitcast %convert_element_type3A_969 : vector<16xf32> -> vector<16xi32>
    %shift_right_logical3A_971 = arith.constant 23 : i32
    %shift_right_logical3A_972 = vector.broadcast %shift_right_logical3A_971 : i32 to vector<16xi32>
    %shift_right_logical3A_973 = arith.shrui %bitcast_convert_type3A_970, %shift_right_logical3A_972 : vector<16xi32>
    %sub3A_974 = arith.constant 127 : i32
    %sub3A_975 = vector.broadcast %sub3A_974 : i32 to vector<16xi32>
    %sub3A_976 = arith.subi %shift_right_logical3A_973, %sub3A_975 : vector<16xi32>
    %add3A_977 = arith.constant 16 : i32
    %add3A_978 = vector.broadcast %add3A_977 : i32 to vector<16xi32>
    %add3A_979 = arith.addi %sub3A_976, %add3A_978 : vector<16xi32>
    %convert_element_type3A_980 = arith.sitofp %and3A_968 : vector<16xi32> to vector<16xf32>
    %bitcast_convert_type3A_981 = tpu.bitcast %convert_element_type3A_980 : vector<16xf32> -> vector<16xi32>
    %shift_right_logical3A_982 = arith.constant 23 : i32
    %shift_right_logical3A_983 = vector.broadcast %shift_right_logical3A_982 : i32 to vector<16xi32>
    %shift_right_logical3A_984 = arith.shrui %bitcast_convert_type3A_981, %shift_right_logical3A_983 : vector<16xi32>
    %sub3A_985 = arith.constant 127 : i32
    %sub3A_986 = vector.broadcast %sub3A_985 : i32 to vector<16xi32>
    %sub3A_987 = arith.subi %shift_right_logical3A_984, %sub3A_986 : vector<16xi32>
    %gt3A_988 = arith.constant 0 : i32
    %gt3A_989 = vector.broadcast %gt3A_988 : i32 to vector<16xi32>
    %gt3A_990 = arith.cmpi sgt, %shift_right_logical3A_965, %gt3A_989 : vector<16xi32>
    %select_n3A_991 = arith.select %gt3A_990, %add3A_979, %sub3A_987 : vector<16xi1>, vector<16xi32>
    %ne3A_992 = arith.constant 0 : i32
    %ne3A_993 = vector.broadcast %ne3A_992 : i32 to vector<16xi32>
    %ne3A_994 = arith.cmpi ne, %and3A_962, %ne3A_993 : vector<16xi32>
    %add3A_995 = arith.constant 128 : i32
    %add3A_996 = vector.broadcast %add3A_995 : i32 to vector<16xi32>
    %add3A_997 = arith.addi %select_n3A_991, %add3A_996 : vector<16xi32>
    %jit3A_998 = arith.constant -1 : i32
    %broadcast_in_dim3A_999 = vector.broadcast %jit3A_998 : i32 to vector<16xi32>
    %select_n3A_1000 = arith.select %ne3A_994, %add3A_997, %broadcast_in_dim3A_999 : vector<16xi1>, vector<16xi32>
    %max3A_1001 = arith.maxsi %max3A_953, %select_n3A_1000 : vector<16xi32>
    %add3A_1002 = arith.constant 5 : i32
    %add3A_1003 = vector.broadcast %add3A_1002 : i32 to vector<16xi32>
    %add3A_1004 = arith.addi %mul3A_741, %add3A_1003 : vector<16xi32>
    %gather3A_1005 = tpu.vector_load_idx %arg8[%add3A_1004] : memref<16000xi32, #tpu.memory_space<vmem>>[vector<16xi32>], vector<16xi32>,
    %add3A_1006 = arith.constant 13 : i32
    %add3A_1007 = vector.broadcast %add3A_1006 : i32 to vector<16xi32>
    %add3A_1008 = arith.addi %mul3A_746, %add3A_1007 : vector<16xi32>
    %gather3A_1009 = tpu.vector_load_idx %arg8[%add3A_1008] : memref<16000xi32, #tpu.memory_space<vmem>>[vector<16xi32>], vector<16xi32>,
    %and3A_1010 = arith.andi %gather3A_1005, %gather3A_1009 : vector<16xi32>
    %shift_right_logical3A_1011 = arith.constant 16 : i32
    %shift_right_logical3A_1012 = vector.broadcast %shift_right_logical3A_1011 : i32 to vector<16xi32>
    %shift_right_logical3A_1013 = arith.shrui %and3A_1010, %shift_right_logical3A_1012 : vector<16xi32>
    %and3A_1014 = arith.constant 65535 : i32
    %and3A_1015 = vector.broadcast %and3A_1014 : i32 to vector<16xi32>
    %and3A_1016 = arith.andi %and3A_1010, %and3A_1015 : vector<16xi32>
    %convert_element_type3A_1017 = arith.sitofp %shift_right_logical3A_1013 : vector<16xi32> to vector<16xf32>
    %bitcast_convert_type3A_1018 = tpu.bitcast %convert_element_type3A_1017 : vector<16xf32> -> vector<16xi32>
    %shift_right_logical3A_1019 = arith.constant 23 : i32
    %shift_right_logical3A_1020 = vector.broadcast %shift_right_logical3A_1019 : i32 to vector<16xi32>
    %shift_right_logical3A_1021 = arith.shrui %bitcast_convert_type3A_1018, %shift_right_logical3A_1020 : vector<16xi32>
    %sub3A_1022 = arith.constant 127 : i32
    %sub3A_1023 = vector.broadcast %sub3A_1022 : i32 to vector<16xi32>
    %sub3A_1024 = arith.subi %shift_right_logical3A_1021, %sub3A_1023 : vector<16xi32>
    %add3A_1025 = arith.constant 16 : i32
    %add3A_1026 = vector.broadcast %add3A_1025 : i32 to vector<16xi32>
    %add3A_1027 = arith.addi %sub3A_1024, %add3A_1026 : vector<16xi32>
    %convert_element_type3A_1028 = arith.sitofp %and3A_1016 : vector<16xi32> to vector<16xf32>
    %bitcast_convert_type3A_1029 = tpu.bitcast %convert_element_type3A_1028 : vector<16xf32> -> vector<16xi32>
    %shift_right_logical3A_1030 = arith.constant 23 : i32
    %shift_right_logical3A_1031 = vector.broadcast %shift_right_logical3A_1030 : i32 to vector<16xi32>
    %shift_right_logical3A_1032 = arith.shrui %bitcast_convert_type3A_1029, %shift_right_logical3A_1031 : vector<16xi32>
    %sub3A_1033 = arith.constant 127 : i32
    %sub3A_1034 = vector.broadcast %sub3A_1033 : i32 to vector<16xi32>
    %sub3A_1035 = arith.subi %shift_right_logical3A_1032, %sub3A_1034 : vector<16xi32>
    %gt3A_1036 = arith.constant 0 : i32
    %gt3A_1037 = vector.broadcast %gt3A_1036 : i32 to vector<16xi32>
    %gt3A_1038 = arith.cmpi sgt, %shift_right_logical3A_1013, %gt3A_1037 : vector<16xi32>
    %select_n3A_1039 = arith.select %gt3A_1038, %add3A_1027, %sub3A_1035 : vector<16xi1>, vector<16xi32>
    %ne3A_1040 = arith.constant 0 : i32
    %ne3A_1041 = vector.broadcast %ne3A_1040 : i32 to vector<16xi32>
    %ne3A_1042 = arith.cmpi ne, %and3A_1010, %ne3A_1041 : vector<16xi32>
    %add3A_1043 = arith.constant 160 : i32
    %add3A_1044 = vector.broadcast %add3A_1043 : i32 to vector<16xi32>
    %add3A_1045 = arith.addi %select_n3A_1039, %add3A_1044 : vector<16xi32>
    %jit3A_1046 = arith.constant -1 : i32
    %broadcast_in_dim3A_1047 = vector.broadcast %jit3A_1046 : i32 to vector<16xi32>
    %select_n3A_1048 = arith.select %ne3A_1042, %add3A_1045, %broadcast_in_dim3A_1047 : vector<16xi1>, vector<16xi32>
    %max3A_1049 = arith.maxsi %max3A_1001, %select_n3A_1048 : vector<16xi32>
    %add3A_1050 = arith.constant 6 : i32
    %add3A_1051 = vector.broadcast %add3A_1050 : i32 to vector<16xi32>
    %add3A_1052 = arith.addi %mul3A_741, %add3A_1051 : vector<16xi32>
    %gather3A_1053 = tpu.vector_load_idx %arg8[%add3A_1052] : memref<16000xi32, #tpu.memory_space<vmem>>[vector<16xi32>], vector<16xi32>,
    %add3A_1054 = arith.constant 14 : i32
    %add3A_1055 = vector.broadcast %add3A_1054 : i32 to vector<16xi32>
    %add3A_1056 = arith.addi %mul3A_746, %add3A_1055 : vector<16xi32>
    %gather3A_1057 = tpu.vector_load_idx %arg8[%add3A_1056] : memref<16000xi32, #tpu.memory_space<vmem>>[vector<16xi32>], vector<16xi32>,
    %and3A_1058 = arith.andi %gather3A_1053, %gather3A_1057 : vector<16xi32>
    %shift_right_logical3A_1059 = arith.constant 16 : i32
    %shift_right_logical3A_1060 = vector.broadcast %shift_right_logical3A_1059 : i32 to vector<16xi32>
    %shift_right_logical3A_1061 = arith.shrui %and3A_1058, %shift_right_logical3A_1060 : vector<16xi32>
    %and3A_1062 = arith.constant 65535 : i32
    %and3A_1063 = vector.broadcast %and3A_1062 : i32 to vector<16xi32>
    %and3A_1064 = arith.andi %and3A_1058, %and3A_1063 : vector<16xi32>
    %convert_element_type3A_1065 = arith.sitofp %shift_right_logical3A_1061 : vector<16xi32> to vector<16xf32>
    %bitcast_convert_type3A_1066 = tpu.bitcast %convert_element_type3A_1065 : vector<16xf32> -> vector<16xi32>
    %shift_right_logical3A_1067 = arith.constant 23 : i32
    %shift_right_logical3A_1068 = vector.broadcast %shift_right_logical3A_1067 : i32 to vector<16xi32>
    %shift_right_logical3A_1069 = arith.shrui %bitcast_convert_type3A_1066, %shift_right_logical3A_1068 : vector<16xi32>
    %sub3A_1070 = arith.constant 127 : i32
    %sub3A_1071 = vector.broadcast %sub3A_1070 : i32 to vector<16xi32>
    %sub3A_1072 = arith.subi %shift_right_logical3A_1069, %sub3A_1071 : vector<16xi32>
    %add3A_1073 = arith.constant 16 : i32
    %add3A_1074 = vector.broadcast %add3A_1073 : i32 to vector<16xi32>
    %add3A_1075 = arith.addi %sub3A_1072, %add3A_1074 : vector<16xi32>
    %convert_element_type3A_1076 = arith.sitofp %and3A_1064 : vector<16xi32> to vector<16xf32>
    %bitcast_convert_type3A_1077 = tpu.bitcast %convert_element_type3A_1076 : vector<16xf32> -> vector<16xi32>
    %shift_right_logical3A_1078 = arith.constant 23 : i32
    %shift_right_logical3A_1079 = vector.broadcast %shift_right_logical3A_1078 : i32 to vector<16xi32>
    %shift_right_logical3A_1080 = arith.shrui %bitcast_convert_type3A_1077, %shift_right_logical3A_1079 : vector<16xi32>
    %sub3A_1081 = arith.constant 127 : i32
    %sub3A_1082 = vector.broadcast %sub3A_1081 : i32 to vector<16xi32>
    %sub3A_1083 = arith.subi %shift_right_logical3A_1080, %sub3A_1082 : vector<16xi32>
    %gt3A_1084 = arith.constant 0 : i32
    %gt3A_1085 = vector.broadcast %gt3A_1084 : i32 to vector<16xi32>
    %gt3A_1086 = arith.cmpi sgt, %shift_right_logical3A_1061, %gt3A_1085 : vector<16xi32>
    %select_n3A_1087 = arith.select %gt3A_1086, %add3A_1075, %sub3A_1083 : vector<16xi1>, vector<16xi32>
    %ne3A_1088 = arith.constant 0 : i32
    %ne3A_1089 = vector.broadcast %ne3A_1088 : i32 to vector<16xi32>
    %ne3A_1090 = arith.cmpi ne, %and3A_1058, %ne3A_1089 : vector<16xi32>
    %add3A_1091 = arith.constant 192 : i32
    %add3A_1092 = vector.broadcast %add3A_1091 : i32 to vector<16xi32>
    %add3A_1093 = arith.addi %select_n3A_1087, %add3A_1092 : vector<16xi32>
    %jit3A_1094 = arith.constant -1 : i32
    %broadcast_in_dim3A_1095 = vector.broadcast %jit3A_1094 : i32 to vector<16xi32>
    %select_n3A_1096 = arith.select %ne3A_1090, %add3A_1093, %broadcast_in_dim3A_1095 : vector<16xi1>, vector<16xi32>
    %max3A_1097 = arith.maxsi %max3A_1049, %select_n3A_1096 : vector<16xi32>
    %eq3A_1098 = arith.cmpi eq, %mul3A_741, %mul3A_746 : vector<16xi32>
    %jit3A_1099 = arith.constant -1 : i32
    %broadcast_in_dim3A_1100 = vector.broadcast %jit3A_1099 : i32 to vector<16xi32>
    %select_n3A_1101 = arith.select %eq3A_1098, %broadcast_in_dim3A_1100, %max3A_1097 : vector<16xi1>, vector<16xi32>
    %swap3A_1102 = arith.constant 32 : index
    %swap3A_1103 = tpu.vector_load %arg10[%swap3A_1102] {strides = array<i32>} : memref<128xi32, #tpu.memory_space<vmem>>, vector<16xi32>,
    tpu.vector_store %arg10[%swap3A_1102], %select_n3A_1101 {strides = array<i32>} : memref<128xi32, #tpu.memory_space<vmem>>, vector<16xi32>,
    %get3A_1104 = arith.constant 48 : index
    %get3A_1105 = tpu.vector_load %arg6[%get3A_1104] {strides = array<i32>} : memref<128xi32, #tpu.memory_space<vmem>>, vector<16xi32>,
    %mul3A_1106 = arith.constant 16 : i32
    %mul3A_1107 = vector.broadcast %mul3A_1106 : i32 to vector<16xi32>
    %mul3A_1108 = arith.muli %get3A_1105, %mul3A_1107 : vector<16xi32>
    %get3A_1109 = arith.constant 48 : index
    %get3A_1110 = tpu.vector_load %arg7[%get3A_1109] {strides = array<i32>} : memref<128xi32, #tpu.memory_space<vmem>>, vector<16xi32>,
    %mul3A_1111 = arith.constant 16 : i32
    %mul3A_1112 = vector.broadcast %mul3A_1111 : i32 to vector<16xi32>
    %mul3A_1113 = arith.muli %get3A_1110, %mul3A_1112 : vector<16xi32>
    %add3A_1114 = arith.constant 7 : i32
    %add3A_1115 = vector.broadcast %add3A_1114 : i32 to vector<16xi32>
    %add3A_1116 = arith.addi %mul3A_1108, %add3A_1115 : vector<16xi32>
    %gather3A_1117 = tpu.vector_load_idx %arg8[%add3A_1116] : memref<16000xi32, #tpu.memory_space<vmem>>[vector<16xi32>], vector<16xi32>,
    %bitcast_convert_type3A_1118 = tpu.bitcast %gather3A_1117 : vector<16xi32> -> vector<16xf32>
    %add3A_1119 = arith.constant 7 : i32
    %add3A_1120 = vector.broadcast %add3A_1119 : i32 to vector<16xi32>
    %add3A_1121 = arith.addi %mul3A_1113, %add3A_1120 : vector<16xi32>
    %gather3A_1122 = tpu.vector_load_idx %arg8[%add3A_1121] : memref<16000xi32, #tpu.memory_space<vmem>>[vector<16xi32>], vector<16xi32>,
    %bitcast_convert_type3A_1123 = tpu.bitcast %gather3A_1122 : vector<16xi32> -> vector<16xf32>
    %mul3A_1124 = arith.mulf %bitcast_convert_type3A_1118, %bitcast_convert_type3A_1123 : vector<16xf32>
    %swap3A_1125 = arith.constant 48 : index
    %swap3A_1126 = tpu.vector_load %arg11[%swap3A_1125] {strides = array<i32>} : memref<128xf32, #tpu.memory_space<vmem>>, vector<16xf32>,
    tpu.vector_store %arg11[%swap3A_1125], %mul3A_1124 {strides = array<i32>} : memref<128xf32, #tpu.memory_space<vmem>>, vector<16xf32>,
    %broadcast_in_dim3A_1127 = arith.constant -1 : i32
    %broadcast_in_dim3A_1128 = vector.broadcast %broadcast_in_dim3A_1127 : i32 to vector<16xi32>
    %add3A_1129 = arith.constant 0 : i32
    %add3A_1130 = vector.broadcast %add3A_1129 : i32 to vector<16xi32>
    %add3A_1131 = arith.addi %mul3A_1108, %add3A_1130 : vector<16xi32>
    %gather3A_1132 = tpu.vector_load_idx %arg8[%add3A_1131] : memref<16000xi32, #tpu.memory_space<vmem>>[vector<16xi32>], vector<16xi32>,
    %add3A_1133 = arith.constant 8 : i32
    %add3A_1134 = vector.broadcast %add3A_1133 : i32 to vector<16xi32>
    %add3A_1135 = arith.addi %mul3A_1113, %add3A_1134 : vector<16xi32>
    %gather3A_1136 = tpu.vector_load_idx %arg8[%add3A_1135] : memref<16000xi32, #tpu.memory_space<vmem>>[vector<16xi32>], vector<16xi32>,
    %and3A_1137 = arith.andi %gather3A_1132, %gather3A_1136 : vector<16xi32>
    %shift_right_logical3A_1138 = arith.constant 16 : i32
    %shift_right_logical3A_1139 = vector.broadcast %shift_right_logical3A_1138 : i32 to vector<16xi32>
    %shift_right_logical3A_1140 = arith.shrui %and3A_1137, %shift_right_logical3A_1139 : vector<16xi32>
    %and3A_1141 = arith.constant 65535 : i32
    %and3A_1142 = vector.broadcast %and3A_1141 : i32 to vector<16xi32>
    %and3A_1143 = arith.andi %and3A_1137, %and3A_1142 : vector<16xi32>
    %convert_element_type3A_1144 = arith.sitofp %shift_right_logical3A_1140 : vector<16xi32> to vector<16xf32>
    %bitcast_convert_type3A_1145 = tpu.bitcast %convert_element_type3A_1144 : vector<16xf32> -> vector<16xi32>
    %shift_right_logical3A_1146 = arith.constant 23 : i32
    %shift_right_logical3A_1147 = vector.broadcast %shift_right_logical3A_1146 : i32 to vector<16xi32>
    %shift_right_logical3A_1148 = arith.shrui %bitcast_convert_type3A_1145, %shift_right_logical3A_1147 : vector<16xi32>
    %sub3A_1149 = arith.constant 127 : i32
    %sub3A_1150 = vector.broadcast %sub3A_1149 : i32 to vector<16xi32>
    %sub3A_1151 = arith.subi %shift_right_logical3A_1148, %sub3A_1150 : vector<16xi32>
    %add3A_1152 = arith.constant 16 : i32
    %add3A_1153 = vector.broadcast %add3A_1152 : i32 to vector<16xi32>
    %add3A_1154 = arith.addi %sub3A_1151, %add3A_1153 : vector<16xi32>
    %convert_element_type3A_1155 = arith.sitofp %and3A_1143 : vector<16xi32> to vector<16xf32>
    %bitcast_convert_type3A_1156 = tpu.bitcast %convert_element_type3A_1155 : vector<16xf32> -> vector<16xi32>
    %shift_right_logical3A_1157 = arith.constant 23 : i32
    %shift_right_logical3A_1158 = vector.broadcast %shift_right_logical3A_1157 : i32 to vector<16xi32>
    %shift_right_logical3A_1159 = arith.shrui %bitcast_convert_type3A_1156, %shift_right_logical3A_1158 : vector<16xi32>
    %sub3A_1160 = arith.constant 127 : i32
    %sub3A_1161 = vector.broadcast %sub3A_1160 : i32 to vector<16xi32>
    %sub3A_1162 = arith.subi %shift_right_logical3A_1159, %sub3A_1161 : vector<16xi32>
    %gt3A_1163 = arith.constant 0 : i32
    %gt3A_1164 = vector.broadcast %gt3A_1163 : i32 to vector<16xi32>
    %gt3A_1165 = arith.cmpi sgt, %shift_right_logical3A_1140, %gt3A_1164 : vector<16xi32>
    %select_n3A_1166 = arith.select %gt3A_1165, %add3A_1154, %sub3A_1162 : vector<16xi1>, vector<16xi32>
    %ne3A_1167 = arith.constant 0 : i32
    %ne3A_1168 = vector.broadcast %ne3A_1167 : i32 to vector<16xi32>
    %ne3A_1169 = arith.cmpi ne, %and3A_1137, %ne3A_1168 : vector<16xi32>
    %add3A_1170 = arith.constant 0 : i32
    %add3A_1171 = vector.broadcast %add3A_1170 : i32 to vector<16xi32>
    %add3A_1172 = arith.addi %select_n3A_1166, %add3A_1171 : vector<16xi32>
    %jit3A_1173 = arith.constant -1 : i32
    %broadcast_in_dim3A_1174 = vector.broadcast %jit3A_1173 : i32 to vector<16xi32>
    %select_n3A_1175 = arith.select %ne3A_1169, %add3A_1172, %broadcast_in_dim3A_1174 : vector<16xi1>, vector<16xi32>
    %max3A_1176 = arith.maxsi %broadcast_in_dim3A_1128, %select_n3A_1175 : vector<16xi32>
    %add3A_1177 = arith.constant 1 : i32
    %add3A_1178 = vector.broadcast %add3A_1177 : i32 to vector<16xi32>
    %add3A_1179 = arith.addi %mul3A_1108, %add3A_1178 : vector<16xi32>
    %gather3A_1180 = tpu.vector_load_idx %arg8[%add3A_1179] : memref<16000xi32, #tpu.memory_space<vmem>>[vector<16xi32>], vector<16xi32>,
    %add3A_1181 = arith.constant 9 : i32
    %add3A_1182 = vector.broadcast %add3A_1181 : i32 to vector<16xi32>
    %add3A_1183 = arith.addi %mul3A_1113, %add3A_1182 : vector<16xi32>
    %gather3A_1184 = tpu.vector_load_idx %arg8[%add3A_1183] : memref<16000xi32, #tpu.memory_space<vmem>>[vector<16xi32>], vector<16xi32>,
    %and3A_1185 = arith.andi %gather3A_1180, %gather3A_1184 : vector<16xi32>
    %shift_right_logical3A_1186 = arith.constant 16 : i32
    %shift_right_logical3A_1187 = vector.broadcast %shift_right_logical3A_1186 : i32 to vector<16xi32>
    %shift_right_logical3A_1188 = arith.shrui %and3A_1185, %shift_right_logical3A_1187 : vector<16xi32>
    %and3A_1189 = arith.constant 65535 : i32
    %and3A_1190 = vector.broadcast %and3A_1189 : i32 to vector<16xi32>
    %and3A_1191 = arith.andi %and3A_1185, %and3A_1190 : vector<16xi32>
    %convert_element_type3A_1192 = arith.sitofp %shift_right_logical3A_1188 : vector<16xi32> to vector<16xf32>
    %bitcast_convert_type3A_1193 = tpu.bitcast %convert_element_type3A_1192 : vector<16xf32> -> vector<16xi32>
    %shift_right_logical3A_1194 = arith.constant 23 : i32
    %shift_right_logical3A_1195 = vector.broadcast %shift_right_logical3A_1194 : i32 to vector<16xi32>
    %shift_right_logical3A_1196 = arith.shrui %bitcast_convert_type3A_1193, %shift_right_logical3A_1195 : vector<16xi32>
    %sub3A_1197 = arith.constant 127 : i32
    %sub3A_1198 = vector.broadcast %sub3A_1197 : i32 to vector<16xi32>
    %sub3A_1199 = arith.subi %shift_right_logical3A_1196, %sub3A_1198 : vector<16xi32>
    %add3A_1200 = arith.constant 16 : i32
    %add3A_1201 = vector.broadcast %add3A_1200 : i32 to vector<16xi32>
    %add3A_1202 = arith.addi %sub3A_1199, %add3A_1201 : vector<16xi32>
    %convert_element_type3A_1203 = arith.sitofp %and3A_1191 : vector<16xi32> to vector<16xf32>
    %bitcast_convert_type3A_1204 = tpu.bitcast %convert_element_type3A_1203 : vector<16xf32> -> vector<16xi32>
    %shift_right_logical3A_1205 = arith.constant 23 : i32
    %shift_right_logical3A_1206 = vector.broadcast %shift_right_logical3A_1205 : i32 to vector<16xi32>
    %shift_right_logical3A_1207 = arith.shrui %bitcast_convert_type3A_1204, %shift_right_logical3A_1206 : vector<16xi32>
    %sub3A_1208 = arith.constant 127 : i32
    %sub3A_1209 = vector.broadcast %sub3A_1208 : i32 to vector<16xi32>
    %sub3A_1210 = arith.subi %shift_right_logical3A_1207, %sub3A_1209 : vector<16xi32>
    %gt3A_1211 = arith.constant 0 : i32
    %gt3A_1212 = vector.broadcast %gt3A_1211 : i32 to vector<16xi32>
    %gt3A_1213 = arith.cmpi sgt, %shift_right_logical3A_1188, %gt3A_1212 : vector<16xi32>
    %select_n3A_1214 = arith.select %gt3A_1213, %add3A_1202, %sub3A_1210 : vector<16xi1>, vector<16xi32>
    %ne3A_1215 = arith.constant 0 : i32
    %ne3A_1216 = vector.broadcast %ne3A_1215 : i32 to vector<16xi32>
    %ne3A_1217 = arith.cmpi ne, %and3A_1185, %ne3A_1216 : vector<16xi32>
    %add3A_1218 = arith.constant 32 : i32
    %add3A_1219 = vector.broadcast %add3A_1218 : i32 to vector<16xi32>
    %add3A_1220 = arith.addi %select_n3A_1214, %add3A_1219 : vector<16xi32>
    %jit3A_1221 = arith.constant -1 : i32
    %broadcast_in_dim3A_1222 = vector.broadcast %jit3A_1221 : i32 to vector<16xi32>
    %select_n3A_1223 = arith.select %ne3A_1217, %add3A_1220, %broadcast_in_dim3A_1222 : vector<16xi1>, vector<16xi32>
    %max3A_1224 = arith.maxsi %max3A_1176, %select_n3A_1223 : vector<16xi32>
    %add3A_1225 = arith.constant 2 : i32
    %add3A_1226 = vector.broadcast %add3A_1225 : i32 to vector<16xi32>
    %add3A_1227 = arith.addi %mul3A_1108, %add3A_1226 : vector<16xi32>
    %gather3A_1228 = tpu.vector_load_idx %arg8[%add3A_1227] : memref<16000xi32, #tpu.memory_space<vmem>>[vector<16xi32>], vector<16xi32>,
    %add3A_1229 = arith.constant 10 : i32
    %add3A_1230 = vector.broadcast %add3A_1229 : i32 to vector<16xi32>
    %add3A_1231 = arith.addi %mul3A_1113, %add3A_1230 : vector<16xi32>
    %gather3A_1232 = tpu.vector_load_idx %arg8[%add3A_1231] : memref<16000xi32, #tpu.memory_space<vmem>>[vector<16xi32>], vector<16xi32>,
    %and3A_1233 = arith.andi %gather3A_1228, %gather3A_1232 : vector<16xi32>
    %shift_right_logical3A_1234 = arith.constant 16 : i32
    %shift_right_logical3A_1235 = vector.broadcast %shift_right_logical3A_1234 : i32 to vector<16xi32>
    %shift_right_logical3A_1236 = arith.shrui %and3A_1233, %shift_right_logical3A_1235 : vector<16xi32>
    %and3A_1237 = arith.constant 65535 : i32
    %and3A_1238 = vector.broadcast %and3A_1237 : i32 to vector<16xi32>
    %and3A_1239 = arith.andi %and3A_1233, %and3A_1238 : vector<16xi32>
    %convert_element_type3A_1240 = arith.sitofp %shift_right_logical3A_1236 : vector<16xi32> to vector<16xf32>
    %bitcast_convert_type3A_1241 = tpu.bitcast %convert_element_type3A_1240 : vector<16xf32> -> vector<16xi32>
    %shift_right_logical3A_1242 = arith.constant 23 : i32
    %shift_right_logical3A_1243 = vector.broadcast %shift_right_logical3A_1242 : i32 to vector<16xi32>
    %shift_right_logical3A_1244 = arith.shrui %bitcast_convert_type3A_1241, %shift_right_logical3A_1243 : vector<16xi32>
    %sub3A_1245 = arith.constant 127 : i32
    %sub3A_1246 = vector.broadcast %sub3A_1245 : i32 to vector<16xi32>
    %sub3A_1247 = arith.subi %shift_right_logical3A_1244, %sub3A_1246 : vector<16xi32>
    %add3A_1248 = arith.constant 16 : i32
    %add3A_1249 = vector.broadcast %add3A_1248 : i32 to vector<16xi32>
    %add3A_1250 = arith.addi %sub3A_1247, %add3A_1249 : vector<16xi32>
    %convert_element_type3A_1251 = arith.sitofp %and3A_1239 : vector<16xi32> to vector<16xf32>
    %bitcast_convert_type3A_1252 = tpu.bitcast %convert_element_type3A_1251 : vector<16xf32> -> vector<16xi32>
    %shift_right_logical3A_1253 = arith.constant 23 : i32
    %shift_right_logical3A_1254 = vector.broadcast %shift_right_logical3A_1253 : i32 to vector<16xi32>
    %shift_right_logical3A_1255 = arith.shrui %bitcast_convert_type3A_1252, %shift_right_logical3A_1254 : vector<16xi32>
    %sub3A_1256 = arith.constant 127 : i32
    %sub3A_1257 = vector.broadcast %sub3A_1256 : i32 to vector<16xi32>
    %sub3A_1258 = arith.subi %shift_right_logical3A_1255, %sub3A_1257 : vector<16xi32>
    %gt3A_1259 = arith.constant 0 : i32
    %gt3A_1260 = vector.broadcast %gt3A_1259 : i32 to vector<16xi32>
    %gt3A_1261 = arith.cmpi sgt, %shift_right_logical3A_1236, %gt3A_1260 : vector<16xi32>
    %select_n3A_1262 = arith.select %gt3A_1261, %add3A_1250, %sub3A_1258 : vector<16xi1>, vector<16xi32>
    %ne3A_1263 = arith.constant 0 : i32
    %ne3A_1264 = vector.broadcast %ne3A_1263 : i32 to vector<16xi32>
    %ne3A_1265 = arith.cmpi ne, %and3A_1233, %ne3A_1264 : vector<16xi32>
    %add3A_1266 = arith.constant 64 : i32
    %add3A_1267 = vector.broadcast %add3A_1266 : i32 to vector<16xi32>
    %add3A_1268 = arith.addi %select_n3A_1262, %add3A_1267 : vector<16xi32>
    %jit3A_1269 = arith.constant -1 : i32
    %broadcast_in_dim3A_1270 = vector.broadcast %jit3A_1269 : i32 to vector<16xi32>
    %select_n3A_1271 = arith.select %ne3A_1265, %add3A_1268, %broadcast_in_dim3A_1270 : vector<16xi1>, vector<16xi32>
    %max3A_1272 = arith.maxsi %max3A_1224, %select_n3A_1271 : vector<16xi32>
    %add3A_1273 = arith.constant 3 : i32
    %add3A_1274 = vector.broadcast %add3A_1273 : i32 to vector<16xi32>
    %add3A_1275 = arith.addi %mul3A_1108, %add3A_1274 : vector<16xi32>
    %gather3A_1276 = tpu.vector_load_idx %arg8[%add3A_1275] : memref<16000xi32, #tpu.memory_space<vmem>>[vector<16xi32>], vector<16xi32>,
    %add3A_1277 = arith.constant 11 : i32
    %add3A_1278 = vector.broadcast %add3A_1277 : i32 to vector<16xi32>
    %add3A_1279 = arith.addi %mul3A_1113, %add3A_1278 : vector<16xi32>
    %gather3A_1280 = tpu.vector_load_idx %arg8[%add3A_1279] : memref<16000xi32, #tpu.memory_space<vmem>>[vector<16xi32>], vector<16xi32>,
    %and3A_1281 = arith.andi %gather3A_1276, %gather3A_1280 : vector<16xi32>
    %shift_right_logical3A_1282 = arith.constant 16 : i32
    %shift_right_logical3A_1283 = vector.broadcast %shift_right_logical3A_1282 : i32 to vector<16xi32>
    %shift_right_logical3A_1284 = arith.shrui %and3A_1281, %shift_right_logical3A_1283 : vector<16xi32>
    %and3A_1285 = arith.constant 65535 : i32
    %and3A_1286 = vector.broadcast %and3A_1285 : i32 to vector<16xi32>
    %and3A_1287 = arith.andi %and3A_1281, %and3A_1286 : vector<16xi32>
    %convert_element_type3A_1288 = arith.sitofp %shift_right_logical3A_1284 : vector<16xi32> to vector<16xf32>
    %bitcast_convert_type3A_1289 = tpu.bitcast %convert_element_type3A_1288 : vector<16xf32> -> vector<16xi32>
    %shift_right_logical3A_1290 = arith.constant 23 : i32
    %shift_right_logical3A_1291 = vector.broadcast %shift_right_logical3A_1290 : i32 to vector<16xi32>
    %shift_right_logical3A_1292 = arith.shrui %bitcast_convert_type3A_1289, %shift_right_logical3A_1291 : vector<16xi32>
    %sub3A_1293 = arith.constant 127 : i32
    %sub3A_1294 = vector.broadcast %sub3A_1293 : i32 to vector<16xi32>
    %sub3A_1295 = arith.subi %shift_right_logical3A_1292, %sub3A_1294 : vector<16xi32>
    %add3A_1296 = arith.constant 16 : i32
    %add3A_1297 = vector.broadcast %add3A_1296 : i32 to vector<16xi32>
    %add3A_1298 = arith.addi %sub3A_1295, %add3A_1297 : vector<16xi32>
    %convert_element_type3A_1299 = arith.sitofp %and3A_1287 : vector<16xi32> to vector<16xf32>
    %bitcast_convert_type3A_1300 = tpu.bitcast %convert_element_type3A_1299 : vector<16xf32> -> vector<16xi32>
    %shift_right_logical3A_1301 = arith.constant 23 : i32
    %shift_right_logical3A_1302 = vector.broadcast %shift_right_logical3A_1301 : i32 to vector<16xi32>
    %shift_right_logical3A_1303 = arith.shrui %bitcast_convert_type3A_1300, %shift_right_logical3A_1302 : vector<16xi32>
    %sub3A_1304 = arith.constant 127 : i32
    %sub3A_1305 = vector.broadcast %sub3A_1304 : i32 to vector<16xi32>
    %sub3A_1306 = arith.subi %shift_right_logical3A_1303, %sub3A_1305 : vector<16xi32>
    %gt3A_1307 = arith.constant 0 : i32
    %gt3A_1308 = vector.broadcast %gt3A_1307 : i32 to vector<16xi32>
    %gt3A_1309 = arith.cmpi sgt, %shift_right_logical3A_1284, %gt3A_1308 : vector<16xi32>
    %select_n3A_1310 = arith.select %gt3A_1309, %add3A_1298, %sub3A_1306 : vector<16xi1>, vector<16xi32>
    %ne3A_1311 = arith.constant 0 : i32
    %ne3A_1312 = vector.broadcast %ne3A_1311 : i32 to vector<16xi32>
    %ne3A_1313 = arith.cmpi ne, %and3A_1281, %ne3A_1312 : vector<16xi32>
    %add3A_1314 = arith.constant 96 : i32
    %add3A_1315 = vector.broadcast %add3A_1314 : i32 to vector<16xi32>
    %add3A_1316 = arith.addi %select_n3A_1310, %add3A_1315 : vector<16xi32>
    %jit3A_1317 = arith.constant -1 : i32
    %broadcast_in_dim3A_1318 = vector.broadcast %jit3A_1317 : i32 to vector<16xi32>
    %select_n3A_1319 = arith.select %ne3A_1313, %add3A_1316, %broadcast_in_dim3A_1318 : vector<16xi1>, vector<16xi32>
    %max3A_1320 = arith.maxsi %max3A_1272, %select_n3A_1319 : vector<16xi32>
    %add3A_1321 = arith.constant 4 : i32
    %add3A_1322 = vector.broadcast %add3A_1321 : i32 to vector<16xi32>
    %add3A_1323 = arith.addi %mul3A_1108, %add3A_1322 : vector<16xi32>
    %gather3A_1324 = tpu.vector_load_idx %arg8[%add3A_1323] : memref<16000xi32, #tpu.memory_space<vmem>>[vector<16xi32>], vector<16xi32>,
    %add3A_1325 = arith.constant 12 : i32
    %add3A_1326 = vector.broadcast %add3A_1325 : i32 to vector<16xi32>
    %add3A_1327 = arith.addi %mul3A_1113, %add3A_1326 : vector<16xi32>
    %gather3A_1328 = tpu.vector_load_idx %arg8[%add3A_1327] : memref<16000xi32, #tpu.memory_space<vmem>>[vector<16xi32>], vector<16xi32>,
    %and3A_1329 = arith.andi %gather3A_1324, %gather3A_1328 : vector<16xi32>
    %shift_right_logical3A_1330 = arith.constant 16 : i32
    %shift_right_logical3A_1331 = vector.broadcast %shift_right_logical3A_1330 : i32 to vector<16xi32>
    %shift_right_logical3A_1332 = arith.shrui %and3A_1329, %shift_right_logical3A_1331 : vector<16xi32>
    %and3A_1333 = arith.constant 65535 : i32
    %and3A_1334 = vector.broadcast %and3A_1333 : i32 to vector<16xi32>
    %and3A_1335 = arith.andi %and3A_1329, %and3A_1334 : vector<16xi32>
    %convert_element_type3A_1336 = arith.sitofp %shift_right_logical3A_1332 : vector<16xi32> to vector<16xf32>
    %bitcast_convert_type3A_1337 = tpu.bitcast %convert_element_type3A_1336 : vector<16xf32> -> vector<16xi32>
    %shift_right_logical3A_1338 = arith.constant 23 : i32
    %shift_right_logical3A_1339 = vector.broadcast %shift_right_logical3A_1338 : i32 to vector<16xi32>
    %shift_right_logical3A_1340 = arith.shrui %bitcast_convert_type3A_1337, %shift_right_logical3A_1339 : vector<16xi32>
    %sub3A_1341 = arith.constant 127 : i32
    %sub3A_1342 = vector.broadcast %sub3A_1341 : i32 to vector<16xi32>
    %sub3A_1343 = arith.subi %shift_right_logical3A_1340, %sub3A_1342 : vector<16xi32>
    %add3A_1344 = arith.constant 16 : i32
    %add3A_1345 = vector.broadcast %add3A_1344 : i32 to vector<16xi32>
    %add3A_1346 = arith.addi %sub3A_1343, %add3A_1345 : vector<16xi32>
    %convert_element_type3A_1347 = arith.sitofp %and3A_1335 : vector<16xi32> to vector<16xf32>
    %bitcast_convert_type3A_1348 = tpu.bitcast %convert_element_type3A_1347 : vector<16xf32> -> vector<16xi32>
    %shift_right_logical3A_1349 = arith.constant 23 : i32
    %shift_right_logical3A_1350 = vector.broadcast %shift_right_logical3A_1349 : i32 to vector<16xi32>
    %shift_right_logical3A_1351 = arith.shrui %bitcast_convert_type3A_1348, %shift_right_logical3A_1350 : vector<16xi32>
    %sub3A_1352 = arith.constant 127 : i32
    %sub3A_1353 = vector.broadcast %sub3A_1352 : i32 to vector<16xi32>
    %sub3A_1354 = arith.subi %shift_right_logical3A_1351, %sub3A_1353 : vector<16xi32>
    %gt3A_1355 = arith.constant 0 : i32
    %gt3A_1356 = vector.broadcast %gt3A_1355 : i32 to vector<16xi32>
    %gt3A_1357 = arith.cmpi sgt, %shift_right_logical3A_1332, %gt3A_1356 : vector<16xi32>
    %select_n3A_1358 = arith.select %gt3A_1357, %add3A_1346, %sub3A_1354 : vector<16xi1>, vector<16xi32>
    %ne3A_1359 = arith.constant 0 : i32
    %ne3A_1360 = vector.broadcast %ne3A_1359 : i32 to vector<16xi32>
    %ne3A_1361 = arith.cmpi ne, %and3A_1329, %ne3A_1360 : vector<16xi32>
    %add3A_1362 = arith.constant 128 : i32
    %add3A_1363 = vector.broadcast %add3A_1362 : i32 to vector<16xi32>
    %add3A_1364 = arith.addi %select_n3A_1358, %add3A_1363 : vector<16xi32>
    %jit3A_1365 = arith.constant -1 : i32
    %broadcast_in_dim3A_1366 = vector.broadcast %jit3A_1365 : i32 to vector<16xi32>
    %select_n3A_1367 = arith.select %ne3A_1361, %add3A_1364, %broadcast_in_dim3A_1366 : vector<16xi1>, vector<16xi32>
    %max3A_1368 = arith.maxsi %max3A_1320, %select_n3A_1367 : vector<16xi32>
    %add3A_1369 = arith.constant 5 : i32
    %add3A_1370 = vector.broadcast %add3A_1369 : i32 to vector<16xi32>
    %add3A_1371 = arith.addi %mul3A_1108, %add3A_1370 : vector<16xi32>
    %gather3A_1372 = tpu.vector_load_idx %arg8[%add3A_1371] : memref<16000xi32, #tpu.memory_space<vmem>>[vector<16xi32>], vector<16xi32>,
    %add3A_1373 = arith.constant 13 : i32
    %add3A_1374 = vector.broadcast %add3A_1373 : i32 to vector<16xi32>
    %add3A_1375 = arith.addi %mul3A_1113, %add3A_1374 : vector<16xi32>
    %gather3A_1376 = tpu.vector_load_idx %arg8[%add3A_1375] : memref<16000xi32, #tpu.memory_space<vmem>>[vector<16xi32>], vector<16xi32>,
    %and3A_1377 = arith.andi %gather3A_1372, %gather3A_1376 : vector<16xi32>
    %shift_right_logical3A_1378 = arith.constant 16 : i32
    %shift_right_logical3A_1379 = vector.broadcast %shift_right_logical3A_1378 : i32 to vector<16xi32>
    %shift_right_logical3A_1380 = arith.shrui %and3A_1377, %shift_right_logical3A_1379 : vector<16xi32>
    %and3A_1381 = arith.constant 65535 : i32
    %and3A_1382 = vector.broadcast %and3A_1381 : i32 to vector<16xi32>
    %and3A_1383 = arith.andi %and3A_1377, %and3A_1382 : vector<16xi32>
    %convert_element_type3A_1384 = arith.sitofp %shift_right_logical3A_1380 : vector<16xi32> to vector<16xf32>
    %bitcast_convert_type3A_1385 = tpu.bitcast %convert_element_type3A_1384 : vector<16xf32> -> vector<16xi32>
    %shift_right_logical3A_1386 = arith.constant 23 : i32
    %shift_right_logical3A_1387 = vector.broadcast %shift_right_logical3A_1386 : i32 to vector<16xi32>
    %shift_right_logical3A_1388 = arith.shrui %bitcast_convert_type3A_1385, %shift_right_logical3A_1387 : vector<16xi32>
    %sub3A_1389 = arith.constant 127 : i32
    %sub3A_1390 = vector.broadcast %sub3A_1389 : i32 to vector<16xi32>
    %sub3A_1391 = arith.subi %shift_right_logical3A_1388, %sub3A_1390 : vector<16xi32>
    %add3A_1392 = arith.constant 16 : i32
    %add3A_1393 = vector.broadcast %add3A_1392 : i32 to vector<16xi32>
    %add3A_1394 = arith.addi %sub3A_1391, %add3A_1393 : vector<16xi32>
    %convert_element_type3A_1395 = arith.sitofp %and3A_1383 : vector<16xi32> to vector<16xf32>
    %bitcast_convert_type3A_1396 = tpu.bitcast %convert_element_type3A_1395 : vector<16xf32> -> vector<16xi32>
    %shift_right_logical3A_1397 = arith.constant 23 : i32
    %shift_right_logical3A_1398 = vector.broadcast %shift_right_logical3A_1397 : i32 to vector<16xi32>
    %shift_right_logical3A_1399 = arith.shrui %bitcast_convert_type3A_1396, %shift_right_logical3A_1398 : vector<16xi32>
    %sub3A_1400 = arith.constant 127 : i32
    %sub3A_1401 = vector.broadcast %sub3A_1400 : i32 to vector<16xi32>
    %sub3A_1402 = arith.subi %shift_right_logical3A_1399, %sub3A_1401 : vector<16xi32>
    %gt3A_1403 = arith.constant 0 : i32
    %gt3A_1404 = vector.broadcast %gt3A_1403 : i32 to vector<16xi32>
    %gt3A_1405 = arith.cmpi sgt, %shift_right_logical3A_1380, %gt3A_1404 : vector<16xi32>
    %select_n3A_1406 = arith.select %gt3A_1405, %add3A_1394, %sub3A_1402 : vector<16xi1>, vector<16xi32>
    %ne3A_1407 = arith.constant 0 : i32
    %ne3A_1408 = vector.broadcast %ne3A_1407 : i32 to vector<16xi32>
    %ne3A_1409 = arith.cmpi ne, %and3A_1377, %ne3A_1408 : vector<16xi32>
    %add3A_1410 = arith.constant 160 : i32
    %add3A_1411 = vector.broadcast %add3A_1410 : i32 to vector<16xi32>
    %add3A_1412 = arith.addi %select_n3A_1406, %add3A_1411 : vector<16xi32>
    %jit3A_1413 = arith.constant -1 : i32
    %broadcast_in_dim3A_1414 = vector.broadcast %jit3A_1413 : i32 to vector<16xi32>
    %select_n3A_1415 = arith.select %ne3A_1409, %add3A_1412, %broadcast_in_dim3A_1414 : vector<16xi1>, vector<16xi32>
    %max3A_1416 = arith.maxsi %max3A_1368, %select_n3A_1415 : vector<16xi32>
    %add3A_1417 = arith.constant 6 : i32
    %add3A_1418 = vector.broadcast %add3A_1417 : i32 to vector<16xi32>
    %add3A_1419 = arith.addi %mul3A_1108, %add3A_1418 : vector<16xi32>
    %gather3A_1420 = tpu.vector_load_idx %arg8[%add3A_1419] : memref<16000xi32, #tpu.memory_space<vmem>>[vector<16xi32>], vector<16xi32>,
    %add3A_1421 = arith.constant 14 : i32
    %add3A_1422 = vector.broadcast %add3A_1421 : i32 to vector<16xi32>
    %add3A_1423 = arith.addi %mul3A_1113, %add3A_1422 : vector<16xi32>
    %gather3A_1424 = tpu.vector_load_idx %arg8[%add3A_1423] : memref<16000xi32, #tpu.memory_space<vmem>>[vector<16xi32>], vector<16xi32>,
    %and3A_1425 = arith.andi %gather3A_1420, %gather3A_1424 : vector<16xi32>
    %shift_right_logical3A_1426 = arith.constant 16 : i32
    %shift_right_logical3A_1427 = vector.broadcast %shift_right_logical3A_1426 : i32 to vector<16xi32>
    %shift_right_logical3A_1428 = arith.shrui %and3A_1425, %shift_right_logical3A_1427 : vector<16xi32>
    %and3A_1429 = arith.constant 65535 : i32
    %and3A_1430 = vector.broadcast %and3A_1429 : i32 to vector<16xi32>
    %and3A_1431 = arith.andi %and3A_1425, %and3A_1430 : vector<16xi32>
    %convert_element_type3A_1432 = arith.sitofp %shift_right_logical3A_1428 : vector<16xi32> to vector<16xf32>
    %bitcast_convert_type3A_1433 = tpu.bitcast %convert_element_type3A_1432 : vector<16xf32> -> vector<16xi32>
    %shift_right_logical3A_1434 = arith.constant 23 : i32
    %shift_right_logical3A_1435 = vector.broadcast %shift_right_logical3A_1434 : i32 to vector<16xi32>
    %shift_right_logical3A_1436 = arith.shrui %bitcast_convert_type3A_1433, %shift_right_logical3A_1435 : vector<16xi32>
    %sub3A_1437 = arith.constant 127 : i32
    %sub3A_1438 = vector.broadcast %sub3A_1437 : i32 to vector<16xi32>
    %sub3A_1439 = arith.subi %shift_right_logical3A_1436, %sub3A_1438 : vector<16xi32>
    %add3A_1440 = arith.constant 16 : i32
    %add3A_1441 = vector.broadcast %add3A_1440 : i32 to vector<16xi32>
    %add3A_1442 = arith.addi %sub3A_1439, %add3A_1441 : vector<16xi32>
    %convert_element_type3A_1443 = arith.sitofp %and3A_1431 : vector<16xi32> to vector<16xf32>
    %bitcast_convert_type3A_1444 = tpu.bitcast %convert_element_type3A_1443 : vector<16xf32> -> vector<16xi32>
    %shift_right_logical3A_1445 = arith.constant 23 : i32
    %shift_right_logical3A_1446 = vector.broadcast %shift_right_logical3A_1445 : i32 to vector<16xi32>
    %shift_right_logical3A_1447 = arith.shrui %bitcast_convert_type3A_1444, %shift_right_logical3A_1446 : vector<16xi32>
    %sub3A_1448 = arith.constant 127 : i32
    %sub3A_1449 = vector.broadcast %sub3A_1448 : i32 to vector<16xi32>
    %sub3A_1450 = arith.subi %shift_right_logical3A_1447, %sub3A_1449 : vector<16xi32>
    %gt3A_1451 = arith.constant 0 : i32
    %gt3A_1452 = vector.broadcast %gt3A_1451 : i32 to vector<16xi32>
    %gt3A_1453 = arith.cmpi sgt, %shift_right_logical3A_1428, %gt3A_1452 : vector<16xi32>
    %select_n3A_1454 = arith.select %gt3A_1453, %add3A_1442, %sub3A_1450 : vector<16xi1>, vector<16xi32>
    %ne3A_1455 = arith.constant 0 : i32
    %ne3A_1456 = vector.broadcast %ne3A_1455 : i32 to vector<16xi32>
    %ne3A_1457 = arith.cmpi ne, %and3A_1425, %ne3A_1456 : vector<16xi32>
    %add3A_1458 = arith.constant 192 : i32
    %add3A_1459 = vector.broadcast %add3A_1458 : i32 to vector<16xi32>
    %add3A_1460 = arith.addi %select_n3A_1454, %add3A_1459 : vector<16xi32>
    %jit3A_1461 = arith.constant -1 : i32
    %broadcast_in_dim3A_1462 = vector.broadcast %jit3A_1461 : i32 to vector<16xi32>
    %select_n3A_1463 = arith.select %ne3A_1457, %add3A_1460, %broadcast_in_dim3A_1462 : vector<16xi1>, vector<16xi32>
    %max3A_1464 = arith.maxsi %max3A_1416, %select_n3A_1463 : vector<16xi32>
    %eq3A_1465 = arith.cmpi eq, %mul3A_1108, %mul3A_1113 : vector<16xi32>
    %jit3A_1466 = arith.constant -1 : i32
    %broadcast_in_dim3A_1467 = vector.broadcast %jit3A_1466 : i32 to vector<16xi32>
    %select_n3A_1468 = arith.select %eq3A_1465, %broadcast_in_dim3A_1467, %max3A_1464 : vector<16xi1>, vector<16xi32>
    %swap3A_1469 = arith.constant 48 : index
    %swap3A_1470 = tpu.vector_load %arg10[%swap3A_1469] {strides = array<i32>} : memref<128xi32, #tpu.memory_space<vmem>>, vector<16xi32>,
    tpu.vector_store %arg10[%swap3A_1469], %select_n3A_1468 {strides = array<i32>} : memref<128xi32, #tpu.memory_space<vmem>>, vector<16xi32>,
    %get3A_1471 = arith.constant 64 : index
    %get3A_1472 = tpu.vector_load %arg6[%get3A_1471] {strides = array<i32>} : memref<128xi32, #tpu.memory_space<vmem>>, vector<16xi32>,
    %mul3A_1473 = arith.constant 16 : i32
    %mul3A_1474 = vector.broadcast %mul3A_1473 : i32 to vector<16xi32>
    %mul3A_1475 = arith.muli %get3A_1472, %mul3A_1474 : vector<16xi32>
    %get3A_1476 = arith.constant 64 : index
    %get3A_1477 = tpu.vector_load %arg7[%get3A_1476] {strides = array<i32>} : memref<128xi32, #tpu.memory_space<vmem>>, vector<16xi32>,
    %mul3A_1478 = arith.constant 16 : i32
    %mul3A_1479 = vector.broadcast %mul3A_1478 : i32 to vector<16xi32>
    %mul3A_1480 = arith.muli %get3A_1477, %mul3A_1479 : vector<16xi32>
    %add3A_1481 = arith.constant 7 : i32
    %add3A_1482 = vector.broadcast %add3A_1481 : i32 to vector<16xi32>
    %add3A_1483 = arith.addi %mul3A_1475, %add3A_1482 : vector<16xi32>
    %gather3A_1484 = tpu.vector_load_idx %arg8[%add3A_1483] : memref<16000xi32, #tpu.memory_space<vmem>>[vector<16xi32>], vector<16xi32>,
    %bitcast_convert_type3A_1485 = tpu.bitcast %gather3A_1484 : vector<16xi32> -> vector<16xf32>
    %add3A_1486 = arith.constant 7 : i32
    %add3A_1487 = vector.broadcast %add3A_1486 : i32 to vector<16xi32>
    %add3A_1488 = arith.addi %mul3A_1480, %add3A_1487 : vector<16xi32>
    %gather3A_1489 = tpu.vector_load_idx %arg8[%add3A_1488] : memref<16000xi32, #tpu.memory_space<vmem>>[vector<16xi32>], vector<16xi32>,
    %bitcast_convert_type3A_1490 = tpu.bitcast %gather3A_1489 : vector<16xi32> -> vector<16xf32>
    %mul3A_1491 = arith.mulf %bitcast_convert_type3A_1485, %bitcast_convert_type3A_1490 : vector<16xf32>
    %swap3A_1492 = arith.constant 64 : index
    %swap3A_1493 = tpu.vector_load %arg11[%swap3A_1492] {strides = array<i32>} : memref<128xf32, #tpu.memory_space<vmem>>, vector<16xf32>,
    tpu.vector_store %arg11[%swap3A_1492], %mul3A_1491 {strides = array<i32>} : memref<128xf32, #tpu.memory_space<vmem>>, vector<16xf32>,
    %broadcast_in_dim3A_1494 = arith.constant -1 : i32
    %broadcast_in_dim3A_1495 = vector.broadcast %broadcast_in_dim3A_1494 : i32 to vector<16xi32>
    %add3A_1496 = arith.constant 0 : i32
    %add3A_1497 = vector.broadcast %add3A_1496 : i32 to vector<16xi32>
    %add3A_1498 = arith.addi %mul3A_1475, %add3A_1497 : vector<16xi32>
    %gather3A_1499 = tpu.vector_load_idx %arg8[%add3A_1498] : memref<16000xi32, #tpu.memory_space<vmem>>[vector<16xi32>], vector<16xi32>,
    %add3A_1500 = arith.constant 8 : i32
    %add3A_1501 = vector.broadcast %add3A_1500 : i32 to vector<16xi32>
    %add3A_1502 = arith.addi %mul3A_1480, %add3A_1501 : vector<16xi32>
    %gather3A_1503 = tpu.vector_load_idx %arg8[%add3A_1502] : memref<16000xi32, #tpu.memory_space<vmem>>[vector<16xi32>], vector<16xi32>,
    %and3A_1504 = arith.andi %gather3A_1499, %gather3A_1503 : vector<16xi32>
    %shift_right_logical3A_1505 = arith.constant 16 : i32
    %shift_right_logical3A_1506 = vector.broadcast %shift_right_logical3A_1505 : i32 to vector<16xi32>
    %shift_right_logical3A_1507 = arith.shrui %and3A_1504, %shift_right_logical3A_1506 : vector<16xi32>
    %and3A_1508 = arith.constant 65535 : i32
    %and3A_1509 = vector.broadcast %and3A_1508 : i32 to vector<16xi32>
    %and3A_1510 = arith.andi %and3A_1504, %and3A_1509 : vector<16xi32>
    %convert_element_type3A_1511 = arith.sitofp %shift_right_logical3A_1507 : vector<16xi32> to vector<16xf32>
    %bitcast_convert_type3A_1512 = tpu.bitcast %convert_element_type3A_1511 : vector<16xf32> -> vector<16xi32>
    %shift_right_logical3A_1513 = arith.constant 23 : i32
    %shift_right_logical3A_1514 = vector.broadcast %shift_right_logical3A_1513 : i32 to vector<16xi32>
    %shift_right_logical3A_1515 = arith.shrui %bitcast_convert_type3A_1512, %shift_right_logical3A_1514 : vector<16xi32>
    %sub3A_1516 = arith.constant 127 : i32
    %sub3A_1517 = vector.broadcast %sub3A_1516 : i32 to vector<16xi32>
    %sub3A_1518 = arith.subi %shift_right_logical3A_1515, %sub3A_1517 : vector<16xi32>
    %add3A_1519 = arith.constant 16 : i32
    %add3A_1520 = vector.broadcast %add3A_1519 : i32 to vector<16xi32>
    %add3A_1521 = arith.addi %sub3A_1518, %add3A_1520 : vector<16xi32>
    %convert_element_type3A_1522 = arith.sitofp %and3A_1510 : vector<16xi32> to vector<16xf32>
    %bitcast_convert_type3A_1523 = tpu.bitcast %convert_element_type3A_1522 : vector<16xf32> -> vector<16xi32>
    %shift_right_logical3A_1524 = arith.constant 23 : i32
    %shift_right_logical3A_1525 = vector.broadcast %shift_right_logical3A_1524 : i32 to vector<16xi32>
    %shift_right_logical3A_1526 = arith.shrui %bitcast_convert_type3A_1523, %shift_right_logical3A_1525 : vector<16xi32>
    %sub3A_1527 = arith.constant 127 : i32
    %sub3A_1528 = vector.broadcast %sub3A_1527 : i32 to vector<16xi32>
    %sub3A_1529 = arith.subi %shift_right_logical3A_1526, %sub3A_1528 : vector<16xi32>
    %gt3A_1530 = arith.constant 0 : i32
    %gt3A_1531 = vector.broadcast %gt3A_1530 : i32 to vector<16xi32>
    %gt3A_1532 = arith.cmpi sgt, %shift_right_logical3A_1507, %gt3A_1531 : vector<16xi32>
    %select_n3A_1533 = arith.select %gt3A_1532, %add3A_1521, %sub3A_1529 : vector<16xi1>, vector<16xi32>
    %ne3A_1534 = arith.constant 0 : i32
    %ne3A_1535 = vector.broadcast %ne3A_1534 : i32 to vector<16xi32>
    %ne3A_1536 = arith.cmpi ne, %and3A_1504, %ne3A_1535 : vector<16xi32>
    %add3A_1537 = arith.constant 0 : i32
    %add3A_1538 = vector.broadcast %add3A_1537 : i32 to vector<16xi32>
    %add3A_1539 = arith.addi %select_n3A_1533, %add3A_1538 : vector<16xi32>
    %jit3A_1540 = arith.constant -1 : i32
    %broadcast_in_dim3A_1541 = vector.broadcast %jit3A_1540 : i32 to vector<16xi32>
    %select_n3A_1542 = arith.select %ne3A_1536, %add3A_1539, %broadcast_in_dim3A_1541 : vector<16xi1>, vector<16xi32>
    %max3A_1543 = arith.maxsi %broadcast_in_dim3A_1495, %select_n3A_1542 : vector<16xi32>
    %add3A_1544 = arith.constant 1 : i32
    %add3A_1545 = vector.broadcast %add3A_1544 : i32 to vector<16xi32>
    %add3A_1546 = arith.addi %mul3A_1475, %add3A_1545 : vector<16xi32>
    %gather3A_1547 = tpu.vector_load_idx %arg8[%add3A_1546] : memref<16000xi32, #tpu.memory_space<vmem>>[vector<16xi32>], vector<16xi32>,
    %add3A_1548 = arith.constant 9 : i32
    %add3A_1549 = vector.broadcast %add3A_1548 : i32 to vector<16xi32>
    %add3A_1550 = arith.addi %mul3A_1480, %add3A_1549 : vector<16xi32>
    %gather3A_1551 = tpu.vector_load_idx %arg8[%add3A_1550] : memref<16000xi32, #tpu.memory_space<vmem>>[vector<16xi32>], vector<16xi32>,
    %and3A_1552 = arith.andi %gather3A_1547, %gather3A_1551 : vector<16xi32>
    %shift_right_logical3A_1553 = arith.constant 16 : i32
    %shift_right_logical3A_1554 = vector.broadcast %shift_right_logical3A_1553 : i32 to vector<16xi32>
    %shift_right_logical3A_1555 = arith.shrui %and3A_1552, %shift_right_logical3A_1554 : vector<16xi32>
    %and3A_1556 = arith.constant 65535 : i32
    %and3A_1557 = vector.broadcast %and3A_1556 : i32 to vector<16xi32>
    %and3A_1558 = arith.andi %and3A_1552, %and3A_1557 : vector<16xi32>
    %convert_element_type3A_1559 = arith.sitofp %shift_right_logical3A_1555 : vector<16xi32> to vector<16xf32>
    %bitcast_convert_type3A_1560 = tpu.bitcast %convert_element_type3A_1559 : vector<16xf32> -> vector<16xi32>
    %shift_right_logical3A_1561 = arith.constant 23 : i32
    %shift_right_logical3A_1562 = vector.broadcast %shift_right_logical3A_1561 : i32 to vector<16xi32>
    %shift_right_logical3A_1563 = arith.shrui %bitcast_convert_type3A_1560, %shift_right_logical3A_1562 : vector<16xi32>
    %sub3A_1564 = arith.constant 127 : i32
    %sub3A_1565 = vector.broadcast %sub3A_1564 : i32 to vector<16xi32>
    %sub3A_1566 = arith.subi %shift_right_logical3A_1563, %sub3A_1565 : vector<16xi32>
    %add3A_1567 = arith.constant 16 : i32
    %add3A_1568 = vector.broadcast %add3A_1567 : i32 to vector<16xi32>
    %add3A_1569 = arith.addi %sub3A_1566, %add3A_1568 : vector<16xi32>
    %convert_element_type3A_1570 = arith.sitofp %and3A_1558 : vector<16xi32> to vector<16xf32>
    %bitcast_convert_type3A_1571 = tpu.bitcast %convert_element_type3A_1570 : vector<16xf32> -> vector<16xi32>
    %shift_right_logical3A_1572 = arith.constant 23 : i32
    %shift_right_logical3A_1573 = vector.broadcast %shift_right_logical3A_1572 : i32 to vector<16xi32>
    %shift_right_logical3A_1574 = arith.shrui %bitcast_convert_type3A_1571, %shift_right_logical3A_1573 : vector<16xi32>
    %sub3A_1575 = arith.constant 127 : i32
    %sub3A_1576 = vector.broadcast %sub3A_1575 : i32 to vector<16xi32>
    %sub3A_1577 = arith.subi %shift_right_logical3A_1574, %sub3A_1576 : vector<16xi32>
    %gt3A_1578 = arith.constant 0 : i32
    %gt3A_1579 = vector.broadcast %gt3A_1578 : i32 to vector<16xi32>
    %gt3A_1580 = arith.cmpi sgt, %shift_right_logical3A_1555, %gt3A_1579 : vector<16xi32>
    %select_n3A_1581 = arith.select %gt3A_1580, %add3A_1569, %sub3A_1577 : vector<16xi1>, vector<16xi32>
    %ne3A_1582 = arith.constant 0 : i32
    %ne3A_1583 = vector.broadcast %ne3A_1582 : i32 to vector<16xi32>
    %ne3A_1584 = arith.cmpi ne, %and3A_1552, %ne3A_1583 : vector<16xi32>
    %add3A_1585 = arith.constant 32 : i32
    %add3A_1586 = vector.broadcast %add3A_1585 : i32 to vector<16xi32>
    %add3A_1587 = arith.addi %select_n3A_1581, %add3A_1586 : vector<16xi32>
    %jit3A_1588 = arith.constant -1 : i32
    %broadcast_in_dim3A_1589 = vector.broadcast %jit3A_1588 : i32 to vector<16xi32>
    %select_n3A_1590 = arith.select %ne3A_1584, %add3A_1587, %broadcast_in_dim3A_1589 : vector<16xi1>, vector<16xi32>
    %max3A_1591 = arith.maxsi %max3A_1543, %select_n3A_1590 : vector<16xi32>
    %add3A_1592 = arith.constant 2 : i32
    %add3A_1593 = vector.broadcast %add3A_1592 : i32 to vector<16xi32>
    %add3A_1594 = arith.addi %mul3A_1475, %add3A_1593 : vector<16xi32>
    %gather3A_1595 = tpu.vector_load_idx %arg8[%add3A_1594] : memref<16000xi32, #tpu.memory_space<vmem>>[vector<16xi32>], vector<16xi32>,
    %add3A_1596 = arith.constant 10 : i32
    %add3A_1597 = vector.broadcast %add3A_1596 : i32 to vector<16xi32>
    %add3A_1598 = arith.addi %mul3A_1480, %add3A_1597 : vector<16xi32>
    %gather3A_1599 = tpu.vector_load_idx %arg8[%add3A_1598] : memref<16000xi32, #tpu.memory_space<vmem>>[vector<16xi32>], vector<16xi32>,
    %and3A_1600 = arith.andi %gather3A_1595, %gather3A_1599 : vector<16xi32>
    %shift_right_logical3A_1601 = arith.constant 16 : i32
    %shift_right_logical3A_1602 = vector.broadcast %shift_right_logical3A_1601 : i32 to vector<16xi32>
    %shift_right_logical3A_1603 = arith.shrui %and3A_1600, %shift_right_logical3A_1602 : vector<16xi32>
    %and3A_1604 = arith.constant 65535 : i32
    %and3A_1605 = vector.broadcast %and3A_1604 : i32 to vector<16xi32>
    %and3A_1606 = arith.andi %and3A_1600, %and3A_1605 : vector<16xi32>
    %convert_element_type3A_1607 = arith.sitofp %shift_right_logical3A_1603 : vector<16xi32> to vector<16xf32>
    %bitcast_convert_type3A_1608 = tpu.bitcast %convert_element_type3A_1607 : vector<16xf32> -> vector<16xi32>
    %shift_right_logical3A_1609 = arith.constant 23 : i32
    %shift_right_logical3A_1610 = vector.broadcast %shift_right_logical3A_1609 : i32 to vector<16xi32>
    %shift_right_logical3A_1611 = arith.shrui %bitcast_convert_type3A_1608, %shift_right_logical3A_1610 : vector<16xi32>
    %sub3A_1612 = arith.constant 127 : i32
    %sub3A_1613 = vector.broadcast %sub3A_1612 : i32 to vector<16xi32>
    %sub3A_1614 = arith.subi %shift_right_logical3A_1611, %sub3A_1613 : vector<16xi32>
    %add3A_1615 = arith.constant 16 : i32
    %add3A_1616 = vector.broadcast %add3A_1615 : i32 to vector<16xi32>
    %add3A_1617 = arith.addi %sub3A_1614, %add3A_1616 : vector<16xi32>
    %convert_element_type3A_1618 = arith.sitofp %and3A_1606 : vector<16xi32> to vector<16xf32>
    %bitcast_convert_type3A_1619 = tpu.bitcast %convert_element_type3A_1618 : vector<16xf32> -> vector<16xi32>
    %shift_right_logical3A_1620 = arith.constant 23 : i32
    %shift_right_logical3A_1621 = vector.broadcast %shift_right_logical3A_1620 : i32 to vector<16xi32>
    %shift_right_logical3A_1622 = arith.shrui %bitcast_convert_type3A_1619, %shift_right_logical3A_1621 : vector<16xi32>
    %sub3A_1623 = arith.constant 127 : i32
    %sub3A_1624 = vector.broadcast %sub3A_1623 : i32 to vector<16xi32>
    %sub3A_1625 = arith.subi %shift_right_logical3A_1622, %sub3A_1624 : vector<16xi32>
    %gt3A_1626 = arith.constant 0 : i32
    %gt3A_1627 = vector.broadcast %gt3A_1626 : i32 to vector<16xi32>
    %gt3A_1628 = arith.cmpi sgt, %shift_right_logical3A_1603, %gt3A_1627 : vector<16xi32>
    %select_n3A_1629 = arith.select %gt3A_1628, %add3A_1617, %sub3A_1625 : vector<16xi1>, vector<16xi32>
    %ne3A_1630 = arith.constant 0 : i32
    %ne3A_1631 = vector.broadcast %ne3A_1630 : i32 to vector<16xi32>
    %ne3A_1632 = arith.cmpi ne, %and3A_1600, %ne3A_1631 : vector<16xi32>
    %add3A_1633 = arith.constant 64 : i32
    %add3A_1634 = vector.broadcast %add3A_1633 : i32 to vector<16xi32>
    %add3A_1635 = arith.addi %select_n3A_1629, %add3A_1634 : vector<16xi32>
    %jit3A_1636 = arith.constant -1 : i32
    %broadcast_in_dim3A_1637 = vector.broadcast %jit3A_1636 : i32 to vector<16xi32>
    %select_n3A_1638 = arith.select %ne3A_1632, %add3A_1635, %broadcast_in_dim3A_1637 : vector<16xi1>, vector<16xi32>
    %max3A_1639 = arith.maxsi %max3A_1591, %select_n3A_1638 : vector<16xi32>
    %add3A_1640 = arith.constant 3 : i32
    %add3A_1641 = vector.broadcast %add3A_1640 : i32 to vector<16xi32>
    %add3A_1642 = arith.addi %mul3A_1475, %add3A_1641 : vector<16xi32>
    %gather3A_1643 = tpu.vector_load_idx %arg8[%add3A_1642] : memref<16000xi32, #tpu.memory_space<vmem>>[vector<16xi32>], vector<16xi32>,
    %add3A_1644 = arith.constant 11 : i32
    %add3A_1645 = vector.broadcast %add3A_1644 : i32 to vector<16xi32>
    %add3A_1646 = arith.addi %mul3A_1480, %add3A_1645 : vector<16xi32>
    %gather3A_1647 = tpu.vector_load_idx %arg8[%add3A_1646] : memref<16000xi32, #tpu.memory_space<vmem>>[vector<16xi32>], vector<16xi32>,
    %and3A_1648 = arith.andi %gather3A_1643, %gather3A_1647 : vector<16xi32>
    %shift_right_logical3A_1649 = arith.constant 16 : i32
    %shift_right_logical3A_1650 = vector.broadcast %shift_right_logical3A_1649 : i32 to vector<16xi32>
    %shift_right_logical3A_1651 = arith.shrui %and3A_1648, %shift_right_logical3A_1650 : vector<16xi32>
    %and3A_1652 = arith.constant 65535 : i32
    %and3A_1653 = vector.broadcast %and3A_1652 : i32 to vector<16xi32>
    %and3A_1654 = arith.andi %and3A_1648, %and3A_1653 : vector<16xi32>
    %convert_element_type3A_1655 = arith.sitofp %shift_right_logical3A_1651 : vector<16xi32> to vector<16xf32>
    %bitcast_convert_type3A_1656 = tpu.bitcast %convert_element_type3A_1655 : vector<16xf32> -> vector<16xi32>
    %shift_right_logical3A_1657 = arith.constant 23 : i32
    %shift_right_logical3A_1658 = vector.broadcast %shift_right_logical3A_1657 : i32 to vector<16xi32>
    %shift_right_logical3A_1659 = arith.shrui %bitcast_convert_type3A_1656, %shift_right_logical3A_1658 : vector<16xi32>
    %sub3A_1660 = arith.constant 127 : i32
    %sub3A_1661 = vector.broadcast %sub3A_1660 : i32 to vector<16xi32>
    %sub3A_1662 = arith.subi %shift_right_logical3A_1659, %sub3A_1661 : vector<16xi32>
    %add3A_1663 = arith.constant 16 : i32
    %add3A_1664 = vector.broadcast %add3A_1663 : i32 to vector<16xi32>
    %add3A_1665 = arith.addi %sub3A_1662, %add3A_1664 : vector<16xi32>
    %convert_element_type3A_1666 = arith.sitofp %and3A_1654 : vector<16xi32> to vector<16xf32>
    %bitcast_convert_type3A_1667 = tpu.bitcast %convert_element_type3A_1666 : vector<16xf32> -> vector<16xi32>
    %shift_right_logical3A_1668 = arith.constant 23 : i32
    %shift_right_logical3A_1669 = vector.broadcast %shift_right_logical3A_1668 : i32 to vector<16xi32>
    %shift_right_logical3A_1670 = arith.shrui %bitcast_convert_type3A_1667, %shift_right_logical3A_1669 : vector<16xi32>
    %sub3A_1671 = arith.constant 127 : i32
    %sub3A_1672 = vector.broadcast %sub3A_1671 : i32 to vector<16xi32>
    %sub3A_1673 = arith.subi %shift_right_logical3A_1670, %sub3A_1672 : vector<16xi32>
    %gt3A_1674 = arith.constant 0 : i32
    %gt3A_1675 = vector.broadcast %gt3A_1674 : i32 to vector<16xi32>
    %gt3A_1676 = arith.cmpi sgt, %shift_right_logical3A_1651, %gt3A_1675 : vector<16xi32>
    %select_n3A_1677 = arith.select %gt3A_1676, %add3A_1665, %sub3A_1673 : vector<16xi1>, vector<16xi32>
    %ne3A_1678 = arith.constant 0 : i32
    %ne3A_1679 = vector.broadcast %ne3A_1678 : i32 to vector<16xi32>
    %ne3A_1680 = arith.cmpi ne, %and3A_1648, %ne3A_1679 : vector<16xi32>
    %add3A_1681 = arith.constant 96 : i32
    %add3A_1682 = vector.broadcast %add3A_1681 : i32 to vector<16xi32>
    %add3A_1683 = arith.addi %select_n3A_1677, %add3A_1682 : vector<16xi32>
    %jit3A_1684 = arith.constant -1 : i32
    %broadcast_in_dim3A_1685 = vector.broadcast %jit3A_1684 : i32 to vector<16xi32>
    %select_n3A_1686 = arith.select %ne3A_1680, %add3A_1683, %broadcast_in_dim3A_1685 : vector<16xi1>, vector<16xi32>
    %max3A_1687 = arith.maxsi %max3A_1639, %select_n3A_1686 : vector<16xi32>
    %add3A_1688 = arith.constant 4 : i32
    %add3A_1689 = vector.broadcast %add3A_1688 : i32 to vector<16xi32>
    %add3A_1690 = arith.addi %mul3A_1475, %add3A_1689 : vector<16xi32>
    %gather3A_1691 = tpu.vector_load_idx %arg8[%add3A_1690] : memref<16000xi32, #tpu.memory_space<vmem>>[vector<16xi32>], vector<16xi32>,
    %add3A_1692 = arith.constant 12 : i32
    %add3A_1693 = vector.broadcast %add3A_1692 : i32 to vector<16xi32>
    %add3A_1694 = arith.addi %mul3A_1480, %add3A_1693 : vector<16xi32>
    %gather3A_1695 = tpu.vector_load_idx %arg8[%add3A_1694] : memref<16000xi32, #tpu.memory_space<vmem>>[vector<16xi32>], vector<16xi32>,
    %and3A_1696 = arith.andi %gather3A_1691, %gather3A_1695 : vector<16xi32>
    %shift_right_logical3A_1697 = arith.constant 16 : i32
    %shift_right_logical3A_1698 = vector.broadcast %shift_right_logical3A_1697 : i32 to vector<16xi32>
    %shift_right_logical3A_1699 = arith.shrui %and3A_1696, %shift_right_logical3A_1698 : vector<16xi32>
    %and3A_1700 = arith.constant 65535 : i32
    %and3A_1701 = vector.broadcast %and3A_1700 : i32 to vector<16xi32>
    %and3A_1702 = arith.andi %and3A_1696, %and3A_1701 : vector<16xi32>
    %convert_element_type3A_1703 = arith.sitofp %shift_right_logical3A_1699 : vector<16xi32> to vector<16xf32>
    %bitcast_convert_type3A_1704 = tpu.bitcast %convert_element_type3A_1703 : vector<16xf32> -> vector<16xi32>
    %shift_right_logical3A_1705 = arith.constant 23 : i32
    %shift_right_logical3A_1706 = vector.broadcast %shift_right_logical3A_1705 : i32 to vector<16xi32>
    %shift_right_logical3A_1707 = arith.shrui %bitcast_convert_type3A_1704, %shift_right_logical3A_1706 : vector<16xi32>
    %sub3A_1708 = arith.constant 127 : i32
    %sub3A_1709 = vector.broadcast %sub3A_1708 : i32 to vector<16xi32>
    %sub3A_1710 = arith.subi %shift_right_logical3A_1707, %sub3A_1709 : vector<16xi32>
    %add3A_1711 = arith.constant 16 : i32
    %add3A_1712 = vector.broadcast %add3A_1711 : i32 to vector<16xi32>
    %add3A_1713 = arith.addi %sub3A_1710, %add3A_1712 : vector<16xi32>
    %convert_element_type3A_1714 = arith.sitofp %and3A_1702 : vector<16xi32> to vector<16xf32>
    %bitcast_convert_type3A_1715 = tpu.bitcast %convert_element_type3A_1714 : vector<16xf32> -> vector<16xi32>
    %shift_right_logical3A_1716 = arith.constant 23 : i32
    %shift_right_logical3A_1717 = vector.broadcast %shift_right_logical3A_1716 : i32 to vector<16xi32>
    %shift_right_logical3A_1718 = arith.shrui %bitcast_convert_type3A_1715, %shift_right_logical3A_1717 : vector<16xi32>
    %sub3A_1719 = arith.constant 127 : i32
    %sub3A_1720 = vector.broadcast %sub3A_1719 : i32 to vector<16xi32>
    %sub3A_1721 = arith.subi %shift_right_logical3A_1718, %sub3A_1720 : vector<16xi32>
    %gt3A_1722 = arith.constant 0 : i32
    %gt3A_1723 = vector.broadcast %gt3A_1722 : i32 to vector<16xi32>
    %gt3A_1724 = arith.cmpi sgt, %shift_right_logical3A_1699, %gt3A_1723 : vector<16xi32>
    %select_n3A_1725 = arith.select %gt3A_1724, %add3A_1713, %sub3A_1721 : vector<16xi1>, vector<16xi32>
    %ne3A_1726 = arith.constant 0 : i32
    %ne3A_1727 = vector.broadcast %ne3A_1726 : i32 to vector<16xi32>
    %ne3A_1728 = arith.cmpi ne, %and3A_1696, %ne3A_1727 : vector<16xi32>
    %add3A_1729 = arith.constant 128 : i32
    %add3A_1730 = vector.broadcast %add3A_1729 : i32 to vector<16xi32>
    %add3A_1731 = arith.addi %select_n3A_1725, %add3A_1730 : vector<16xi32>
    %jit3A_1732 = arith.constant -1 : i32
    %broadcast_in_dim3A_1733 = vector.broadcast %jit3A_1732 : i32 to vector<16xi32>
    %select_n3A_1734 = arith.select %ne3A_1728, %add3A_1731, %broadcast_in_dim3A_1733 : vector<16xi1>, vector<16xi32>
    %max3A_1735 = arith.maxsi %max3A_1687, %select_n3A_1734 : vector<16xi32>
    %add3A_1736 = arith.constant 5 : i32
    %add3A_1737 = vector.broadcast %add3A_1736 : i32 to vector<16xi32>
    %add3A_1738 = arith.addi %mul3A_1475, %add3A_1737 : vector<16xi32>
    %gather3A_1739 = tpu.vector_load_idx %arg8[%add3A_1738] : memref<16000xi32, #tpu.memory_space<vmem>>[vector<16xi32>], vector<16xi32>,
    %add3A_1740 = arith.constant 13 : i32
    %add3A_1741 = vector.broadcast %add3A_1740 : i32 to vector<16xi32>
    %add3A_1742 = arith.addi %mul3A_1480, %add3A_1741 : vector<16xi32>
    %gather3A_1743 = tpu.vector_load_idx %arg8[%add3A_1742] : memref<16000xi32, #tpu.memory_space<vmem>>[vector<16xi32>], vector<16xi32>,
    %and3A_1744 = arith.andi %gather3A_1739, %gather3A_1743 : vector<16xi32>
    %shift_right_logical3A_1745 = arith.constant 16 : i32
    %shift_right_logical3A_1746 = vector.broadcast %shift_right_logical3A_1745 : i32 to vector<16xi32>
    %shift_right_logical3A_1747 = arith.shrui %and3A_1744, %shift_right_logical3A_1746 : vector<16xi32>
    %and3A_1748 = arith.constant 65535 : i32
    %and3A_1749 = vector.broadcast %and3A_1748 : i32 to vector<16xi32>
    %and3A_1750 = arith.andi %and3A_1744, %and3A_1749 : vector<16xi32>
    %convert_element_type3A_1751 = arith.sitofp %shift_right_logical3A_1747 : vector<16xi32> to vector<16xf32>
    %bitcast_convert_type3A_1752 = tpu.bitcast %convert_element_type3A_1751 : vector<16xf32> -> vector<16xi32>
    %shift_right_logical3A_1753 = arith.constant 23 : i32
    %shift_right_logical3A_1754 = vector.broadcast %shift_right_logical3A_1753 : i32 to vector<16xi32>
    %shift_right_logical3A_1755 = arith.shrui %bitcast_convert_type3A_1752, %shift_right_logical3A_1754 : vector<16xi32>
    %sub3A_1756 = arith.constant 127 : i32
    %sub3A_1757 = vector.broadcast %sub3A_1756 : i32 to vector<16xi32>
    %sub3A_1758 = arith.subi %shift_right_logical3A_1755, %sub3A_1757 : vector<16xi32>
    %add3A_1759 = arith.constant 16 : i32
    %add3A_1760 = vector.broadcast %add3A_1759 : i32 to vector<16xi32>
    %add3A_1761 = arith.addi %sub3A_1758, %add3A_1760 : vector<16xi32>
    %convert_element_type3A_1762 = arith.sitofp %and3A_1750 : vector<16xi32> to vector<16xf32>
    %bitcast_convert_type3A_1763 = tpu.bitcast %convert_element_type3A_1762 : vector<16xf32> -> vector<16xi32>
    %shift_right_logical3A_1764 = arith.constant 23 : i32
    %shift_right_logical3A_1765 = vector.broadcast %shift_right_logical3A_1764 : i32 to vector<16xi32>
    %shift_right_logical3A_1766 = arith.shrui %bitcast_convert_type3A_1763, %shift_right_logical3A_1765 : vector<16xi32>
    %sub3A_1767 = arith.constant 127 : i32
    %sub3A_1768 = vector.broadcast %sub3A_1767 : i32 to vector<16xi32>
    %sub3A_1769 = arith.subi %shift_right_logical3A_1766, %sub3A_1768 : vector<16xi32>
    %gt3A_1770 = arith.constant 0 : i32
    %gt3A_1771 = vector.broadcast %gt3A_1770 : i32 to vector<16xi32>
    %gt3A_1772 = arith.cmpi sgt, %shift_right_logical3A_1747, %gt3A_1771 : vector<16xi32>
    %select_n3A_1773 = arith.select %gt3A_1772, %add3A_1761, %sub3A_1769 : vector<16xi1>, vector<16xi32>
    %ne3A_1774 = arith.constant 0 : i32
    %ne3A_1775 = vector.broadcast %ne3A_1774 : i32 to vector<16xi32>
    %ne3A_1776 = arith.cmpi ne, %and3A_1744, %ne3A_1775 : vector<16xi32>
    %add3A_1777 = arith.constant 160 : i32
    %add3A_1778 = vector.broadcast %add3A_1777 : i32 to vector<16xi32>
    %add3A_1779 = arith.addi %select_n3A_1773, %add3A_1778 : vector<16xi32>
    %jit3A_1780 = arith.constant -1 : i32
    %broadcast_in_dim3A_1781 = vector.broadcast %jit3A_1780 : i32 to vector<16xi32>
    %select_n3A_1782 = arith.select %ne3A_1776, %add3A_1779, %broadcast_in_dim3A_1781 : vector<16xi1>, vector<16xi32>
    %max3A_1783 = arith.maxsi %max3A_1735, %select_n3A_1782 : vector<16xi32>
    %add3A_1784 = arith.constant 6 : i32
    %add3A_1785 = vector.broadcast %add3A_1784 : i32 to vector<16xi32>
    %add3A_1786 = arith.addi %mul3A_1475, %add3A_1785 : vector<16xi32>
    %gather3A_1787 = tpu.vector_load_idx %arg8[%add3A_1786] : memref<16000xi32, #tpu.memory_space<vmem>>[vector<16xi32>], vector<16xi32>,
    %add3A_1788 = arith.constant 14 : i32
    %add3A_1789 = vector.broadcast %add3A_1788 : i32 to vector<16xi32>
    %add3A_1790 = arith.addi %mul3A_1480, %add3A_1789 : vector<16xi32>
    %gather3A_1791 = tpu.vector_load_idx %arg8[%add3A_1790] : memref<16000xi32, #tpu.memory_space<vmem>>[vector<16xi32>], vector<16xi32>,
    %and3A_1792 = arith.andi %gather3A_1787, %gather3A_1791 : vector<16xi32>
    %shift_right_logical3A_1793 = arith.constant 16 : i32
    %shift_right_logical3A_1794 = vector.broadcast %shift_right_logical3A_1793 : i32 to vector<16xi32>
    %shift_right_logical3A_1795 = arith.shrui %and3A_1792, %shift_right_logical3A_1794 : vector<16xi32>
    %and3A_1796 = arith.constant 65535 : i32
    %and3A_1797 = vector.broadcast %and3A_1796 : i32 to vector<16xi32>
    %and3A_1798 = arith.andi %and3A_1792, %and3A_1797 : vector<16xi32>
    %convert_element_type3A_1799 = arith.sitofp %shift_right_logical3A_1795 : vector<16xi32> to vector<16xf32>
    %bitcast_convert_type3A_1800 = tpu.bitcast %convert_element_type3A_1799 : vector<16xf32> -> vector<16xi32>
    %shift_right_logical3A_1801 = arith.constant 23 : i32
    %shift_right_logical3A_1802 = vector.broadcast %shift_right_logical3A_1801 : i32 to vector<16xi32>
    %shift_right_logical3A_1803 = arith.shrui %bitcast_convert_type3A_1800, %shift_right_logical3A_1802 : vector<16xi32>
    %sub3A_1804 = arith.constant 127 : i32
    %sub3A_1805 = vector.broadcast %sub3A_1804 : i32 to vector<16xi32>
    %sub3A_1806 = arith.subi %shift_right_logical3A_1803, %sub3A_1805 : vector<16xi32>
    %add3A_1807 = arith.constant 16 : i32
    %add3A_1808 = vector.broadcast %add3A_1807 : i32 to vector<16xi32>
    %add3A_1809 = arith.addi %sub3A_1806, %add3A_1808 : vector<16xi32>
    %convert_element_type3A_1810 = arith.sitofp %and3A_1798 : vector<16xi32> to vector<16xf32>
    %bitcast_convert_type3A_1811 = tpu.bitcast %convert_element_type3A_1810 : vector<16xf32> -> vector<16xi32>
    %shift_right_logical3A_1812 = arith.constant 23 : i32
    %shift_right_logical3A_1813 = vector.broadcast %shift_right_logical3A_1812 : i32 to vector<16xi32>
    %shift_right_logical3A_1814 = arith.shrui %bitcast_convert_type3A_1811, %shift_right_logical3A_1813 : vector<16xi32>
    %sub3A_1815 = arith.constant 127 : i32
    %sub3A_1816 = vector.broadcast %sub3A_1815 : i32 to vector<16xi32>
    %sub3A_1817 = arith.subi %shift_right_logical3A_1814, %sub3A_1816 : vector<16xi32>
    %gt3A_1818 = arith.constant 0 : i32
    %gt3A_1819 = vector.broadcast %gt3A_1818 : i32 to vector<16xi32>
    %gt3A_1820 = arith.cmpi sgt, %shift_right_logical3A_1795, %gt3A_1819 : vector<16xi32>
    %select_n3A_1821 = arith.select %gt3A_1820, %add3A_1809, %sub3A_1817 : vector<16xi1>, vector<16xi32>
    %ne3A_1822 = arith.constant 0 : i32
    %ne3A_1823 = vector.broadcast %ne3A_1822 : i32 to vector<16xi32>
    %ne3A_1824 = arith.cmpi ne, %and3A_1792, %ne3A_1823 : vector<16xi32>
    %add3A_1825 = arith.constant 192 : i32
    %add3A_1826 = vector.broadcast %add3A_1825 : i32 to vector<16xi32>
    %add3A_1827 = arith.addi %select_n3A_1821, %add3A_1826 : vector<16xi32>
    %jit3A_1828 = arith.constant -1 : i32
    %broadcast_in_dim3A_1829 = vector.broadcast %jit3A_1828 : i32 to vector<16xi32>
    %select_n3A_1830 = arith.select %ne3A_1824, %add3A_1827, %broadcast_in_dim3A_1829 : vector<16xi1>, vector<16xi32>
    %max3A_1831 = arith.maxsi %max3A_1783, %select_n3A_1830 : vector<16xi32>
    %eq3A_1832 = arith.cmpi eq, %mul3A_1475, %mul3A_1480 : vector<16xi32>
    %jit3A_1833 = arith.constant -1 : i32
    %broadcast_in_dim3A_1834 = vector.broadcast %jit3A_1833 : i32 to vector<16xi32>
    %select_n3A_1835 = arith.select %eq3A_1832, %broadcast_in_dim3A_1834, %max3A_1831 : vector<16xi1>, vector<16xi32>
    %swap3A_1836 = arith.constant 64 : index
    %swap3A_1837 = tpu.vector_load %arg10[%swap3A_1836] {strides = array<i32>} : memref<128xi32, #tpu.memory_space<vmem>>, vector<16xi32>,
    tpu.vector_store %arg10[%swap3A_1836], %select_n3A_1835 {strides = array<i32>} : memref<128xi32, #tpu.memory_space<vmem>>, vector<16xi32>,
    %get3A_1838 = arith.constant 80 : index
    %get3A_1839 = tpu.vector_load %arg6[%get3A_1838] {strides = array<i32>} : memref<128xi32, #tpu.memory_space<vmem>>, vector<16xi32>,
    %mul3A_1840 = arith.constant 16 : i32
    %mul3A_1841 = vector.broadcast %mul3A_1840 : i32 to vector<16xi32>
    %mul3A_1842 = arith.muli %get3A_1839, %mul3A_1841 : vector<16xi32>
    %get3A_1843 = arith.constant 80 : index
    %get3A_1844 = tpu.vector_load %arg7[%get3A_1843] {strides = array<i32>} : memref<128xi32, #tpu.memory_space<vmem>>, vector<16xi32>,
    %mul3A_1845 = arith.constant 16 : i32
    %mul3A_1846 = vector.broadcast %mul3A_1845 : i32 to vector<16xi32>
    %mul3A_1847 = arith.muli %get3A_1844, %mul3A_1846 : vector<16xi32>
    %add3A_1848 = arith.constant 7 : i32
    %add3A_1849 = vector.broadcast %add3A_1848 : i32 to vector<16xi32>
    %add3A_1850 = arith.addi %mul3A_1842, %add3A_1849 : vector<16xi32>
    %gather3A_1851 = tpu.vector_load_idx %arg8[%add3A_1850] : memref<16000xi32, #tpu.memory_space<vmem>>[vector<16xi32>], vector<16xi32>,
    %bitcast_convert_type3A_1852 = tpu.bitcast %gather3A_1851 : vector<16xi32> -> vector<16xf32>
    %add3A_1853 = arith.constant 7 : i32
    %add3A_1854 = vector.broadcast %add3A_1853 : i32 to vector<16xi32>
    %add3A_1855 = arith.addi %mul3A_1847, %add3A_1854 : vector<16xi32>
    %gather3A_1856 = tpu.vector_load_idx %arg8[%add3A_1855] : memref<16000xi32, #tpu.memory_space<vmem>>[vector<16xi32>], vector<16xi32>,
    %bitcast_convert_type3A_1857 = tpu.bitcast %gather3A_1856 : vector<16xi32> -> vector<16xf32>
    %mul3A_1858 = arith.mulf %bitcast_convert_type3A_1852, %bitcast_convert_type3A_1857 : vector<16xf32>
    %swap3A_1859 = arith.constant 80 : index
    %swap3A_1860 = tpu.vector_load %arg11[%swap3A_1859] {strides = array<i32>} : memref<128xf32, #tpu.memory_space<vmem>>, vector<16xf32>,
    tpu.vector_store %arg11[%swap3A_1859], %mul3A_1858 {strides = array<i32>} : memref<128xf32, #tpu.memory_space<vmem>>, vector<16xf32>,
    %broadcast_in_dim3A_1861 = arith.constant -1 : i32
    %broadcast_in_dim3A_1862 = vector.broadcast %broadcast_in_dim3A_1861 : i32 to vector<16xi32>
    %add3A_1863 = arith.constant 0 : i32
    %add3A_1864 = vector.broadcast %add3A_1863 : i32 to vector<16xi32>
    %add3A_1865 = arith.addi %mul3A_1842, %add3A_1864 : vector<16xi32>
    %gather3A_1866 = tpu.vector_load_idx %arg8[%add3A_1865] : memref<16000xi32, #tpu.memory_space<vmem>>[vector<16xi32>], vector<16xi32>,
    %add3A_1867 = arith.constant 8 : i32
    %add3A_1868 = vector.broadcast %add3A_1867 : i32 to vector<16xi32>
    %add3A_1869 = arith.addi %mul3A_1847, %add3A_1868 : vector<16xi32>
    %gather3A_1870 = tpu.vector_load_idx %arg8[%add3A_1869] : memref<16000xi32, #tpu.memory_space<vmem>>[vector<16xi32>], vector<16xi32>,
    %and3A_1871 = arith.andi %gather3A_1866, %gather3A_1870 : vector<16xi32>
    %shift_right_logical3A_1872 = arith.constant 16 : i32
    %shift_right_logical3A_1873 = vector.broadcast %shift_right_logical3A_1872 : i32 to vector<16xi32>
    %shift_right_logical3A_1874 = arith.shrui %and3A_1871, %shift_right_logical3A_1873 : vector<16xi32>
    %and3A_1875 = arith.constant 65535 : i32
    %and3A_1876 = vector.broadcast %and3A_1875 : i32 to vector<16xi32>
    %and3A_1877 = arith.andi %and3A_1871, %and3A_1876 : vector<16xi32>
    %convert_element_type3A_1878 = arith.sitofp %shift_right_logical3A_1874 : vector<16xi32> to vector<16xf32>
    %bitcast_convert_type3A_1879 = tpu.bitcast %convert_element_type3A_1878 : vector<16xf32> -> vector<16xi32>
    %shift_right_logical3A_1880 = arith.constant 23 : i32
    %shift_right_logical3A_1881 = vector.broadcast %shift_right_logical3A_1880 : i32 to vector<16xi32>
    %shift_right_logical3A_1882 = arith.shrui %bitcast_convert_type3A_1879, %shift_right_logical3A_1881 : vector<16xi32>
    %sub3A_1883 = arith.constant 127 : i32
    %sub3A_1884 = vector.broadcast %sub3A_1883 : i32 to vector<16xi32>
    %sub3A_1885 = arith.subi %shift_right_logical3A_1882, %sub3A_1884 : vector<16xi32>
    %add3A_1886 = arith.constant 16 : i32
    %add3A_1887 = vector.broadcast %add3A_1886 : i32 to vector<16xi32>
    %add3A_1888 = arith.addi %sub3A_1885, %add3A_1887 : vector<16xi32>
    %convert_element_type3A_1889 = arith.sitofp %and3A_1877 : vector<16xi32> to vector<16xf32>
    %bitcast_convert_type3A_1890 = tpu.bitcast %convert_element_type3A_1889 : vector<16xf32> -> vector<16xi32>
    %shift_right_logical3A_1891 = arith.constant 23 : i32
    %shift_right_logical3A_1892 = vector.broadcast %shift_right_logical3A_1891 : i32 to vector<16xi32>
    %shift_right_logical3A_1893 = arith.shrui %bitcast_convert_type3A_1890, %shift_right_logical3A_1892 : vector<16xi32>
    %sub3A_1894 = arith.constant 127 : i32
    %sub3A_1895 = vector.broadcast %sub3A_1894 : i32 to vector<16xi32>
    %sub3A_1896 = arith.subi %shift_right_logical3A_1893, %sub3A_1895 : vector<16xi32>
    %gt3A_1897 = arith.constant 0 : i32
    %gt3A_1898 = vector.broadcast %gt3A_1897 : i32 to vector<16xi32>
    %gt3A_1899 = arith.cmpi sgt, %shift_right_logical3A_1874, %gt3A_1898 : vector<16xi32>
    %select_n3A_1900 = arith.select %gt3A_1899, %add3A_1888, %sub3A_1896 : vector<16xi1>, vector<16xi32>
    %ne3A_1901 = arith.constant 0 : i32
    %ne3A_1902 = vector.broadcast %ne3A_1901 : i32 to vector<16xi32>
    %ne3A_1903 = arith.cmpi ne, %and3A_1871, %ne3A_1902 : vector<16xi32>
    %add3A_1904 = arith.constant 0 : i32
    %add3A_1905 = vector.broadcast %add3A_1904 : i32 to vector<16xi32>
    %add3A_1906 = arith.addi %select_n3A_1900, %add3A_1905 : vector<16xi32>
    %jit3A_1907 = arith.constant -1 : i32
    %broadcast_in_dim3A_1908 = vector.broadcast %jit3A_1907 : i32 to vector<16xi32>
    %select_n3A_1909 = arith.select %ne3A_1903, %add3A_1906, %broadcast_in_dim3A_1908 : vector<16xi1>, vector<16xi32>
    %max3A_1910 = arith.maxsi %broadcast_in_dim3A_1862, %select_n3A_1909 : vector<16xi32>
    %add3A_1911 = arith.constant 1 : i32
    %add3A_1912 = vector.broadcast %add3A_1911 : i32 to vector<16xi32>
    %add3A_1913 = arith.addi %mul3A_1842, %add3A_1912 : vector<16xi32>
    %gather3A_1914 = tpu.vector_load_idx %arg8[%add3A_1913] : memref<16000xi32, #tpu.memory_space<vmem>>[vector<16xi32>], vector<16xi32>,
    %add3A_1915 = arith.constant 9 : i32
    %add3A_1916 = vector.broadcast %add3A_1915 : i32 to vector<16xi32>
    %add3A_1917 = arith.addi %mul3A_1847, %add3A_1916 : vector<16xi32>
    %gather3A_1918 = tpu.vector_load_idx %arg8[%add3A_1917] : memref<16000xi32, #tpu.memory_space<vmem>>[vector<16xi32>], vector<16xi32>,
    %and3A_1919 = arith.andi %gather3A_1914, %gather3A_1918 : vector<16xi32>
    %shift_right_logical3A_1920 = arith.constant 16 : i32
    %shift_right_logical3A_1921 = vector.broadcast %shift_right_logical3A_1920 : i32 to vector<16xi32>
    %shift_right_logical3A_1922 = arith.shrui %and3A_1919, %shift_right_logical3A_1921 : vector<16xi32>
    %and3A_1923 = arith.constant 65535 : i32
    %and3A_1924 = vector.broadcast %and3A_1923 : i32 to vector<16xi32>
    %and3A_1925 = arith.andi %and3A_1919, %and3A_1924 : vector<16xi32>
    %convert_element_type3A_1926 = arith.sitofp %shift_right_logical3A_1922 : vector<16xi32> to vector<16xf32>
    %bitcast_convert_type3A_1927 = tpu.bitcast %convert_element_type3A_1926 : vector<16xf32> -> vector<16xi32>
    %shift_right_logical3A_1928 = arith.constant 23 : i32
    %shift_right_logical3A_1929 = vector.broadcast %shift_right_logical3A_1928 : i32 to vector<16xi32>
    %shift_right_logical3A_1930 = arith.shrui %bitcast_convert_type3A_1927, %shift_right_logical3A_1929 : vector<16xi32>
    %sub3A_1931 = arith.constant 127 : i32
    %sub3A_1932 = vector.broadcast %sub3A_1931 : i32 to vector<16xi32>
    %sub3A_1933 = arith.subi %shift_right_logical3A_1930, %sub3A_1932 : vector<16xi32>
    %add3A_1934 = arith.constant 16 : i32
    %add3A_1935 = vector.broadcast %add3A_1934 : i32 to vector<16xi32>
    %add3A_1936 = arith.addi %sub3A_1933, %add3A_1935 : vector<16xi32>
    %convert_element_type3A_1937 = arith.sitofp %and3A_1925 : vector<16xi32> to vector<16xf32>
    %bitcast_convert_type3A_1938 = tpu.bitcast %convert_element_type3A_1937 : vector<16xf32> -> vector<16xi32>
    %shift_right_logical3A_1939 = arith.constant 23 : i32
    %shift_right_logical3A_1940 = vector.broadcast %shift_right_logical3A_1939 : i32 to vector<16xi32>
    %shift_right_logical3A_1941 = arith.shrui %bitcast_convert_type3A_1938, %shift_right_logical3A_1940 : vector<16xi32>
    %sub3A_1942 = arith.constant 127 : i32
    %sub3A_1943 = vector.broadcast %sub3A_1942 : i32 to vector<16xi32>
    %sub3A_1944 = arith.subi %shift_right_logical3A_1941, %sub3A_1943 : vector<16xi32>
    %gt3A_1945 = arith.constant 0 : i32
    %gt3A_1946 = vector.broadcast %gt3A_1945 : i32 to vector<16xi32>
    %gt3A_1947 = arith.cmpi sgt, %shift_right_logical3A_1922, %gt3A_1946 : vector<16xi32>
    %select_n3A_1948 = arith.select %gt3A_1947, %add3A_1936, %sub3A_1944 : vector<16xi1>, vector<16xi32>
    %ne3A_1949 = arith.constant 0 : i32
    %ne3A_1950 = vector.broadcast %ne3A_1949 : i32 to vector<16xi32>
    %ne3A_1951 = arith.cmpi ne, %and3A_1919, %ne3A_1950 : vector<16xi32>
    %add3A_1952 = arith.constant 32 : i32
    %add3A_1953 = vector.broadcast %add3A_1952 : i32 to vector<16xi32>
    %add3A_1954 = arith.addi %select_n3A_1948, %add3A_1953 : vector<16xi32>
    %jit3A_1955 = arith.constant -1 : i32
    %broadcast_in_dim3A_1956 = vector.broadcast %jit3A_1955 : i32 to vector<16xi32>
    %select_n3A_1957 = arith.select %ne3A_1951, %add3A_1954, %broadcast_in_dim3A_1956 : vector<16xi1>, vector<16xi32>
    %max3A_1958 = arith.maxsi %max3A_1910, %select_n3A_1957 : vector<16xi32>
    %add3A_1959 = arith.constant 2 : i32
    %add3A_1960 = vector.broadcast %add3A_1959 : i32 to vector<16xi32>
    %add3A_1961 = arith.addi %mul3A_1842, %add3A_1960 : vector<16xi32>
    %gather3A_1962 = tpu.vector_load_idx %arg8[%add3A_1961] : memref<16000xi32, #tpu.memory_space<vmem>>[vector<16xi32>], vector<16xi32>,
    %add3A_1963 = arith.constant 10 : i32
    %add3A_1964 = vector.broadcast %add3A_1963 : i32 to vector<16xi32>
    %add3A_1965 = arith.addi %mul3A_1847, %add3A_1964 : vector<16xi32>
    %gather3A_1966 = tpu.vector_load_idx %arg8[%add3A_1965] : memref<16000xi32, #tpu.memory_space<vmem>>[vector<16xi32>], vector<16xi32>,
    %and3A_1967 = arith.andi %gather3A_1962, %gather3A_1966 : vector<16xi32>
    %shift_right_logical3A_1968 = arith.constant 16 : i32
    %shift_right_logical3A_1969 = vector.broadcast %shift_right_logical3A_1968 : i32 to vector<16xi32>
    %shift_right_logical3A_1970 = arith.shrui %and3A_1967, %shift_right_logical3A_1969 : vector<16xi32>
    %and3A_1971 = arith.constant 65535 : i32
    %and3A_1972 = vector.broadcast %and3A_1971 : i32 to vector<16xi32>
    %and3A_1973 = arith.andi %and3A_1967, %and3A_1972 : vector<16xi32>
    %convert_element_type3A_1974 = arith.sitofp %shift_right_logical3A_1970 : vector<16xi32> to vector<16xf32>
    %bitcast_convert_type3A_1975 = tpu.bitcast %convert_element_type3A_1974 : vector<16xf32> -> vector<16xi32>
    %shift_right_logical3A_1976 = arith.constant 23 : i32
    %shift_right_logical3A_1977 = vector.broadcast %shift_right_logical3A_1976 : i32 to vector<16xi32>
    %shift_right_logical3A_1978 = arith.shrui %bitcast_convert_type3A_1975, %shift_right_logical3A_1977 : vector<16xi32>
    %sub3A_1979 = arith.constant 127 : i32
    %sub3A_1980 = vector.broadcast %sub3A_1979 : i32 to vector<16xi32>
    %sub3A_1981 = arith.subi %shift_right_logical3A_1978, %sub3A_1980 : vector<16xi32>
    %add3A_1982 = arith.constant 16 : i32
    %add3A_1983 = vector.broadcast %add3A_1982 : i32 to vector<16xi32>
    %add3A_1984 = arith.addi %sub3A_1981, %add3A_1983 : vector<16xi32>
    %convert_element_type3A_1985 = arith.sitofp %and3A_1973 : vector<16xi32> to vector<16xf32>
    %bitcast_convert_type3A_1986 = tpu.bitcast %convert_element_type3A_1985 : vector<16xf32> -> vector<16xi32>
    %shift_right_logical3A_1987 = arith.constant 23 : i32
    %shift_right_logical3A_1988 = vector.broadcast %shift_right_logical3A_1987 : i32 to vector<16xi32>
    %shift_right_logical3A_1989 = arith.shrui %bitcast_convert_type3A_1986, %shift_right_logical3A_1988 : vector<16xi32>
    %sub3A_1990 = arith.constant 127 : i32
    %sub3A_1991 = vector.broadcast %sub3A_1990 : i32 to vector<16xi32>
    %sub3A_1992 = arith.subi %shift_right_logical3A_1989, %sub3A_1991 : vector<16xi32>
    %gt3A_1993 = arith.constant 0 : i32
    %gt3A_1994 = vector.broadcast %gt3A_1993 : i32 to vector<16xi32>
    %gt3A_1995 = arith.cmpi sgt, %shift_right_logical3A_1970, %gt3A_1994 : vector<16xi32>
    %select_n3A_1996 = arith.select %gt3A_1995, %add3A_1984, %sub3A_1992 : vector<16xi1>, vector<16xi32>
    %ne3A_1997 = arith.constant 0 : i32
    %ne3A_1998 = vector.broadcast %ne3A_1997 : i32 to vector<16xi32>
    %ne3A_1999 = arith.cmpi ne, %and3A_1967, %ne3A_1998 : vector<16xi32>
    %add3A_2000 = arith.constant 64 : i32
    %add3A_2001 = vector.broadcast %add3A_2000 : i32 to vector<16xi32>
    %add3A_2002 = arith.addi %select_n3A_1996, %add3A_2001 : vector<16xi32>
    %jit3A_2003 = arith.constant -1 : i32
    %broadcast_in_dim3A_2004 = vector.broadcast %jit3A_2003 : i32 to vector<16xi32>
    %select_n3A_2005 = arith.select %ne3A_1999, %add3A_2002, %broadcast_in_dim3A_2004 : vector<16xi1>, vector<16xi32>
    %max3A_2006 = arith.maxsi %max3A_1958, %select_n3A_2005 : vector<16xi32>
    %add3A_2007 = arith.constant 3 : i32
    %add3A_2008 = vector.broadcast %add3A_2007 : i32 to vector<16xi32>
    %add3A_2009 = arith.addi %mul3A_1842, %add3A_2008 : vector<16xi32>
    %gather3A_2010 = tpu.vector_load_idx %arg8[%add3A_2009] : memref<16000xi32, #tpu.memory_space<vmem>>[vector<16xi32>], vector<16xi32>,
    %add3A_2011 = arith.constant 11 : i32
    %add3A_2012 = vector.broadcast %add3A_2011 : i32 to vector<16xi32>
    %add3A_2013 = arith.addi %mul3A_1847, %add3A_2012 : vector<16xi32>
    %gather3A_2014 = tpu.vector_load_idx %arg8[%add3A_2013] : memref<16000xi32, #tpu.memory_space<vmem>>[vector<16xi32>], vector<16xi32>,
    %and3A_2015 = arith.andi %gather3A_2010, %gather3A_2014 : vector<16xi32>
    %shift_right_logical3A_2016 = arith.constant 16 : i32
    %shift_right_logical3A_2017 = vector.broadcast %shift_right_logical3A_2016 : i32 to vector<16xi32>
    %shift_right_logical3A_2018 = arith.shrui %and3A_2015, %shift_right_logical3A_2017 : vector<16xi32>
    %and3A_2019 = arith.constant 65535 : i32
    %and3A_2020 = vector.broadcast %and3A_2019 : i32 to vector<16xi32>
    %and3A_2021 = arith.andi %and3A_2015, %and3A_2020 : vector<16xi32>
    %convert_element_type3A_2022 = arith.sitofp %shift_right_logical3A_2018 : vector<16xi32> to vector<16xf32>
    %bitcast_convert_type3A_2023 = tpu.bitcast %convert_element_type3A_2022 : vector<16xf32> -> vector<16xi32>
    %shift_right_logical3A_2024 = arith.constant 23 : i32
    %shift_right_logical3A_2025 = vector.broadcast %shift_right_logical3A_2024 : i32 to vector<16xi32>
    %shift_right_logical3A_2026 = arith.shrui %bitcast_convert_type3A_2023, %shift_right_logical3A_2025 : vector<16xi32>
    %sub3A_2027 = arith.constant 127 : i32
    %sub3A_2028 = vector.broadcast %sub3A_2027 : i32 to vector<16xi32>
    %sub3A_2029 = arith.subi %shift_right_logical3A_2026, %sub3A_2028 : vector<16xi32>
    %add3A_2030 = arith.constant 16 : i32
    %add3A_2031 = vector.broadcast %add3A_2030 : i32 to vector<16xi32>
    %add3A_2032 = arith.addi %sub3A_2029, %add3A_2031 : vector<16xi32>
    %convert_element_type3A_2033 = arith.sitofp %and3A_2021 : vector<16xi32> to vector<16xf32>
    %bitcast_convert_type3A_2034 = tpu.bitcast %convert_element_type3A_2033 : vector<16xf32> -> vector<16xi32>
    %shift_right_logical3A_2035 = arith.constant 23 : i32
    %shift_right_logical3A_2036 = vector.broadcast %shift_right_logical3A_2035 : i32 to vector<16xi32>
    %shift_right_logical3A_2037 = arith.shrui %bitcast_convert_type3A_2034, %shift_right_logical3A_2036 : vector<16xi32>
    %sub3A_2038 = arith.constant 127 : i32
    %sub3A_2039 = vector.broadcast %sub3A_2038 : i32 to vector<16xi32>
    %sub3A_2040 = arith.subi %shift_right_logical3A_2037, %sub3A_2039 : vector<16xi32>
    %gt3A_2041 = arith.constant 0 : i32
    %gt3A_2042 = vector.broadcast %gt3A_2041 : i32 to vector<16xi32>
    %gt3A_2043 = arith.cmpi sgt, %shift_right_logical3A_2018, %gt3A_2042 : vector<16xi32>
    %select_n3A_2044 = arith.select %gt3A_2043, %add3A_2032, %sub3A_2040 : vector<16xi1>, vector<16xi32>
    %ne3A_2045 = arith.constant 0 : i32
    %ne3A_2046 = vector.broadcast %ne3A_2045 : i32 to vector<16xi32>
    %ne3A_2047 = arith.cmpi ne, %and3A_2015, %ne3A_2046 : vector<16xi32>
    %add3A_2048 = arith.constant 96 : i32
    %add3A_2049 = vector.broadcast %add3A_2048 : i32 to vector<16xi32>
    %add3A_2050 = arith.addi %select_n3A_2044, %add3A_2049 : vector<16xi32>
    %jit3A_2051 = arith.constant -1 : i32
    %broadcast_in_dim3A_2052 = vector.broadcast %jit3A_2051 : i32 to vector<16xi32>
    %select_n3A_2053 = arith.select %ne3A_2047, %add3A_2050, %broadcast_in_dim3A_2052 : vector<16xi1>, vector<16xi32>
    %max3A_2054 = arith.maxsi %max3A_2006, %select_n3A_2053 : vector<16xi32>
    %add3A_2055 = arith.constant 4 : i32
    %add3A_2056 = vector.broadcast %add3A_2055 : i32 to vector<16xi32>
    %add3A_2057 = arith.addi %mul3A_1842, %add3A_2056 : vector<16xi32>
    %gather3A_2058 = tpu.vector_load_idx %arg8[%add3A_2057] : memref<16000xi32, #tpu.memory_space<vmem>>[vector<16xi32>], vector<16xi32>,
    %add3A_2059 = arith.constant 12 : i32
    %add3A_2060 = vector.broadcast %add3A_2059 : i32 to vector<16xi32>
    %add3A_2061 = arith.addi %mul3A_1847, %add3A_2060 : vector<16xi32>
    %gather3A_2062 = tpu.vector_load_idx %arg8[%add3A_2061] : memref<16000xi32, #tpu.memory_space<vmem>>[vector<16xi32>], vector<16xi32>,
    %and3A_2063 = arith.andi %gather3A_2058, %gather3A_2062 : vector<16xi32>
    %shift_right_logical3A_2064 = arith.constant 16 : i32
    %shift_right_logical3A_2065 = vector.broadcast %shift_right_logical3A_2064 : i32 to vector<16xi32>
    %shift_right_logical3A_2066 = arith.shrui %and3A_2063, %shift_right_logical3A_2065 : vector<16xi32>
    %and3A_2067 = arith.constant 65535 : i32
    %and3A_2068 = vector.broadcast %and3A_2067 : i32 to vector<16xi32>
    %and3A_2069 = arith.andi %and3A_2063, %and3A_2068 : vector<16xi32>
    %convert_element_type3A_2070 = arith.sitofp %shift_right_logical3A_2066 : vector<16xi32> to vector<16xf32>
    %bitcast_convert_type3A_2071 = tpu.bitcast %convert_element_type3A_2070 : vector<16xf32> -> vector<16xi32>
    %shift_right_logical3A_2072 = arith.constant 23 : i32
    %shift_right_logical3A_2073 = vector.broadcast %shift_right_logical3A_2072 : i32 to vector<16xi32>
    %shift_right_logical3A_2074 = arith.shrui %bitcast_convert_type3A_2071, %shift_right_logical3A_2073 : vector<16xi32>
    %sub3A_2075 = arith.constant 127 : i32
    %sub3A_2076 = vector.broadcast %sub3A_2075 : i32 to vector<16xi32>
    %sub3A_2077 = arith.subi %shift_right_logical3A_2074, %sub3A_2076 : vector<16xi32>
    %add3A_2078 = arith.constant 16 : i32
    %add3A_2079 = vector.broadcast %add3A_2078 : i32 to vector<16xi32>
    %add3A_2080 = arith.addi %sub3A_2077, %add3A_2079 : vector<16xi32>
    %convert_element_type3A_2081 = arith.sitofp %and3A_2069 : vector<16xi32> to vector<16xf32>
    %bitcast_convert_type3A_2082 = tpu.bitcast %convert_element_type3A_2081 : vector<16xf32> -> vector<16xi32>
    %shift_right_logical3A_2083 = arith.constant 23 : i32
    %shift_right_logical3A_2084 = vector.broadcast %shift_right_logical3A_2083 : i32 to vector<16xi32>
    %shift_right_logical3A_2085 = arith.shrui %bitcast_convert_type3A_2082, %shift_right_logical3A_2084 : vector<16xi32>
    %sub3A_2086 = arith.constant 127 : i32
    %sub3A_2087 = vector.broadcast %sub3A_2086 : i32 to vector<16xi32>
    %sub3A_2088 = arith.subi %shift_right_logical3A_2085, %sub3A_2087 : vector<16xi32>
    %gt3A_2089 = arith.constant 0 : i32
    %gt3A_2090 = vector.broadcast %gt3A_2089 : i32 to vector<16xi32>
    %gt3A_2091 = arith.cmpi sgt, %shift_right_logical3A_2066, %gt3A_2090 : vector<16xi32>
    %select_n3A_2092 = arith.select %gt3A_2091, %add3A_2080, %sub3A_2088 : vector<16xi1>, vector<16xi32>
    %ne3A_2093 = arith.constant 0 : i32
    %ne3A_2094 = vector.broadcast %ne3A_2093 : i32 to vector<16xi32>
    %ne3A_2095 = arith.cmpi ne, %and3A_2063, %ne3A_2094 : vector<16xi32>
    %add3A_2096 = arith.constant 128 : i32
    %add3A_2097 = vector.broadcast %add3A_2096 : i32 to vector<16xi32>
    %add3A_2098 = arith.addi %select_n3A_2092, %add3A_2097 : vector<16xi32>
    %jit3A_2099 = arith.constant -1 : i32
    %broadcast_in_dim3A_2100 = vector.broadcast %jit3A_2099 : i32 to vector<16xi32>
    %select_n3A_2101 = arith.select %ne3A_2095, %add3A_2098, %broadcast_in_dim3A_2100 : vector<16xi1>, vector<16xi32>
    %max3A_2102 = arith.maxsi %max3A_2054, %select_n3A_2101 : vector<16xi32>
    %add3A_2103 = arith.constant 5 : i32
    %add3A_2104 = vector.broadcast %add3A_2103 : i32 to vector<16xi32>
    %add3A_2105 = arith.addi %mul3A_1842, %add3A_2104 : vector<16xi32>
    %gather3A_2106 = tpu.vector_load_idx %arg8[%add3A_2105] : memref<16000xi32, #tpu.memory_space<vmem>>[vector<16xi32>], vector<16xi32>,
    %add3A_2107 = arith.constant 13 : i32
    %add3A_2108 = vector.broadcast %add3A_2107 : i32 to vector<16xi32>
    %add3A_2109 = arith.addi %mul3A_1847, %add3A_2108 : vector<16xi32>
    %gather3A_2110 = tpu.vector_load_idx %arg8[%add3A_2109] : memref<16000xi32, #tpu.memory_space<vmem>>[vector<16xi32>], vector<16xi32>,
    %and3A_2111 = arith.andi %gather3A_2106, %gather3A_2110 : vector<16xi32>
    %shift_right_logical3A_2112 = arith.constant 16 : i32
    %shift_right_logical3A_2113 = vector.broadcast %shift_right_logical3A_2112 : i32 to vector<16xi32>
    %shift_right_logical3A_2114 = arith.shrui %and3A_2111, %shift_right_logical3A_2113 : vector<16xi32>
    %and3A_2115 = arith.constant 65535 : i32
    %and3A_2116 = vector.broadcast %and3A_2115 : i32 to vector<16xi32>
    %and3A_2117 = arith.andi %and3A_2111, %and3A_2116 : vector<16xi32>
    %convert_element_type3A_2118 = arith.sitofp %shift_right_logical3A_2114 : vector<16xi32> to vector<16xf32>
    %bitcast_convert_type3A_2119 = tpu.bitcast %convert_element_type3A_2118 : vector<16xf32> -> vector<16xi32>
    %shift_right_logical3A_2120 = arith.constant 23 : i32
    %shift_right_logical3A_2121 = vector.broadcast %shift_right_logical3A_2120 : i32 to vector<16xi32>
    %shift_right_logical3A_2122 = arith.shrui %bitcast_convert_type3A_2119, %shift_right_logical3A_2121 : vector<16xi32>
    %sub3A_2123 = arith.constant 127 : i32
    %sub3A_2124 = vector.broadcast %sub3A_2123 : i32 to vector<16xi32>
    %sub3A_2125 = arith.subi %shift_right_logical3A_2122, %sub3A_2124 : vector<16xi32>
    %add3A_2126 = arith.constant 16 : i32
    %add3A_2127 = vector.broadcast %add3A_2126 : i32 to vector<16xi32>
    %add3A_2128 = arith.addi %sub3A_2125, %add3A_2127 : vector<16xi32>
    %convert_element_type3A_2129 = arith.sitofp %and3A_2117 : vector<16xi32> to vector<16xf32>
    %bitcast_convert_type3A_2130 = tpu.bitcast %convert_element_type3A_2129 : vector<16xf32> -> vector<16xi32>
    %shift_right_logical3A_2131 = arith.constant 23 : i32
    %shift_right_logical3A_2132 = vector.broadcast %shift_right_logical3A_2131 : i32 to vector<16xi32>
    %shift_right_logical3A_2133 = arith.shrui %bitcast_convert_type3A_2130, %shift_right_logical3A_2132 : vector<16xi32>
    %sub3A_2134 = arith.constant 127 : i32
    %sub3A_2135 = vector.broadcast %sub3A_2134 : i32 to vector<16xi32>
    %sub3A_2136 = arith.subi %shift_right_logical3A_2133, %sub3A_2135 : vector<16xi32>
    %gt3A_2137 = arith.constant 0 : i32
    %gt3A_2138 = vector.broadcast %gt3A_2137 : i32 to vector<16xi32>
    %gt3A_2139 = arith.cmpi sgt, %shift_right_logical3A_2114, %gt3A_2138 : vector<16xi32>
    %select_n3A_2140 = arith.select %gt3A_2139, %add3A_2128, %sub3A_2136 : vector<16xi1>, vector<16xi32>
    %ne3A_2141 = arith.constant 0 : i32
    %ne3A_2142 = vector.broadcast %ne3A_2141 : i32 to vector<16xi32>
    %ne3A_2143 = arith.cmpi ne, %and3A_2111, %ne3A_2142 : vector<16xi32>
    %add3A_2144 = arith.constant 160 : i32
    %add3A_2145 = vector.broadcast %add3A_2144 : i32 to vector<16xi32>
    %add3A_2146 = arith.addi %select_n3A_2140, %add3A_2145 : vector<16xi32>
    %jit3A_2147 = arith.constant -1 : i32
    %broadcast_in_dim3A_2148 = vector.broadcast %jit3A_2147 : i32 to vector<16xi32>
    %select_n3A_2149 = arith.select %ne3A_2143, %add3A_2146, %broadcast_in_dim3A_2148 : vector<16xi1>, vector<16xi32>
    %max3A_2150 = arith.maxsi %max3A_2102, %select_n3A_2149 : vector<16xi32>
    %add3A_2151 = arith.constant 6 : i32
    %add3A_2152 = vector.broadcast %add3A_2151 : i32 to vector<16xi32>
    %add3A_2153 = arith.addi %mul3A_1842, %add3A_2152 : vector<16xi32>
    %gather3A_2154 = tpu.vector_load_idx %arg8[%add3A_2153] : memref<16000xi32, #tpu.memory_space<vmem>>[vector<16xi32>], vector<16xi32>,
    %add3A_2155 = arith.constant 14 : i32
    %add3A_2156 = vector.broadcast %add3A_2155 : i32 to vector<16xi32>
    %add3A_2157 = arith.addi %mul3A_1847, %add3A_2156 : vector<16xi32>
    %gather3A_2158 = tpu.vector_load_idx %arg8[%add3A_2157] : memref<16000xi32, #tpu.memory_space<vmem>>[vector<16xi32>], vector<16xi32>,
    %and3A_2159 = arith.andi %gather3A_2154, %gather3A_2158 : vector<16xi32>
    %shift_right_logical3A_2160 = arith.constant 16 : i32
    %shift_right_logical3A_2161 = vector.broadcast %shift_right_logical3A_2160 : i32 to vector<16xi32>
    %shift_right_logical3A_2162 = arith.shrui %and3A_2159, %shift_right_logical3A_2161 : vector<16xi32>
    %and3A_2163 = arith.constant 65535 : i32
    %and3A_2164 = vector.broadcast %and3A_2163 : i32 to vector<16xi32>
    %and3A_2165 = arith.andi %and3A_2159, %and3A_2164 : vector<16xi32>
    %convert_element_type3A_2166 = arith.sitofp %shift_right_logical3A_2162 : vector<16xi32> to vector<16xf32>
    %bitcast_convert_type3A_2167 = tpu.bitcast %convert_element_type3A_2166 : vector<16xf32> -> vector<16xi32>
    %shift_right_logical3A_2168 = arith.constant 23 : i32
    %shift_right_logical3A_2169 = vector.broadcast %shift_right_logical3A_2168 : i32 to vector<16xi32>
    %shift_right_logical3A_2170 = arith.shrui %bitcast_convert_type3A_2167, %shift_right_logical3A_2169 : vector<16xi32>
    %sub3A_2171 = arith.constant 127 : i32
    %sub3A_2172 = vector.broadcast %sub3A_2171 : i32 to vector<16xi32>
    %sub3A_2173 = arith.subi %shift_right_logical3A_2170, %sub3A_2172 : vector<16xi32>
    %add3A_2174 = arith.constant 16 : i32
    %add3A_2175 = vector.broadcast %add3A_2174 : i32 to vector<16xi32>
    %add3A_2176 = arith.addi %sub3A_2173, %add3A_2175 : vector<16xi32>
    %convert_element_type3A_2177 = arith.sitofp %and3A_2165 : vector<16xi32> to vector<16xf32>
    %bitcast_convert_type3A_2178 = tpu.bitcast %convert_element_type3A_2177 : vector<16xf32> -> vector<16xi32>
    %shift_right_logical3A_2179 = arith.constant 23 : i32
    %shift_right_logical3A_2180 = vector.broadcast %shift_right_logical3A_2179 : i32 to vector<16xi32>
    %shift_right_logical3A_2181 = arith.shrui %bitcast_convert_type3A_2178, %shift_right_logical3A_2180 : vector<16xi32>
    %sub3A_2182 = arith.constant 127 : i32
    %sub3A_2183 = vector.broadcast %sub3A_2182 : i32 to vector<16xi32>
    %sub3A_2184 = arith.subi %shift_right_logical3A_2181, %sub3A_2183 : vector<16xi32>
    %gt3A_2185 = arith.constant 0 : i32
    %gt3A_2186 = vector.broadcast %gt3A_2185 : i32 to vector<16xi32>
    %gt3A_2187 = arith.cmpi sgt, %shift_right_logical3A_2162, %gt3A_2186 : vector<16xi32>
    %select_n3A_2188 = arith.select %gt3A_2187, %add3A_2176, %sub3A_2184 : vector<16xi1>, vector<16xi32>
    %ne3A_2189 = arith.constant 0 : i32
    %ne3A_2190 = vector.broadcast %ne3A_2189 : i32 to vector<16xi32>
    %ne3A_2191 = arith.cmpi ne, %and3A_2159, %ne3A_2190 : vector<16xi32>
    %add3A_2192 = arith.constant 192 : i32
    %add3A_2193 = vector.broadcast %add3A_2192 : i32 to vector<16xi32>
    %add3A_2194 = arith.addi %select_n3A_2188, %add3A_2193 : vector<16xi32>
    %jit3A_2195 = arith.constant -1 : i32
    %broadcast_in_dim3A_2196 = vector.broadcast %jit3A_2195 : i32 to vector<16xi32>
    %select_n3A_2197 = arith.select %ne3A_2191, %add3A_2194, %broadcast_in_dim3A_2196 : vector<16xi1>, vector<16xi32>
    %max3A_2198 = arith.maxsi %max3A_2150, %select_n3A_2197 : vector<16xi32>
    %eq3A_2199 = arith.cmpi eq, %mul3A_1842, %mul3A_1847 : vector<16xi32>
    %jit3A_2200 = arith.constant -1 : i32
    %broadcast_in_dim3A_2201 = vector.broadcast %jit3A_2200 : i32 to vector<16xi32>
    %select_n3A_2202 = arith.select %eq3A_2199, %broadcast_in_dim3A_2201, %max3A_2198 : vector<16xi1>, vector<16xi32>
    %swap3A_2203 = arith.constant 80 : index
    %swap3A_2204 = tpu.vector_load %arg10[%swap3A_2203] {strides = array<i32>} : memref<128xi32, #tpu.memory_space<vmem>>, vector<16xi32>,
    tpu.vector_store %arg10[%swap3A_2203], %select_n3A_2202 {strides = array<i32>} : memref<128xi32, #tpu.memory_space<vmem>>, vector<16xi32>,
    %get3A_2205 = arith.constant 96 : index
    %get3A_2206 = tpu.vector_load %arg6[%get3A_2205] {strides = array<i32>} : memref<128xi32, #tpu.memory_space<vmem>>, vector<16xi32>,
    %mul3A_2207 = arith.constant 16 : i32
    %mul3A_2208 = vector.broadcast %mul3A_2207 : i32 to vector<16xi32>
    %mul3A_2209 = arith.muli %get3A_2206, %mul3A_2208 : vector<16xi32>
    %get3A_2210 = arith.constant 96 : index
    %get3A_2211 = tpu.vector_load %arg7[%get3A_2210] {strides = array<i32>} : memref<128xi32, #tpu.memory_space<vmem>>, vector<16xi32>,
    %mul3A_2212 = arith.constant 16 : i32
    %mul3A_2213 = vector.broadcast %mul3A_2212 : i32 to vector<16xi32>
    %mul3A_2214 = arith.muli %get3A_2211, %mul3A_2213 : vector<16xi32>
    %add3A_2215 = arith.constant 7 : i32
    %add3A_2216 = vector.broadcast %add3A_2215 : i32 to vector<16xi32>
    %add3A_2217 = arith.addi %mul3A_2209, %add3A_2216 : vector<16xi32>
    %gather3A_2218 = tpu.vector_load_idx %arg8[%add3A_2217] : memref<16000xi32, #tpu.memory_space<vmem>>[vector<16xi32>], vector<16xi32>,
    %bitcast_convert_type3A_2219 = tpu.bitcast %gather3A_2218 : vector<16xi32> -> vector<16xf32>
    %add3A_2220 = arith.constant 7 : i32
    %add3A_2221 = vector.broadcast %add3A_2220 : i32 to vector<16xi32>
    %add3A_2222 = arith.addi %mul3A_2214, %add3A_2221 : vector<16xi32>
    %gather3A_2223 = tpu.vector_load_idx %arg8[%add3A_2222] : memref<16000xi32, #tpu.memory_space<vmem>>[vector<16xi32>], vector<16xi32>,
    %bitcast_convert_type3A_2224 = tpu.bitcast %gather3A_2223 : vector<16xi32> -> vector<16xf32>
    %mul3A_2225 = arith.mulf %bitcast_convert_type3A_2219, %bitcast_convert_type3A_2224 : vector<16xf32>
    %swap3A_2226 = arith.constant 96 : index
    %swap3A_2227 = tpu.vector_load %arg11[%swap3A_2226] {strides = array<i32>} : memref<128xf32, #tpu.memory_space<vmem>>, vector<16xf32>,
    tpu.vector_store %arg11[%swap3A_2226], %mul3A_2225 {strides = array<i32>} : memref<128xf32, #tpu.memory_space<vmem>>, vector<16xf32>,
    %broadcast_in_dim3A_2228 = arith.constant -1 : i32
    %broadcast_in_dim3A_2229 = vector.broadcast %broadcast_in_dim3A_2228 : i32 to vector<16xi32>
    %add3A_2230 = arith.constant 0 : i32
    %add3A_2231 = vector.broadcast %add3A_2230 : i32 to vector<16xi32>
    %add3A_2232 = arith.addi %mul3A_2209, %add3A_2231 : vector<16xi32>
    %gather3A_2233 = tpu.vector_load_idx %arg8[%add3A_2232] : memref<16000xi32, #tpu.memory_space<vmem>>[vector<16xi32>], vector<16xi32>,
    %add3A_2234 = arith.constant 8 : i32
    %add3A_2235 = vector.broadcast %add3A_2234 : i32 to vector<16xi32>
    %add3A_2236 = arith.addi %mul3A_2214, %add3A_2235 : vector<16xi32>
    %gather3A_2237 = tpu.vector_load_idx %arg8[%add3A_2236] : memref<16000xi32, #tpu.memory_space<vmem>>[vector<16xi32>], vector<16xi32>,
    %and3A_2238 = arith.andi %gather3A_2233, %gather3A_2237 : vector<16xi32>
    %shift_right_logical3A_2239 = arith.constant 16 : i32
    %shift_right_logical3A_2240 = vector.broadcast %shift_right_logical3A_2239 : i32 to vector<16xi32>
    %shift_right_logical3A_2241 = arith.shrui %and3A_2238, %shift_right_logical3A_2240 : vector<16xi32>
    %and3A_2242 = arith.constant 65535 : i32
    %and3A_2243 = vector.broadcast %and3A_2242 : i32 to vector<16xi32>
    %and3A_2244 = arith.andi %and3A_2238, %and3A_2243 : vector<16xi32>
    %convert_element_type3A_2245 = arith.sitofp %shift_right_logical3A_2241 : vector<16xi32> to vector<16xf32>
    %bitcast_convert_type3A_2246 = tpu.bitcast %convert_element_type3A_2245 : vector<16xf32> -> vector<16xi32>
    %shift_right_logical3A_2247 = arith.constant 23 : i32
    %shift_right_logical3A_2248 = vector.broadcast %shift_right_logical3A_2247 : i32 to vector<16xi32>
    %shift_right_logical3A_2249 = arith.shrui %bitcast_convert_type3A_2246, %shift_right_logical3A_2248 : vector<16xi32>
    %sub3A_2250 = arith.constant 127 : i32
    %sub3A_2251 = vector.broadcast %sub3A_2250 : i32 to vector<16xi32>
    %sub3A_2252 = arith.subi %shift_right_logical3A_2249, %sub3A_2251 : vector<16xi32>
    %add3A_2253 = arith.constant 16 : i32
    %add3A_2254 = vector.broadcast %add3A_2253 : i32 to vector<16xi32>
    %add3A_2255 = arith.addi %sub3A_2252, %add3A_2254 : vector<16xi32>
    %convert_element_type3A_2256 = arith.sitofp %and3A_2244 : vector<16xi32> to vector<16xf32>
    %bitcast_convert_type3A_2257 = tpu.bitcast %convert_element_type3A_2256 : vector<16xf32> -> vector<16xi32>
    %shift_right_logical3A_2258 = arith.constant 23 : i32
    %shift_right_logical3A_2259 = vector.broadcast %shift_right_logical3A_2258 : i32 to vector<16xi32>
    %shift_right_logical3A_2260 = arith.shrui %bitcast_convert_type3A_2257, %shift_right_logical3A_2259 : vector<16xi32>
    %sub3A_2261 = arith.constant 127 : i32
    %sub3A_2262 = vector.broadcast %sub3A_2261 : i32 to vector<16xi32>
    %sub3A_2263 = arith.subi %shift_right_logical3A_2260, %sub3A_2262 : vector<16xi32>
    %gt3A_2264 = arith.constant 0 : i32
    %gt3A_2265 = vector.broadcast %gt3A_2264 : i32 to vector<16xi32>
    %gt3A_2266 = arith.cmpi sgt, %shift_right_logical3A_2241, %gt3A_2265 : vector<16xi32>
    %select_n3A_2267 = arith.select %gt3A_2266, %add3A_2255, %sub3A_2263 : vector<16xi1>, vector<16xi32>
    %ne3A_2268 = arith.constant 0 : i32
    %ne3A_2269 = vector.broadcast %ne3A_2268 : i32 to vector<16xi32>
    %ne3A_2270 = arith.cmpi ne, %and3A_2238, %ne3A_2269 : vector<16xi32>
    %add3A_2271 = arith.constant 0 : i32
    %add3A_2272 = vector.broadcast %add3A_2271 : i32 to vector<16xi32>
    %add3A_2273 = arith.addi %select_n3A_2267, %add3A_2272 : vector<16xi32>
    %jit3A_2274 = arith.constant -1 : i32
    %broadcast_in_dim3A_2275 = vector.broadcast %jit3A_2274 : i32 to vector<16xi32>
    %select_n3A_2276 = arith.select %ne3A_2270, %add3A_2273, %broadcast_in_dim3A_2275 : vector<16xi1>, vector<16xi32>
    %max3A_2277 = arith.maxsi %broadcast_in_dim3A_2229, %select_n3A_2276 : vector<16xi32>
    %add3A_2278 = arith.constant 1 : i32
    %add3A_2279 = vector.broadcast %add3A_2278 : i32 to vector<16xi32>
    %add3A_2280 = arith.addi %mul3A_2209, %add3A_2279 : vector<16xi32>
    %gather3A_2281 = tpu.vector_load_idx %arg8[%add3A_2280] : memref<16000xi32, #tpu.memory_space<vmem>>[vector<16xi32>], vector<16xi32>,
    %add3A_2282 = arith.constant 9 : i32
    %add3A_2283 = vector.broadcast %add3A_2282 : i32 to vector<16xi32>
    %add3A_2284 = arith.addi %mul3A_2214, %add3A_2283 : vector<16xi32>
    %gather3A_2285 = tpu.vector_load_idx %arg8[%add3A_2284] : memref<16000xi32, #tpu.memory_space<vmem>>[vector<16xi32>], vector<16xi32>,
    %and3A_2286 = arith.andi %gather3A_2281, %gather3A_2285 : vector<16xi32>
    %shift_right_logical3A_2287 = arith.constant 16 : i32
    %shift_right_logical3A_2288 = vector.broadcast %shift_right_logical3A_2287 : i32 to vector<16xi32>
    %shift_right_logical3A_2289 = arith.shrui %and3A_2286, %shift_right_logical3A_2288 : vector<16xi32>
    %and3A_2290 = arith.constant 65535 : i32
    %and3A_2291 = vector.broadcast %and3A_2290 : i32 to vector<16xi32>
    %and3A_2292 = arith.andi %and3A_2286, %and3A_2291 : vector<16xi32>
    %convert_element_type3A_2293 = arith.sitofp %shift_right_logical3A_2289 : vector<16xi32> to vector<16xf32>
    %bitcast_convert_type3A_2294 = tpu.bitcast %convert_element_type3A_2293 : vector<16xf32> -> vector<16xi32>
    %shift_right_logical3A_2295 = arith.constant 23 : i32
    %shift_right_logical3A_2296 = vector.broadcast %shift_right_logical3A_2295 : i32 to vector<16xi32>
    %shift_right_logical3A_2297 = arith.shrui %bitcast_convert_type3A_2294, %shift_right_logical3A_2296 : vector<16xi32>
    %sub3A_2298 = arith.constant 127 : i32
    %sub3A_2299 = vector.broadcast %sub3A_2298 : i32 to vector<16xi32>
    %sub3A_2300 = arith.subi %shift_right_logical3A_2297, %sub3A_2299 : vector<16xi32>
    %add3A_2301 = arith.constant 16 : i32
    %add3A_2302 = vector.broadcast %add3A_2301 : i32 to vector<16xi32>
    %add3A_2303 = arith.addi %sub3A_2300, %add3A_2302 : vector<16xi32>
    %convert_element_type3A_2304 = arith.sitofp %and3A_2292 : vector<16xi32> to vector<16xf32>
    %bitcast_convert_type3A_2305 = tpu.bitcast %convert_element_type3A_2304 : vector<16xf32> -> vector<16xi32>
    %shift_right_logical3A_2306 = arith.constant 23 : i32
    %shift_right_logical3A_2307 = vector.broadcast %shift_right_logical3A_2306 : i32 to vector<16xi32>
    %shift_right_logical3A_2308 = arith.shrui %bitcast_convert_type3A_2305, %shift_right_logical3A_2307 : vector<16xi32>
    %sub3A_2309 = arith.constant 127 : i32
    %sub3A_2310 = vector.broadcast %sub3A_2309 : i32 to vector<16xi32>
    %sub3A_2311 = arith.subi %shift_right_logical3A_2308, %sub3A_2310 : vector<16xi32>
    %gt3A_2312 = arith.constant 0 : i32
    %gt3A_2313 = vector.broadcast %gt3A_2312 : i32 to vector<16xi32>
    %gt3A_2314 = arith.cmpi sgt, %shift_right_logical3A_2289, %gt3A_2313 : vector<16xi32>
    %select_n3A_2315 = arith.select %gt3A_2314, %add3A_2303, %sub3A_2311 : vector<16xi1>, vector<16xi32>
    %ne3A_2316 = arith.constant 0 : i32
    %ne3A_2317 = vector.broadcast %ne3A_2316 : i32 to vector<16xi32>
    %ne3A_2318 = arith.cmpi ne, %and3A_2286, %ne3A_2317 : vector<16xi32>
    %add3A_2319 = arith.constant 32 : i32
    %add3A_2320 = vector.broadcast %add3A_2319 : i32 to vector<16xi32>
    %add3A_2321 = arith.addi %select_n3A_2315, %add3A_2320 : vector<16xi32>
    %jit3A_2322 = arith.constant -1 : i32
    %broadcast_in_dim3A_2323 = vector.broadcast %jit3A_2322 : i32 to vector<16xi32>
    %select_n3A_2324 = arith.select %ne3A_2318, %add3A_2321, %broadcast_in_dim3A_2323 : vector<16xi1>, vector<16xi32>
    %max3A_2325 = arith.maxsi %max3A_2277, %select_n3A_2324 : vector<16xi32>
    %add3A_2326 = arith.constant 2 : i32
    %add3A_2327 = vector.broadcast %add3A_2326 : i32 to vector<16xi32>
    %add3A_2328 = arith.addi %mul3A_2209, %add3A_2327 : vector<16xi32>
    %gather3A_2329 = tpu.vector_load_idx %arg8[%add3A_2328] : memref<16000xi32, #tpu.memory_space<vmem>>[vector<16xi32>], vector<16xi32>,
    %add3A_2330 = arith.constant 10 : i32
    %add3A_2331 = vector.broadcast %add3A_2330 : i32 to vector<16xi32>
    %add3A_2332 = arith.addi %mul3A_2214, %add3A_2331 : vector<16xi32>
    %gather3A_2333 = tpu.vector_load_idx %arg8[%add3A_2332] : memref<16000xi32, #tpu.memory_space<vmem>>[vector<16xi32>], vector<16xi32>,
    %and3A_2334 = arith.andi %gather3A_2329, %gather3A_2333 : vector<16xi32>
    %shift_right_logical3A_2335 = arith.constant 16 : i32
    %shift_right_logical3A_2336 = vector.broadcast %shift_right_logical3A_2335 : i32 to vector<16xi32>
    %shift_right_logical3A_2337 = arith.shrui %and3A_2334, %shift_right_logical3A_2336 : vector<16xi32>
    %and3A_2338 = arith.constant 65535 : i32
    %and3A_2339 = vector.broadcast %and3A_2338 : i32 to vector<16xi32>
    %and3A_2340 = arith.andi %and3A_2334, %and3A_2339 : vector<16xi32>
    %convert_element_type3A_2341 = arith.sitofp %shift_right_logical3A_2337 : vector<16xi32> to vector<16xf32>
    %bitcast_convert_type3A_2342 = tpu.bitcast %convert_element_type3A_2341 : vector<16xf32> -> vector<16xi32>
    %shift_right_logical3A_2343 = arith.constant 23 : i32
    %shift_right_logical3A_2344 = vector.broadcast %shift_right_logical3A_2343 : i32 to vector<16xi32>
    %shift_right_logical3A_2345 = arith.shrui %bitcast_convert_type3A_2342, %shift_right_logical3A_2344 : vector<16xi32>
    %sub3A_2346 = arith.constant 127 : i32
    %sub3A_2347 = vector.broadcast %sub3A_2346 : i32 to vector<16xi32>
    %sub3A_2348 = arith.subi %shift_right_logical3A_2345, %sub3A_2347 : vector<16xi32>
    %add3A_2349 = arith.constant 16 : i32
    %add3A_2350 = vector.broadcast %add3A_2349 : i32 to vector<16xi32>
    %add3A_2351 = arith.addi %sub3A_2348, %add3A_2350 : vector<16xi32>
    %convert_element_type3A_2352 = arith.sitofp %and3A_2340 : vector<16xi32> to vector<16xf32>
    %bitcast_convert_type3A_2353 = tpu.bitcast %convert_element_type3A_2352 : vector<16xf32> -> vector<16xi32>
    %shift_right_logical3A_2354 = arith.constant 23 : i32
    %shift_right_logical3A_2355 = vector.broadcast %shift_right_logical3A_2354 : i32 to vector<16xi32>
    %shift_right_logical3A_2356 = arith.shrui %bitcast_convert_type3A_2353, %shift_right_logical3A_2355 : vector<16xi32>
    %sub3A_2357 = arith.constant 127 : i32
    %sub3A_2358 = vector.broadcast %sub3A_2357 : i32 to vector<16xi32>
    %sub3A_2359 = arith.subi %shift_right_logical3A_2356, %sub3A_2358 : vector<16xi32>
    %gt3A_2360 = arith.constant 0 : i32
    %gt3A_2361 = vector.broadcast %gt3A_2360 : i32 to vector<16xi32>
    %gt3A_2362 = arith.cmpi sgt, %shift_right_logical3A_2337, %gt3A_2361 : vector<16xi32>
    %select_n3A_2363 = arith.select %gt3A_2362, %add3A_2351, %sub3A_2359 : vector<16xi1>, vector<16xi32>
    %ne3A_2364 = arith.constant 0 : i32
    %ne3A_2365 = vector.broadcast %ne3A_2364 : i32 to vector<16xi32>
    %ne3A_2366 = arith.cmpi ne, %and3A_2334, %ne3A_2365 : vector<16xi32>
    %add3A_2367 = arith.constant 64 : i32
    %add3A_2368 = vector.broadcast %add3A_2367 : i32 to vector<16xi32>
    %add3A_2369 = arith.addi %select_n3A_2363, %add3A_2368 : vector<16xi32>
    %jit3A_2370 = arith.constant -1 : i32
    %broadcast_in_dim3A_2371 = vector.broadcast %jit3A_2370 : i32 to vector<16xi32>
    %select_n3A_2372 = arith.select %ne3A_2366, %add3A_2369, %broadcast_in_dim3A_2371 : vector<16xi1>, vector<16xi32>
    %max3A_2373 = arith.maxsi %max3A_2325, %select_n3A_2372 : vector<16xi32>
    %add3A_2374 = arith.constant 3 : i32
    %add3A_2375 = vector.broadcast %add3A_2374 : i32 to vector<16xi32>
    %add3A_2376 = arith.addi %mul3A_2209, %add3A_2375 : vector<16xi32>
    %gather3A_2377 = tpu.vector_load_idx %arg8[%add3A_2376] : memref<16000xi32, #tpu.memory_space<vmem>>[vector<16xi32>], vector<16xi32>,
    %add3A_2378 = arith.constant 11 : i32
    %add3A_2379 = vector.broadcast %add3A_2378 : i32 to vector<16xi32>
    %add3A_2380 = arith.addi %mul3A_2214, %add3A_2379 : vector<16xi32>
    %gather3A_2381 = tpu.vector_load_idx %arg8[%add3A_2380] : memref<16000xi32, #tpu.memory_space<vmem>>[vector<16xi32>], vector<16xi32>,
    %and3A_2382 = arith.andi %gather3A_2377, %gather3A_2381 : vector<16xi32>
    %shift_right_logical3A_2383 = arith.constant 16 : i32
    %shift_right_logical3A_2384 = vector.broadcast %shift_right_logical3A_2383 : i32 to vector<16xi32>
    %shift_right_logical3A_2385 = arith.shrui %and3A_2382, %shift_right_logical3A_2384 : vector<16xi32>
    %and3A_2386 = arith.constant 65535 : i32
    %and3A_2387 = vector.broadcast %and3A_2386 : i32 to vector<16xi32>
    %and3A_2388 = arith.andi %and3A_2382, %and3A_2387 : vector<16xi32>
    %convert_element_type3A_2389 = arith.sitofp %shift_right_logical3A_2385 : vector<16xi32> to vector<16xf32>
    %bitcast_convert_type3A_2390 = tpu.bitcast %convert_element_type3A_2389 : vector<16xf32> -> vector<16xi32>
    %shift_right_logical3A_2391 = arith.constant 23 : i32
    %shift_right_logical3A_2392 = vector.broadcast %shift_right_logical3A_2391 : i32 to vector<16xi32>
    %shift_right_logical3A_2393 = arith.shrui %bitcast_convert_type3A_2390, %shift_right_logical3A_2392 : vector<16xi32>
    %sub3A_2394 = arith.constant 127 : i32
    %sub3A_2395 = vector.broadcast %sub3A_2394 : i32 to vector<16xi32>
    %sub3A_2396 = arith.subi %shift_right_logical3A_2393, %sub3A_2395 : vector<16xi32>
    %add3A_2397 = arith.constant 16 : i32
    %add3A_2398 = vector.broadcast %add3A_2397 : i32 to vector<16xi32>
    %add3A_2399 = arith.addi %sub3A_2396, %add3A_2398 : vector<16xi32>
    %convert_element_type3A_2400 = arith.sitofp %and3A_2388 : vector<16xi32> to vector<16xf32>
    %bitcast_convert_type3A_2401 = tpu.bitcast %convert_element_type3A_2400 : vector<16xf32> -> vector<16xi32>
    %shift_right_logical3A_2402 = arith.constant 23 : i32
    %shift_right_logical3A_2403 = vector.broadcast %shift_right_logical3A_2402 : i32 to vector<16xi32>
    %shift_right_logical3A_2404 = arith.shrui %bitcast_convert_type3A_2401, %shift_right_logical3A_2403 : vector<16xi32>
    %sub3A_2405 = arith.constant 127 : i32
    %sub3A_2406 = vector.broadcast %sub3A_2405 : i32 to vector<16xi32>
    %sub3A_2407 = arith.subi %shift_right_logical3A_2404, %sub3A_2406 : vector<16xi32>
    %gt3A_2408 = arith.constant 0 : i32
    %gt3A_2409 = vector.broadcast %gt3A_2408 : i32 to vector<16xi32>
    %gt3A_2410 = arith.cmpi sgt, %shift_right_logical3A_2385, %gt3A_2409 : vector<16xi32>
    %select_n3A_2411 = arith.select %gt3A_2410, %add3A_2399, %sub3A_2407 : vector<16xi1>, vector<16xi32>
    %ne3A_2412 = arith.constant 0 : i32
    %ne3A_2413 = vector.broadcast %ne3A_2412 : i32 to vector<16xi32>
    %ne3A_2414 = arith.cmpi ne, %and3A_2382, %ne3A_2413 : vector<16xi32>
    %add3A_2415 = arith.constant 96 : i32
    %add3A_2416 = vector.broadcast %add3A_2415 : i32 to vector<16xi32>
    %add3A_2417 = arith.addi %select_n3A_2411, %add3A_2416 : vector<16xi32>
    %jit3A_2418 = arith.constant -1 : i32
    %broadcast_in_dim3A_2419 = vector.broadcast %jit3A_2418 : i32 to vector<16xi32>
    %select_n3A_2420 = arith.select %ne3A_2414, %add3A_2417, %broadcast_in_dim3A_2419 : vector<16xi1>, vector<16xi32>
    %max3A_2421 = arith.maxsi %max3A_2373, %select_n3A_2420 : vector<16xi32>
    %add3A_2422 = arith.constant 4 : i32
    %add3A_2423 = vector.broadcast %add3A_2422 : i32 to vector<16xi32>
    %add3A_2424 = arith.addi %mul3A_2209, %add3A_2423 : vector<16xi32>
    %gather3A_2425 = tpu.vector_load_idx %arg8[%add3A_2424] : memref<16000xi32, #tpu.memory_space<vmem>>[vector<16xi32>], vector<16xi32>,
    %add3A_2426 = arith.constant 12 : i32
    %add3A_2427 = vector.broadcast %add3A_2426 : i32 to vector<16xi32>
    %add3A_2428 = arith.addi %mul3A_2214, %add3A_2427 : vector<16xi32>
    %gather3A_2429 = tpu.vector_load_idx %arg8[%add3A_2428] : memref<16000xi32, #tpu.memory_space<vmem>>[vector<16xi32>], vector<16xi32>,
    %and3A_2430 = arith.andi %gather3A_2425, %gather3A_2429 : vector<16xi32>
    %shift_right_logical3A_2431 = arith.constant 16 : i32
    %shift_right_logical3A_2432 = vector.broadcast %shift_right_logical3A_2431 : i32 to vector<16xi32>
    %shift_right_logical3A_2433 = arith.shrui %and3A_2430, %shift_right_logical3A_2432 : vector<16xi32>
    %and3A_2434 = arith.constant 65535 : i32
    %and3A_2435 = vector.broadcast %and3A_2434 : i32 to vector<16xi32>
    %and3A_2436 = arith.andi %and3A_2430, %and3A_2435 : vector<16xi32>
    %convert_element_type3A_2437 = arith.sitofp %shift_right_logical3A_2433 : vector<16xi32> to vector<16xf32>
    %bitcast_convert_type3A_2438 = tpu.bitcast %convert_element_type3A_2437 : vector<16xf32> -> vector<16xi32>
    %shift_right_logical3A_2439 = arith.constant 23 : i32
    %shift_right_logical3A_2440 = vector.broadcast %shift_right_logical3A_2439 : i32 to vector<16xi32>
    %shift_right_logical3A_2441 = arith.shrui %bitcast_convert_type3A_2438, %shift_right_logical3A_2440 : vector<16xi32>
    %sub3A_2442 = arith.constant 127 : i32
    %sub3A_2443 = vector.broadcast %sub3A_2442 : i32 to vector<16xi32>
    %sub3A_2444 = arith.subi %shift_right_logical3A_2441, %sub3A_2443 : vector<16xi32>
    %add3A_2445 = arith.constant 16 : i32
    %add3A_2446 = vector.broadcast %add3A_2445 : i32 to vector<16xi32>
    %add3A_2447 = arith.addi %sub3A_2444, %add3A_2446 : vector<16xi32>
    %convert_element_type3A_2448 = arith.sitofp %and3A_2436 : vector<16xi32> to vector<16xf32>
    %bitcast_convert_type3A_2449 = tpu.bitcast %convert_element_type3A_2448 : vector<16xf32> -> vector<16xi32>
    %shift_right_logical3A_2450 = arith.constant 23 : i32
    %shift_right_logical3A_2451 = vector.broadcast %shift_right_logical3A_2450 : i32 to vector<16xi32>
    %shift_right_logical3A_2452 = arith.shrui %bitcast_convert_type3A_2449, %shift_right_logical3A_2451 : vector<16xi32>
    %sub3A_2453 = arith.constant 127 : i32
    %sub3A_2454 = vector.broadcast %sub3A_2453 : i32 to vector<16xi32>
    %sub3A_2455 = arith.subi %shift_right_logical3A_2452, %sub3A_2454 : vector<16xi32>
    %gt3A_2456 = arith.constant 0 : i32
    %gt3A_2457 = vector.broadcast %gt3A_2456 : i32 to vector<16xi32>
    %gt3A_2458 = arith.cmpi sgt, %shift_right_logical3A_2433, %gt3A_2457 : vector<16xi32>
    %select_n3A_2459 = arith.select %gt3A_2458, %add3A_2447, %sub3A_2455 : vector<16xi1>, vector<16xi32>
    %ne3A_2460 = arith.constant 0 : i32
    %ne3A_2461 = vector.broadcast %ne3A_2460 : i32 to vector<16xi32>
    %ne3A_2462 = arith.cmpi ne, %and3A_2430, %ne3A_2461 : vector<16xi32>
    %add3A_2463 = arith.constant 128 : i32
    %add3A_2464 = vector.broadcast %add3A_2463 : i32 to vector<16xi32>
    %add3A_2465 = arith.addi %select_n3A_2459, %add3A_2464 : vector<16xi32>
    %jit3A_2466 = arith.constant -1 : i32
    %broadcast_in_dim3A_2467 = vector.broadcast %jit3A_2466 : i32 to vector<16xi32>
    %select_n3A_2468 = arith.select %ne3A_2462, %add3A_2465, %broadcast_in_dim3A_2467 : vector<16xi1>, vector<16xi32>
    %max3A_2469 = arith.maxsi %max3A_2421, %select_n3A_2468 : vector<16xi32>
    %add3A_2470 = arith.constant 5 : i32
    %add3A_2471 = vector.broadcast %add3A_2470 : i32 to vector<16xi32>
    %add3A_2472 = arith.addi %mul3A_2209, %add3A_2471 : vector<16xi32>
    %gather3A_2473 = tpu.vector_load_idx %arg8[%add3A_2472] : memref<16000xi32, #tpu.memory_space<vmem>>[vector<16xi32>], vector<16xi32>,
    %add3A_2474 = arith.constant 13 : i32
    %add3A_2475 = vector.broadcast %add3A_2474 : i32 to vector<16xi32>
    %add3A_2476 = arith.addi %mul3A_2214, %add3A_2475 : vector<16xi32>
    %gather3A_2477 = tpu.vector_load_idx %arg8[%add3A_2476] : memref<16000xi32, #tpu.memory_space<vmem>>[vector<16xi32>], vector<16xi32>,
    %and3A_2478 = arith.andi %gather3A_2473, %gather3A_2477 : vector<16xi32>
    %shift_right_logical3A_2479 = arith.constant 16 : i32
    %shift_right_logical3A_2480 = vector.broadcast %shift_right_logical3A_2479 : i32 to vector<16xi32>
    %shift_right_logical3A_2481 = arith.shrui %and3A_2478, %shift_right_logical3A_2480 : vector<16xi32>
    %and3A_2482 = arith.constant 65535 : i32
    %and3A_2483 = vector.broadcast %and3A_2482 : i32 to vector<16xi32>
    %and3A_2484 = arith.andi %and3A_2478, %and3A_2483 : vector<16xi32>
    %convert_element_type3A_2485 = arith.sitofp %shift_right_logical3A_2481 : vector<16xi32> to vector<16xf32>
    %bitcast_convert_type3A_2486 = tpu.bitcast %convert_element_type3A_2485 : vector<16xf32> -> vector<16xi32>
    %shift_right_logical3A_2487 = arith.constant 23 : i32
    %shift_right_logical3A_2488 = vector.broadcast %shift_right_logical3A_2487 : i32 to vector<16xi32>
    %shift_right_logical3A_2489 = arith.shrui %bitcast_convert_type3A_2486, %shift_right_logical3A_2488 : vector<16xi32>
    %sub3A_2490 = arith.constant 127 : i32
    %sub3A_2491 = vector.broadcast %sub3A_2490 : i32 to vector<16xi32>
    %sub3A_2492 = arith.subi %shift_right_logical3A_2489, %sub3A_2491 : vector<16xi32>
    %add3A_2493 = arith.constant 16 : i32
    %add3A_2494 = vector.broadcast %add3A_2493 : i32 to vector<16xi32>
    %add3A_2495 = arith.addi %sub3A_2492, %add3A_2494 : vector<16xi32>
    %convert_element_type3A_2496 = arith.sitofp %and3A_2484 : vector<16xi32> to vector<16xf32>
    %bitcast_convert_type3A_2497 = tpu.bitcast %convert_element_type3A_2496 : vector<16xf32> -> vector<16xi32>
    %shift_right_logical3A_2498 = arith.constant 23 : i32
    %shift_right_logical3A_2499 = vector.broadcast %shift_right_logical3A_2498 : i32 to vector<16xi32>
    %shift_right_logical3A_2500 = arith.shrui %bitcast_convert_type3A_2497, %shift_right_logical3A_2499 : vector<16xi32>
    %sub3A_2501 = arith.constant 127 : i32
    %sub3A_2502 = vector.broadcast %sub3A_2501 : i32 to vector<16xi32>
    %sub3A_2503 = arith.subi %shift_right_logical3A_2500, %sub3A_2502 : vector<16xi32>
    %gt3A_2504 = arith.constant 0 : i32
    %gt3A_2505 = vector.broadcast %gt3A_2504 : i32 to vector<16xi32>
    %gt3A_2506 = arith.cmpi sgt, %shift_right_logical3A_2481, %gt3A_2505 : vector<16xi32>
    %select_n3A_2507 = arith.select %gt3A_2506, %add3A_2495, %sub3A_2503 : vector<16xi1>, vector<16xi32>
    %ne3A_2508 = arith.constant 0 : i32
    %ne3A_2509 = vector.broadcast %ne3A_2508 : i32 to vector<16xi32>
    %ne3A_2510 = arith.cmpi ne, %and3A_2478, %ne3A_2509 : vector<16xi32>
    %add3A_2511 = arith.constant 160 : i32
    %add3A_2512 = vector.broadcast %add3A_2511 : i32 to vector<16xi32>
    %add3A_2513 = arith.addi %select_n3A_2507, %add3A_2512 : vector<16xi32>
    %jit3A_2514 = arith.constant -1 : i32
    %broadcast_in_dim3A_2515 = vector.broadcast %jit3A_2514 : i32 to vector<16xi32>
    %select_n3A_2516 = arith.select %ne3A_2510, %add3A_2513, %broadcast_in_dim3A_2515 : vector<16xi1>, vector<16xi32>
    %max3A_2517 = arith.maxsi %max3A_2469, %select_n3A_2516 : vector<16xi32>
    %add3A_2518 = arith.constant 6 : i32
    %add3A_2519 = vector.broadcast %add3A_2518 : i32 to vector<16xi32>
    %add3A_2520 = arith.addi %mul3A_2209, %add3A_2519 : vector<16xi32>
    %gather3A_2521 = tpu.vector_load_idx %arg8[%add3A_2520] : memref<16000xi32, #tpu.memory_space<vmem>>[vector<16xi32>], vector<16xi32>,
    %add3A_2522 = arith.constant 14 : i32
    %add3A_2523 = vector.broadcast %add3A_2522 : i32 to vector<16xi32>
    %add3A_2524 = arith.addi %mul3A_2214, %add3A_2523 : vector<16xi32>
    %gather3A_2525 = tpu.vector_load_idx %arg8[%add3A_2524] : memref<16000xi32, #tpu.memory_space<vmem>>[vector<16xi32>], vector<16xi32>,
    %and3A_2526 = arith.andi %gather3A_2521, %gather3A_2525 : vector<16xi32>
    %shift_right_logical3A_2527 = arith.constant 16 : i32
    %shift_right_logical3A_2528 = vector.broadcast %shift_right_logical3A_2527 : i32 to vector<16xi32>
    %shift_right_logical3A_2529 = arith.shrui %and3A_2526, %shift_right_logical3A_2528 : vector<16xi32>
    %and3A_2530 = arith.constant 65535 : i32
    %and3A_2531 = vector.broadcast %and3A_2530 : i32 to vector<16xi32>
    %and3A_2532 = arith.andi %and3A_2526, %and3A_2531 : vector<16xi32>
    %convert_element_type3A_2533 = arith.sitofp %shift_right_logical3A_2529 : vector<16xi32> to vector<16xf32>
    %bitcast_convert_type3A_2534 = tpu.bitcast %convert_element_type3A_2533 : vector<16xf32> -> vector<16xi32>
    %shift_right_logical3A_2535 = arith.constant 23 : i32
    %shift_right_logical3A_2536 = vector.broadcast %shift_right_logical3A_2535 : i32 to vector<16xi32>
    %shift_right_logical3A_2537 = arith.shrui %bitcast_convert_type3A_2534, %shift_right_logical3A_2536 : vector<16xi32>
    %sub3A_2538 = arith.constant 127 : i32
    %sub3A_2539 = vector.broadcast %sub3A_2538 : i32 to vector<16xi32>
    %sub3A_2540 = arith.subi %shift_right_logical3A_2537, %sub3A_2539 : vector<16xi32>
    %add3A_2541 = arith.constant 16 : i32
    %add3A_2542 = vector.broadcast %add3A_2541 : i32 to vector<16xi32>
    %add3A_2543 = arith.addi %sub3A_2540, %add3A_2542 : vector<16xi32>
    %convert_element_type3A_2544 = arith.sitofp %and3A_2532 : vector<16xi32> to vector<16xf32>
    %bitcast_convert_type3A_2545 = tpu.bitcast %convert_element_type3A_2544 : vector<16xf32> -> vector<16xi32>
    %shift_right_logical3A_2546 = arith.constant 23 : i32
    %shift_right_logical3A_2547 = vector.broadcast %shift_right_logical3A_2546 : i32 to vector<16xi32>
    %shift_right_logical3A_2548 = arith.shrui %bitcast_convert_type3A_2545, %shift_right_logical3A_2547 : vector<16xi32>
    %sub3A_2549 = arith.constant 127 : i32
    %sub3A_2550 = vector.broadcast %sub3A_2549 : i32 to vector<16xi32>
    %sub3A_2551 = arith.subi %shift_right_logical3A_2548, %sub3A_2550 : vector<16xi32>
    %gt3A_2552 = arith.constant 0 : i32
    %gt3A_2553 = vector.broadcast %gt3A_2552 : i32 to vector<16xi32>
    %gt3A_2554 = arith.cmpi sgt, %shift_right_logical3A_2529, %gt3A_2553 : vector<16xi32>
    %select_n3A_2555 = arith.select %gt3A_2554, %add3A_2543, %sub3A_2551 : vector<16xi1>, vector<16xi32>
    %ne3A_2556 = arith.constant 0 : i32
    %ne3A_2557 = vector.broadcast %ne3A_2556 : i32 to vector<16xi32>
    %ne3A_2558 = arith.cmpi ne, %and3A_2526, %ne3A_2557 : vector<16xi32>
    %add3A_2559 = arith.constant 192 : i32
    %add3A_2560 = vector.broadcast %add3A_2559 : i32 to vector<16xi32>
    %add3A_2561 = arith.addi %select_n3A_2555, %add3A_2560 : vector<16xi32>
    %jit3A_2562 = arith.constant -1 : i32
    %broadcast_in_dim3A_2563 = vector.broadcast %jit3A_2562 : i32 to vector<16xi32>
    %select_n3A_2564 = arith.select %ne3A_2558, %add3A_2561, %broadcast_in_dim3A_2563 : vector<16xi1>, vector<16xi32>
    %max3A_2565 = arith.maxsi %max3A_2517, %select_n3A_2564 : vector<16xi32>
    %eq3A_2566 = arith.cmpi eq, %mul3A_2209, %mul3A_2214 : vector<16xi32>
    %jit3A_2567 = arith.constant -1 : i32
    %broadcast_in_dim3A_2568 = vector.broadcast %jit3A_2567 : i32 to vector<16xi32>
    %select_n3A_2569 = arith.select %eq3A_2566, %broadcast_in_dim3A_2568, %max3A_2565 : vector<16xi1>, vector<16xi32>
    %swap3A_2570 = arith.constant 96 : index
    %swap3A_2571 = tpu.vector_load %arg10[%swap3A_2570] {strides = array<i32>} : memref<128xi32, #tpu.memory_space<vmem>>, vector<16xi32>,
    tpu.vector_store %arg10[%swap3A_2570], %select_n3A_2569 {strides = array<i32>} : memref<128xi32, #tpu.memory_space<vmem>>, vector<16xi32>,
    %get3A_2572 = arith.constant 112 : index
    %get3A_2573 = tpu.vector_load %arg6[%get3A_2572] {strides = array<i32>} : memref<128xi32, #tpu.memory_space<vmem>>, vector<16xi32>,
    %mul3A_2574 = arith.constant 16 : i32
    %mul3A_2575 = vector.broadcast %mul3A_2574 : i32 to vector<16xi32>
    %mul3A_2576 = arith.muli %get3A_2573, %mul3A_2575 : vector<16xi32>
    %get3A_2577 = arith.constant 112 : index
    %get3A_2578 = tpu.vector_load %arg7[%get3A_2577] {strides = array<i32>} : memref<128xi32, #tpu.memory_space<vmem>>, vector<16xi32>,
    %mul3A_2579 = arith.constant 16 : i32
    %mul3A_2580 = vector.broadcast %mul3A_2579 : i32 to vector<16xi32>
    %mul3A_2581 = arith.muli %get3A_2578, %mul3A_2580 : vector<16xi32>
    %add3A_2582 = arith.constant 7 : i32
    %add3A_2583 = vector.broadcast %add3A_2582 : i32 to vector<16xi32>
    %add3A_2584 = arith.addi %mul3A_2576, %add3A_2583 : vector<16xi32>
    %gather3A_2585 = tpu.vector_load_idx %arg8[%add3A_2584] : memref<16000xi32, #tpu.memory_space<vmem>>[vector<16xi32>], vector<16xi32>,
    %bitcast_convert_type3A_2586 = tpu.bitcast %gather3A_2585 : vector<16xi32> -> vector<16xf32>
    %add3A_2587 = arith.constant 7 : i32
    %add3A_2588 = vector.broadcast %add3A_2587 : i32 to vector<16xi32>
    %add3A_2589 = arith.addi %mul3A_2581, %add3A_2588 : vector<16xi32>
    %gather3A_2590 = tpu.vector_load_idx %arg8[%add3A_2589] : memref<16000xi32, #tpu.memory_space<vmem>>[vector<16xi32>], vector<16xi32>,
    %bitcast_convert_type3A_2591 = tpu.bitcast %gather3A_2590 : vector<16xi32> -> vector<16xf32>
    %mul3A_2592 = arith.mulf %bitcast_convert_type3A_2586, %bitcast_convert_type3A_2591 : vector<16xf32>
    %swap3A_2593 = arith.constant 112 : index
    %swap3A_2594 = tpu.vector_load %arg11[%swap3A_2593] {strides = array<i32>} : memref<128xf32, #tpu.memory_space<vmem>>, vector<16xf32>,
    tpu.vector_store %arg11[%swap3A_2593], %mul3A_2592 {strides = array<i32>} : memref<128xf32, #tpu.memory_space<vmem>>, vector<16xf32>,
    %broadcast_in_dim3A_2595 = arith.constant -1 : i32
    %broadcast_in_dim3A_2596 = vector.broadcast %broadcast_in_dim3A_2595 : i32 to vector<16xi32>
    %add3A_2597 = arith.constant 0 : i32
    %add3A_2598 = vector.broadcast %add3A_2597 : i32 to vector<16xi32>
    %add3A_2599 = arith.addi %mul3A_2576, %add3A_2598 : vector<16xi32>
    %gather3A_2600 = tpu.vector_load_idx %arg8[%add3A_2599] : memref<16000xi32, #tpu.memory_space<vmem>>[vector<16xi32>], vector<16xi32>,
    %add3A_2601 = arith.constant 8 : i32
    %add3A_2602 = vector.broadcast %add3A_2601 : i32 to vector<16xi32>
    %add3A_2603 = arith.addi %mul3A_2581, %add3A_2602 : vector<16xi32>
    %gather3A_2604 = tpu.vector_load_idx %arg8[%add3A_2603] : memref<16000xi32, #tpu.memory_space<vmem>>[vector<16xi32>], vector<16xi32>,
    %and3A_2605 = arith.andi %gather3A_2600, %gather3A_2604 : vector<16xi32>
    %shift_right_logical3A_2606 = arith.constant 16 : i32
    %shift_right_logical3A_2607 = vector.broadcast %shift_right_logical3A_2606 : i32 to vector<16xi32>
    %shift_right_logical3A_2608 = arith.shrui %and3A_2605, %shift_right_logical3A_2607 : vector<16xi32>
    %and3A_2609 = arith.constant 65535 : i32
    %and3A_2610 = vector.broadcast %and3A_2609 : i32 to vector<16xi32>
    %and3A_2611 = arith.andi %and3A_2605, %and3A_2610 : vector<16xi32>
    %convert_element_type3A_2612 = arith.sitofp %shift_right_logical3A_2608 : vector<16xi32> to vector<16xf32>
    %bitcast_convert_type3A_2613 = tpu.bitcast %convert_element_type3A_2612 : vector<16xf32> -> vector<16xi32>
    %shift_right_logical3A_2614 = arith.constant 23 : i32
    %shift_right_logical3A_2615 = vector.broadcast %shift_right_logical3A_2614 : i32 to vector<16xi32>
    %shift_right_logical3A_2616 = arith.shrui %bitcast_convert_type3A_2613, %shift_right_logical3A_2615 : vector<16xi32>
    %sub3A_2617 = arith.constant 127 : i32
    %sub3A_2618 = vector.broadcast %sub3A_2617 : i32 to vector<16xi32>
    %sub3A_2619 = arith.subi %shift_right_logical3A_2616, %sub3A_2618 : vector<16xi32>
    %add3A_2620 = arith.constant 16 : i32
    %add3A_2621 = vector.broadcast %add3A_2620 : i32 to vector<16xi32>
    %add3A_2622 = arith.addi %sub3A_2619, %add3A_2621 : vector<16xi32>
    %convert_element_type3A_2623 = arith.sitofp %and3A_2611 : vector<16xi32> to vector<16xf32>
    %bitcast_convert_type3A_2624 = tpu.bitcast %convert_element_type3A_2623 : vector<16xf32> -> vector<16xi32>
    %shift_right_logical3A_2625 = arith.constant 23 : i32
    %shift_right_logical3A_2626 = vector.broadcast %shift_right_logical3A_2625 : i32 to vector<16xi32>
    %shift_right_logical3A_2627 = arith.shrui %bitcast_convert_type3A_2624, %shift_right_logical3A_2626 : vector<16xi32>
    %sub3A_2628 = arith.constant 127 : i32
    %sub3A_2629 = vector.broadcast %sub3A_2628 : i32 to vector<16xi32>
    %sub3A_2630 = arith.subi %shift_right_logical3A_2627, %sub3A_2629 : vector<16xi32>
    %gt3A_2631 = arith.constant 0 : i32
    %gt3A_2632 = vector.broadcast %gt3A_2631 : i32 to vector<16xi32>
    %gt3A_2633 = arith.cmpi sgt, %shift_right_logical3A_2608, %gt3A_2632 : vector<16xi32>
    %select_n3A_2634 = arith.select %gt3A_2633, %add3A_2622, %sub3A_2630 : vector<16xi1>, vector<16xi32>
    %ne3A_2635 = arith.constant 0 : i32
    %ne3A_2636 = vector.broadcast %ne3A_2635 : i32 to vector<16xi32>
    %ne3A_2637 = arith.cmpi ne, %and3A_2605, %ne3A_2636 : vector<16xi32>
    %add3A_2638 = arith.constant 0 : i32
    %add3A_2639 = vector.broadcast %add3A_2638 : i32 to vector<16xi32>
    %add3A_2640 = arith.addi %select_n3A_2634, %add3A_2639 : vector<16xi32>
    %jit3A_2641 = arith.constant -1 : i32
    %broadcast_in_dim3A_2642 = vector.broadcast %jit3A_2641 : i32 to vector<16xi32>
    %select_n3A_2643 = arith.select %ne3A_2637, %add3A_2640, %broadcast_in_dim3A_2642 : vector<16xi1>, vector<16xi32>
    %max3A_2644 = arith.maxsi %broadcast_in_dim3A_2596, %select_n3A_2643 : vector<16xi32>
    %add3A_2645 = arith.constant 1 : i32
    %add3A_2646 = vector.broadcast %add3A_2645 : i32 to vector<16xi32>
    %add3A_2647 = arith.addi %mul3A_2576, %add3A_2646 : vector<16xi32>
    %gather3A_2648 = tpu.vector_load_idx %arg8[%add3A_2647] : memref<16000xi32, #tpu.memory_space<vmem>>[vector<16xi32>], vector<16xi32>,
    %add3A_2649 = arith.constant 9 : i32
    %add3A_2650 = vector.broadcast %add3A_2649 : i32 to vector<16xi32>
    %add3A_2651 = arith.addi %mul3A_2581, %add3A_2650 : vector<16xi32>
    %gather3A_2652 = tpu.vector_load_idx %arg8[%add3A_2651] : memref<16000xi32, #tpu.memory_space<vmem>>[vector<16xi32>], vector<16xi32>,
    %and3A_2653 = arith.andi %gather3A_2648, %gather3A_2652 : vector<16xi32>
    %shift_right_logical3A_2654 = arith.constant 16 : i32
    %shift_right_logical3A_2655 = vector.broadcast %shift_right_logical3A_2654 : i32 to vector<16xi32>
    %shift_right_logical3A_2656 = arith.shrui %and3A_2653, %shift_right_logical3A_2655 : vector<16xi32>
    %and3A_2657 = arith.constant 65535 : i32
    %and3A_2658 = vector.broadcast %and3A_2657 : i32 to vector<16xi32>
    %and3A_2659 = arith.andi %and3A_2653, %and3A_2658 : vector<16xi32>
    %convert_element_type3A_2660 = arith.sitofp %shift_right_logical3A_2656 : vector<16xi32> to vector<16xf32>
    %bitcast_convert_type3A_2661 = tpu.bitcast %convert_element_type3A_2660 : vector<16xf32> -> vector<16xi32>
    %shift_right_logical3A_2662 = arith.constant 23 : i32
    %shift_right_logical3A_2663 = vector.broadcast %shift_right_logical3A_2662 : i32 to vector<16xi32>
    %shift_right_logical3A_2664 = arith.shrui %bitcast_convert_type3A_2661, %shift_right_logical3A_2663 : vector<16xi32>
    %sub3A_2665 = arith.constant 127 : i32
    %sub3A_2666 = vector.broadcast %sub3A_2665 : i32 to vector<16xi32>
    %sub3A_2667 = arith.subi %shift_right_logical3A_2664, %sub3A_2666 : vector<16xi32>
    %add3A_2668 = arith.constant 16 : i32
    %add3A_2669 = vector.broadcast %add3A_2668 : i32 to vector<16xi32>
    %add3A_2670 = arith.addi %sub3A_2667, %add3A_2669 : vector<16xi32>
    %convert_element_type3A_2671 = arith.sitofp %and3A_2659 : vector<16xi32> to vector<16xf32>
    %bitcast_convert_type3A_2672 = tpu.bitcast %convert_element_type3A_2671 : vector<16xf32> -> vector<16xi32>
    %shift_right_logical3A_2673 = arith.constant 23 : i32
    %shift_right_logical3A_2674 = vector.broadcast %shift_right_logical3A_2673 : i32 to vector<16xi32>
    %shift_right_logical3A_2675 = arith.shrui %bitcast_convert_type3A_2672, %shift_right_logical3A_2674 : vector<16xi32>
    %sub3A_2676 = arith.constant 127 : i32
    %sub3A_2677 = vector.broadcast %sub3A_2676 : i32 to vector<16xi32>
    %sub3A_2678 = arith.subi %shift_right_logical3A_2675, %sub3A_2677 : vector<16xi32>
    %gt3A_2679 = arith.constant 0 : i32
    %gt3A_2680 = vector.broadcast %gt3A_2679 : i32 to vector<16xi32>
    %gt3A_2681 = arith.cmpi sgt, %shift_right_logical3A_2656, %gt3A_2680 : vector<16xi32>
    %select_n3A_2682 = arith.select %gt3A_2681, %add3A_2670, %sub3A_2678 : vector<16xi1>, vector<16xi32>
    %ne3A_2683 = arith.constant 0 : i32
    %ne3A_2684 = vector.broadcast %ne3A_2683 : i32 to vector<16xi32>
    %ne3A_2685 = arith.cmpi ne, %and3A_2653, %ne3A_2684 : vector<16xi32>
    %add3A_2686 = arith.constant 32 : i32
    %add3A_2687 = vector.broadcast %add3A_2686 : i32 to vector<16xi32>
    %add3A_2688 = arith.addi %select_n3A_2682, %add3A_2687 : vector<16xi32>
    %jit3A_2689 = arith.constant -1 : i32
    %broadcast_in_dim3A_2690 = vector.broadcast %jit3A_2689 : i32 to vector<16xi32>
    %select_n3A_2691 = arith.select %ne3A_2685, %add3A_2688, %broadcast_in_dim3A_2690 : vector<16xi1>, vector<16xi32>
    %max3A_2692 = arith.maxsi %max3A_2644, %select_n3A_2691 : vector<16xi32>
    %add3A_2693 = arith.constant 2 : i32
    %add3A_2694 = vector.broadcast %add3A_2693 : i32 to vector<16xi32>
    %add3A_2695 = arith.addi %mul3A_2576, %add3A_2694 : vector<16xi32>
    %gather3A_2696 = tpu.vector_load_idx %arg8[%add3A_2695] : memref<16000xi32, #tpu.memory_space<vmem>>[vector<16xi32>], vector<16xi32>,
    %add3A_2697 = arith.constant 10 : i32
    %add3A_2698 = vector.broadcast %add3A_2697 : i32 to vector<16xi32>
    %add3A_2699 = arith.addi %mul3A_2581, %add3A_2698 : vector<16xi32>
    %gather3A_2700 = tpu.vector_load_idx %arg8[%add3A_2699] : memref<16000xi32, #tpu.memory_space<vmem>>[vector<16xi32>], vector<16xi32>,
    %and3A_2701 = arith.andi %gather3A_2696, %gather3A_2700 : vector<16xi32>
    %shift_right_logical3A_2702 = arith.constant 16 : i32
    %shift_right_logical3A_2703 = vector.broadcast %shift_right_logical3A_2702 : i32 to vector<16xi32>
    %shift_right_logical3A_2704 = arith.shrui %and3A_2701, %shift_right_logical3A_2703 : vector<16xi32>
    %and3A_2705 = arith.constant 65535 : i32
    %and3A_2706 = vector.broadcast %and3A_2705 : i32 to vector<16xi32>
    %and3A_2707 = arith.andi %and3A_2701, %and3A_2706 : vector<16xi32>
    %convert_element_type3A_2708 = arith.sitofp %shift_right_logical3A_2704 : vector<16xi32> to vector<16xf32>
    %bitcast_convert_type3A_2709 = tpu.bitcast %convert_element_type3A_2708 : vector<16xf32> -> vector<16xi32>
    %shift_right_logical3A_2710 = arith.constant 23 : i32
    %shift_right_logical3A_2711 = vector.broadcast %shift_right_logical3A_2710 : i32 to vector<16xi32>
    %shift_right_logical3A_2712 = arith.shrui %bitcast_convert_type3A_2709, %shift_right_logical3A_2711 : vector<16xi32>
    %sub3A_2713 = arith.constant 127 : i32
    %sub3A_2714 = vector.broadcast %sub3A_2713 : i32 to vector<16xi32>
    %sub3A_2715 = arith.subi %shift_right_logical3A_2712, %sub3A_2714 : vector<16xi32>
    %add3A_2716 = arith.constant 16 : i32
    %add3A_2717 = vector.broadcast %add3A_2716 : i32 to vector<16xi32>
    %add3A_2718 = arith.addi %sub3A_2715, %add3A_2717 : vector<16xi32>
    %convert_element_type3A_2719 = arith.sitofp %and3A_2707 : vector<16xi32> to vector<16xf32>
    %bitcast_convert_type3A_2720 = tpu.bitcast %convert_element_type3A_2719 : vector<16xf32> -> vector<16xi32>
    %shift_right_logical3A_2721 = arith.constant 23 : i32
    %shift_right_logical3A_2722 = vector.broadcast %shift_right_logical3A_2721 : i32 to vector<16xi32>
    %shift_right_logical3A_2723 = arith.shrui %bitcast_convert_type3A_2720, %shift_right_logical3A_2722 : vector<16xi32>
    %sub3A_2724 = arith.constant 127 : i32
    %sub3A_2725 = vector.broadcast %sub3A_2724 : i32 to vector<16xi32>
    %sub3A_2726 = arith.subi %shift_right_logical3A_2723, %sub3A_2725 : vector<16xi32>
    %gt3A_2727 = arith.constant 0 : i32
    %gt3A_2728 = vector.broadcast %gt3A_2727 : i32 to vector<16xi32>
    %gt3A_2729 = arith.cmpi sgt, %shift_right_logical3A_2704, %gt3A_2728 : vector<16xi32>
    %select_n3A_2730 = arith.select %gt3A_2729, %add3A_2718, %sub3A_2726 : vector<16xi1>, vector<16xi32>
    %ne3A_2731 = arith.constant 0 : i32
    %ne3A_2732 = vector.broadcast %ne3A_2731 : i32 to vector<16xi32>
    %ne3A_2733 = arith.cmpi ne, %and3A_2701, %ne3A_2732 : vector<16xi32>
    %add3A_2734 = arith.constant 64 : i32
    %add3A_2735 = vector.broadcast %add3A_2734 : i32 to vector<16xi32>
    %add3A_2736 = arith.addi %select_n3A_2730, %add3A_2735 : vector<16xi32>
    %jit3A_2737 = arith.constant -1 : i32
    %broadcast_in_dim3A_2738 = vector.broadcast %jit3A_2737 : i32 to vector<16xi32>
    %select_n3A_2739 = arith.select %ne3A_2733, %add3A_2736, %broadcast_in_dim3A_2738 : vector<16xi1>, vector<16xi32>
    %max3A_2740 = arith.maxsi %max3A_2692, %select_n3A_2739 : vector<16xi32>
    %add3A_2741 = arith.constant 3 : i32
    %add3A_2742 = vector.broadcast %add3A_2741 : i32 to vector<16xi32>
    %add3A_2743 = arith.addi %mul3A_2576, %add3A_2742 : vector<16xi32>
    %gather3A_2744 = tpu.vector_load_idx %arg8[%add3A_2743] : memref<16000xi32, #tpu.memory_space<vmem>>[vector<16xi32>], vector<16xi32>,
    %add3A_2745 = arith.constant 11 : i32
    %add3A_2746 = vector.broadcast %add3A_2745 : i32 to vector<16xi32>
    %add3A_2747 = arith.addi %mul3A_2581, %add3A_2746 : vector<16xi32>
    %gather3A_2748 = tpu.vector_load_idx %arg8[%add3A_2747] : memref<16000xi32, #tpu.memory_space<vmem>>[vector<16xi32>], vector<16xi32>,
    %and3A_2749 = arith.andi %gather3A_2744, %gather3A_2748 : vector<16xi32>
    %shift_right_logical3A_2750 = arith.constant 16 : i32
    %shift_right_logical3A_2751 = vector.broadcast %shift_right_logical3A_2750 : i32 to vector<16xi32>
    %shift_right_logical3A_2752 = arith.shrui %and3A_2749, %shift_right_logical3A_2751 : vector<16xi32>
    %and3A_2753 = arith.constant 65535 : i32
    %and3A_2754 = vector.broadcast %and3A_2753 : i32 to vector<16xi32>
    %and3A_2755 = arith.andi %and3A_2749, %and3A_2754 : vector<16xi32>
    %convert_element_type3A_2756 = arith.sitofp %shift_right_logical3A_2752 : vector<16xi32> to vector<16xf32>
    %bitcast_convert_type3A_2757 = tpu.bitcast %convert_element_type3A_2756 : vector<16xf32> -> vector<16xi32>
    %shift_right_logical3A_2758 = arith.constant 23 : i32
    %shift_right_logical3A_2759 = vector.broadcast %shift_right_logical3A_2758 : i32 to vector<16xi32>
    %shift_right_logical3A_2760 = arith.shrui %bitcast_convert_type3A_2757, %shift_right_logical3A_2759 : vector<16xi32>
    %sub3A_2761 = arith.constant 127 : i32
    %sub3A_2762 = vector.broadcast %sub3A_2761 : i32 to vector<16xi32>
    %sub3A_2763 = arith.subi %shift_right_logical3A_2760, %sub3A_2762 : vector<16xi32>
    %add3A_2764 = arith.constant 16 : i32
    %add3A_2765 = vector.broadcast %add3A_2764 : i32 to vector<16xi32>
    %add3A_2766 = arith.addi %sub3A_2763, %add3A_2765 : vector<16xi32>
    %convert_element_type3A_2767 = arith.sitofp %and3A_2755 : vector<16xi32> to vector<16xf32>
    %bitcast_convert_type3A_2768 = tpu.bitcast %convert_element_type3A_2767 : vector<16xf32> -> vector<16xi32>
    %shift_right_logical3A_2769 = arith.constant 23 : i32
    %shift_right_logical3A_2770 = vector.broadcast %shift_right_logical3A_2769 : i32 to vector<16xi32>
    %shift_right_logical3A_2771 = arith.shrui %bitcast_convert_type3A_2768, %shift_right_logical3A_2770 : vector<16xi32>
    %sub3A_2772 = arith.constant 127 : i32
    %sub3A_2773 = vector.broadcast %sub3A_2772 : i32 to vector<16xi32>
    %sub3A_2774 = arith.subi %shift_right_logical3A_2771, %sub3A_2773 : vector<16xi32>
    %gt3A_2775 = arith.constant 0 : i32
    %gt3A_2776 = vector.broadcast %gt3A_2775 : i32 to vector<16xi32>
    %gt3A_2777 = arith.cmpi sgt, %shift_right_logical3A_2752, %gt3A_2776 : vector<16xi32>
    %select_n3A_2778 = arith.select %gt3A_2777, %add3A_2766, %sub3A_2774 : vector<16xi1>, vector<16xi32>
    %ne3A_2779 = arith.constant 0 : i32
    %ne3A_2780 = vector.broadcast %ne3A_2779 : i32 to vector<16xi32>
    %ne3A_2781 = arith.cmpi ne, %and3A_2749, %ne3A_2780 : vector<16xi32>
    %add3A_2782 = arith.constant 96 : i32
    %add3A_2783 = vector.broadcast %add3A_2782 : i32 to vector<16xi32>
    %add3A_2784 = arith.addi %select_n3A_2778, %add3A_2783 : vector<16xi32>
    %jit3A_2785 = arith.constant -1 : i32
    %broadcast_in_dim3A_2786 = vector.broadcast %jit3A_2785 : i32 to vector<16xi32>
    %select_n3A_2787 = arith.select %ne3A_2781, %add3A_2784, %broadcast_in_dim3A_2786 : vector<16xi1>, vector<16xi32>
    %max3A_2788 = arith.maxsi %max3A_2740, %select_n3A_2787 : vector<16xi32>
    %add3A_2789 = arith.constant 4 : i32
    %add3A_2790 = vector.broadcast %add3A_2789 : i32 to vector<16xi32>
    %add3A_2791 = arith.addi %mul3A_2576, %add3A_2790 : vector<16xi32>
    %gather3A_2792 = tpu.vector_load_idx %arg8[%add3A_2791] : memref<16000xi32, #tpu.memory_space<vmem>>[vector<16xi32>], vector<16xi32>,
    %add3A_2793 = arith.constant 12 : i32
    %add3A_2794 = vector.broadcast %add3A_2793 : i32 to vector<16xi32>
    %add3A_2795 = arith.addi %mul3A_2581, %add3A_2794 : vector<16xi32>
    %gather3A_2796 = tpu.vector_load_idx %arg8[%add3A_2795] : memref<16000xi32, #tpu.memory_space<vmem>>[vector<16xi32>], vector<16xi32>,
    %and3A_2797 = arith.andi %gather3A_2792, %gather3A_2796 : vector<16xi32>
    %shift_right_logical3A_2798 = arith.constant 16 : i32
    %shift_right_logical3A_2799 = vector.broadcast %shift_right_logical3A_2798 : i32 to vector<16xi32>
    %shift_right_logical3A_2800 = arith.shrui %and3A_2797, %shift_right_logical3A_2799 : vector<16xi32>
    %and3A_2801 = arith.constant 65535 : i32
    %and3A_2802 = vector.broadcast %and3A_2801 : i32 to vector<16xi32>
    %and3A_2803 = arith.andi %and3A_2797, %and3A_2802 : vector<16xi32>
    %convert_element_type3A_2804 = arith.sitofp %shift_right_logical3A_2800 : vector<16xi32> to vector<16xf32>
    %bitcast_convert_type3A_2805 = tpu.bitcast %convert_element_type3A_2804 : vector<16xf32> -> vector<16xi32>
    %shift_right_logical3A_2806 = arith.constant 23 : i32
    %shift_right_logical3A_2807 = vector.broadcast %shift_right_logical3A_2806 : i32 to vector<16xi32>
    %shift_right_logical3A_2808 = arith.shrui %bitcast_convert_type3A_2805, %shift_right_logical3A_2807 : vector<16xi32>
    %sub3A_2809 = arith.constant 127 : i32
    %sub3A_2810 = vector.broadcast %sub3A_2809 : i32 to vector<16xi32>
    %sub3A_2811 = arith.subi %shift_right_logical3A_2808, %sub3A_2810 : vector<16xi32>
    %add3A_2812 = arith.constant 16 : i32
    %add3A_2813 = vector.broadcast %add3A_2812 : i32 to vector<16xi32>
    %add3A_2814 = arith.addi %sub3A_2811, %add3A_2813 : vector<16xi32>
    %convert_element_type3A_2815 = arith.sitofp %and3A_2803 : vector<16xi32> to vector<16xf32>
    %bitcast_convert_type3A_2816 = tpu.bitcast %convert_element_type3A_2815 : vector<16xf32> -> vector<16xi32>
    %shift_right_logical3A_2817 = arith.constant 23 : i32
    %shift_right_logical3A_2818 = vector.broadcast %shift_right_logical3A_2817 : i32 to vector<16xi32>
    %shift_right_logical3A_2819 = arith.shrui %bitcast_convert_type3A_2816, %shift_right_logical3A_2818 : vector<16xi32>
    %sub3A_2820 = arith.constant 127 : i32
    %sub3A_2821 = vector.broadcast %sub3A_2820 : i32 to vector<16xi32>
    %sub3A_2822 = arith.subi %shift_right_logical3A_2819, %sub3A_2821 : vector<16xi32>
    %gt3A_2823 = arith.constant 0 : i32
    %gt3A_2824 = vector.broadcast %gt3A_2823 : i32 to vector<16xi32>
    %gt3A_2825 = arith.cmpi sgt, %shift_right_logical3A_2800, %gt3A_2824 : vector<16xi32>
    %select_n3A_2826 = arith.select %gt3A_2825, %add3A_2814, %sub3A_2822 : vector<16xi1>, vector<16xi32>
    %ne3A_2827 = arith.constant 0 : i32
    %ne3A_2828 = vector.broadcast %ne3A_2827 : i32 to vector<16xi32>
    %ne3A_2829 = arith.cmpi ne, %and3A_2797, %ne3A_2828 : vector<16xi32>
    %add3A_2830 = arith.constant 128 : i32
    %add3A_2831 = vector.broadcast %add3A_2830 : i32 to vector<16xi32>
    %add3A_2832 = arith.addi %select_n3A_2826, %add3A_2831 : vector<16xi32>
    %jit3A_2833 = arith.constant -1 : i32
    %broadcast_in_dim3A_2834 = vector.broadcast %jit3A_2833 : i32 to vector<16xi32>
    %select_n3A_2835 = arith.select %ne3A_2829, %add3A_2832, %broadcast_in_dim3A_2834 : vector<16xi1>, vector<16xi32>
    %max3A_2836 = arith.maxsi %max3A_2788, %select_n3A_2835 : vector<16xi32>
    %add3A_2837 = arith.constant 5 : i32
    %add3A_2838 = vector.broadcast %add3A_2837 : i32 to vector<16xi32>
    %add3A_2839 = arith.addi %mul3A_2576, %add3A_2838 : vector<16xi32>
    %gather3A_2840 = tpu.vector_load_idx %arg8[%add3A_2839] : memref<16000xi32, #tpu.memory_space<vmem>>[vector<16xi32>], vector<16xi32>,
    %add3A_2841 = arith.constant 13 : i32
    %add3A_2842 = vector.broadcast %add3A_2841 : i32 to vector<16xi32>
    %add3A_2843 = arith.addi %mul3A_2581, %add3A_2842 : vector<16xi32>
    %gather3A_2844 = tpu.vector_load_idx %arg8[%add3A_2843] : memref<16000xi32, #tpu.memory_space<vmem>>[vector<16xi32>], vector<16xi32>,
    %and3A_2845 = arith.andi %gather3A_2840, %gather3A_2844 : vector<16xi32>
    %shift_right_logical3A_2846 = arith.constant 16 : i32
    %shift_right_logical3A_2847 = vector.broadcast %shift_right_logical3A_2846 : i32 to vector<16xi32>
    %shift_right_logical3A_2848 = arith.shrui %and3A_2845, %shift_right_logical3A_2847 : vector<16xi32>
    %and3A_2849 = arith.constant 65535 : i32
    %and3A_2850 = vector.broadcast %and3A_2849 : i32 to vector<16xi32>
    %and3A_2851 = arith.andi %and3A_2845, %and3A_2850 : vector<16xi32>
    %convert_element_type3A_2852 = arith.sitofp %shift_right_logical3A_2848 : vector<16xi32> to vector<16xf32>
    %bitcast_convert_type3A_2853 = tpu.bitcast %convert_element_type3A_2852 : vector<16xf32> -> vector<16xi32>
    %shift_right_logical3A_2854 = arith.constant 23 : i32
    %shift_right_logical3A_2855 = vector.broadcast %shift_right_logical3A_2854 : i32 to vector<16xi32>
    %shift_right_logical3A_2856 = arith.shrui %bitcast_convert_type3A_2853, %shift_right_logical3A_2855 : vector<16xi32>
    %sub3A_2857 = arith.constant 127 : i32
    %sub3A_2858 = vector.broadcast %sub3A_2857 : i32 to vector<16xi32>
    %sub3A_2859 = arith.subi %shift_right_logical3A_2856, %sub3A_2858 : vector<16xi32>
    %add3A_2860 = arith.constant 16 : i32
    %add3A_2861 = vector.broadcast %add3A_2860 : i32 to vector<16xi32>
    %add3A_2862 = arith.addi %sub3A_2859, %add3A_2861 : vector<16xi32>
    %convert_element_type3A_2863 = arith.sitofp %and3A_2851 : vector<16xi32> to vector<16xf32>
    %bitcast_convert_type3A_2864 = tpu.bitcast %convert_element_type3A_2863 : vector<16xf32> -> vector<16xi32>
    %shift_right_logical3A_2865 = arith.constant 23 : i32
    %shift_right_logical3A_2866 = vector.broadcast %shift_right_logical3A_2865 : i32 to vector<16xi32>
    %shift_right_logical3A_2867 = arith.shrui %bitcast_convert_type3A_2864, %shift_right_logical3A_2866 : vector<16xi32>
    %sub3A_2868 = arith.constant 127 : i32
    %sub3A_2869 = vector.broadcast %sub3A_2868 : i32 to vector<16xi32>
    %sub3A_2870 = arith.subi %shift_right_logical3A_2867, %sub3A_2869 : vector<16xi32>
    %gt3A_2871 = arith.constant 0 : i32
    %gt3A_2872 = vector.broadcast %gt3A_2871 : i32 to vector<16xi32>
    %gt3A_2873 = arith.cmpi sgt, %shift_right_logical3A_2848, %gt3A_2872 : vector<16xi32>
    %select_n3A_2874 = arith.select %gt3A_2873, %add3A_2862, %sub3A_2870 : vector<16xi1>, vector<16xi32>
    %ne3A_2875 = arith.constant 0 : i32
    %ne3A_2876 = vector.broadcast %ne3A_2875 : i32 to vector<16xi32>
    %ne3A_2877 = arith.cmpi ne, %and3A_2845, %ne3A_2876 : vector<16xi32>
    %add3A_2878 = arith.constant 160 : i32
    %add3A_2879 = vector.broadcast %add3A_2878 : i32 to vector<16xi32>
    %add3A_2880 = arith.addi %select_n3A_2874, %add3A_2879 : vector<16xi32>
    %jit3A_2881 = arith.constant -1 : i32
    %broadcast_in_dim3A_2882 = vector.broadcast %jit3A_2881 : i32 to vector<16xi32>
    %select_n3A_2883 = arith.select %ne3A_2877, %add3A_2880, %broadcast_in_dim3A_2882 : vector<16xi1>, vector<16xi32>
    %max3A_2884 = arith.maxsi %max3A_2836, %select_n3A_2883 : vector<16xi32>
    %add3A_2885 = arith.constant 6 : i32
    %add3A_2886 = vector.broadcast %add3A_2885 : i32 to vector<16xi32>
    %add3A_2887 = arith.addi %mul3A_2576, %add3A_2886 : vector<16xi32>
    %gather3A_2888 = tpu.vector_load_idx %arg8[%add3A_2887] : memref<16000xi32, #tpu.memory_space<vmem>>[vector<16xi32>], vector<16xi32>,
    %add3A_2889 = arith.constant 14 : i32
    %add3A_2890 = vector.broadcast %add3A_2889 : i32 to vector<16xi32>
    %add3A_2891 = arith.addi %mul3A_2581, %add3A_2890 : vector<16xi32>
    %gather3A_2892 = tpu.vector_load_idx %arg8[%add3A_2891] : memref<16000xi32, #tpu.memory_space<vmem>>[vector<16xi32>], vector<16xi32>,
    %and3A_2893 = arith.andi %gather3A_2888, %gather3A_2892 : vector<16xi32>
    %shift_right_logical3A_2894 = arith.constant 16 : i32
    %shift_right_logical3A_2895 = vector.broadcast %shift_right_logical3A_2894 : i32 to vector<16xi32>
    %shift_right_logical3A_2896 = arith.shrui %and3A_2893, %shift_right_logical3A_2895 : vector<16xi32>
    %and3A_2897 = arith.constant 65535 : i32
    %and3A_2898 = vector.broadcast %and3A_2897 : i32 to vector<16xi32>
    %and3A_2899 = arith.andi %and3A_2893, %and3A_2898 : vector<16xi32>
    %convert_element_type3A_2900 = arith.sitofp %shift_right_logical3A_2896 : vector<16xi32> to vector<16xf32>
    %bitcast_convert_type3A_2901 = tpu.bitcast %convert_element_type3A_2900 : vector<16xf32> -> vector<16xi32>
    %shift_right_logical3A_2902 = arith.constant 23 : i32
    %shift_right_logical3A_2903 = vector.broadcast %shift_right_logical3A_2902 : i32 to vector<16xi32>
    %shift_right_logical3A_2904 = arith.shrui %bitcast_convert_type3A_2901, %shift_right_logical3A_2903 : vector<16xi32>
    %sub3A_2905 = arith.constant 127 : i32
    %sub3A_2906 = vector.broadcast %sub3A_2905 : i32 to vector<16xi32>
    %sub3A_2907 = arith.subi %shift_right_logical3A_2904, %sub3A_2906 : vector<16xi32>
    %add3A_2908 = arith.constant 16 : i32
    %add3A_2909 = vector.broadcast %add3A_2908 : i32 to vector<16xi32>
    %add3A_2910 = arith.addi %sub3A_2907, %add3A_2909 : vector<16xi32>
    %convert_element_type3A_2911 = arith.sitofp %and3A_2899 : vector<16xi32> to vector<16xf32>
    %bitcast_convert_type3A_2912 = tpu.bitcast %convert_element_type3A_2911 : vector<16xf32> -> vector<16xi32>
    %shift_right_logical3A_2913 = arith.constant 23 : i32
    %shift_right_logical3A_2914 = vector.broadcast %shift_right_logical3A_2913 : i32 to vector<16xi32>
    %shift_right_logical3A_2915 = arith.shrui %bitcast_convert_type3A_2912, %shift_right_logical3A_2914 : vector<16xi32>
    %sub3A_2916 = arith.constant 127 : i32
    %sub3A_2917 = vector.broadcast %sub3A_2916 : i32 to vector<16xi32>
    %sub3A_2918 = arith.subi %shift_right_logical3A_2915, %sub3A_2917 : vector<16xi32>
    %gt3A_2919 = arith.constant 0 : i32
    %gt3A_2920 = vector.broadcast %gt3A_2919 : i32 to vector<16xi32>
    %gt3A_2921 = arith.cmpi sgt, %shift_right_logical3A_2896, %gt3A_2920 : vector<16xi32>
    %select_n3A_2922 = arith.select %gt3A_2921, %add3A_2910, %sub3A_2918 : vector<16xi1>, vector<16xi32>
    %ne3A_2923 = arith.constant 0 : i32
    %ne3A_2924 = vector.broadcast %ne3A_2923 : i32 to vector<16xi32>
    %ne3A_2925 = arith.cmpi ne, %and3A_2893, %ne3A_2924 : vector<16xi32>
    %add3A_2926 = arith.constant 192 : i32
    %add3A_2927 = vector.broadcast %add3A_2926 : i32 to vector<16xi32>
    %add3A_2928 = arith.addi %select_n3A_2922, %add3A_2927 : vector<16xi32>
    %jit3A_2929 = arith.constant -1 : i32
    %broadcast_in_dim3A_2930 = vector.broadcast %jit3A_2929 : i32 to vector<16xi32>
    %select_n3A_2931 = arith.select %ne3A_2925, %add3A_2928, %broadcast_in_dim3A_2930 : vector<16xi1>, vector<16xi32>
    %max3A_2932 = arith.maxsi %max3A_2884, %select_n3A_2931 : vector<16xi32>
    %eq3A_2933 = arith.cmpi eq, %mul3A_2576, %mul3A_2581 : vector<16xi32>
    %jit3A_2934 = arith.constant -1 : i32
    %broadcast_in_dim3A_2935 = vector.broadcast %jit3A_2934 : i32 to vector<16xi32>
    %select_n3A_2936 = arith.select %eq3A_2933, %broadcast_in_dim3A_2935, %max3A_2932 : vector<16xi1>, vector<16xi32>
    %swap3A_2937 = arith.constant 112 : index
    %swap3A_2938 = tpu.vector_load %arg10[%swap3A_2937] {strides = array<i32>} : memref<128xi32, #tpu.memory_space<vmem>>, vector<16xi32>,
    tpu.vector_store %arg10[%swap3A_2937], %select_n3A_2936 {strides = array<i32>} : memref<128xi32, #tpu.memory_space<vmem>>, vector<16xi32>,
    "tpu.region"() ({
      %run_scoped3A_2939 = tpu.sem_alloc : memref<!tpu.dma_semaphore, #tpu.memory_space<semaphore_mem>>
      %dma_start3A_2940 = tpu.memref_slice %arg4[%mul3A_2] : memref<4096xi32, #tpu.memory_space<hbm>> -> memref<128xi32, #tpu.memory_space<hbm>>
      %dma_start3A_2941 = tpu.memref_slice %arg4[%mul3A_2] : memref<4096xi32, #tpu.memory_space<hbm>> -> memref<128xi32, #tpu.memory_space<hbm>>
      tpu.enqueue_dma source(%arg10 : memref<128xi32, #tpu.memory_space<vmem>>) target(%dma_start3A_2941 : memref<128xi32, #tpu.memory_space<hbm>>) target_semaphore(%run_scoped3A_2939 : memref<!tpu.dma_semaphore, #tpu.memory_space<semaphore_mem>>)
      %dma_wait3A_2942 = tpu.memref_slice %arg4[%mul3A_2] : memref<4096xi32, #tpu.memory_space<hbm>> -> memref<128xi32, #tpu.memory_space<hbm>>
      %dma_wait3A_2943 = tpu.memref_slice %arg4[%mul3A_2] : memref<4096xi32, #tpu.memory_space<hbm>> -> memref<128xi32, #tpu.memory_space<hbm>>
      tpu.wait_dma2 semaphore(%run_scoped3A_2939 : memref<!tpu.dma_semaphore, #tpu.memory_space<semaphore_mem>>) src(%arg10 : memref<128xi32, #tpu.memory_space<vmem>>) dst(%dma_wait3A_2943 : memref<128xi32, #tpu.memory_space<hbm>>)
      tpu.yield
    }) : () -> ()
    "tpu.region"() ({
      %run_scoped3A_2939 = tpu.sem_alloc : memref<!tpu.dma_semaphore, #tpu.memory_space<semaphore_mem>>
      %dma_start3A_2940 = tpu.memref_slice %arg5[%mul3A_2] : memref<4096xf32, #tpu.memory_space<hbm>> -> memref<128xf32, #tpu.memory_space<hbm>>
      %dma_start3A_2941 = tpu.memref_slice %arg5[%mul3A_2] : memref<4096xf32, #tpu.memory_space<hbm>> -> memref<128xf32, #tpu.memory_space<hbm>>
      tpu.enqueue_dma source(%arg11 : memref<128xf32, #tpu.memory_space<vmem>>) target(%dma_start3A_2941 : memref<128xf32, #tpu.memory_space<hbm>>) target_semaphore(%run_scoped3A_2939 : memref<!tpu.dma_semaphore, #tpu.memory_space<semaphore_mem>>)
      %dma_wait3A_2942 = tpu.memref_slice %arg5[%mul3A_2] : memref<4096xf32, #tpu.memory_space<hbm>> -> memref<128xf32, #tpu.memory_space<hbm>>
      %dma_wait3A_2943 = tpu.memref_slice %arg5[%mul3A_2] : memref<4096xf32, #tpu.memory_space<hbm>> -> memref<128xf32, #tpu.memory_space<hbm>>
      tpu.wait_dma2 semaphore(%run_scoped3A_2939 : memref<!tpu.dma_semaphore, #tpu.memory_space<semaphore_mem>>) src(%arg11 : memref<128xf32, #tpu.memory_space<vmem>>) dst(%dma_wait3A_2943 : memref<128xf32, #tpu.memory_space<hbm>>)
      tpu.yield
    }) : () -> ()
    return
  }
}

module attributes {stable_mosaic.version = 14 : i64} {
  func.func @_tc_a_kern(%arg0: memref<1000x4xf32, #tpu.memory_space<vmem>>, %arg1: memref<4x50xf32, #tpu.memory_space<vmem>>, %arg2: memref<200x2xi32, #tpu.memory_space<vmem>>, %arg3: memref<1000x16xi32, #tpu.memory_space<vmem>>, %arg4: memref<1000x50xbf16, #tpu.memory_space<vmem>>, %arg5: memref<1000x50xbf16, #tpu.memory_space<vmem>>) attributes {dimension_semantics = [], scalar_prefetch = 0 : i64, scratch_operands = 0 : i64, tpu.core_type = #tpu.core_type<tc>} {
    %get3A = arith.constant 0 : index
    %get3A_0 = arith.constant 0 : index
    %get3A_1 = vector.load %arg0[%get3A, %get3A_0] : memref<1000x4xf32, #tpu.memory_space<vmem>>, vector<1000x4xf32>
    %get3A_2 = arith.constant 0 : index
    %get3A_3 = arith.constant 0 : index
    %get3A_4 = vector.load %arg1[%get3A_2, %get3A_3] : memref<4x50xf32, #tpu.memory_space<vmem>>, vector<4x50xf32>
    %slice3A = vector.extract_strided_slice %get3A_1 {offsets = [0, 0], sizes = [1000, 1], strides = [1, 1]} : vector<1000x4xf32> to vector<1000x1xf32>
    %slice3A_5 = vector.extract_strided_slice %get3A_1 {offsets = [0, 1], sizes = [1000, 1], strides = [1, 1]} : vector<1000x4xf32> to vector<1000x1xf32>
    %slice3A_6 = vector.extract_strided_slice %get3A_1 {offsets = [0, 2], sizes = [1000, 1], strides = [1, 1]} : vector<1000x4xf32> to vector<1000x1xf32>
    %slice3A_7 = vector.extract_strided_slice %get3A_1 {offsets = [0, 3], sizes = [1000, 1], strides = [1, 1]} : vector<1000x4xf32> to vector<1000x1xf32>
    %slice3A_8 = vector.extract_strided_slice %get3A_4 {offsets = [0, 0], sizes = [1, 50], strides = [1, 1]} : vector<4x50xf32> to vector<1x50xf32>
    %slice3A_9 = vector.extract_strided_slice %get3A_4 {offsets = [1, 0], sizes = [1, 50], strides = [1, 1]} : vector<4x50xf32> to vector<1x50xf32>
    %slice3A_10 = vector.extract_strided_slice %get3A_4 {offsets = [2, 0], sizes = [1, 50], strides = [1, 1]} : vector<4x50xf32> to vector<1x50xf32>
    %slice3A_11 = vector.extract_strided_slice %get3A_4 {offsets = [3, 0], sizes = [1, 50], strides = [1, 1]} : vector<4x50xf32> to vector<1x50xf32>
    %sub3A = arith.subf %slice3A_10, %slice3A_8 : vector<1x50xf32>
    %sub3A_12 = arith.subf %slice3A_11, %slice3A_9 : vector<1x50xf32>
    %mul3A = arith.mulf %sub3A, %sub3A_12 : vector<1x50xf32>
    %sub3A_13 = arith.subf %slice3A_6, %slice3A : vector<1000x1xf32>
    %sub3A_14 = arith.subf %slice3A_7, %slice3A_5 : vector<1000x1xf32>
    %mul3A_15 = arith.mulf %sub3A_13, %sub3A_14 : vector<1000x1xf32>
    %min3A = vector.broadcast %slice3A_10 : vector<1x50xf32> to vector<1000x50xf32>
    %min3A_16 = vector.broadcast %slice3A_6 : vector<1000x1xf32> to vector<1000x50xf32>
    %min3A_17 = arith.minimumf %min3A, %min3A_16 : vector<1000x50xf32>
    %max3A = vector.broadcast %slice3A_8 : vector<1x50xf32> to vector<1000x50xf32>
    %max3A_18 = vector.broadcast %slice3A : vector<1000x1xf32> to vector<1000x50xf32>
    %max3A_19 = arith.maximumf %max3A, %max3A_18 : vector<1000x50xf32>
    %sub3A_20 = arith.subf %min3A_17, %max3A_19 : vector<1000x50xf32>
    %jit3A = arith.constant 0.000000e+00 : f32
    %max3A_21 = vector.broadcast %jit3A : f32 to vector<1000x50xf32>
    %max3A_22 = arith.maximumf %max3A_21, %sub3A_20 : vector<1000x50xf32>
    %min3A_23 = vector.broadcast %slice3A_11 : vector<1x50xf32> to vector<1000x50xf32>
    %min3A_24 = vector.broadcast %slice3A_7 : vector<1000x1xf32> to vector<1000x50xf32>
    %min3A_25 = arith.minimumf %min3A_23, %min3A_24 : vector<1000x50xf32>
    %max3A_26 = vector.broadcast %slice3A_9 : vector<1x50xf32> to vector<1000x50xf32>
    %max3A_27 = vector.broadcast %slice3A_5 : vector<1000x1xf32> to vector<1000x50xf32>
    %max3A_28 = arith.maximumf %max3A_26, %max3A_27 : vector<1000x50xf32>
    %sub3A_29 = arith.subf %min3A_25, %max3A_28 : vector<1000x50xf32>
    %jit3A_30 = arith.constant 0.000000e+00 : f32
    %max3A_31 = vector.broadcast %jit3A_30 : f32 to vector<1000x50xf32>
    %max3A_32 = arith.maximumf %max3A_31, %sub3A_29 : vector<1000x50xf32>
    %mul3A_33 = arith.mulf %max3A_22, %max3A_32 : vector<1000x50xf32>
    %add3A = vector.broadcast %mul3A : vector<1x50xf32> to vector<1000x50xf32>
    %add3A_34 = vector.broadcast %mul3A_15 : vector<1000x1xf32> to vector<1000x50xf32>
    %add3A_35 = arith.addf %add3A, %add3A_34 : vector<1000x50xf32>
    %sub3A_36 = arith.subf %add3A_35, %mul3A_33 : vector<1000x50xf32>
    %gt3A = arith.constant 0.000000e+00 : f32
    %gt3A_37 = vector.broadcast %gt3A : f32 to vector<1000x50xf32>
    %gt3A_38 = arith.cmpf ogt, %sub3A_36, %gt3A_37 : vector<1000x50xf32>
    %max3A_39 = arith.constant 9.99999971E-10 : f32
    %max3A_40 = vector.broadcast %max3A_39 : f32 to vector<1000x50xf32>
    %max3A_41 = arith.maximumf %sub3A_36, %max3A_40 : vector<1000x50xf32>
    %div3A = arith.divf %mul3A_33, %max3A_41 : vector<1000x50xf32>
    %jit3A_42 = arith.constant 0.000000e+00 : f32
    %broadcast_in_dim3A = vector.broadcast %jit3A_42 : f32 to vector<1000x50xf32>
    %select_n3A = arith.select %gt3A_38, %div3A, %broadcast_in_dim3A : vector<1000x50xi1>, vector<1000x50xf32>
    %gt3A_43 = arith.constant 5.000000e-01 : f32
    %gt3A_44 = vector.broadcast %gt3A_43 : f32 to vector<1000x50xf32>
    %gt3A_45 = arith.cmpf ogt, %select_n3A, %gt3A_44 : vector<1000x50xf32>
    %convert_element_type3A = arith.extui %gt3A_45 : vector<1000x50xi1> to vector<1000x50xi32>
    %convert_element_type3A_46 = arith.sitofp %convert_element_type3A : vector<1000x50xi32> to vector<1000x50xf32>
    %reduce_max3A = arith.constant dense<0xFF800000> : vector<1000xf32>
    %reduce_max3A_47 = vector.multi_reduction <maximumf>, %select_n3A, %reduce_max3A [1] : vector<1000x50xf32> to vector<1000xf32>
    %broadcast_in_dim3A_48 = vector.shape_cast %reduce_max3A_47 : vector<1000xf32> to vector<1000x1xf32>
    %get3A_49 = arith.constant 0 : index
    %get3A_50 = arith.constant 0 : index
    %get3A_51 = vector.load %arg2[%get3A_49, %get3A_50] : memref<200x2xi32, #tpu.memory_space<vmem>>, vector<200x1xi32>
    %get3A_52 = arith.constant 0 : index
    %get3A_53 = arith.constant 1 : index
    %get3A_54 = vector.load %arg2[%get3A_52, %get3A_53] : memref<200x2xi32, #tpu.memory_space<vmem>>, vector<200x1xi32>
    %iota3A = tpu.iota {dimensions = array<i32: 1>} : vector<200x50xi32>
    %eq3A = vector.broadcast %get3A_51 : vector<200x1xi32> to vector<200x50xi32>
    %eq3A_55 = arith.cmpi eq, %eq3A, %iota3A : vector<200x50xi32>
    %convert_element_type3A_56 = arith.extui %eq3A_55 : vector<200x50xi1> to vector<200x50xi32>
    %convert_element_type3A_57 = arith.sitofp %convert_element_type3A_56 : vector<200x50xi32> to vector<200x50xf32>
    %eq3A_58 = vector.broadcast %get3A_54 : vector<200x1xi32> to vector<200x50xi32>
    %eq3A_59 = arith.cmpi eq, %eq3A_58, %iota3A : vector<200x50xi32>
    %convert_element_type3A_60 = arith.extui %eq3A_59 : vector<200x50xi1> to vector<200x50xi32>
    %convert_element_type3A_61 = arith.sitofp %convert_element_type3A_60 : vector<200x50xi32> to vector<200x50xf32>
    %dot_general3A = arith.constant dense<0.000000e+00> : vector<50x50xf32>
    %dot_general3A_62 = tpu.matmul %convert_element_type3A_57, %convert_element_type3A_61, %dot_general3A {dimension_numbers = #tpu.dot_dimension_numbers<[0], [0], [1], [1], [0, 1, 1, 1], [], []>, transpose_lhs_hint = false} : vector<200x50xf32>, vector<200x50xf32>, vector<50x50xf32> -> vector<50x50xf32>
    %dot_general3A_63 = arith.constant dense<0.000000e+00> : vector<50x50xf32>
    %dot_general3A_64 = tpu.matmul %convert_element_type3A_61, %convert_element_type3A_57, %dot_general3A_63 {dimension_numbers = #tpu.dot_dimension_numbers<[0], [0], [1], [1], [0, 1, 1, 1], [], []>, transpose_lhs_hint = false} : vector<200x50xf32>, vector<200x50xf32>, vector<50x50xf32> -> vector<50x50xf32>
    %add3A_65 = arith.addf %dot_general3A_62, %dot_general3A_64 : vector<50x50xf32>
    %dot_general3A_66 = arith.constant dense<0.000000e+00> : vector<1000x50xf32>
    %dot_general3A_67 = tpu.matmul %convert_element_type3A_46, %add3A_65, %dot_general3A_66 {dimension_numbers = #tpu.dot_dimension_numbers<[1], [0], [0], [1], [0, 0, 1, 1], [], []>, transpose_lhs_hint = false} : vector<1000x50xf32>, vector<50x50xf32>, vector<1000x50xf32> -> vector<1000x50xf32>
    %convert_element_type3A_68 = arith.truncf %convert_element_type3A_46 : vector<1000x50xf32> to vector<1000x50xbf16>
    %swap3A = arith.constant 0 : index
    %swap3A_69 = arith.constant 0 : index
    %swap3A_70 = vector.load %arg4[%swap3A, %swap3A_69] : memref<1000x50xbf16, #tpu.memory_space<vmem>>, vector<1000x50xbf16>
    tpu.vector_store %arg4[%swap3A, %swap3A_69], %convert_element_type3A_68 {strides = array<i32>} : memref<1000x50xbf16, #tpu.memory_space<vmem>>, vector<1000x50xbf16>,
    %convert_element_type3A_71 = arith.truncf %dot_general3A_67 : vector<1000x50xf32> to vector<1000x50xbf16>
    %swap3A_72 = arith.constant 0 : index
    %swap3A_73 = arith.constant 0 : index
    %swap3A_74 = vector.load %arg5[%swap3A_72, %swap3A_73] : memref<1000x50xbf16, #tpu.memory_space<vmem>>, vector<1000x50xbf16>
    tpu.vector_store %arg5[%swap3A_72, %swap3A_73], %convert_element_type3A_71 {strides = array<i32>} : memref<1000x50xbf16, #tpu.memory_space<vmem>>, vector<1000x50xbf16>,
    %iota3A_75 = tpu.iota {dimensions = array<i32: 0>} : vector<16x200xi32>
    %iota3A_76 = tpu.iota {dimensions = array<i32: 1>} : vector<16x200xi32>
    %jit3A_77 = arith.constant 16 : i32
    %div3A_78 = vector.broadcast %jit3A_77 : i32 to vector<16x200xi32>
    %div3A_79 = arith.divsi %iota3A_76, %div3A_78 : vector<16x200xi32>
    %sign3A = arith.constant 0 : i32
    %sign3A_80 = vector.broadcast %sign3A : i32 to vector<16x200xi32>
    %sign3A_81 = arith.cmpi sgt, %iota3A_76, %sign3A_80 : vector<16x200xi32>
    %sign3A_82 = arith.extui %sign3A_81 : vector<16x200xi1> to vector<16x200xi32>
    %sign3A_83 = arith.constant 0 : i32
    %sign3A_84 = vector.broadcast %sign3A_83 : i32 to vector<16x200xi32>
    %sign3A_85 = arith.cmpi slt, %iota3A_76, %sign3A_84 : vector<16x200xi32>
    %sign3A_86 = arith.extui %sign3A_85 : vector<16x200xi1> to vector<16x200xi32>
    %sign3A_87 = arith.subi %sign3A_82, %sign3A_86 : vector<16x200xi32>
    %sign3A_88 = arith.constant 0 : i32
    %sign3A_89 = arith.cmpi sgt, %jit3A_77, %sign3A_88 : i32
    %sign3A_90 = arith.extui %sign3A_89 : i1 to i32
    %sign3A_91 = arith.constant 0 : i32
    %sign3A_92 = arith.cmpi slt, %jit3A_77, %sign3A_91 : i32
    %sign3A_93 = arith.extui %sign3A_92 : i1 to i32
    %sign3A_94 = arith.subi %sign3A_90, %sign3A_93 : i32
    %ne3A = vector.broadcast %sign3A_94 : i32 to vector<16x200xi32>
    %ne3A_95 = arith.cmpi ne, %sign3A_87, %ne3A : vector<16x200xi32>
    %rem3A = vector.broadcast %jit3A_77 : i32 to vector<16x200xi32>
    %rem3A_96 = arith.remsi %iota3A_76, %rem3A : vector<16x200xi32>
    %ne3A_97 = arith.constant 0 : i32
    %ne3A_98 = vector.broadcast %ne3A_97 : i32 to vector<16x200xi32>
    %ne3A_99 = arith.cmpi ne, %rem3A_96, %ne3A_98 : vector<16x200xi32>
    %and3A = arith.andi %ne3A_95, %ne3A_99 : vector<16x200xi1>
    %sub3A_100 = arith.constant 1 : i32
    %sub3A_101 = vector.broadcast %sub3A_100 : i32 to vector<16x200xi32>
    %sub3A_102 = arith.subi %div3A_79, %sub3A_101 : vector<16x200xi32>
    %select_n3A_103 = arith.select %and3A, %sub3A_102, %div3A_79 : vector<16x200xi1>, vector<16x200xi32>
    %eq3A_104 = arith.cmpi eq, %select_n3A_103, %iota3A_75 : vector<16x200xi32>
    %jit3A_105 = arith.constant 16 : i32
    %eq3A_106 = arith.constant 0 : i32
    %eq3A_107 = arith.cmpi eq, %jit3A_105, %eq3A_106 : i32
    %jit3A_108 = arith.constant 1 : i32
    %select_n3A_109 = arith.select %eq3A_107, %jit3A_108, %jit3A_105 : i32
    %rem3A_110 = vector.broadcast %select_n3A_109 : i32 to vector<16x200xi32>
    %rem3A_111 = arith.remsi %iota3A_76, %rem3A_110 : vector<16x200xi32>
    %ne3A_112 = arith.constant 0 : i32
    %ne3A_113 = vector.broadcast %ne3A_112 : i32 to vector<16x200xi32>
    %ne3A_114 = arith.cmpi ne, %rem3A_111, %ne3A_113 : vector<16x200xi32>
    %lt3A = arith.constant 0 : i32
    %lt3A_115 = vector.broadcast %lt3A : i32 to vector<16x200xi32>
    %lt3A_116 = arith.cmpi slt, %rem3A_111, %lt3A_115 : vector<16x200xi32>
    %lt3A_117 = arith.constant 0 : i32
    %lt3A_118 = arith.cmpi slt, %select_n3A_109, %lt3A_117 : i32
    %ne3A_119 = vector.broadcast %lt3A_118 : i1 to vector<16x200xi1>
    %ne3A_120 = vector.broadcast %ne3A_119 : vector<16x200xi1> to vector<16x200xi1>
    %ne3A_121 = arith.xori %lt3A_116, %ne3A_120 : vector<16x200xi1>
    %and3A_122 = arith.andi %ne3A_121, %ne3A_114 : vector<16x200xi1>
    %add3A_123 = vector.broadcast %select_n3A_109 : i32 to vector<16x200xi32>
    %add3A_124 = arith.addi %rem3A_111, %add3A_123 : vector<16x200xi32>
    %select_n3A_125 = arith.select %and3A_122, %add3A_124, %rem3A_111 : vector<16x200xi1>, vector<16x200xi32>
    %shift_left3A = arith.constant 1 : i32
    %shift_left3A_126 = vector.broadcast %shift_left3A : i32 to vector<16x200xi32>
    %shift_left3A_127 = arith.shli %shift_left3A_126, %select_n3A_125 : vector<16x200xi32>
    %jit3A_128 = arith.constant 0 : i32
    %broadcast_in_dim3A_129 = vector.broadcast %jit3A_128 : i32 to vector<16x200xi32>
    %select_n3A_130 = arith.select %eq3A_104, %shift_left3A_127, %broadcast_in_dim3A_129 : vector<16x200xi1>, vector<16x200xi32>
    %convert_element_type3A_131 = arith.sitofp %select_n3A_130 : vector<16x200xi32> to vector<16x200xf32>
    %dot_general3A_132 = arith.constant dense<0.000000e+00> : vector<50x16xf32>
    %dot_general3A_133 = tpu.matmul %convert_element_type3A_57, %convert_element_type3A_131, %dot_general3A_132 {dimension_numbers = #tpu.dot_dimension_numbers<[0], [1], [1], [0], [0, 1, 1, 0], [], []>, transpose_lhs_hint = false} : vector<200x50xf32>, vector<16x200xf32>, vector<50x16xf32> -> vector<50x16xf32>
    %dot_general3A_134 = arith.constant dense<0.000000e+00> : vector<50x16xf32>
    %dot_general3A_135 = tpu.matmul %convert_element_type3A_61, %convert_element_type3A_131, %dot_general3A_134 {dimension_numbers = #tpu.dot_dimension_numbers<[0], [1], [1], [0], [0, 1, 1, 0], [], []>, transpose_lhs_hint = false} : vector<200x50xf32>, vector<16x200xf32>, vector<50x16xf32> -> vector<50x16xf32>
    %dot_general3A_136 = arith.constant dense<0.000000e+00> : vector<1000x16xf32>
    %dot_general3A_137 = tpu.matmul %convert_element_type3A_46, %dot_general3A_133, %dot_general3A_136 {dimension_numbers = #tpu.dot_dimension_numbers<[1], [0], [0], [1], [0, 0, 1, 1], [], []>, transpose_lhs_hint = false} : vector<1000x50xf32>, vector<50x16xf32>, vector<1000x16xf32> -> vector<1000x16xf32>
    %dot_general3A_138 = arith.constant dense<0.000000e+00> : vector<1000x16xf32>
    %dot_general3A_139 = tpu.matmul %convert_element_type3A_46, %dot_general3A_135, %dot_general3A_138 {dimension_numbers = #tpu.dot_dimension_numbers<[1], [0], [0], [1], [0, 0, 1, 1], [], []>, transpose_lhs_hint = false} : vector<1000x50xf32>, vector<50x16xf32>, vector<1000x16xf32> -> vector<1000x16xf32>
    %iota3A_140 = tpu.iota {dimensions = array<i32: 0>} : vector<16x8xi32>
    %iota3A_141 = tpu.iota {dimensions = array<i32: 1>} : vector<16x8xi32>
    %mul3A_142 = arith.constant 2 : i32
    %mul3A_143 = vector.broadcast %mul3A_142 : i32 to vector<16x8xi32>
    %mul3A_144 = arith.muli %mul3A_143, %iota3A_141 : vector<16x8xi32>
    %eq3A_145 = arith.cmpi eq, %iota3A_140, %mul3A_144 : vector<16x8xi32>
    %convert_element_type3A_146 = arith.extui %eq3A_145 : vector<16x8xi1> to vector<16x8xi32>
    %convert_element_type3A_147 = arith.sitofp %convert_element_type3A_146 : vector<16x8xi32> to vector<16x8xf32>
    %mul3A_148 = arith.constant 2 : i32
    %mul3A_149 = vector.broadcast %mul3A_148 : i32 to vector<16x8xi32>
    %mul3A_150 = arith.muli %mul3A_149, %iota3A_141 : vector<16x8xi32>
    %add3A_151 = arith.constant 1 : i32
    %add3A_152 = vector.broadcast %add3A_151 : i32 to vector<16x8xi32>
    %add3A_153 = arith.addi %mul3A_150, %add3A_152 : vector<16x8xi32>
    %eq3A_154 = arith.cmpi eq, %iota3A_140, %add3A_153 : vector<16x8xi32>
    %convert_element_type3A_155 = arith.extui %eq3A_154 : vector<16x8xi1> to vector<16x8xi32>
    %convert_element_type3A_156 = arith.sitofp %convert_element_type3A_155 : vector<16x8xi32> to vector<16x8xf32>
    %dot_general3A_157 = arith.constant dense<0.000000e+00> : vector<1000x8xf32>
    %dot_general3A_158 = tpu.matmul %dot_general3A_137, %convert_element_type3A_147, %dot_general3A_157 {dimension_numbers = #tpu.dot_dimension_numbers<[1], [0], [0], [1], [0, 0, 1, 1], [], []>, transpose_lhs_hint = false} : vector<1000x16xf32>, vector<16x8xf32>, vector<1000x8xf32> -> vector<1000x8xf32>
    %convert_element_type3A_159 = arith.fptosi %dot_general3A_158 : vector<1000x8xf32> to vector<1000x8xi32>
    %dot_general3A_160 = arith.constant dense<0.000000e+00> : vector<1000x8xf32>
    %dot_general3A_161 = tpu.matmul %dot_general3A_137, %convert_element_type3A_156, %dot_general3A_160 {dimension_numbers = #tpu.dot_dimension_numbers<[1], [0], [0], [1], [0, 0, 1, 1], [], []>, transpose_lhs_hint = false} : vector<1000x16xf32>, vector<16x8xf32>, vector<1000x8xf32> -> vector<1000x8xf32>
    %convert_element_type3A_162 = arith.fptosi %dot_general3A_161 : vector<1000x8xf32> to vector<1000x8xi32>
    %shift_left3A_163 = arith.constant 16 : i32
    %shift_left3A_164 = vector.broadcast %shift_left3A_163 : i32 to vector<1000x8xi32>
    %shift_left3A_165 = arith.shli %convert_element_type3A_162, %shift_left3A_164 : vector<1000x8xi32>
    %or3A = arith.ori %convert_element_type3A_159, %shift_left3A_165 : vector<1000x8xi32>
    %dot_general3A_166 = arith.constant dense<0.000000e+00> : vector<1000x8xf32>
    %dot_general3A_167 = tpu.matmul %dot_general3A_139, %convert_element_type3A_147, %dot_general3A_166 {dimension_numbers = #tpu.dot_dimension_numbers<[1], [0], [0], [1], [0, 0, 1, 1], [], []>, transpose_lhs_hint = false} : vector<1000x16xf32>, vector<16x8xf32>, vector<1000x8xf32> -> vector<1000x8xf32>
    %convert_element_type3A_168 = arith.fptosi %dot_general3A_167 : vector<1000x8xf32> to vector<1000x8xi32>
    %dot_general3A_169 = arith.constant dense<0.000000e+00> : vector<1000x8xf32>
    %dot_general3A_170 = tpu.matmul %dot_general3A_139, %convert_element_type3A_156, %dot_general3A_169 {dimension_numbers = #tpu.dot_dimension_numbers<[1], [0], [0], [1], [0, 0, 1, 1], [], []>, transpose_lhs_hint = false} : vector<1000x16xf32>, vector<16x8xf32>, vector<1000x8xf32> -> vector<1000x8xf32>
    %convert_element_type3A_171 = arith.fptosi %dot_general3A_170 : vector<1000x8xf32> to vector<1000x8xi32>
    %shift_left3A_172 = arith.constant 16 : i32
    %shift_left3A_173 = vector.broadcast %shift_left3A_172 : i32 to vector<1000x8xi32>
    %shift_left3A_174 = arith.shli %convert_element_type3A_171, %shift_left3A_173 : vector<1000x8xi32>
    %or3A_175 = arith.ori %convert_element_type3A_168, %shift_left3A_174 : vector<1000x8xi32>
    %bitcast_convert_type3A = tpu.bitcast %broadcast_in_dim3A_48 : vector<1000x1xf32> -> vector<1000x1xi32>
    %broadcast_in_dim3A_176 = arith.constant 0 : i32
    %broadcast_in_dim3A_177 = vector.broadcast %broadcast_in_dim3A_176 : i32 to vector<1000x1xi32>
    %slice3A_178 = vector.extract_strided_slice %or3A {offsets = [0, 0], sizes = [1000, 7], strides = [1, 1]} : vector<1000x8xi32> to vector<1000x7xi32>
    %slice3A_179 = vector.extract_strided_slice %or3A_175 {offsets = [0, 0], sizes = [1000, 7], strides = [1, 1]} : vector<1000x8xi32> to vector<1000x7xi32>
    %concatenate3A = tpu.concatenate %slice3A_178, %bitcast_convert_type3A, %slice3A_179, %broadcast_in_dim3A_177 in 1 : vector<1000x7xi32>, vector<1000x1xi32>, vector<1000x7xi32>, vector<1000x1xi32> -> vector<1000x16xi32>
    %swap3A_180 = arith.constant 0 : index
    %swap3A_181 = arith.constant 0 : index
    %swap3A_182 = vector.load %arg3[%swap3A_180, %swap3A_181] : memref<1000x16xi32, #tpu.memory_space<vmem>>, vector<1000x16xi32>
    tpu.vector_store %arg3[%swap3A_180, %swap3A_181], %concatenate3A {strides = array<i32>} : memref<1000x16xi32, #tpu.memory_space<vmem>>, vector<1000x16xi32>,
    return
  }
}

module attributes {stable_mosaic.version = 14 : i64} {
  func.func @_tc_b_kern(%arg0: i32, %arg1: memref<200x50xbf16, #tpu.memory_space<vmem>>, %arg2: memref<1000x50xbf16, #tpu.memory_space<vmem>>, %arg3: memref<200x1000xi32, #tpu.memory_space<vmem>>) attributes {dimension_semantics = [#tpu.dimension_semantics<arbitrary>], iteration_bounds = array<i64: 5>, scalar_prefetch = 0 : i64, scratch_operands = 0 : i64, tpu.core_type = #tpu.core_type<tc>, window_params = [{transform_indices = @transform_0, window_bounds = array<i64: 200, 50>}, {pipeline_mode = #tpu.pipeline_mode<synchronous>, transform_indices = @transform_1, window_bounds = array<i64: 1000, 50>}, {transform_indices = @transform_2, window_bounds = array<i64: 200, 1000>}]} {
    %get3A = arith.constant 0 : index
    %get3A_0 = arith.constant 0 : index
    %get3A_1 = vector.load %arg1[%get3A, %get3A_0] : memref<200x50xbf16, #tpu.memory_space<vmem>>, vector<200x50xbf16>
    %get3A_2 = arith.constant 0 : index
    %get3A_3 = arith.constant 0 : index
    %get3A_4 = vector.load %arg2[%get3A_2, %get3A_3] : memref<1000x50xbf16, #tpu.memory_space<vmem>>, vector<1000x50xbf16>
    %dot_general3A = arith.constant dense<0.000000e+00> : vector<200x1000xf32>
    %dot_general3A_5 = tpu.matmul %get3A_1, %get3A_4, %dot_general3A {dimension_numbers = #tpu.dot_dimension_numbers<[1], [1], [0], [0], [0, 0, 1, 0], [], []>, transpose_lhs_hint = false} : vector<200x50xbf16>, vector<1000x50xbf16>, vector<200x1000xf32> -> vector<200x1000xf32>
    %gt3A = arith.constant 0.000000e+00 : f32
    %gt3A_6 = vector.broadcast %gt3A : f32 to vector<200x1000xf32>
    %gt3A_7 = arith.cmpf ogt, %dot_general3A_5, %gt3A_6 : vector<200x1000xf32>
    %convert_element_type3A = arith.extui %gt3A_7 : vector<200x1000xi1> to vector<200x1000xi32>
    %swap3A = arith.constant 0 : index
    %swap3A_8 = arith.constant 0 : index
    %swap3A_9 = vector.load %arg3[%swap3A, %swap3A_8] : memref<200x1000xi32, #tpu.memory_space<vmem>>, vector<200x1000xi32>
    tpu.vector_store %arg3[%swap3A, %swap3A_8], %convert_element_type3A {strides = array<i32>} : memref<200x1000xi32, #tpu.memory_space<vmem>>, vector<200x1000xi32>,
    return
  }
  func.func @transform_0(%arg0: i32) -> (i32, i32) {
    %c0_i32 = arith.constant 0 : i32
    %c0_i32_0 = arith.constant 0 : i32
    return %arg0, %c0_i32 : i32, i32
  }
  func.func @transform_1(%arg0: i32) -> (i32, i32) {
    %c0_i32 = arith.constant 0 : i32
    %c0_i32_0 = arith.constant 0 : i32
    %c0_i32_1 = arith.constant 0 : i32
    return %c0_i32, %c0_i32_0 : i32, i32
  }
  func.func @transform_2(%arg0: i32) -> (i32, i32) {
    %c0_i32 = arith.constant 0 : i32
    %c0_i32_0 = arith.constant 0 : i32
    return %arg0, %c0_i32 : i32, i32
  }
}

</mosaic_0001>

<sc_bundles>
// kernel: kernel.5.cloned.1.call-start
scs
__scs_entry_jumppad:
0x0: {  	(pc) =	sbr.rel $0x88, $3  }
0x1: {  	(tag) =	ssettag $0x0;
	lr =	simm.s32 $0x1  }
0x2: {  	[smem:$0x3F9D] =	sst lr;
	_ =	strace $0xD0000000  }
0x3: {  	_ = 	snop  }
0x4: {  	_ = 	snop  }
0x5: {  	_ = 	snop  }
0x6: {  	_ = 	snop  }
0x7: {  	_ = 	snop  }
__scs_overlays_trampoline_lowered:
0x8: {  	[smem:$0x3FAC] =	sst s0  }
0x9: {  	[smem:$0x3FAD] =	sst s1  }
0xa: {  	[smem:$0x3FAE] =	sst s2  }
0xb: {  	[smem:$0x3FAF] =	sst s3  }
0xc: {  	[smem:$0x3FB0] =	sst s4  }
0xd: {  	[smem:$0x3FB1] =	sst s5  }
0xe: {  	[smem:$0x3FB2] =	sst s6  }
0xf: {  	[smem:$0x3FB3] =	sst s7  }
0x10: {  	[smem:$0x3FB4] =	sst s8  }
0x11: {  	[smem:$0x3FB5] =	sst s9;
	s0 =	simm.s32 @!p0 $0x0  }
0x12: {  	s1 =	sld [smem:$0x3F9B];
	s0 =	simm.s32 @p0 $0x1  }
0x13: {  	[smem:$0x3FB6] =	sst s0;
	s0 =	simm.s32 @!p1 $0x0  }
0x14: {  	s2 =	sld [smem:$0x3F9A];
	s0 =	simm.s32 @p1 $0x1  }
0x15: {  	[smem:$0x3FB7] =	sst s0;
	s0 =	simm.s32 @!p2 $0x0  }
0x16: {  	s3 =	sld [smem:$0x3FDB];
	s0 =	simm.s32 @p2 $0x1  }
0x17: {  	s4 =	simm.s32 $0x1BF5;
	[smem:$0x3FB9] =	sst s0  }
0x18: {  	s0 =	sld [smem:$0x3F9C];
	_ =	swait.ge [sflag:s4], $0x0  }
0x19: {  	s7 =	sld [smem:$0x3F9D]  }
0x1a: {  	s8 =	sadd.s32 $0xFFFFE003, lr  }
0x1b: {  	s9 =	sadd.s32 $0xFFFFFEF7, lr;
	s5 =	simm.s32 $0xFFFFFFFF;
	p2 =	slt.u32 s8, $0xFFFFF086  }
0x1c: {  	p1 =	slt.u32 s9, $0xF7A;
	s5 =	simm.s32 @!p2 $0x0  }
0x1d: {  	s5 =	simm.s32 @p1 $0x1;
	p0 =	seq.s32 s7, s2  }
0x1e: {  	s7 =	smul.u32 @!p0 $0xF7A, s2;
	p2 =	seq.s32 @!p0 s5, $0x0  }
0x1f: {  	s9 =	smul.u32 $0xF7A, s1;
	s8 =	simm.s32 @!p0 $0x1BF5;
	p2 =	por !p2, p0  }
0x20: {  	[sflag:s8] =	ssyncset.s32 @!p0 $0xFFFFF086;
	s6 =	sadd.s32 @!p0 s3, s7;
	s7 =	simm.s32 @!p0 $0x108  }
0x21: {  	s3 =	sadd.s32 s3, s9;
	s6 =	sadd.s32 @!p0 $0x88, s6;
	s7 =	simm.s32 @p2 $0x1082  }
0x22: {  	[simem:s7], [sflag:s8] =	dma.local @!p0 [hbm:s6], $0xF7A  }
0x23: {  	s9 =	sor.u32 $0xD0000000, s2;
	s6 =	simm.s32 $0x108;
	_ =	swait.ge @!p0 [sflag:s8], $0x0  }
0x24: {  	s3 =	sadd.s32 $0x88, s3;
	s6 =	simm.s32 @!p1 $0x1082;
	[sflag:s4] =	ssyncset.s32 $0xFFFFF086  }
0x25: {  	[simem:s6], [sflag:s4] =	dma.local [hbm:s3], $0xF7A  }
0x26: {  	[smem:$0x3F9D] =	sst s1;
	(tag) =	ssettag s2;
	_ =	strace s9  }
0x27: {  	s1 =	sld [smem:$0x3FAD]  }
0x28: {  	s2 =	sld [smem:$0x3FAE]  }
0x29: {  	s4 =	sld [smem:$0x3FB0]  }
0x2a: {  	p0 =	seq.s32 s5, $0x0;
	s5 =	sld [smem:$0x3FB1]  }
0x2b: {  	s6 =	sld [smem:$0x3FB2]  }
0x2c: {  	s7 =	sld [smem:$0x3FB3]  }
0x2d: {  	s3 =	simm.s32 $0x108;
	s8 =	sld [smem:$0x3FB4]  }
0x2e: {  	s3 =	simm.s32 @!p0 $0x1082;
	s9 =	sld [smem:$0x3FB5]  }
0x2f: {  	lr =	sadd.s32 s0, s3;
	s0 =	sld [smem:$0x3FAC]  }
0x30: {  	s3 =	sld [smem:$0x3FAF]  }
0x31: {  	[smem:$0x3FB8] =	sst s10  }
0x32: {  	s10 =	sld [smem:$0x3FB6];
	_ =	sdelay $0x3  }
0x33: {  	p0 =	seq.s32 s10, $0x1;
	s10 =	sld [smem:$0x3FB8];
	_ =	sdelay $0x3  }
0x34: {  	[smem:$0x3FB8] =	sst s10  }
0x35: {  	s10 =	sld [smem:$0x3FB7];
	_ =	sdelay $0x3  }
0x36: {  	p1 =	seq.s32 s10, $0x1;
	s10 =	sld [smem:$0x3FB8];
	_ =	sdelay $0x3  }
0x37: {  	[smem:$0x3FB8] =	sst s10  }
0x38: {  	s10 =	sld [smem:$0x3FB9]  }
0x39: {  	_ = 	snop;
	(pc) =	sbr.ind lr, $3  }
0x3a: {  	_ = 	snop  }
0x3b: {  	_ = 	snop  }
0x3c: {  	p2 =	seq.s32 s10, $0x1;
	s10 =	sld [smem:$0x3FB8]  }
0x3d: {  	_ =	shalt  }
0x3e: {  	_ =	shalt  }
0x3f: {  	_ =	shalt  }
0x40: {  	_ =	shalt  }
0x41: {  	_ =	shalt  }
0x42: {  	_ =	shalt  }
0x43: {  	_ =	shalt  }
0x44: {  	_ =	shalt  }
0x45: {  	_ =	shalt  }
0x46: {  	_ =	shalt  }
0x47: {  	_ =	shalt  }
0x48: {  	_ =	shalt  }
0x49: {  	_ =	shalt  }
0x4a: {  	_ =	shalt  }
0x4b: {  	_ =	shalt  }
0x4c: {  	_ =	shalt  }
0x4d: {  	_ =	shalt  }
0x4e: {  	_ =	shalt  }
0x4f: {  	_ =	shalt  }
0x50: {  	_ =	shalt  }
0x51: {  	_ =	shalt  }
0x52: {  	_ =	shalt  }
0x53: {  	_ =	shalt  }
0x54: {  	_ =	shalt  }
0x55: {  	_ =	shalt  }
0x56: {  	_ =	shalt  }
0x57: {  	_ =	shalt  }
0x58: {  	_ =	shalt  }
0x59: {  	_ =	shalt  }
0x5a: {  	_ =	shalt  }
0x5b: {  	_ =	shalt  }
0x5c: {  	_ =	shalt  }
0x5d: {  	_ =	shalt  }
0x5e: {  	_ =	shalt  }
0x5f: {  	_ =	shalt  }
0x60: {  	_ =	shalt  }
0x61: {  	_ =	shalt  }
0x62: {  	_ =	shalt  }
0x63: {  	_ =	shalt  }
0x64: {  	_ =	shalt  }
0x65: {  	_ =	shalt  }
0x66: {  	_ =	shalt  }
0x67: {  	_ =	shalt  }
0x68: {  	_ =	shalt  }
0x69: {  	_ =	shalt  }
0x6a: {  	_ =	shalt  }
0x6b: {  	_ =	shalt  }
0x6c: {  	_ =	shalt  }
0x6d: {  	_ =	shalt  }
0x6e: {  	_ =	shalt  }
0x6f: {  	_ =	shalt  }
0x70: {  	_ =	shalt  }
0x71: {  	_ =	shalt  }
0x72: {  	_ =	shalt  }
0x73: {  	_ =	shalt  }
0x74: {  	_ =	shalt  }
0x75: {  	_ =	shalt  }
0x76: {  	_ =	shalt  }
0x77: {  	_ =	shalt  }
0x78: {  	_ =	shalt  }
0x79: {  	_ =	shalt  }
0x7a: {  	_ =	shalt  }
0x7b: {  	_ =	shalt  }
0x7c: {  	_ =	shalt  }
0x7d: {  	_ =	shalt  }
0x7e: {  	_ =	shalt  }
0x7f: {  	_ =	shalt  }
0x80: {  	_ =	shalt  }
0x81: {  	_ =	shalt  }
0x82: {  	_ =	shalt  }
0x83: {  	_ =	shalt  }
0x84: {  	_ =	shalt  }
0x85: {  	_ =	shalt  }
0x86: {  	_ =	shalt  }
0x87: {  	_ =	shalt  }
.Lfunc_end0:
.L_simem_size_0:
called_computation_lowered:
.L_overlay_start_0:
0x88: {  	s2 =	sld [smem:$0x3FD9]  }
0x89: {  	s3 =	sld [smem:$0x3FFE];
	_ =	sdelay $0x1  }
0x8a: {  	s1 =	srdreg.scid  }
0x8b: {  	s0 =	sand.u32 $0x1, s1  }
0x8c: {  	s14 =	sshll.u32 s0, $0xA;
	s2 =	sadd.s32 s3, s2  }
0x8d: {  	s2 =	sadd.s32 s2, s14  }
0x8e: {  	[smem:$0x3FC4] =	sst s2  }
0x8f: {  	_ = 	snop  }
0x90: {  	s2 =	sld [smem:$0x3FD0];
	_ =	sdelay $0x2  }
0x91: {  	s4 =	simm.s32 $0xA;
	s5 =	simm.s32 $0x10;
	s15 =	sld [smem:$0x3FC6]  }
0x92: {  	[smem:s5], [sflag:s4] =	dma.local [hbm:s2], $0x1  }
0x93: {  	_ =	swait.eq [sflag:s4], $0x1  }
0x94: {  	[sflag:s4] =	ssyncset.done $0x0  }
0x95: {  	s16 =	sld [smem:$0x10];
	[sflag:s4] =	ssyncadd.s32 $0xFFFFFFFF  }
0x96: {  	s17 =	sld [smem:$0x11];
	(tm) =	ssettm $0x1  }
0x97: {  	s18 =	sld [smem:$0x3FFB];
	_ =	sdelay $0x3  }
0x98: {  	_ =	strace s18  }
0x99: {  	s5 =	sld [smem:$0x3FFC];
	_ =	sdelay $0x3  }
0x9a: {  	_ =	strace s5  }
0x9b: {  	s5 =	sld [smem:$0x3FFD];
	_ =	sdelay $0x3  }
0x9c: {  	_ =	strace s5  }
0x9d: {  	_ =	strace $0x8FFFFFFF  }
0x9e: {  	s19 =	sld [smem:$0x3FDB];
	_ =	sdelay $0x1  }
0x9f: {  	s6 =	simm.s32 $_scs_section_size  }
0xa0: {  	s7 =	simm.s32 $_size__tile_overlayer_lowered;
	s8 =	simm.s32 $_tile_overlayer_lowered  }
0xa1: {  	s22 =	simm.s32 $0x1BFF;
	s21 =	sshll.u32 s8, $0x1;
	s5 =	sadd.s32 s6, s19  }
0xa2: {  	s9 =	simm.s32 $0x0;
	s20 =	sshll.u32 s7, $0x1;
	s7 =	sadd.s32 s21, s5  }
0xa3: {  	[timem:s9], [sflag:s22] =	dma.local [hbm:s7], s20  }
0xa4: {  	_ =	swait.ge [sflag:s22], s20  }
0xa5: {  	s6 =	ssub.s32 $0x0, s20;
	[sflag:s22] =	ssyncset.done $0x0  }
0xa6: {  	[sflag:s22] =	ssyncadd.s32 s6;
	_ =	sdelay $0x1  }
0xa7: {  	s23 =	simm.s32 $0x1B8B  }
0xa8: {  	_ =	swait.ge [sflag:s23], $0x1  }
0xa9: {  	[sflag:s23] =	ssyncset.done $0x0  }
0xaa: {  	s25 =	simm.s32 $0x1B8E;
	s24 =	sld [smem:$0x3FFE];
	[sflag:s23] =	ssyncadd.s32 $0xFFFFFFFF  }
0xab: {  	s26 =	simm.s32 $execute0_lowered;
	[smem:$0x3FD2] =	sst s25  }
0xac: {  	s7 =	sshll.u32 s26, $0x1;
	_ =	strace $0x80000046;
	[dreg:$0x1] =	wrdreg $0xFFFFFFFF  }
0xad: {  	s28 =	simm.s32 $_size_execute0_lowered;
	s5 =	sadd.s32 s5, s7;
	[dreg:$0x0] =	wrdreg $0x0  }
0xae: {  	s7 =	sshll.u32 s28, $0x1;
	[dreg:$0x2] =	wrdreg s5  }
0xaf: {  	[dreg:$0x3] =	wrdreg s7  }
0xb0: {  	[dreg:$0x4] =	wrdreg $0xC0  }
0xb1: {  	_ =	task [dreg:s9], $0x5FFFF  }
0xb2: {  	[dreg:$0x1] =	wrdreg $0xFFFFFFFF  }
0xb3: {  	[dreg:$0x0] =	wrdreg $0x60  }
0xb4: {  	[dreg:$0x2] =	wrdreg s24  }
0xb5: {  	[dreg:$0x3] =	wrdreg s15  }
0xb6: {  	[dreg:$0x4] =	wrdreg s16  }
0xb7: {  	[dreg:$0x5] =	wrdreg s17  }
0xb8: {  	[dreg:$0x6] =	wrdreg $0x3F800  }
0xb9: {  	[dreg:$0x7] =	wrdreg $0x9  }
0xba: {  	_ =	task.clear_ibuf [dreg:s9], $0x8FFFF;
	_ =	strace $0x90000046  }
0xbb: {  	s29 =	simm.s32 $0x9;
	_ =	strace $0x80000048  }
0xbc: {  	_ =	swait.ge [sflag:s29], $0x1  }
0xbd: {  	[sflag:s29] =	ssyncadd.s32 $0xFFFFFFFF  }
0xbe: {  	_ =	strace $0x90000048  }
0xbf: {  	_ =	sfence  }
0xc0: {  	s30 =	sld [smem:$0x0];
	_ =	sdelay $0x2  }
0xc1: {  	s31 =	sshll.u32 s1, $0xD;
	s1 =	sshrl.u32 s1, $0x2  }
0xc2: {  	s3 =	sand.u32 $0x4000, s31;
	s1 =	sadd.s32 s1, s30  }
0xc3: {  	s0 =	sor.u32 s3, s0;
	s1 =	sshll.u32 s1, $0x11  }
0xc4: {  	s0 =	sor.u32 s1, s0  }
0xc5: {  	s0 =	sadd.s32 $0x8F2B, s0  }
0xc6: {  	[sflag:s0] =	ssyncadd.remote.s32 $0x1  }
0xc7: {  	_ =	sfence.sel $0xFFFF  }
0xc8: {  	[dreg:$0x0] =	wrdreg $0xFFFFFFFF;
	(pc) =	sbr.abs _section_cstart, $3  }
0xc9: {  	[dreg:$0x1] =	wrdreg $0xFFFFFFFF  }
0xca: {  	_ =	task.clear_ibuf [dreg:s9], $0x2FFFF;
	_ =	strace $0x9FFFFFFF  }
0xcb: {  	(tm) =	ssettm $0x7FFFFFFF  }
tec
execute0_lowered:
.L_overlay_start_1:
0x0: {  	(tag) =	ssettag $0x1  }
0x1: {  	s4 =	rddreg [dreg:$0x0]  }
0x2: {  	s5 =	rddreg [dreg:$0x1]  }
0x3: {  	s8 =	rddreg [dreg:$0x2]  }
0x4: {  	s9 =	rddreg [dreg:$0x3]  }
0x5: {  	s2 =	rddreg [dreg:$0x4]  }
0x6: {  	s0 =	rddreg [dreg:$0x5];
	s3 =	simm.s32 $0x0;
	s1 =	stileid.u32  }
0x7: {  	s6 =	srdreg.scid;
	s13 =	simm.s32 $0x80;
	s14 =	simm.s32 $0x1  }
0x8: {  	s15 =	simm.s32 $0x4368;
	s16 =	simm.s32 $0x43E8;
	[smem:$0x7FF] =	sst s3  }
0x9: {  	s7 =	smul.u32 $0x3E8, s1;
	s6 =	sand.u32 $0x1, s6;
	s10 =	sshll.u32 s1, $0x1  }
0xa: {  	_ =	strace $0x80000047;
	s12 =	ssub.s32 $0x2, s6;
	s10 =	sor.u32 s6, s10  }
0xb: {  	s11 =	sshrl.u32 s7, $0x3;
	s30 =	sshrl.u32 s12, $0x1;
	s31 =	sshll.u32 s10, $0x5  }
0xc: {  	s7 =	sadd.s32 s7, s2;
	s10 =	sshll.u32 s10, $0x4;
	s4 =	sadd.s32 s11, s4  }
0xd: {  	s12 =	ssub.s32 s12, s30;
	s5 =	sadd.s32 s5, s31;
	s8 =	sadd.s32 s8, s10  }
0xe: {  	s9 =	sadd.s32 s9, s10;
	s11 =	simm.s32 $0x100;
	s4 =	sadd.s32 $0xC00, s4  }
0xf: {  	s6 =	sadd.s32 $0x10, s5;
	s10 =	smax.u32 s12, $0x1;
	s12 =	simm.s32 $0x2  }
.LBB2_1:
0x10: {  	[tilespmem:s11], [sflag:$0x1] =	stream.linear.gather [hbm4b:s4+s3], $0x3E8, $0x38;
	[tilespmem:$0x4468] =	vst v63  }
0x11: {  	_ = 	snop  }
0x12: {  	[tilespmem:s3], [sflag:$0x2] =	stream.linear.gather [hbm4b:s5+s3], $0x80, $0x38;
	[tilespmem:$0x4468] =	vst v63  }
0x13: {  	_ =	swait.ge [sflag:s12], $0x80  }
0x14: {  	[sflag:s12] =	ssyncset.done $0x0  }
0x15: {  	[sflag:s12] =	ssyncadd.s32 $0xFFFFFF80  }
0x16: {  	[tilespmem:s13], [sflag:$0x2] =	stream.linear.gather [hbm4b:s6+s3], $0x80, $0x38;
	[tilespmem:$0x4468] =	vst v63  }
0x17: {  	_ =	swait.ge [sflag:s12], $0x80  }
0x18: {  	[sflag:s12] =	ssyncset.done $0x0  }
0x19: {  	[sflag:s12] =	ssyncadd.s32 $0xFFFFFF80  }
0x1a: {  	_ =	swait.ge [sflag:s14], $0x3E8  }
0x1b: {  	[sflag:s14] =	ssyncset.done $0x0  }
0x1c: {  	[sflag:s14] =	ssyncadd.s32 $0xFFFFFC18  }
0x1d: {  	[spmem:s7] =	stream.linear.scatter [tilespmem:s11], [sflag:$0x2], $0x3E8, $0x38;
	[tilespmem:$0x4468] =	vst v63  }
0x1e: {  	_ =	swait.ge [sflag:s12], $0x3E8  }
0x1f: {  	[sflag:s12] =	ssyncset.done $0x0  }
0x20: {  	[sflag:s12] =	ssyncadd.s32 $0xFFFFFC18  }
0x21: {  	[bflag:$0x0] =	sbarrier.arrive $0xFFFF  }
0x22: {  	[tilespmem:s11], [sflag:$0x2] =	stream.linear.gather [spmem:s2], $0x3E80, $0x38;
	[tilespmem:$0x4468] =	vst v63  }
0x23: {  	_ =	swait.ge [sflag:s12], $0x3E80  }
0x24: {  	[sflag:s12] =	ssyncset.done $0x0  }
0x25: {  	[sflag:s12] =	ssyncadd.s32 $0xFFFFC180  }
0x26: {  	v0 =	vld [tilespmem:$0x0]  }
0x27: {  	v2 =	vld [tilespmem:$0x80];
	_ =	sdelay $0x3  }
0x28: {  	v1 =	vshll.u32 v0, $0x4  }
0x29: {  	v3 =	vshll.u32 v2, $0x4;
	v0 =	vor.u32 $0x7, v1  }
0x2a: {  	v2 =	vor.u32 $0x7, v3;
	_ =	sdelay $0x3  }
0x2b: {  	v0 =	vld.idx.msk [tilespmem:v0+s11+$0x0], $0xffff  }
0x2c: {  	v2 =	vld.idx.msk [tilespmem:v2+s11+$0x0], $0xffff;
	_ =	sdelay $0x3  }
0x2d: {  	v4 =	vor.u32 $0x8, v3  }
0x2e: {  	v33 =	vor.u32 $0x1, v1;
	v0 =	vmul.f32 v2, v0  }
0x2f: {  	v5 =	vor.u32 $0x9, v3  }
0x30: {  	v6 =	vor.u32 $0x2, v1;
	[tilespmem:$0x43E8] =	vst v0  }
0x31: {  	v9 =	vor.u32 $0xA, v3;
	v0 =	vld.idx.msk [tilespmem:v1+s11+$0x0], $0xffff  }
0x32: {  	v40 =	vor.u32 $0x3, v1;
	v32 =	vld.idx.msk [tilespmem:v4+s11+$0x0], $0xffff  }
0x33: {  	v11 =	vor.u32 $0xB, v3;
	v34 =	vld.idx.msk [tilespmem:v33+s11+$0x0], $0xffff  }
0x34: {  	v60 =	vor.u32 $0x6, v1;
	v5 =	vld.idx.msk [tilespmem:v5+s11+$0x0], $0xffff  }
0x35: {  	v62 =	vor.u32 $0xE, v3;
	v36 =	vld.idx.msk [tilespmem:v6+s11+$0x0], $0xffff  }
0x36: {  	v39 =	vld.idx.msk [tilespmem:v9+s11+$0x0], $0xffff  }
0x37: {  	v44 =	vld.idx.msk [tilespmem:v40+s11+$0x0], $0xffff  }
0x38: {  	v46 =	vld.idx.msk [tilespmem:v11+s11+$0x0], $0xffff  }
0x39: {  	v17 =	vld.idx.msk [tilespmem:v60+s11+$0x0], $0xffff  }
0x3a: {  	v11 =	vld.idx.msk [tilespmem:v62+s11+$0x0], $0xffff;
	_ =	sdelay $0x1  }
0x3b: {  	v48 =	vor.u32 $0x4, v1;
	v50 =	vor.u32 $0xC, v3  }
0x3c: {  	v53 =	vor.u32 $0x5, v1;
	v13 =	vor.u32 $0xD, v3;
	v0 =	vand.u32 v0, v32  }
0x3d: {  	v2 =	vand.u32 v34, v5;
	v4 =	vand.u32 v36, v39;
	v6 =	vand.u32 v44, v46  }
0x3e: {  	v24 =	vand.u32 v17, v11;
	v35 =	vshrl.u32 v0, $0x10;
	v7 =	vand.u32 $0xFFFF, v0  }
0x3f: {  	v38 =	vshrl.u32 v2, $0x10;
	v41 =	vand.u32 $0xFFFF, v2;
	vm9 =	veq.s32 v0, $0x0  }
0x40: {  	v45 =	vand.u32 $0xFFFF, v4;
	vm11 =	veq.s32 v2, $0x0;
	v51 =	vshrl.u32 v6, $0x10  }
0x41: {  	vm12 =	veq.s32 v4, $0x0;
	vm15 =	veq.s32 v6, $0x0;
	v25 =	vshrl.u32 v24, $0x10  }
0x42: {  	v8 =	vcvt.s32.f32 v35;
	v7 =	vcvt.s32.f32 v7;
	vm0 =	veq.s32 v35, $0x0  }
0x43: {  	v10 =	vcvt.s32.f32 v38;
	v9 =	vcvt.s32.f32 v41;
	vm10 =	veq.s32 v38, $0x0  }
0x44: {  	v58 =	vld.idx.msk [tilespmem:v53+s11+$0x0], $0xffff;
	v54 =	vcvt.s32.f32 v51;
	vm13 =	veq.s32 v51, $0x0;
	v26 =	vcvt.s32.f32 v25  }
0x45: {  	v59 =	vld.idx.msk [tilespmem:v13+s11+$0x0], $0xffff;
	v8 =	vshrl.u32 v8, $0x17;
	v7 =	vshrl.u32 v7, $0x17;
	v43 =	vshrl.u32 v10, $0x17  }
0x46: {  	v9 =	vshrl.u32 v9, $0x17;
	v56 =	vshrl.u32 v54, $0x17;
	v8 =	vadd.s32 $0xFFFFFF91, v8  }
0x47: {  	v7 =	vadd.s32 $0xFFFFFF81, v7;
	v5 =	vadd.s32 $0xFFFFFF91, v43;
	v9 =	vadd.s32 $0xFFFFFF81, v9  }
0x48: {  	v37 =	vsel vm0, v7, v8;
	v5 =	vsel vm10, v9, v5;
	v7 =	vshrl.u32 v4, $0x10  }
0x49: {  	v8 =	vcvt.s32.f32 v45;
	v9 =	vand.u32 $0xFFFF, v6;
	v4 =	vadd.s32 $0xFFFFFF91, v56  }
0x4a: {  	v6 =	vand.u32 v58, v59;
	vm10 =	veq.s32 v24, $0x0;
	v12 =	vshra.s32 v37, $0x1F  }
0x4b: {  	v47 =	vcvt.s32.f32 v7;
	v49 =	vadd.s32 $0x20, v5;
	vm2 =	veq.s32 v7, $0x0  }
0x4c: {  	v9 =	vcvt.s32.f32 v9;
	v18 =	vshrl.u32 v6, $0x10;
	v19 =	vand.u32 $0xFFFF, v6  }
0x4d: {  	vm8 =	veq.s32 v6, $0x0;
	v42 =	vor.u32 v12, v37;
	v8 =	vshrl.u32 v8, $0x17  }
0x4e: {  	v52 =	vld.idx.msk [tilespmem:v48+s11+$0x0], $0xffff;
	v20 =	vcvt.s32.f32 v18;
	vm6 =	veq.s32 v18, $0x0;
	v0 =	vsel vm9, $0xFFFFFFFF, v42  }
0x4f: {  	v5 =	vld.idx.msk [tilespmem:v50+s11+$0x0], $0xffff;
	v10 =	vshrl.u32 v47, $0x17;
	v8 =	vadd.s32 $0xFFFFFF81, v8;
	v57 =	vshrl.u32 v9, $0x17  }
0x50: {  	v9 =	vcvt.s32.f32 v19;
	vm9 =	veq.s32 v25, $0x0;
	vm1 =	vgt.s32 v0, v49  }
0x51: {  	v10 =	vadd.s32 $0xFFFFFF91, v10;
	v22 =	vshrl.u32 v20, $0x17;
	v2 =	vsel vm1, v0, v49  }
0x52: {  	v7 =	vsel vm2, v8, v10;
	v23 =	vshrl.u32 v9, $0x17;
	v8 =	vshrl.u32 v26, $0x17  }
0x53: {  	v0 =	vsel vm11, v0, v2;
	v55 =	vadd.s32 $0x40, v7;
	v7 =	vadd.s32 $0xFFFFFF81, v57  }
0x54: {  	v5 =	vand.u32 v52, v5;
	v8 =	vadd.s32 $0xFFFFFF91, v8;
	v2 =	vsel vm12, $0xFFFFFFFF, v55  }
0x55: {  	v4 =	vsel vm13, v7, v4;
	v61 =	vshrl.u32 v5, $0x10;
	v10 =	vand.u32 $0xFFFF, v5  }
0x56: {  	vm5 =	veq.s32 v5, $0x0;
	v5 =	vadd.s32 $0xFFFFFF81, v23;
	v7 =	vand.u32 $0xFFFF, v24  }
0x57: {  	vm14 =	vgt.s32 v0, v2;
	v63 =	vcvt.s32.f32 v61;
	v10 =	vcvt.s32.f32 v10  }
0x58: {  	v4 =	vadd.s32 $0x60, v4;
	vm4 =	veq.s32 v61, $0x0;
	v7 =	vcvt.s32.f32 v7  }
0x59: {  	v0 =	vsel vm14, v0, v2;
	v16 =	vshrl.u32 v63, $0x17;
	v10 =	vshrl.u32 v10, $0x17  }
0x5a: {  	v15 =	vsel vm15, $0xFFFFFFFF, v4;
	v4 =	vadd.s32 $0xFFFFFF91, v16;
	v10 =	vadd.s32 $0xFFFFFF81, v10  }
0x5b: {  	v29 =	vld [tilespmem:$0x90];
	vm0 =	vgt.s32 v0, v15;
	v7 =	vshrl.u32 v7, $0x17;
	v4 =	vsel vm4, v10, v4  }
0x5c: {  	v27 =	vld [tilespmem:$0x10];
	v0 =	vsel vm0, v0, v15;
	v21 =	vadd.s32 $0x80, v4;
	v4 =	vadd.s32 $0xFFFFFF91, v22  }
0x5d: {  	v7 =	vadd.s32 $0xFFFFFF81, v7;
	v2 =	vsel vm5, $0xFFFFFFFF, v21;
	v4 =	vsel vm6, v5, v4  }
0x5e: {  	v31 =	vsel vm9, v7, v8;
	vm7 =	vgt.s32 v0, v2;
	v4 =	vadd.s32 $0xA0, v4  }
0x5f: {  	v32 =	vadd.s32 $0xC0, v31;
	v0 =	vsel vm7, v0, v2;
	v28 =	vsel vm8, $0xFFFFFFFF, v4  }
0x60: {  	v5 =	vsel vm10, $0xFFFFFFFF, v32;
	v2 =	vshll.u32 v29, $0x4;
	vm0 =	vgt.s32 v0, v28  }
0x61: {  	v34 =	vor.u32 $0x7, v2;
	v30 =	vsel vm0, v0, v28;
	v0 =	vshll.u32 v27, $0x4  }
0x62: {  	v33 =	vor.u32 $0x7, v0;
	vm0 =	vgt.s32 v30, v5  }
0x63: {  	vm11 =	veq.s32 v1, v3;
	v5 =	vsel vm0, v30, v5  }
0x64: {  	v1 =	vsel vm11, $0xFFFFFFFF, v5  }
0x65: {  	[tilespmem:$0x4368] =	vst v1  }
0x66: {  	v35 =	vld.idx.msk [tilespmem:v34+s11+$0x0], $0xffff  }
0x67: {  	v1 =	vld.idx.msk [tilespmem:v33+s11+$0x0], $0xffff;
	_ =	sdelay $0x3  }
0x68: {  	v36 =	vor.u32 $0x8, v2  }
0x69: {  	v38 =	vor.u32 $0x1, v0;
	v1 =	vmul.f32 v35, v1  }
0x6a: {  	v39 =	vor.u32 $0x9, v2  }
0x6b: {  	v42 =	vor.u32 $0x2, v0;
	[tilespmem:$0x43F8] =	vst v1  }
0x6c: {  	v45 =	vor.u32 $0xA, v2;
	v1 =	vld.idx.msk [tilespmem:v0+s11+$0x0], $0xffff  }
0x6d: {  	v50 =	vor.u32 $0x3, v0;
	v37 =	vld.idx.msk [tilespmem:v36+s11+$0x0], $0xffff  }
0x6e: {  	v53 =	vor.u32 $0xB, v2;
	v40 =	vld.idx.msk [tilespmem:v38+s11+$0x0], $0xffff  }
0x6f: {  	v26 =	vor.u32 $0x6, v0;
	v5 =	vld.idx.msk [tilespmem:v39+s11+$0x0], $0xffff  }
0x70: {  	v28 =	vor.u32 $0xE, v2;
	v46 =	vld.idx.msk [tilespmem:v42+s11+$0x0], $0xffff  }
0x71: {  	v49 =	vld.idx.msk [tilespmem:v45+s11+$0x0], $0xffff  }
0x72: {  	v57 =	vld.idx.msk [tilespmem:v50+s11+$0x0], $0xffff  }
0x73: {  	v59 =	vld.idx.msk [tilespmem:v53+s11+$0x0], $0xffff  }
0x74: {  	v32 =	vld.idx.msk [tilespmem:v26+s11+$0x0], $0xffff  }
0x75: {  	v11 =	vld.idx.msk [tilespmem:v28+s11+$0x0], $0xffff;
	_ =	sdelay $0x1  }
0x76: {  	v63 =	vor.u32 $0xC, v2;
	v20 =	vor.u32 $0xD, v2  }
0x77: {  	v61 =	vor.u32 $0x4, v0;
	v18 =	vor.u32 $0x5, v0;
	v1 =	vand.u32 v1, v37  }
0x78: {  	v3 =	vand.u32 v40, v5;
	v4 =	vand.u32 v46, v49;
	v6 =	vand.u32 v57, v59  }
0x79: {  	v39 =	vand.u32 v32, v11;
	v41 =	vshrl.u32 v1, $0x10;
	v43 =	vand.u32 $0xFFFF, v1  }
0x7a: {  	v48 =	vshrl.u32 v3, $0x10;
	v51 =	vand.u32 $0xFFFF, v3;
	vm13 =	veq.s32 v1, $0x0  }
0x7b: {  	v58 =	vand.u32 $0xFFFF, v4;
	vm15 =	veq.s32 v3, $0x0;
	v16 =	vshrl.u32 v6, $0x10  }
0x7c: {  	vm6 =	veq.s32 v4, $0x0;
	vm9 =	veq.s32 v6, $0x0;
	v40 =	vshrl.u32 v39, $0x10  }
0x7d: {  	v44 =	vcvt.s32.f32 v41;
	v7 =	vcvt.s32.f32 v43;
	vm12 =	veq.s32 v41, $0x0  }
0x7e: {  	v52 =	vcvt.s32.f32 v48;
	v9 =	vcvt.s32.f32 v51;
	vm14 =	veq.s32 v48, $0x0  }
0x7f: {  	v24 =	vld.idx.msk [tilespmem:v18+s11+$0x0], $0xffff;
	v19 =	vcvt.s32.f32 v16;
	vm7 =	veq.s32 v16, $0x0;
	v41 =	vcvt.s32.f32 v40  }
0x80: {  	v25 =	vld.idx.msk [tilespmem:v20+s11+$0x0], $0xffff;
	v8 =	vshrl.u32 v44, $0x17;
	v7 =	vshrl.u32 v7, $0x17;
	v56 =	vshrl.u32 v52, $0x17  }
0x81: {  	v9 =	vshrl.u32 v9, $0x17;
	v22 =	vshrl.u32 v19, $0x17;
	v8 =	vadd.s32 $0xFFFFFF91, v8  }
0x82: {  	v7 =	vadd.s32 $0xFFFFFF81, v7;
	v5 =	vadd.s32 $0xFFFFFF91, v56;
	v9 =	vadd.s32 $0xFFFFFF81, v9  }
0x83: {  	v47 =	vsel vm12, v7, v8;
	v5 =	vsel vm14, v9, v5;
	v7 =	vshrl.u32 v4, $0x10  }
0x84: {  	v8 =	vcvt.s32.f32 v58;
	v9 =	vand.u32 $0xFFFF, v6;
	v4 =	vadd.s32 $0xFFFFFF91, v22  }
0x85: {  	v6 =	vand.u32 v24, v25;
	v54 =	vshra.s32 v47, $0x1F;
	v60 =	vcvt.s32.f32 v7  }
0x86: {  	v62 =	vadd.s32 $0x20, v5;
	vm5 =	veq.s32 v7, $0x0;
	v9 =	vcvt.s32.f32 v9  }
0x87: {  	v33 =	vshrl.u32 v6, $0x10;
	v34 =	vand.u32 $0xFFFF, v6;
	vm14 =	veq.s32 v6, $0x0  }
0x88: {  	v17 =	vld.idx.msk [tilespmem:v61+s11+$0x0], $0xffff;
	v55 =	vor.u32 v54, v47;
	v8 =	vshrl.u32 v8, $0x17;
	v35 =	vcvt.s32.f32 v33  }
0x89: {  	v5 =	vld.idx.msk [tilespmem:v63+s11+$0x0], $0xffff;
	vm12 =	veq.s32 v33, $0x0;
	v1 =	vsel vm13, $0xFFFFFFFF, v55;
	v10 =	vshrl.u32 v60, $0x17  }
0x8a: {  	v8 =	vadd.s32 $0xFFFFFF81, v8;
	v23 =	vshrl.u32 v9, $0x17;
	v9 =	vcvt.s32.f32 v34  }
0x8b: {  	vm4 =	vgt.s32 v1, v62;
	v10 =	vadd.s32 $0xFFFFFF91, v10;
	v37 =	vshrl.u32 v35, $0x17  }
0x8c: {  	v3 =	vsel vm4, v1, v62;
	v7 =	vsel vm5, v8, v10;
	v38 =	vshrl.u32 v9, $0x17  }
0x8d: {  	v8 =	vshrl.u32 v41, $0x17;
	vm4 =	veq.s32 v39, $0x0;
	v1 =	vsel vm15, v1, v3  }
0x8e: {  	v21 =	vadd.s32 $0x40, v7;
	v7 =	vadd.s32 $0xFFFFFF81, v23;
	v5 =	vand.u32 v17, v5  }
0x8f: {  	v8 =	vadd.s32 $0xFFFFFF91, v8;
	vm15 =	veq.s32 v40, $0x0;
	v3 =	vsel vm6, $0xFFFFFFFF, v21  }
0x90: {  	v4 =	vsel vm7, v7, v4;
	v27 =	vshrl.u32 v5, $0x10;
	v10 =	vand.u32 $0xFFFF, v5  }
0x91: {  	vm11 =	veq.s32 v5, $0x0;
	v5 =	vadd.s32 $0xFFFFFF81, v38;
	v7 =	vand.u32 $0xFFFF, v39  }
0x92: {  	vm8 =	vgt.s32 v1, v3;
	v29 =	vcvt.s32.f32 v27;
	v10 =	vcvt.s32.f32 v10  }
0x93: {  	v4 =	vadd.s32 $0x60, v4;
	vm10 =	veq.s32 v27, $0x0;
	v7 =	vcvt.s32.f32 v7  }
0x94: {  	v1 =	vsel vm8, v1, v3;
	v31 =	vshrl.u32 v29, $0x17;
	v10 =	vshrl.u32 v10, $0x17  }
0x95: {  	v30 =	vsel vm9, $0xFFFFFFFF, v4;
	v4 =	vadd.s32 $0xFFFFFF91, v31;
	v10 =	vadd.s32 $0xFFFFFF81, v10  }
0x96: {  	v44 =	vld [tilespmem:$0xA0];
	vm0 =	vgt.s32 v1, v30;
	v7 =	vshrl.u32 v7, $0x17;
	v4 =	vsel vm10, v10, v4  }
0x97: {  	v42 =	vld [tilespmem:$0x20];
	v1 =	vsel vm0, v1, v30;
	v36 =	vadd.s32 $0x80, v4;
	v4 =	vadd.s32 $0xFFFFFF91, v37  }
0x98: {  	v7 =	vadd.s32 $0xFFFFFF81, v7;
	v3 =	vsel vm11, $0xFFFFFFFF, v36;
	v4 =	vsel vm12, v5, v4  }
0x99: {  	v46 =	vsel vm15, v7, v8;
	vm13 =	vgt.s32 v1, v3;
	v4 =	vadd.s32 $0xA0, v4  }
0x9a: {  	v47 =	vadd.s32 $0xC0, v46;
	v1 =	vsel vm13, v1, v3;
	v43 =	vsel vm14, $0xFFFFFFFF, v4  }
0x9b: {  	v5 =	vsel vm4, $0xFFFFFFFF, v47;
	v3 =	vshll.u32 v44, $0x4;
	vm0 =	vgt.s32 v1, v43  }
0x9c: {  	v49 =	vor.u32 $0x7, v3;
	v45 =	vsel vm0, v1, v43;
	v1 =	vshll.u32 v42, $0x4  }
0x9d: {  	v48 =	vor.u32 $0x7, v1;
	vm0 =	vgt.s32 v45, v5  }
0x9e: {  	vm5 =	veq.s32 v0, v2;
	v5 =	vsel vm0, v45, v5  }
0x9f: {  	v0 =	vsel vm5, $0xFFFFFFFF, v5  }
0xa0: {  	[tilespmem:$0x4378] =	vst v0  }
0xa1: {  	v50 =	vld.idx.msk [tilespmem:v49+s11+$0x0], $0xffff  }
0xa2: {  	v0 =	vld.idx.msk [tilespmem:v48+s11+$0x0], $0xffff;
	_ =	sdelay $0x3  }
0xa3: {  	v51 =	vor.u32 $0x8, v3  }
0xa4: {  	v53 =	vor.u32 $0x1, v1;
	v0 =	vmul.f32 v50, v0  }
0xa5: {  	v54 =	vor.u32 $0x9, v3  }
0xa6: {  	v57 =	vor.u32 $0x2, v1;
	[tilespmem:$0x4408] =	vst v0  }
0xa7: {  	v60 =	vor.u32 $0xA, v3;
	v0 =	vld.idx.msk [tilespmem:v1+s11+$0x0], $0xffff  }
0xa8: {  	v17 =	vor.u32 $0x3, v1;
	v52 =	vld.idx.msk [tilespmem:v51+s11+$0x0], $0xffff  }
0xa9: {  	v20 =	vor.u32 $0xB, v3;
	v55 =	vld.idx.msk [tilespmem:v53+s11+$0x0], $0xffff  }
0xaa: {  	v41 =	vor.u32 $0x6, v1;
	v5 =	vld.idx.msk [tilespmem:v54+s11+$0x0], $0xffff  }
0xab: {  	v43 =	vor.u32 $0xE, v3;
	v61 =	vld.idx.msk [tilespmem:v57+s11+$0x0], $0xffff  }
0xac: {  	v16 =	vld.idx.msk [tilespmem:v60+s11+$0x0], $0xffff  }
0xad: {  	v24 =	vld.idx.msk [tilespmem:v17+s11+$0x0], $0xffff  }
0xae: {  	v26 =	vld.idx.msk [tilespmem:v20+s11+$0x0], $0xffff  }
0xaf: {  	v47 =	vld.idx.msk [tilespmem:v41+s11+$0x0], $0xffff  }
0xb0: {  	v11 =	vld.idx.msk [tilespmem:v43+s11+$0x0], $0xffff;
	_ =	sdelay $0x1  }
0xb1: {  	v30 =	vor.u32 $0xC, v3;
	v35 =	vor.u32 $0xD, v3  }
0xb2: {  	v28 =	vor.u32 $0x4, v1;
	v33 =	vor.u32 $0x5, v1;
	v0 =	vand.u32 v0, v52  }
0xb3: {  	v2 =	vand.u32 v55, v5;
	v4 =	vand.u32 v61, v16;
	v6 =	vand.u32 v24, v26  }
0xb4: {  	v54 =	vand.u32 v47, v11;
	v56 =	vshrl.u32 v0, $0x10;
	v58 =	vand.u32 $0xFFFF, v0  }
0xb5: {  	v63 =	vshrl.u32 v2, $0x10;
	v18 =	vand.u32 $0xFFFF, v2;
	vm7 =	veq.s32 v0, $0x0  }
0xb6: {  	v25 =	vand.u32 $0xFFFF, v4;
	vm9 =	veq.s32 v2, $0x0;
	v31 =	vshrl.u32 v6, $0x10  }
0xb7: {  	vm12 =	veq.s32 v4, $0x0;
	vm15 =	veq.s32 v6, $0x0;
	v55 =	vshrl.u32 v54, $0x10  }
0xb8: {  	v59 =	vcvt.s32.f32 v56;
	v7 =	vcvt.s32.f32 v58;
	vm6 =	veq.s32 v56, $0x0  }
0xb9: {  	v19 =	vcvt.s32.f32 v63;
	v9 =	vcvt.s32.f32 v18;
	vm8 =	veq.s32 v63, $0x0  }
0xba: {  	v39 =	vld.idx.msk [tilespmem:v33+s11+$0x0], $0xffff;
	v34 =	vcvt.s32.f32 v31;
	vm13 =	veq.s32 v31, $0x0;
	v56 =	vcvt.s32.f32 v55  }
0xbb: {  	v40 =	vld.idx.msk [tilespmem:v35+s11+$0x0], $0xffff;
	v8 =	vshrl.u32 v59, $0x17;
	v7 =	vshrl.u32 v7, $0x17;
	v23 =	vshrl.u32 v19, $0x17  }
0xbc: {  	v9 =	vshrl.u32 v9, $0x17;
	v37 =	vshrl.u32 v34, $0x17;
	v8 =	vadd.s32 $0xFFFFFF91, v8  }
0xbd: {  	v7 =	vadd.s32 $0xFFFFFF81, v7;
	v5 =	vadd.s32 $0xFFFFFF91, v23;
	v9 =	vadd.s32 $0xFFFFFF81, v9  }
0xbe: {  	v62 =	vsel vm6, v7, v8;
	v5 =	vsel vm8, v9, v5;
	v7 =	vshrl.u32 v4, $0x10  }
0xbf: {  	v8 =	vcvt.s32.f32 v25;
	v9 =	vand.u32 $0xFFFF, v6;
	v4 =	vadd.s32 $0xFFFFFF91, v37  }
0xc0: {  	v6 =	vand.u32 v39, v40;
	v21 =	vshra.s32 v62, $0x1F;
	v27 =	vcvt.s32.f32 v7  }
0xc1: {  	v29 =	vadd.s32 $0x20, v5;
	vm11 =	veq.s32 v7, $0x0;
	v9 =	vcvt.s32.f32 v9  }
0xc2: {  	v48 =	vshrl.u32 v6, $0x10;
	v49 =	vand.u32 $0xFFFF, v6;
	vm8 =	veq.s32 v6, $0x0  }
0xc3: {  	v32 =	vld.idx.msk [tilespmem:v28+s11+$0x0], $0xffff;
	v22 =	vor.u32 v21, v62;
	v8 =	vshrl.u32 v8, $0x17;
	v50 =	vcvt.s32.f32 v48  }
0xc4: {  	v5 =	vld.idx.msk [tilespmem:v30+s11+$0x0], $0xffff;
	vm6 =	veq.s32 v48, $0x0;
	v0 =	vsel vm7, $0xFFFFFFFF, v22;
	v10 =	vshrl.u32 v27, $0x17  }
0xc5: {  	v8 =	vadd.s32 $0xFFFFFF81, v8;
	v38 =	vshrl.u32 v9, $0x17;
	v9 =	vcvt.s32.f32 v49  }
0xc6: {  	vm10 =	vgt.s32 v0, v29;
	v10 =	vadd.s32 $0xFFFFFF91, v10;
	v52 =	vshrl.u32 v50, $0x17  }
0xc7: {  	v2 =	vsel vm10, v0, v29;
	v7 =	vsel vm11, v8, v10;
	v53 =	vshrl.u32 v9, $0x17  }
0xc8: {  	v8 =	vshrl.u32 v56, $0x17;
	vm10 =	veq.s32 v54, $0x0;
	v0 =	vsel vm9, v0, v2  }
0xc9: {  	v36 =	vadd.s32 $0x40, v7;
	v7 =	vadd.s32 $0xFFFFFF81, v38;
	v5 =	vand.u32 v32, v5  }
0xca: {  	v8 =	vadd.s32 $0xFFFFFF91, v8;
	vm9 =	veq.s32 v55, $0x0;
	v2 =	vsel vm12, $0xFFFFFFFF, v36  }
0xcb: {  	v4 =	vsel vm13, v7, v4;
	v42 =	vshrl.u32 v5, $0x10;
	v10 =	vand.u32 $0xFFFF, v5  }
0xcc: {  	vm5 =	veq.s32 v5, $0x0;
	v5 =	vadd.s32 $0xFFFFFF81, v53;
	v7 =	vand.u32 $0xFFFF, v54  }
0xcd: {  	vm14 =	vgt.s32 v0, v2;
	v44 =	vcvt.s32.f32 v42;
	v10 =	vcvt.s32.f32 v10  }
0xce: {  	v4 =	vadd.s32 $0x60, v4;
	vm4 =	veq.s32 v42, $0x0;
	v7 =	vcvt.s32.f32 v7  }
0xcf: {  	v0 =	vsel vm14, v0, v2;
	v46 =	vshrl.u32 v44, $0x17;
	v10 =	vshrl.u32 v10, $0x17  }
0xd0: {  	v45 =	vsel vm15, $0xFFFFFFFF, v4;
	v4 =	vadd.s32 $0xFFFFFF91, v46;
	v10 =	vadd.s32 $0xFFFFFF81, v10  }
0xd1: {  	v59 =	vld [tilespmem:$0xB0];
	vm0 =	vgt.s32 v0, v45;
	v7 =	vshrl.u32 v7, $0x17;
	v4 =	vsel vm4, v10, v4  }
0xd2: {  	v57 =	vld [tilespmem:$0x30];
	v0 =	vsel vm0, v0, v45;
	v51 =	vadd.s32 $0x80, v4;
	v4 =	vadd.s32 $0xFFFFFF91, v52  }
0xd3: {  	v7 =	vadd.s32 $0xFFFFFF81, v7;
	v2 =	vsel vm5, $0xFFFFFFFF, v51;
	v4 =	vsel vm6, v5, v4  }
0xd4: {  	v61 =	vsel vm9, v7, v8;
	vm7 =	vgt.s32 v0, v2;
	v4 =	vadd.s32 $0xA0, v4  }
0xd5: {  	v62 =	vadd.s32 $0xC0, v61;
	v0 =	vsel vm7, v0, v2;
	v58 =	vsel vm8, $0xFFFFFFFF, v4  }
0xd6: {  	v5 =	vsel vm10, $0xFFFFFFFF, v62;
	v2 =	vshll.u32 v59, $0x4;
	vm0 =	vgt.s32 v0, v58  }
0xd7: {  	v9 =	vor.u32 $0x7, v2;
	v60 =	vsel vm0, v0, v58;
	v0 =	vshll.u32 v57, $0x4  }
0xd8: {  	v63 =	vor.u32 $0x7, v0;
	vm0 =	vgt.s32 v60, v5  }
0xd9: {  	vm11 =	veq.s32 v1, v3;
	v5 =	vsel vm0, v60, v5  }
0xda: {  	v1 =	vsel vm11, $0xFFFFFFFF, v5  }
0xdb: {  	[tilespmem:$0x4388] =	vst v1  }
0xdc: {  	v10 =	vld.idx.msk [tilespmem:v9+s11+$0x0], $0xffff  }
0xdd: {  	v1 =	vld.idx.msk [tilespmem:v63+s11+$0x0], $0xffff;
	_ =	sdelay $0x3  }
0xde: {  	v11 =	vor.u32 $0x8, v2  }
0xdf: {  	v13 =	vor.u32 $0x1, v0;
	v1 =	vmul.f32 v10, v1  }
0xe0: {  	v14 =	vor.u32 $0x9, v2  }
0xe1: {  	v17 =	vor.u32 $0x2, v0;
	[tilespmem:$0x4418] =	vst v1  }
0xe2: {  	v20 =	vor.u32 $0xA, v2;
	v1 =	vld.idx.msk [tilespmem:v0+s11+$0x0], $0xffff  }
0xe3: {  	v25 =	vor.u32 $0x3, v0;
	v12 =	vld.idx.msk [tilespmem:v11+s11+$0x0], $0xffff  }
0xe4: {  	v28 =	vor.u32 $0xB, v2;
	v15 =	vld.idx.msk [tilespmem:v13+s11+$0x0], $0xffff  }
0xe5: {  	v49 =	vor.u32 $0x6, v0;
	v5 =	vld.idx.msk [tilespmem:v14+s11+$0x0], $0xffff  }
0xe6: {  	v51 =	vor.u32 $0xE, v2;
	v21 =	vld.idx.msk [tilespmem:v17+s11+$0x0], $0xffff  }
0xe7: {  	v24 =	vld.idx.msk [tilespmem:v20+s11+$0x0], $0xffff  }
0xe8: {  	v32 =	vld.idx.msk [tilespmem:v25+s11+$0x0], $0xffff  }
0xe9: {  	v34 =	vld.idx.msk [tilespmem:v28+s11+$0x0], $0xffff  }
0xea: {  	v55 =	vld.idx.msk [tilespmem:v49+s11+$0x0], $0xffff  }
0xeb: {  	v11 =	vld.idx.msk [tilespmem:v51+s11+$0x0], $0xffff;
	_ =	sdelay $0x1  }
0xec: {  	v38 =	vor.u32 $0xC, v2;
	v43 =	vor.u32 $0xD, v2  }
0xed: {  	v36 =	vor.u32 $0x4, v0;
	v41 =	vor.u32 $0x5, v0;
	v1 =	vand.u32 v1, v12  }
0xee: {  	v3 =	vand.u32 v15, v5;
	v4 =	vand.u32 v21, v24;
	v6 =	vand.u32 v32, v34  }
0xef: {  	v62 =	vand.u32 v55, v11;
	v16 =	vshrl.u32 v1, $0x10;
	v18 =	vand.u32 $0xFFFF, v1  }
0xf0: {  	v23 =	vshrl.u32 v3, $0x10;
	v26 =	vand.u32 $0xFFFF, v3;
	vm13 =	veq.s32 v1, $0x0  }
0xf1: {  	v33 =	vand.u32 $0xFFFF, v4;
	vm15 =	veq.s32 v3, $0x0;
	v39 =	vshrl.u32 v6, $0x10  }
0xf2: {  	vm6 =	veq.s32 v4, $0x0;
	vm9 =	veq.s32 v6, $0x0;
	v63 =	vshrl.u32 v62, $0x10  }
0xf3: {  	v19 =	vcvt.s32.f32 v16;
	v7 =	vcvt.s32.f32 v18;
	vm12 =	veq.s32 v16, $0x0  }
0xf4: {  	v27 =	vcvt.s32.f32 v23;
	v9 =	vcvt.s32.f32 v26;
	vm14 =	veq.s32 v23, $0x0  }
0xf5: {  	v47 =	vld.idx.msk [tilespmem:v41+s11+$0x0], $0xffff;
	v42 =	vcvt.s32.f32 v39;
	vm7 =	veq.s32 v39, $0x0;
	v12 =	vcvt.s32.f32 v63  }
0xf6: {  	v48 =	vld.idx.msk [tilespmem:v43+s11+$0x0], $0xffff;
	v8 =	vshrl.u32 v19, $0x17;
	v7 =	vshrl.u32 v7, $0x17;
	v31 =	vshrl.u32 v27, $0x17  }
0xf7: {  	v9 =	vshrl.u32 v9, $0x17;
	v45 =	vshrl.u32 v42, $0x17;
	v8 =	vadd.s32 $0xFFFFFF91, v8  }
0xf8: {  	v7 =	vadd.s32 $0xFFFFFF81, v7;
	v5 =	vadd.s32 $0xFFFFFF91, v31;
	v9 =	vadd.s32 $0xFFFFFF81, v9  }
0xf9: {  	v22 =	vsel vm12, v7, v8;
	v5 =	vsel vm14, v9, v5;
	v7 =	vshrl.u32 v4, $0x10  }
0xfa: {  	v8 =	vcvt.s32.f32 v33;
	v9 =	vand.u32 $0xFFFF, v6;
	v4 =	vadd.s32 $0xFFFFFF91, v45  }
0xfb: {  	v6 =	vand.u32 v47, v48;
	v29 =	vshra.s32 v22, $0x1F;
	v35 =	vcvt.s32.f32 v7  }
0xfc: {  	v37 =	vadd.s32 $0x20, v5;
	vm5 =	veq.s32 v7, $0x0;
	v9 =	vcvt.s32.f32 v9  }
0xfd: {  	v56 =	vshrl.u32 v6, $0x10;
	v57 =	vand.u32 $0xFFFF, v6;
	vm14 =	veq.s32 v6, $0x0  }
0xfe: {  	v40 =	vld.idx.msk [tilespmem:v36+s11+$0x0], $0xffff;
	v30 =	vor.u32 v29, v22;
	v8 =	vshrl.u32 v8, $0x17;
	v58 =	vcvt.s32.f32 v56  }
0xff: {  	v5 =	vld.idx.msk [tilespmem:v38+s11+$0x0], $0xffff;
	vm12 =	veq.s32 v56, $0x0;
	v1 =	vsel vm13, $0xFFFFFFFF, v30;
	v10 =	vshrl.u32 v35, $0x17  }
0x100: {  	v8 =	vadd.s32 $0xFFFFFF81, v8;
	v46 =	vshrl.u32 v9, $0x17;
	v9 =	vcvt.s32.f32 v57  }
0x101: {  	vm4 =	vgt.s32 v1, v37;
	v10 =	vadd.s32 $0xFFFFFF91, v10;
	v60 =	vshrl.u32 v58, $0x17  }
0x102: {  	v3 =	vsel vm4, v1, v37;
	v7 =	vsel vm5, v8, v10;
	v61 =	vshrl.u32 v9, $0x17  }
0x103: {  	v8 =	vshrl.u32 v12, $0x17;
	vm4 =	veq.s32 v62, $0x0;
	v1 =	vsel vm15, v1, v3  }
0x104: {  	v44 =	vadd.s32 $0x40, v7;
	v7 =	vadd.s32 $0xFFFFFF81, v46;
	v5 =	vand.u32 v40, v5  }
0x105: {  	v8 =	vadd.s32 $0xFFFFFF91, v8;
	vm15 =	veq.s32 v63, $0x0;
	v3 =	vsel vm6, $0xFFFFFFFF, v44  }
0x106: {  	v4 =	vsel vm7, v7, v4;
	v50 =	vshrl.u32 v5, $0x10;
	v10 =	vand.u32 $0xFFFF, v5  }
0x107: {  	vm11 =	veq.s32 v5, $0x0;
	v5 =	vadd.s32 $0xFFFFFF81, v61;
	v7 =	vand.u32 $0xFFFF, v62  }
0x108: {  	vm8 =	vgt.s32 v1, v3;
	v52 =	vcvt.s32.f32 v50;
	v10 =	vcvt.s32.f32 v10  }
0x109: {  	v4 =	vadd.s32 $0x60, v4;
	vm10 =	veq.s32 v50, $0x0;
	v7 =	vcvt.s32.f32 v7  }
0x10a: {  	v1 =	vsel vm8, v1, v3;
	v54 =	vshrl.u32 v52, $0x17;
	v10 =	vshrl.u32 v10, $0x17  }
0x10b: {  	v53 =	vsel vm9, $0xFFFFFFFF, v4;
	v4 =	vadd.s32 $0xFFFFFF91, v54;
	v10 =	vadd.s32 $0xFFFFFF81, v10  }
0x10c: {  	v15 =	vld [tilespmem:$0xC0];
	vm0 =	vgt.s32 v1, v53;
	v7 =	vshrl.u32 v7, $0x17;
	v4 =	vsel vm10, v10, v4  }
0x10d: {  	v13 =	vld [tilespmem:$0x40];
	v1 =	vsel vm0, v1, v53;
	v59 =	vadd.s32 $0x80, v4;
	v4 =	vadd.s32 $0xFFFFFF91, v60  }
0x10e: {  	v7 =	vadd.s32 $0xFFFFFF81, v7;
	v3 =	vsel vm11, $0xFFFFFFFF, v59;
	v4 =	vsel vm12, v5, v4  }
0x10f: {  	v17 =	vsel vm15, v7, v8;
	vm13 =	vgt.s32 v1, v3;
	v4 =	vadd.s32 $0xA0, v4  }
0x110: {  	v18 =	vadd.s32 $0xC0, v17;
	v1 =	vsel vm13, v1, v3;
	v14 =	vsel vm14, $0xFFFFFFFF, v4  }
0x111: {  	v5 =	vsel vm4, $0xFFFFFFFF, v18;
	v3 =	vshll.u32 v15, $0x4;
	vm0 =	vgt.s32 v1, v14  }
0x112: {  	v20 =	vor.u32 $0x7, v3;
	v16 =	vsel vm0, v1, v14;
	v1 =	vshll.u32 v13, $0x4  }
0x113: {  	v19 =	vor.u32 $0x7, v1;
	vm0 =	vgt.s32 v16, v5  }
0x114: {  	vm5 =	veq.s32 v0, v2;
	v5 =	vsel vm0, v16, v5  }
0x115: {  	v0 =	vsel vm5, $0xFFFFFFFF, v5  }
0x116: {  	[tilespmem:$0x4398] =	vst v0  }
0x117: {  	v21 =	vld.idx.msk [tilespmem:v20+s11+$0x0], $0xffff  }
0x118: {  	v0 =	vld.idx.msk [tilespmem:v19+s11+$0x0], $0xffff;
	_ =	sdelay $0x3  }
0x119: {  	v22 =	vor.u32 $0x8, v3  }
0x11a: {  	v24 =	vor.u32 $0x1, v1;
	v0 =	vmul.f32 v21, v0  }
0x11b: {  	v25 =	vor.u32 $0x9, v3  }
0x11c: {  	v28 =	vor.u32 $0x2, v1;
	[tilespmem:$0x4428] =	vst v0  }
0x11d: {  	v31 =	vor.u32 $0xA, v3;
	v0 =	vld.idx.msk [tilespmem:v1+s11+$0x0], $0xffff  }
0x11e: {  	v36 =	vor.u32 $0x3, v1;
	v23 =	vld.idx.msk [tilespmem:v22+s11+$0x0], $0xffff  }
0x11f: {  	v39 =	vor.u32 $0xB, v3;
	v26 =	vld.idx.msk [tilespmem:v24+s11+$0x0], $0xffff  }
0x120: {  	v60 =	vor.u32 $0x6, v1;
	v5 =	vld.idx.msk [tilespmem:v25+s11+$0x0], $0xffff  }
0x121: {  	v62 =	vor.u32 $0xE, v3;
	v32 =	vld.idx.msk [tilespmem:v28+s11+$0x0], $0xffff  }
0x122: {  	v35 =	vld.idx.msk [tilespmem:v31+s11+$0x0], $0xffff  }
0x123: {  	v43 =	vld.idx.msk [tilespmem:v36+s11+$0x0], $0xffff  }
0x124: {  	v45 =	vld.idx.msk [tilespmem:v39+s11+$0x0], $0xffff  }
0x125: {  	v16 =	vld.idx.msk [tilespmem:v60+s11+$0x0], $0xffff  }
0x126: {  	v11 =	vld.idx.msk [tilespmem:v62+s11+$0x0], $0xffff;
	_ =	sdelay $0x1  }
0x127: {  	v49 =	vor.u32 $0xC, v3;
	v54 =	vor.u32 $0xD, v3  }
0x128: {  	v47 =	vor.u32 $0x4, v1;
	v52 =	vor.u32 $0x5, v1;
	v0 =	vand.u32 v0, v23  }
0x129: {  	v2 =	vand.u32 v26, v5;
	v4 =	vand.u32 v32, v35;
	v6 =	vand.u32 v43, v45  }
0x12a: {  	v23 =	vand.u32 v16, v11;
	v27 =	vshrl.u32 v0, $0x10;
	v29 =	vand.u32 $0xFFFF, v0  }
0x12b: {  	v34 =	vshrl.u32 v2, $0x10;
	v37 =	vand.u32 $0xFFFF, v2;
	vm7 =	veq.s32 v0, $0x0  }
0x12c: {  	v44 =	vand.u32 $0xFFFF, v4;
	vm9 =	veq.s32 v2, $0x0;
	v50 =	vshrl.u32 v6, $0x10  }
0x12d: {  	vm12 =	veq.s32 v4, $0x0;
	vm15 =	veq.s32 v6, $0x0;
	v24 =	vshrl.u32 v23, $0x10  }
0x12e: {  	v30 =	vcvt.s32.f32 v27;
	v7 =	vcvt.s32.f32 v29;
	vm6 =	veq.s32 v27, $0x0  }
0x12f: {  	v38 =	vcvt.s32.f32 v34;
	v9 =	vcvt.s32.f32 v37;
	vm8 =	veq.s32 v34, $0x0  }
0x130: {  	v58 =	vld.idx.msk [tilespmem:v52+s11+$0x0], $0xffff;
	v53 =	vcvt.s32.f32 v50;
	vm13 =	veq.s32 v50, $0x0;
	v25 =	vcvt.s32.f32 v24  }
0x131: {  	v59 =	vld.idx.msk [tilespmem:v54+s11+$0x0], $0xffff;
	v8 =	vshrl.u32 v30, $0x17;
	v7 =	vshrl.u32 v7, $0x17;
	v42 =	vshrl.u32 v38, $0x17  }
0x132: {  	v9 =	vshrl.u32 v9, $0x17;
	v56 =	vshrl.u32 v53, $0x17;
	v8 =	vadd.s32 $0xFFFFFF91, v8  }
0x133: {  	v7 =	vadd.s32 $0xFFFFFF81, v7;
	v5 =	vadd.s32 $0xFFFFFF91, v42;
	v9 =	vadd.s32 $0xFFFFFF81, v9  }
0x134: {  	v33 =	vsel vm6, v7, v8;
	v5 =	vsel vm8, v9, v5;
	v7 =	vshrl.u32 v4, $0x10  }
0x135: {  	v8 =	vcvt.s32.f32 v44;
	v9 =	vand.u32 $0xFFFF, v6;
	v4 =	vadd.s32 $0xFFFFFF91, v56  }
0x136: {  	v6 =	vand.u32 v58, v59;
	v40 =	vshra.s32 v33, $0x1F;
	v46 =	vcvt.s32.f32 v7  }
0x137: {  	v48 =	vadd.s32 $0x20, v5;
	vm11 =	veq.s32 v7, $0x0;
	v9 =	vcvt.s32.f32 v9  }
0x138: {  	v17 =	vshrl.u32 v6, $0x10;
	v18 =	vand.u32 $0xFFFF, v6;
	vm8 =	veq.s32 v6, $0x0  }
0x139: {  	v51 =	vld.idx.msk [tilespmem:v47+s11+$0x0], $0xffff;
	v41 =	vor.u32 v40, v33;
	v8 =	vshrl.u32 v8, $0x17;
	v19 =	vcvt.s32.f32 v17  }
0x13a: {  	v5 =	vld.idx.msk [tilespmem:v49+s11+$0x0], $0xffff;
	vm6 =	veq.s32 v17, $0x0;
	v0 =	vsel vm7, $0xFFFFFFFF, v41;
	v10 =	vshrl.u32 v46, $0x17  }
0x13b: {  	v8 =	vadd.s32 $0xFFFFFF81, v8;
	v57 =	vshrl.u32 v9, $0x17;
	v9 =	vcvt.s32.f32 v18  }
0x13c: {  	vm10 =	vgt.s32 v0, v48;
	v10 =	vadd.s32 $0xFFFFFF91, v10;
	v21 =	vshrl.u32 v19, $0x17  }
0x13d: {  	v2 =	vsel vm10, v0, v48;
	v7 =	vsel vm11, v8, v10;
	v22 =	vshrl.u32 v9, $0x17  }
0x13e: {  	v8 =	vshrl.u32 v25, $0x17;
	vm10 =	veq.s32 v23, $0x0;
	v0 =	vsel vm9, v0, v2  }
0x13f: {  	v55 =	vadd.s32 $0x40, v7;
	v7 =	vadd.s32 $0xFFFFFF81, v57;
	v5 =	vand.u32 v51, v5  }
0x140: {  	v8 =	vadd.s32 $0xFFFFFF91, v8;
	vm9 =	veq.s32 v24, $0x0;
	v2 =	vsel vm12, $0xFFFFFFFF, v55  }
0x141: {  	v4 =	vsel vm13, v7, v4;
	v61 =	vshrl.u32 v5, $0x10;
	v10 =	vand.u32 $0xFFFF, v5  }
0x142: {  	vm5 =	veq.s32 v5, $0x0;
	v5 =	vadd.s32 $0xFFFFFF81, v22;
	v7 =	vand.u32 $0xFFFF, v23  }
0x143: {  	vm14 =	vgt.s32 v0, v2;
	v63 =	vcvt.s32.f32 v61;
	v10 =	vcvt.s32.f32 v10  }
0x144: {  	v4 =	vadd.s32 $0x60, v4;
	vm4 =	veq.s32 v61, $0x0;
	v7 =	vcvt.s32.f32 v7  }
0x145: {  	v0 =	vsel vm14, v0, v2;
	v15 =	vshrl.u32 v63, $0x17;
	v10 =	vshrl.u32 v10, $0x17  }
0x146: {  	v14 =	vsel vm15, $0xFFFFFFFF, v4;
	v4 =	vadd.s32 $0xFFFFFF91, v15;
	v10 =	vadd.s32 $0xFFFFFF81, v10  }
0x147: {  	v28 =	vld [tilespmem:$0xD0];
	vm0 =	vgt.s32 v0, v14;
	v7 =	vshrl.u32 v7, $0x17;
	v4 =	vsel vm4, v10, v4  }
0x148: {  	v26 =	vld [tilespmem:$0x50];
	v0 =	vsel vm0, v0, v14;
	v20 =	vadd.s32 $0x80, v4;
	v4 =	vadd.s32 $0xFFFFFF91, v21  }
0x149: {  	v7 =	vadd.s32 $0xFFFFFF81, v7;
	v2 =	vsel vm5, $0xFFFFFFFF, v20;
	v4 =	vsel vm6, v5, v4  }
0x14a: {  	v30 =	vsel vm9, v7, v8;
	vm7 =	vgt.s32 v0, v2;
	v4 =	vadd.s32 $0xA0, v4  }
0x14b: {  	v31 =	vadd.s32 $0xC0, v30;
	v0 =	vsel vm7, v0, v2;
	v27 =	vsel vm8, $0xFFFFFFFF, v4  }
0x14c: {  	v5 =	vsel vm10, $0xFFFFFFFF, v31;
	v2 =	vshll.u32 v28, $0x4;
	vm0 =	vgt.s32 v0, v27  }
0x14d: {  	v33 =	vor.u32 $0x7, v2;
	v29 =	vsel vm0, v0, v27;
	v0 =	vshll.u32 v26, $0x4  }
0x14e: {  	v32 =	vor.u32 $0x7, v0;
	vm0 =	vgt.s32 v29, v5  }
0x14f: {  	vm11 =	veq.s32 v1, v3;
	v5 =	vsel vm0, v29, v5  }
0x150: {  	v1 =	vsel vm11, $0xFFFFFFFF, v5  }
0x151: {  	[tilespmem:$0x43A8] =	vst v1  }
0x152: {  	v34 =	vld.idx.msk [tilespmem:v33+s11+$0x0], $0xffff  }
0x153: {  	v1 =	vld.idx.msk [tilespmem:v32+s11+$0x0], $0xffff;
	_ =	sdelay $0x3  }
0x154: {  	v35 =	vor.u32 $0x8, v2  }
0x155: {  	v37 =	vor.u32 $0x1, v0;
	v1 =	vmul.f32 v34, v1  }
0x156: {  	v38 =	vor.u32 $0x9, v2  }
0x157: {  	v41 =	vor.u32 $0x2, v0;
	[tilespmem:$0x4438] =	vst v1  }
0x158: {  	v44 =	vor.u32 $0xA, v2;
	v1 =	vld.idx.msk [tilespmem:v0+s11+$0x0], $0xffff  }
0x159: {  	v49 =	vor.u32 $0x3, v0;
	v36 =	vld.idx.msk [tilespmem:v35+s11+$0x0], $0xffff  }
0x15a: {  	v52 =	vor.u32 $0xB, v2;
	v39 =	vld.idx.msk [tilespmem:v37+s11+$0x0], $0xffff  }
0x15b: {  	v25 =	vor.u32 $0x6, v0;
	v5 =	vld.idx.msk [tilespmem:v38+s11+$0x0], $0xffff  }
0x15c: {  	v27 =	vor.u32 $0xE, v2;
	v45 =	vld.idx.msk [tilespmem:v41+s11+$0x0], $0xffff  }
0x15d: {  	v48 =	vld.idx.msk [tilespmem:v44+s11+$0x0], $0xffff  }
0x15e: {  	v56 =	vld.idx.msk [tilespmem:v49+s11+$0x0], $0xffff  }
0x15f: {  	v58 =	vld.idx.msk [tilespmem:v52+s11+$0x0], $0xffff  }
0x160: {  	v31 =	vld.idx.msk [tilespmem:v25+s11+$0x0], $0xffff  }
0x161: {  	v11 =	vld.idx.msk [tilespmem:v27+s11+$0x0], $0xffff;
	_ =	sdelay $0x1  }
0x162: {  	v62 =	vor.u32 $0xC, v2;
	v19 =	vor.u32 $0xD, v2  }
0x163: {  	v60 =	vor.u32 $0x4, v0;
	v17 =	vor.u32 $0x5, v0;
	v1 =	vand.u32 v1, v36  }
0x164: {  	v3 =	vand.u32 v39, v5;
	v4 =	vand.u32 v45, v48;
	v6 =	vand.u32 v56, v58  }
0x165: {  	v38 =	vand.u32 v31, v11;
	v40 =	vshrl.u32 v1, $0x10;
	v42 =	vand.u32 $0xFFFF, v1  }
0x166: {  	v47 =	vshrl.u32 v3, $0x10;
	v50 =	vand.u32 $0xFFFF, v3;
	vm13 =	veq.s32 v1, $0x0  }
0x167: {  	v57 =	vand.u32 $0xFFFF, v4;
	vm15 =	veq.s32 v3, $0x0;
	v63 =	vshrl.u32 v6, $0x10  }
0x168: {  	vm6 =	veq.s32 v4, $0x0;
	vm9 =	veq.s32 v6, $0x0;
	v39 =	vshrl.u32 v38, $0x10  }
0x169: {  	v43 =	vcvt.s32.f32 v40;
	v7 =	vcvt.s32.f32 v42;
	vm12 =	veq.s32 v40, $0x0  }
0x16a: {  	v51 =	vcvt.s32.f32 v47;
	v9 =	vcvt.s32.f32 v50;
	vm14 =	veq.s32 v47, $0x0  }
0x16b: {  	v23 =	vld.idx.msk [tilespmem:v17+s11+$0x0], $0xffff;
	v18 =	vcvt.s32.f32 v63;
	vm7 =	veq.s32 v63, $0x0;
	v40 =	vcvt.s32.f32 v39  }
0x16c: {  	v24 =	vld.idx.msk [tilespmem:v19+s11+$0x0], $0xffff;
	v8 =	vshrl.u32 v43, $0x17;
	v7 =	vshrl.u32 v7, $0x17;
	v55 =	vshrl.u32 v51, $0x17  }
0x16d: {  	v9 =	vshrl.u32 v9, $0x17;
	v21 =	vshrl.u32 v18, $0x17;
	v8 =	vadd.s32 $0xFFFFFF91, v8  }
0x16e: {  	v7 =	vadd.s32 $0xFFFFFF81, v7;
	v5 =	vadd.s32 $0xFFFFFF91, v55;
	v9 =	vadd.s32 $0xFFFFFF81, v9  }
0x16f: {  	v46 =	vsel vm12, v7, v8;
	v5 =	vsel vm14, v9, v5;
	v7 =	vshrl.u32 v4, $0x10  }
0x170: {  	v8 =	vcvt.s32.f32 v57;
	v9 =	vand.u32 $0xFFFF, v6;
	v4 =	vadd.s32 $0xFFFFFF91, v21  }
0x171: {  	v6 =	vand.u32 v23, v24;
	v53 =	vshra.s32 v46, $0x1F;
	v59 =	vcvt.s32.f32 v7  }
0x172: {  	v61 =	vadd.s32 $0x20, v5;
	vm5 =	veq.s32 v7, $0x0;
	v9 =	vcvt.s32.f32 v9  }
0x173: {  	v32 =	vshrl.u32 v6, $0x10;
	v33 =	vand.u32 $0xFFFF, v6;
	vm14 =	veq.s32 v6, $0x0  }
0x174: {  	v16 =	vld.idx.msk [tilespmem:v60+s11+$0x0], $0xffff;
	v54 =	vor.u32 v53, v46;
	v8 =	vshrl.u32 v8, $0x17;
	v34 =	vcvt.s32.f32 v32  }
0x175: {  	v5 =	vld.idx.msk [tilespmem:v62+s11+$0x0], $0xffff;
	vm12 =	veq.s32 v32, $0x0;
	v1 =	vsel vm13, $0xFFFFFFFF, v54;
	v10 =	vshrl.u32 v59, $0x17  }
0x176: {  	v8 =	vadd.s32 $0xFFFFFF81, v8;
	v22 =	vshrl.u32 v9, $0x17;
	v9 =	vcvt.s32.f32 v33  }
0x177: {  	vm4 =	vgt.s32 v1, v61;
	v10 =	vadd.s32 $0xFFFFFF91, v10;
	v36 =	vshrl.u32 v34, $0x17  }
0x178: {  	v3 =	vsel vm4, v1, v61;
	v7 =	vsel vm5, v8, v10;
	v37 =	vshrl.u32 v9, $0x17  }
0x179: {  	v8 =	vshrl.u32 v40, $0x17;
	vm4 =	veq.s32 v38, $0x0;
	v1 =	vsel vm15, v1, v3  }
0x17a: {  	v20 =	vadd.s32 $0x40, v7;
	v7 =	vadd.s32 $0xFFFFFF81, v22;
	v5 =	vand.u32 v16, v5  }
0x17b: {  	v8 =	vadd.s32 $0xFFFFFF91, v8;
	vm15 =	veq.s32 v39, $0x0;
	v3 =	vsel vm6, $0xFFFFFFFF, v20  }
0x17c: {  	v4 =	vsel vm7, v7, v4;
	v26 =	vshrl.u32 v5, $0x10;
	v10 =	vand.u32 $0xFFFF, v5  }
0x17d: {  	vm11 =	veq.s32 v5, $0x0;
	v5 =	vadd.s32 $0xFFFFFF81, v37;
	v7 =	vand.u32 $0xFFFF, v38  }
0x17e: {  	vm8 =	vgt.s32 v1, v3;
	v28 =	vcvt.s32.f32 v26;
	v10 =	vcvt.s32.f32 v10  }
0x17f: {  	v4 =	vadd.s32 $0x60, v4;
	vm10 =	veq.s32 v26, $0x0;
	v7 =	vcvt.s32.f32 v7  }
0x180: {  	v1 =	vsel vm8, v1, v3;
	v30 =	vshrl.u32 v28, $0x17;
	v10 =	vshrl.u32 v10, $0x17  }
0x181: {  	v29 =	vsel vm9, $0xFFFFFFFF, v4;
	v4 =	vadd.s32 $0xFFFFFF91, v30;
	v10 =	vadd.s32 $0xFFFFFF81, v10  }
0x182: {  	v43 =	vld [tilespmem:$0xE0];
	vm0 =	vgt.s32 v1, v29;
	v7 =	vshrl.u32 v7, $0x17;
	v4 =	vsel vm10, v10, v4  }
0x183: {  	v41 =	vld [tilespmem:$0x60];
	v1 =	vsel vm0, v1, v29;
	v35 =	vadd.s32 $0x80, v4;
	v4 =	vadd.s32 $0xFFFFFF91, v36  }
0x184: {  	v7 =	vadd.s32 $0xFFFFFF81, v7;
	v3 =	vsel vm11, $0xFFFFFFFF, v35;
	v4 =	vsel vm12, v5, v4  }
0x185: {  	v45 =	vsel vm15, v7, v8;
	vm13 =	vgt.s32 v1, v3;
	v4 =	vadd.s32 $0xA0, v4  }
0x186: {  	v46 =	vadd.s32 $0xC0, v45;
	v1 =	vsel vm13, v1, v3;
	v42 =	vsel vm14, $0xFFFFFFFF, v4  }
0x187: {  	v5 =	vsel vm4, $0xFFFFFFFF, v46;
	v3 =	vshll.u32 v43, $0x4;
	vm0 =	vgt.s32 v1, v42  }
0x188: {  	v48 =	vor.u32 $0x7, v3;
	v44 =	vsel vm0, v1, v42;
	v1 =	vshll.u32 v41, $0x4  }
0x189: {  	v47 =	vor.u32 $0x7, v1;
	vm0 =	vgt.s32 v44, v5  }
0x18a: {  	vm5 =	veq.s32 v0, v2;
	v5 =	vsel vm0, v44, v5  }
0x18b: {  	v0 =	vsel vm5, $0xFFFFFFFF, v5  }
0x18c: {  	[tilespmem:$0x43B8] =	vst v0  }
0x18d: {  	v49 =	vld.idx.msk [tilespmem:v48+s11+$0x0], $0xffff  }
0x18e: {  	v0 =	vld.idx.msk [tilespmem:v47+s11+$0x0], $0xffff;
	_ =	sdelay $0x3  }
0x18f: {  	v50 =	vor.u32 $0x8, v3  }
0x190: {  	v52 =	vor.u32 $0x1, v1;
	v0 =	vmul.f32 v49, v0  }
0x191: {  	v53 =	vor.u32 $0x9, v3  }
0x192: {  	v56 =	vor.u32 $0x2, v1;
	[tilespmem:$0x4448] =	vst v0  }
0x193: {  	v59 =	vor.u32 $0xA, v3;
	v0 =	vld.idx.msk [tilespmem:v1+s11+$0x0], $0xffff  }
0x194: {  	v16 =	vor.u32 $0x3, v1;
	v51 =	vld.idx.msk [tilespmem:v50+s11+$0x0], $0xffff  }
0x195: {  	v19 =	vor.u32 $0xB, v3;
	v54 =	vld.idx.msk [tilespmem:v52+s11+$0x0], $0xffff  }
0x196: {  	v40 =	vor.u32 $0x6, v1;
	v5 =	vld.idx.msk [tilespmem:v53+s11+$0x0], $0xffff  }
0x197: {  	v42 =	vor.u32 $0xE, v3;
	v60 =	vld.idx.msk [tilespmem:v56+s11+$0x0], $0xffff  }
0x198: {  	v63 =	vld.idx.msk [tilespmem:v59+s11+$0x0], $0xffff  }
0x199: {  	v23 =	vld.idx.msk [tilespmem:v16+s11+$0x0], $0xffff  }
0x19a: {  	v25 =	vld.idx.msk [tilespmem:v19+s11+$0x0], $0xffff  }
0x19b: {  	v46 =	vld.idx.msk [tilespmem:v40+s11+$0x0], $0xffff  }
0x19c: {  	v11 =	vld.idx.msk [tilespmem:v42+s11+$0x0], $0xffff;
	_ =	sdelay $0x1  }
0x19d: {  	v29 =	vor.u32 $0xC, v3;
	v34 =	vor.u32 $0xD, v3  }
0x19e: {  	v27 =	vor.u32 $0x4, v1;
	v32 =	vor.u32 $0x5, v1;
	v0 =	vand.u32 v0, v51  }
0x19f: {  	v2 =	vand.u32 v54, v5;
	v4 =	vand.u32 v60, v63;
	v6 =	vand.u32 v23, v25  }
0x1a0: {  	v53 =	vand.u32 v46, v11;
	v55 =	vshrl.u32 v0, $0x10;
	v57 =	vand.u32 $0xFFFF, v0  }
0x1a1: {  	v62 =	vshrl.u32 v2, $0x10;
	v17 =	vand.u32 $0xFFFF, v2;
	vm7 =	veq.s32 v0, $0x0  }
0x1a2: {  	v24 =	vand.u32 $0xFFFF, v4;
	vm9 =	veq.s32 v2, $0x0;
	v30 =	vshrl.u32 v6, $0x10  }
0x1a3: {  	vm12 =	veq.s32 v4, $0x0;
	vm15 =	veq.s32 v6, $0x0;
	v54 =	vshrl.u32 v53, $0x10  }
0x1a4: {  	v58 =	vcvt.s32.f32 v55;
	v7 =	vcvt.s32.f32 v57;
	vm6 =	veq.s32 v55, $0x0  }
0x1a5: {  	v18 =	vcvt.s32.f32 v62;
	v9 =	vcvt.s32.f32 v17;
	vm8 =	veq.s32 v62, $0x0  }
0x1a6: {  	v38 =	vld.idx.msk [tilespmem:v32+s11+$0x0], $0xffff;
	v33 =	vcvt.s32.f32 v30;
	vm13 =	veq.s32 v30, $0x0;
	v55 =	vcvt.s32.f32 v54  }
0x1a7: {  	v39 =	vld.idx.msk [tilespmem:v34+s11+$0x0], $0xffff;
	v8 =	vshrl.u32 v58, $0x17;
	v7 =	vshrl.u32 v7, $0x17;
	v22 =	vshrl.u32 v18, $0x17  }
0x1a8: {  	v9 =	vshrl.u32 v9, $0x17;
	v36 =	vshrl.u32 v33, $0x17;
	v8 =	vadd.s32 $0xFFFFFF91, v8  }
0x1a9: {  	v7 =	vadd.s32 $0xFFFFFF81, v7;
	v5 =	vadd.s32 $0xFFFFFF91, v22;
	v9 =	vadd.s32 $0xFFFFFF81, v9  }
0x1aa: {  	v61 =	vsel vm6, v7, v8;
	v5 =	vsel vm8, v9, v5;
	v7 =	vshrl.u32 v4, $0x10  }
0x1ab: {  	v8 =	vcvt.s32.f32 v24;
	v9 =	vand.u32 $0xFFFF, v6;
	v4 =	vadd.s32 $0xFFFFFF91, v36  }
0x1ac: {  	v6 =	vand.u32 v38, v39;
	v20 =	vshra.s32 v61, $0x1F;
	v26 =	vcvt.s32.f32 v7  }
0x1ad: {  	v28 =	vadd.s32 $0x20, v5;
	vm11 =	veq.s32 v7, $0x0;
	v9 =	vcvt.s32.f32 v9  }
0x1ae: {  	v47 =	vshrl.u32 v6, $0x10;
	v48 =	vand.u32 $0xFFFF, v6;
	vm8 =	veq.s32 v6, $0x0  }
0x1af: {  	v31 =	vld.idx.msk [tilespmem:v27+s11+$0x0], $0xffff;
	v21 =	vor.u32 v20, v61;
	v8 =	vshrl.u32 v8, $0x17;
	v49 =	vcvt.s32.f32 v47  }
0x1b0: {  	v5 =	vld.idx.msk [tilespmem:v29+s11+$0x0], $0xffff;
	vm6 =	veq.s32 v47, $0x0;
	v0 =	vsel vm7, $0xFFFFFFFF, v21;
	v10 =	vshrl.u32 v26, $0x17  }
0x1b1: {  	v8 =	vadd.s32 $0xFFFFFF81, v8;
	v37 =	vshrl.u32 v9, $0x17;
	v9 =	vcvt.s32.f32 v48  }
0x1b2: {  	vm10 =	vgt.s32 v0, v28;
	v10 =	vadd.s32 $0xFFFFFF91, v10;
	v51 =	vshrl.u32 v49, $0x17  }
0x1b3: {  	v2 =	vsel vm10, v0, v28;
	v7 =	vsel vm11, v8, v10;
	v52 =	vshrl.u32 v9, $0x17  }
0x1b4: {  	v8 =	vshrl.u32 v55, $0x17;
	vm10 =	veq.s32 v53, $0x0;
	v0 =	vsel vm9, v0, v2  }
0x1b5: {  	v35 =	vadd.s32 $0x40, v7;
	v7 =	vadd.s32 $0xFFFFFF81, v37;
	v5 =	vand.u32 v31, v5  }
0x1b6: {  	v8 =	vadd.s32 $0xFFFFFF91, v8;
	vm9 =	veq.s32 v54, $0x0;
	v2 =	vsel vm12, $0xFFFFFFFF, v35  }
0x1b7: {  	v4 =	vsel vm13, v7, v4;
	v41 =	vshrl.u32 v5, $0x10;
	v10 =	vand.u32 $0xFFFF, v5  }
0x1b8: {  	vm5 =	veq.s32 v5, $0x0;
	v5 =	vadd.s32 $0xFFFFFF81, v52;
	v7 =	vand.u32 $0xFFFF, v53  }
0x1b9: {  	vm14 =	vgt.s32 v0, v2;
	v43 =	vcvt.s32.f32 v41;
	v10 =	vcvt.s32.f32 v10  }
0x1ba: {  	v4 =	vadd.s32 $0x60, v4;
	vm4 =	veq.s32 v41, $0x0;
	v7 =	vcvt.s32.f32 v7  }
0x1bb: {  	v0 =	vsel vm14, v0, v2;
	v45 =	vshrl.u32 v43, $0x17;
	v10 =	vshrl.u32 v10, $0x17  }
0x1bc: {  	v44 =	vsel vm15, $0xFFFFFFFF, v4;
	v4 =	vadd.s32 $0xFFFFFF91, v45;
	v10 =	vadd.s32 $0xFFFFFF81, v10  }
0x1bd: {  	v58 =	vld [tilespmem:$0xF0];
	vm0 =	vgt.s32 v0, v44;
	v7 =	vshrl.u32 v7, $0x17;
	v4 =	vsel vm4, v10, v4  }
0x1be: {  	v56 =	vld [tilespmem:$0x70];
	v0 =	vsel vm0, v0, v44;
	v50 =	vadd.s32 $0x80, v4;
	v4 =	vadd.s32 $0xFFFFFF91, v51  }
0x1bf: {  	v7 =	vadd.s32 $0xFFFFFF81, v7;
	v2 =	vsel vm5, $0xFFFFFFFF, v50;
	v4 =	vsel vm6, v5, v4  }
0x1c0: {  	v60 =	vsel vm9, v7, v8;
	vm7 =	vgt.s32 v0, v2;
	v4 =	vadd.s32 $0xA0, v4  }
0x1c1: {  	v61 =	vadd.s32 $0xC0, v60;
	v0 =	vsel vm7, v0, v2;
	v57 =	vsel vm8, $0xFFFFFFFF, v4  }
0x1c2: {  	v5 =	vsel vm10, $0xFFFFFFFF, v61;
	v2 =	vshll.u32 v58, $0x4;
	vm0 =	vgt.s32 v0, v57  }
0x1c3: {  	v63 =	vor.u32 $0x7, v2;
	v59 =	vsel vm0, v0, v57;
	v0 =	vshll.u32 v56, $0x4  }
0x1c4: {  	v62 =	vor.u32 $0x7, v0;
	vm0 =	vgt.s32 v59, v5  }
0x1c5: {  	vm11 =	veq.s32 v1, v3;
	v5 =	vsel vm0, v59, v5  }
0x1c6: {  	v1 =	vsel vm11, $0xFFFFFFFF, v5  }
0x1c7: {  	[tilespmem:$0x43C8] =	vst v1  }
0x1c8: {  	v8 =	vld.idx.msk [tilespmem:v63+s11+$0x0], $0xffff  }
0x1c9: {  	v1 =	vld.idx.msk [tilespmem:v62+s11+$0x0], $0xffff;
	_ =	sdelay $0x3  }
0x1ca: {  	v9 =	vor.u32 $0x8, v2  }
0x1cb: {  	v11 =	vor.u32 $0x1, v0;
	v1 =	vmul.f32 v8, v1  }
0x1cc: {  	v12 =	vor.u32 $0x9, v2  }
0x1cd: {  	v15 =	vor.u32 $0x2, v0;
	[tilespmem:$0x4458] =	vst v1  }
0x1ce: {  	v18 =	vor.u32 $0xA, v2;
	v1 =	vld.idx.msk [tilespmem:v0+s11+$0x0], $0xffff  }
0x1cf: {  	v25 =	vor.u32 $0x3, v0;
	v10 =	vld.idx.msk [tilespmem:v9+s11+$0x0], $0xffff  }
0x1d0: {  	v27 =	vor.u32 $0xB, v2;
	v13 =	vld.idx.msk [tilespmem:v11+s11+$0x0], $0xffff  }
0x1d1: {  	v34 =	vor.u32 $0x4, v0;
	v5 =	vld.idx.msk [tilespmem:v12+s11+$0x0], $0xffff  }
0x1d2: {  	v35 =	vor.u32 $0xC, v2;
	v19 =	vld.idx.msk [tilespmem:v15+s11+$0x0], $0xffff  }
0x1d3: {  	v22 =	vld.idx.msk [tilespmem:v18+s11+$0x0], $0xffff  }
0x1d4: {  	v31 =	vld.idx.msk [tilespmem:v25+s11+$0x0], $0xffff  }
0x1d5: {  	v33 =	vld.idx.msk [tilespmem:v27+s11+$0x0], $0xffff  }
0x1d6: {  	v41 =	vld.idx.msk [tilespmem:v34+s11+$0x0], $0xffff  }
0x1d7: {  	v11 =	vld.idx.msk [tilespmem:v35+s11+$0x0], $0xffff;
	_ =	sdelay $0x2  }
0x1d8: {  	v38 =	vor.u32 $0xD, v2;
	v45 =	vor.u32 $0xE, v2;
	v37 =	vor.u32 $0x5, v0  }
0x1d9: {  	v44 =	vor.u32 $0x6, v0;
	v1 =	vand.u32 v1, v10;
	v3 =	vand.u32 v13, v5  }
0x1da: {  	v4 =	vand.u32 v19, v22;
	v6 =	vand.u32 v31, v33;
	v46 =	vand.u32 v41, v11  }
0x1db: {  	v14 =	vshrl.u32 v1, $0x10;
	v16 =	vand.u32 $0xFFFF, v1;
	v21 =	vshrl.u32 v3, $0x10  }
0x1dc: {  	v23 =	vand.u32 $0xFFFF, v3;
	vm13 =	veq.s32 v1, $0x0;
	vm15 =	veq.s32 v3, $0x0  }
0x1dd: {  	v30 =	vshrl.u32 v4, $0x10;
	vm6 =	veq.s32 v4, $0x0;
	v40 =	vshrl.u32 v6, $0x10  }
0x1de: {  	v9 =	vand.u32 $0xFFFF, v6;
	v17 =	vcvt.s32.f32 v14;
	v7 =	vcvt.s32.f32 v16  }
0x1df: {  	vm8 =	veq.s32 v6, $0x0;
	v47 =	vand.u32 $0xFFFF, v46;
	vm10 =	veq.s32 v46, $0x0  }
0x1e0: {  	vm12 =	veq.s32 v14, $0x0;
	v8 =	vshrl.u32 v17, $0x17;
	v7 =	vshrl.u32 v7, $0x17  }
0x1e1: {  	v24 =	vcvt.s32.f32 v21;
	v8 =	vadd.s32 $0xFFFFFF91, v8;
	v7 =	vadd.s32 $0xFFFFFF81, v7  }
0x1e2: {  	vm14 =	veq.s32 v21, $0x0;
	v20 =	vsel vm12, v7, v8;
	v8 =	vcvt.s32.f32 v23  }
0x1e3: {  	v32 =	vcvt.s32.f32 v30;
	vm5 =	veq.s32 v30, $0x0;
	v29 =	vshrl.u32 v24, $0x17  }
0x1e4: {  	v42 =	vcvt.s32.f32 v40;
	v5 =	vadd.s32 $0xFFFFFF91, v29;
	v8 =	vshrl.u32 v8, $0x17  }
0x1e5: {  	v7 =	vand.u32 $0xFFFF, v4;
	v26 =	vshra.s32 v20, $0x1F;
	v8 =	vadd.s32 $0xFFFFFF81, v8  }
0x1e6: {  	v7 =	vcvt.s32.f32 v7;
	v28 =	vor.u32 v26, v20;
	v5 =	vsel vm14, v8, v5  }
0x1e7: {  	v9 =	vcvt.s32.f32 v9;
	v1 =	vsel vm13, $0xFFFFFFFF, v28;
	v5 =	vadd.s32 $0x20, v5  }
0x1e8: {  	v7 =	vshrl.u32 v7, $0x17;
	v8 =	vshrl.u32 v32, $0x17;
	vm4 =	vgt.s32 v1, v5  }
0x1e9: {  	v3 =	vld.idx.msk [tilespmem:v37+s11+$0x0], $0xffff;
	v7 =	vadd.s32 $0xFFFFFF81, v7;
	v36 =	vadd.s32 $0xFFFFFF91, v8;
	v5 =	vsel vm4, v1, v5  }
0x1ea: {  	vm7 =	veq.s32 v40, $0x0;
	v1 =	vsel vm15, v1, v5;
	v5 =	vsel vm5, v7, v36;
	v7 =	vld.idx.msk [tilespmem:v38+s11+$0x0], $0xffff  }
0x1eb: {  	v49 =	vld.idx.msk [tilespmem:v44+s11+$0x0], $0xffff;
	v43 =	vshrl.u32 v42, $0x17;
	v8 =	vshrl.u32 v46, $0x10;
	v39 =	vadd.s32 $0x40, v5  }
0x1ec: {  	v9 =	vshrl.u32 v9, $0x17;
	v48 =	vcvt.s32.f32 v8;
	v5 =	vld.idx.msk [tilespmem:v45+s11+$0x0], $0xffff;
	v4 =	vsel vm6, $0xFFFFFFFF, v39  }
0x1ed: {  	v9 =	vadd.s32 $0xFFFFFF81, v9;
	vm9 =	veq.s32 v8, $0x0;
	vm0 =	vgt.s32 v1, v4  }
0x1ee: {  	v50 =	vshrl.u32 v48, $0x17;
	v1 =	vsel vm0, v1, v4;
	v4 =	vadd.s32 $0xFFFFFF91, v43  }
0x1ef: {  	v10 =	vadd.s32 $0xFFFFFF91, v50;
	v4 =	vsel vm7, v9, v4;
	v3 =	vand.u32 v3, v7  }
0x1f0: {  	v9 =	vcvt.s32.f32 v47;
	v4 =	vadd.s32 $0x60, v4;
	v51 =	vshrl.u32 v3, $0x10  }
0x1f1: {  	v52 =	vand.u32 $0xFFFF, v3;
	v5 =	vand.u32 v49, v5;
	vm12 =	veq.s32 v3, $0x0  }
0x1f2: {  	v4 =	vsel vm8, $0xFFFFFFFF, v4;
	v9 =	vshrl.u32 v9, $0x17;
	v53 =	vcvt.s32.f32 v51  }
0x1f3: {  	v8 =	vcvt.s32.f32 v52;
	vm11 =	veq.s32 v51, $0x0;
	v7 =	vshrl.u32 v5, $0x10  }
0x1f4: {  	v57 =	vand.u32 $0xFFFF, v5;
	vm0 =	vgt.s32 v1, v4;
	v9 =	vadd.s32 $0xFFFFFF81, v9  }
0x1f5: {  	v58 =	vcvt.s32.f32 v7;
	v55 =	vshrl.u32 v53, $0x17;
	v8 =	vshrl.u32 v8, $0x17  }
0x1f6: {  	vm13 =	veq.s32 v7, $0x0;
	v56 =	vadd.s32 $0xFFFFFF91, v55;
	v8 =	vadd.s32 $0xFFFFFF81, v8  }
0x1f7: {  	v54 =	vsel vm9, v9, v10;
	v6 =	vsel vm11, v8, v56;
	v8 =	vcvt.s32.f32 v57  }
0x1f8: {  	v1 =	vsel vm0, v1, v4;
	v4 =	vadd.s32 $0x80, v54;
	v60 =	vshrl.u32 v58, $0x17  }
0x1f9: {  	v59 =	vsel vm10, $0xFFFFFFFF, v4;
	v4 =	vadd.s32 $0xFFFFFF91, v60;
	v61 =	vshrl.u32 v8, $0x17  }
0x1fa: {  	vm0 =	vgt.s32 v1, v59;
	v6 =	vadd.s32 $0xA0, v6;
	v7 =	vadd.s32 $0xFFFFFF81, v61  }
0x1fb: {  	v1 =	vsel vm0, v1, v59;
	v63 =	vsel vm12, $0xFFFFFFFF, v6;
	v62 =	vsel vm13, v7, v4  }
0x1fc: {  	vm14 =	veq.s32 v5, $0x0;
	vm0 =	vgt.s32 v1, v63;
	v3 =	vadd.s32 $0xC0, v62  }
0x1fd: {  	v1 =	vsel vm0, v1, v63;
	v3 =	vsel vm14, $0xFFFFFFFF, v3  }
0x1fe: {  	vm0 =	vgt.s32 v1, v3  }
0x1ff: {  	vm15 =	veq.s32 v0, v2;
	v1 =	vsel vm0, v1, v3  }
0x200: {  	v0 =	vsel vm15, $0xFFFFFFFF, v1  }
0x201: {  	[tilespmem:$0x43D8] =	vst v0  }
0x202: {  	[hbm4b:s8+s3] =	stream.linear.scatter [tilespmem:s15], [sflag:$0x2], $0x80, $0x38;
	[tilespmem:$0x4468] =	vst v63  }
0x203: {  	_ =	swait.ge [sflag:s12], $0x80  }
0x204: {  	p0 =	sne.s32 s10, $0x1;
	[sflag:s12] =	ssyncset.done $0x0  }
.Ltmp0:
0x205: {  	[sflag:s12] =	ssyncadd.s32 $0xFFFFFF80;
	(pc) =	sbr.rel @p0 .LBB2_1-.Ltmp0, $4  }
0x206: {  	[hbm4b:s9+s3] =	stream.linear.scatter [tilespmem:s16], [sflag:$0x2], $0x80, $0x38;
	[tilespmem:$0x4468] =	vst v63  }
0x207: {  	_ =	swait.ge [sflag:s12], $0x80  }
0x208: {  	[sflag:s12] =	ssyncset.done $0x0  }
0x209: {  	s10 =	sadd.s32 $0xFFFFFFFF, s10;
	[sflag:s12] =	ssyncadd.s32 $0xFFFFFF80  }
0x20a: {  	_ =	sfence.sel $0x180000  }
0x20b: {  	[bflag:$0x0] =	sbarrier.arrive $0xFFFF  }
0x20c: {  	p0 =	sne.s32 s1, $0x0;
	_ =	strace $0x90000047  }
0x20d: {  	s0 =	sadd.s32 @!p0 $0x100000, s0;
	[bflag:$0x2] =	sbarrier.arrive $0xFFFF  }
0x20e: {  	[sflag:s0] =	ssyncadd.tile.s32 @!p0 $0x1;
	_ =	shalt  }
.Lfunc_end2:
_tile_overlayer_lowered:
.L_overlay_start_2:
0x20f: {  	(tag) =	ssettag $0x2  }
0x210: {  	s0 =	rddreg [dreg:$0x0];
	s2 =	stileid.u32  }
0x211: {  	s1 =	rddreg [dreg:$0x1];
	p0 =	sne.s32 s2, $0x0  }
0x212: {  	s3 =	rddreg [dreg:$0x2];
	[bflag:$0x3] =	sbarrier.arrive $0xFFFF;
	s2 =	simm.s32 @!p0 $0x1C02  }
0x213: {  	[timem:s3], [sflag:s2] =	dma.local @!p0 [hbm:s0], s1  }
0x214: {  	s0 =	simm.s32 @!p0 $0x2  }
0x215: {  	_ =	swait.ge @!p0 [sflag:s0], s1  }
0x216: {  	s1 =	ssub.s32 @!p0 $0x0, s1;
	[sflag:s0] =	ssyncset.done @!p0 $0x0  }
0x217: {  	[sflag:s0] =	ssyncadd.s32 @!p0 s1  }
0x218: {  	[bflag:$0x3] =	sbarrier.arrive $0xFFFF  }
0x219: {  	_ =	shalt  }

</sc_bundles>
